<compile_context>
chip_gen: v7x
topology: tpu7x:2x2x1
jax: 0.10.2.dev20260603
libtpu: 0.0.44.dev20260713+nightly
codegen_flags: <defaults>
</compile_context>

<pallas_src>
import functools

import numpy as np
import jax
import jax.numpy as jnp
from jax import lax
from jax.experimental import pallas as pl
from jax.experimental.pallas import tpu as pltpu
from jax.experimental.pallas import tpu_sc as plsc

H, W = 1024, 1024
OD = (500, 1500)
HP, WP = 5, 5
THR_VAR = 100.0
THETA_MIN = -np.pi / 2.0
THETA_MAX = np.pi / 2.0
RHO_MAX = float(np.sqrt(H ** 2 + W ** 2))
RHO_MIN = -RHO_MAX
TB = (THETA_MAX - THETA_MIN) / (OD[0] - 1)
RB = (RHO_MAX - RHO_MIN) / (OD[1] - 1)

_xs = np.arange(WP, dtype=np.float32) - (WP - 1) / 2.0
SXX = float(HP * np.sum(_xs ** 2))
SYY = float(WP * np.sum(_xs ** 2))
N = float(HP * WP)

NBINS = OD[0] * OD[1]
NB_PAD = 750080
NPIX = H * W

_NT = 16
_ROWS = NPIX // 128
_TROWS = _ROWS // _NT
_CROWS = 32
_NCHUNK = _TROWS // _CROWS
_SEG = NB_PAD // _NT


_F = np.float32
C_1_50 = _F(1.0) / _F(50.0)
C_1_25 = _F(1.0) / _F(25.0)
C_1_22 = _F(1.0) / _F(22.0)
C_TB = _F(TB)
C_INV_TB = _F(1.0) / _F(TB)
C_RB = _F(RB)
C_INV_RB = _F(1.0) / _F(RB)
C_RHOMAX = _F(RHO_MAX)
C_PI = _F(np.pi)
C_HALF_PI = _F(np.pi / 2.0)
C_TBRB = _F(C_TB * C_RB)
C_2PI = _F(2.0 * np.pi)


def _tc_body(s1_ref, sx_ref, sy_ref, s2_ref, mask_ref, idx_ref, w_ref):
    s1 = s1_ref[...]
    sx = sx_ref[...]
    sy = sy_ref[...]
    s2 = s2_ref[...]
    mask = mask_ref[...]

    alpha = sx * C_1_50
    beta = sy * C_1_50
    gamma = s1 * C_1_25
    s2m = s2 - (gamma * gamma) * _F(25.0)

    t1 = jnp.arctan2(beta, alpha) + C_HALF_PI
    r = lax.rem(t1, C_PI)
    tm = jnp.where((r < _F(0.0)) & (r != _F(0.0)), r + C_PI, r)
    theta = tm + (-C_HALF_PI)

    a2 = alpha * alpha
    b2 = beta * beta
    denom = jnp.maximum(_F(1e-12), a2 + b2)
    dta = (-beta) / denom
    dtb = alpha / denom
    sumsq = dta * dta + dtb * dtb
    ss_res = (s2m - a2 * _F(50.0)) - b2 * _F(50.0)
    noise_var = jnp.maximum(_F(1e-6), ss_res * C_1_22)
    va = noise_var * C_1_50
    var_theta = sumsq * va

    st_ = jnp.sin(theta)
    ct_ = jnp.cos(theta)
    x = lax.broadcasted_iota(jnp.int32, (W, H), 0).astype(jnp.float32)
    y = lax.broadcasted_iota(jnp.int32, (W, H), 1).astype(jnp.float32)

    drdt = (-x) * st_ + y * ct_
    var_rho = (drdt * drdt) * var_theta + _F(1.0)

    idx_t = lax.convert_element_type(
        jnp.clip(jnp.floor(tm * C_INV_TB), _F(0.0), _F(499.0)), jnp.int32)
    ctb = idx_t.astype(jnp.float32) * C_TB + (-C_HALF_PI)
    d1 = theta - ctb

    rho = x * ct_ + y * st_
    idx_r = lax.convert_element_type(
        jnp.clip(jnp.floor((rho + C_RHOMAX) * C_INV_RB), _F(0.0), _F(1499.0)),
        jnp.int32)
    crb = idx_r.astype(jnp.float32) * C_RB + (-C_RHOMAX)
    d2 = rho - crb

    covar = drdt * var_theta
    num = (var_rho * (d1 * d1) - ((covar * _F(2.0)) * d1) * d2) \
        + var_theta * (d2 * d2)
    num = jnp.maximum(num, _F(0.0))
    det = jnp.maximum(_F(1e-12), var_theta * var_rho - covar * covar)
    q = num / det
    pdf = jnp.exp(q * _F(-0.5)) / (jnp.sqrt(det) * C_2PI)
    w = jnp.where(var_theta <= _F(100.0), pdf * C_TBRB, _F(0.0)) * mask

    idx_ref[...] = idx_t * OD[1] + idx_r
    w_ref[...] = w


@functools.cache
def _make_sc_scatter():
    mesh = plsc.VectorSubcoreMesh(
        core_axis_name="c", subcore_axis_name="s", num_cores=1)

    @functools.partial(
        pl.kernel,
        mesh=mesh,
        out_type=jax.ShapeDtypeStruct((NB_PAD,), jnp.float32),
        scratch_types=[
            pltpu.VMEM((2, _CROWS, 128), jnp.int32),
            pltpu.VMEM((2, _CROWS, 128), jnp.float32),
            pltpu.VMEM((4096,), jnp.float32),
            pltpu.VMEM_SHARED((NB_PAD,), jnp.float32),
            pltpu.SemaphoreType.DMA,
            pltpu.SemaphoreType.DMA,
            pltpu.SemaphoreType.DMA,
        ],
    )
    def _sc_scatter(idx_hbm, w_hbm, out_hbm, idx_v, w_v, zbuf, acc_sh,
                    sem0, sem1, sem_sc):
        wid = lax.axis_index("s")
        seg = wid * _SEG
        sems = (sem0, sem1)

        def zstep(i, carry):
            for u in range(8):
                zbuf[pl.ds((i * 8 + u) * 16, 16)] = jnp.zeros((16,), jnp.float32)
            return carry
        lax.fori_loop(0, 4096 // 128, zstep, 0)
        for k in range(11):
            pltpu.sync_copy(zbuf, acc_sh.at[pl.ds(seg + k * 4096, 4096)])
        pltpu.sync_copy(zbuf.at[pl.ds(0, 1824)],
                        acc_sh.at[pl.ds(seg + 45056, 1824)])
        plsc.subcore_barrier()

        row0 = wid * _TROWS
        pltpu.async_copy(idx_hbm.at[pl.ds(row0, _CROWS)], idx_v.at[0], sem0)
        pltpu.async_copy(w_hbm.at[pl.ds(row0, _CROWS)], w_v.at[0], sem0)

        def pair(i, carry):
            for p in (0, 1):
                g = i * 2 + p
                r_cur = row0 + g * _CROWS
                pltpu.make_async_copy(
                    idx_hbm.at[pl.ds(r_cur, _CROWS)], idx_v.at[p], sems[p]).wait()
                pltpu.make_async_copy(
                    w_hbm.at[pl.ds(r_cur, _CROWS)], w_v.at[p], sems[p]).wait()

                @pl.when(g + 1 < _NCHUNK)
                def _():
                    r_nxt = row0 + (g + 1) * _CROWS
                    pltpu.async_copy(idx_hbm.at[pl.ds(r_nxt, _CROWS)],
                                     idx_v.at[1 - p], sems[1 - p])
                    pltpu.async_copy(w_hbm.at[pl.ds(r_nxt, _CROWS)],
                                     w_v.at[1 - p], sems[1 - p])

                descs = [
                    pltpu.async_copy(
                        w_v.at[p, j], acc_sh.at[idx_v.at[p, j]], sem_sc,
                        add=True)
                    for j in range(_CROWS)
                ]
                for dsc in descs:
                    dsc.wait()
            return carry

        lax.fori_loop(0, _NCHUNK // 2, pair, 0)
        plsc.subcore_barrier()

        for k in range(11):
            pltpu.sync_copy(acc_sh.at[pl.ds(seg + k * 4096, 4096)], zbuf)
            pltpu.sync_copy(zbuf, out_hbm.at[pl.ds(seg + k * 4096, 4096)])
        pltpu.sync_copy(acc_sh.at[pl.ds(seg + 45056, 1824)],
                        zbuf.at[pl.ds(0, 1824)])
        pltpu.sync_copy(zbuf.at[pl.ds(0, 1824)],
                        out_hbm.at[pl.ds(seg + 45056, 1824)])

    return _sc_scatter


def _conv2(img, ker):
    return jax.lax.conv_general_dilated(
        img[None, None], ker[None, None].astype(img.dtype), (1, 1), 'SAME')[0, 0]


def kernel(img, mask):
    xs = np.arange(WP, dtype=np.float32) - (WP - 1) / 2.0
    ys = np.arange(HP, dtype=np.float32) - (HP - 1) / 2.0
    Kx = jnp.asarray(np.tile(xs[None, :], (HP, 1)))
    Ky = jnp.asarray(np.tile(ys[:, None], (1, WP)))
    Kones = jnp.ones((HP, WP), jnp.float32)
    pair = jnp.stack([img, img * img])[:, None]
    out_a = jax.lax.conv_general_dilated(
        pair, Kones[None, None].astype(img.dtype), (1, 1), 'SAME')
    s1 = out_a[0, 0]
    s2 = out_a[1, 0]
    kxy = jnp.stack([Kx, Ky])[:, None]
    out_b = jax.lax.conv_general_dilated(
        img[None, None], kxy.astype(img.dtype), (1, 1), 'SAME')
    sx = out_b[0, 0]
    sy = out_b[0, 1]
    idx, w = pl.pallas_call(
        _tc_body,
        out_shape=(
            jax.ShapeDtypeStruct((W, H), jnp.int32),
            jax.ShapeDtypeStruct((W, H), jnp.float32),
        ),
    )(s1.T, sx.T, sy.T, s2.T, mask.T)
    acc = _make_sc_scatter()(idx.reshape(_ROWS, 128), w.reshape(_ROWS, 128))
    return acc[:NBINS].reshape(OD)

# --- scband reference (transcript-rebuilt; emitter-appended) ---
"""Pipeline reference for scband-hough-transform-6914897347200 (READ-ONLY COPY).

The authoritative reference and input builder live on the scoring server;
editing this copy changes nothing except your own understanding.
"""

import jax, jax.numpy as jnp
import numpy as np

H, W = 1024, 1024
OD = (500, 1500)
HP, WP = 5, 5
THR_VAR = 100.0
ORIGIN = (0.0, 0.0)
THETA_MIN = -np.pi / 2.0
THETA_MAX = np.pi / 2.0
RHO_MAX = float(np.sqrt(H ** 2 + W ** 2))
RHO_MIN = -RHO_MAX
TB = (THETA_MAX - THETA_MIN) / (OD[0] - 1)
RB = (RHO_MAX - RHO_MIN) / (OD[1] - 1)


def _conv(img, ker):
    return jax.lax.conv_general_dilated(img[None, None], ker[None, None].astype(img.dtype), (1, 1), 'SAME')[0, 0]


def setup_inputs(seed: int = 0) -> dict:
    key = jax.random.key(seed)
    img = jax.random.normal(key, (H, W), dtype=jnp.float32)
    mask = jnp.ones((H, W), dtype=jnp.float32)
    return {"img": img, "mask": mask}


def reference(img, mask):
    xs = np.arange(WP, dtype=np.float32) - (WP - 1) / 2.0
    ys = np.arange(HP, dtype=np.float32) - (HP - 1) / 2.0
    Kx = jnp.asarray(np.tile(xs[None, :], (HP, 1)))
    Ky = jnp.asarray(np.tile(ys[:, None], (1, WP)))
    Kones = jnp.ones((HP, WP), jnp.float32)
    Sxx = float(HP * np.sum(xs ** 2))
    Syy = float(WP * np.sum(ys ** 2))
    N = float(HP * WP)
    # local plane fit: I(x, y) ~ alpha*x + beta*y + gamma
    s1 = _conv(img, Kones)
    sx = _conv(img, Kx)
    sy = _conv(img, Ky)
    s2 = _conv(img * img, Kones)
    alpha = sx / Sxx
    beta = sy / Syy
    gamma = s1 / N
    ss_res = s2 - N * gamma ** 2 - alpha ** 2 * Sxx - beta ** 2 * Syy
    noise_var = jnp.clip(ss_res / (N - 3.0), 1e-6, None)
    var_alpha = noise_var / Sxx
    var_beta = noise_var / Syy
    # polar line parameters per pixel
    theta = jnp.arctan2(beta, alpha)
    theta = jnp.mod(theta + np.pi / 2.0, np.pi) - np.pi / 2.0
    rows = jnp.arange(H, dtype=img.dtype)[:, None]
    cols = jnp.arange(W, dtype=img.dtype)[None, :]
    y = rows - ORIGIN[0]
    x = cols - ORIGIN[1]
    rho = x * jnp.cos(theta) + y * jnp.sin(theta)
    # uncertainty propagation (Jacobian)
    denom = jnp.clip(alpha ** 2 + beta ** 2, 1e-12, None)
    dta = -beta / denom
    dtb = alpha / denom
    var_theta = dta ** 2 * var_alpha + dtb ** 2 * var_beta
    drho_dtheta = -x * jnp.sin(theta) + y * jnp.cos(theta)
    covar = drho_dtheta * var_theta
    var_rho = drho_dtheta ** 2 * var_theta + 1.0
    det = jnp.clip(var_theta * var_rho - covar ** 2, 1e-12, None)
    # voting: gaussian probability mass at center bin, scatter-add into accumulator
    idx_t = jnp.clip(jnp.floor((theta - THETA_MIN) / TB), 0, OD[0] - 1).astype(jnp.int32)
    idx_r = jnp.clip(jnp.floor((rho - RHO_MIN) / RB), 0, OD[1] - 1).astype(jnp.int32)
    ct = THETA_MIN + idx_t.astype(img.dtype) * TB
    cr = RHO_MIN + idx_r.astype(img.dtype) * RB
    d1 = theta - ct
    d2 = rho - cr
    q = (var_rho * d1 ** 2 - 2.0 * covar * d1 * d2 + var_theta * d2 ** 2) / det
    pdf = jnp.exp(-0.5 * q) / (2.0 * np.pi * jnp.sqrt(det))
    valid = (var_theta <= THR_VAR).astype(img.dtype)
    w = pdf * TB * RB * valid * mask
    flat = (idx_t * OD[1] + idx_r).reshape(-1)
    votes = jnp.zeros(OD[0] * OD[1], img.dtype).at[flat].add(w.reshape(-1)).reshape(OD)
    return votes

if __name__ == "__main__":
    import jax
    _d = setup_inputs()
    print(jax.jit(kernel)(*tuple(_d.values())))

</pallas_src>

<mosaic_0001>
#map = affine_map<(d0, d1) -> (0, 0)>
#map1 = affine_map<(d0, d1) -> (0)>
module attributes {stable_mosaic.version = 14 : i64} {
  func.func @_sc_scatter(%arg0: i32, %arg1: i32, %arg2: memref<8192x128xi32, #tpu.memory_space<hbm>>, %arg3: memref<8192x128xf32, #tpu.memory_space<hbm>>, %arg4: memref<750080xf32, #tpu.memory_space<hbm>>, %arg5: memref<2x32x128xi32, #tpu.memory_space<vmem>>, %arg6: memref<2x32x128xf32, #tpu.memory_space<vmem>>, %arg7: memref<4096xf32, #tpu.memory_space<vmem>>, %arg8: memref<750080xf32, #tpu.memory_space<vmem_shared>>, %arg9: memref<!tpu.dma_semaphore, #tpu.memory_space<semaphore_mem>>, %arg10: memref<!tpu.dma_semaphore, #tpu.memory_space<semaphore_mem>>, %arg11: memref<!tpu.dma_semaphore, #tpu.memory_space<semaphore_mem>>) attributes {dimension_semantics = [#tpu.dimension_semantics<core_parallel>, #tpu.dimension_semantics<subcore_parallel>], iteration_bounds = array<i64: 1, 16>, scalar_prefetch = 0 : i64, scratch_operands = 7 : i64, tpu.core_type = #tpu.core_type<sc_vector_subcore>, window_params = [{transform_indices = #map}, {transform_indices = #map}, {transform_indices = #map1}]} {
    %mul3A = arith.constant 46880 : i32
    %mul3A_0 = arith.muli %arg1, %mul3A : i32
    %scan3A = arith.constant 0 : i32
    %scan3A_1 = arith.constant 0 : i32
    %scan3A_2 = arith.constant 32 : i32
    %scan3A_3 = arith.addi %scan3A_1, %scan3A_2 : i32
    %scan3A_4 = arith.constant 1 : i32
    scf.for %scan3A_111 = %scan3A_1 to %scan3A_3 step %scan3A_4  : i32 {
      %broadcast_in_dim3A = arith.constant 0.000000e+00 : f32
      %broadcast_in_dim3A_112 = vector.broadcast %broadcast_in_dim3A : f32 to vector<16xf32>
      %mul3A_113 = arith.constant 8 : i32
      %mul3A_114 = arith.muli %scan3A_111, %mul3A_113 : i32
      %add3A_115 = arith.constant 0 : i32
      %add3A_116 = arith.addi %mul3A_114, %add3A_115 : i32
      %mul3A_117 = arith.constant 16 : i32
      %mul3A_118 = arith.muli %add3A_116, %mul3A_117 : i32
      %swap3A = arith.index_cast %mul3A_118 : i32 to index
      %swap3A_119 = tpu.vector_load %arg7[%swap3A] {strides = array<i32>} : memref<4096xf32, #tpu.memory_space<vmem>>, vector<16xf32>,
      %swap3A_120 = vector.shape_cast %swap3A_119 : vector<16xf32> to vector<16xf32>
      %swap3A_121 = vector.shape_cast %broadcast_in_dim3A_112 : vector<16xf32> to vector<16xf32>
      tpu.vector_store %arg7[%swap3A], %swap3A_121 {strides = array<i32>} : memref<4096xf32, #tpu.memory_space<vmem>>, vector<16xf32>,
      %broadcast_in_dim3A_122 = arith.constant 0.000000e+00 : f32
      %broadcast_in_dim3A_123 = vector.broadcast %broadcast_in_dim3A_122 : f32 to vector<16xf32>
      %mul3A_124 = arith.constant 8 : i32
      %mul3A_125 = arith.muli %scan3A_111, %mul3A_124 : i32
      %add3A_126 = arith.constant 1 : i32
      %add3A_127 = arith.addi %mul3A_125, %add3A_126 : i32
      %mul3A_128 = arith.constant 16 : i32
      %mul3A_129 = arith.muli %add3A_127, %mul3A_128 : i32
      %swap3A_130 = arith.index_cast %mul3A_129 : i32 to index
      %swap3A_131 = tpu.vector_load %arg7[%swap3A_130] {strides = array<i32>} : memref<4096xf32, #tpu.memory_space<vmem>>, vector<16xf32>,
      %swap3A_132 = vector.shape_cast %swap3A_131 : vector<16xf32> to vector<16xf32>
      %swap3A_133 = vector.shape_cast %broadcast_in_dim3A_123 : vector<16xf32> to vector<16xf32>
      tpu.vector_store %arg7[%swap3A_130], %swap3A_133 {strides = array<i32>} : memref<4096xf32, #tpu.memory_space<vmem>>, vector<16xf32>,
      %broadcast_in_dim3A_134 = arith.constant 0.000000e+00 : f32
      %broadcast_in_dim3A_135 = vector.broadcast %broadcast_in_dim3A_134 : f32 to vector<16xf32>
      %mul3A_136 = arith.constant 8 : i32
      %mul3A_137 = arith.muli %scan3A_111, %mul3A_136 : i32
      %add3A_138 = arith.constant 2 : i32
      %add3A_139 = arith.addi %mul3A_137, %add3A_138 : i32
      %mul3A_140 = arith.constant 16 : i32
      %mul3A_141 = arith.muli %add3A_139, %mul3A_140 : i32
      %swap3A_142 = arith.index_cast %mul3A_141 : i32 to index
      %swap3A_143 = tpu.vector_load %arg7[%swap3A_142] {strides = array<i32>} : memref<4096xf32, #tpu.memory_space<vmem>>, vector<16xf32>,
      %swap3A_144 = vector.shape_cast %swap3A_143 : vector<16xf32> to vector<16xf32>
      %swap3A_145 = vector.shape_cast %broadcast_in_dim3A_135 : vector<16xf32> to vector<16xf32>
      tpu.vector_store %arg7[%swap3A_142], %swap3A_145 {strides = array<i32>} : memref<4096xf32, #tpu.memory_space<vmem>>, vector<16xf32>,
      %broadcast_in_dim3A_146 = arith.constant 0.000000e+00 : f32
      %broadcast_in_dim3A_147 = vector.broadcast %broadcast_in_dim3A_146 : f32 to vector<16xf32>
      %mul3A_148 = arith.constant 8 : i32
      %mul3A_149 = arith.muli %scan3A_111, %mul3A_148 : i32
      %add3A_150 = arith.constant 3 : i32
      %add3A_151 = arith.addi %mul3A_149, %add3A_150 : i32
      %mul3A_152 = arith.constant 16 : i32
      %mul3A_153 = arith.muli %add3A_151, %mul3A_152 : i32
      %swap3A_154 = arith.index_cast %mul3A_153 : i32 to index
      %swap3A_155 = tpu.vector_load %arg7[%swap3A_154] {strides = array<i32>} : memref<4096xf32, #tpu.memory_space<vmem>>, vector<16xf32>,
      %swap3A_156 = vector.shape_cast %swap3A_155 : vector<16xf32> to vector<16xf32>
      %swap3A_157 = vector.shape_cast %broadcast_in_dim3A_147 : vector<16xf32> to vector<16xf32>
      tpu.vector_store %arg7[%swap3A_154], %swap3A_157 {strides = array<i32>} : memref<4096xf32, #tpu.memory_space<vmem>>, vector<16xf32>,
      %broadcast_in_dim3A_158 = arith.constant 0.000000e+00 : f32
      %broadcast_in_dim3A_159 = vector.broadcast %broadcast_in_dim3A_158 : f32 to vector<16xf32>
      %mul3A_160 = arith.constant 8 : i32
      %mul3A_161 = arith.muli %scan3A_111, %mul3A_160 : i32
      %add3A_162 = arith.constant 4 : i32
      %add3A_163 = arith.addi %mul3A_161, %add3A_162 : i32
      %mul3A_164 = arith.constant 16 : i32
      %mul3A_165 = arith.muli %add3A_163, %mul3A_164 : i32
      %swap3A_166 = arith.index_cast %mul3A_165 : i32 to index
      %swap3A_167 = tpu.vector_load %arg7[%swap3A_166] {strides = array<i32>} : memref<4096xf32, #tpu.memory_space<vmem>>, vector<16xf32>,
      %swap3A_168 = vector.shape_cast %swap3A_167 : vector<16xf32> to vector<16xf32>
      %swap3A_169 = vector.shape_cast %broadcast_in_dim3A_159 : vector<16xf32> to vector<16xf32>
      tpu.vector_store %arg7[%swap3A_166], %swap3A_169 {strides = array<i32>} : memref<4096xf32, #tpu.memory_space<vmem>>, vector<16xf32>,
      %broadcast_in_dim3A_170 = arith.constant 0.000000e+00 : f32
      %broadcast_in_dim3A_171 = vector.broadcast %broadcast_in_dim3A_170 : f32 to vector<16xf32>
      %mul3A_172 = arith.constant 8 : i32
      %mul3A_173 = arith.muli %scan3A_111, %mul3A_172 : i32
      %add3A_174 = arith.constant 5 : i32
      %add3A_175 = arith.addi %mul3A_173, %add3A_174 : i32
      %mul3A_176 = arith.constant 16 : i32
      %mul3A_177 = arith.muli %add3A_175, %mul3A_176 : i32
      %swap3A_178 = arith.index_cast %mul3A_177 : i32 to index
      %swap3A_179 = tpu.vector_load %arg7[%swap3A_178] {strides = array<i32>} : memref<4096xf32, #tpu.memory_space<vmem>>, vector<16xf32>,
      %swap3A_180 = vector.shape_cast %swap3A_179 : vector<16xf32> to vector<16xf32>
      %swap3A_181 = vector.shape_cast %broadcast_in_dim3A_171 : vector<16xf32> to vector<16xf32>
      tpu.vector_store %arg7[%swap3A_178], %swap3A_181 {strides = array<i32>} : memref<4096xf32, #tpu.memory_space<vmem>>, vector<16xf32>,
      %broadcast_in_dim3A_182 = arith.constant 0.000000e+00 : f32
      %broadcast_in_dim3A_183 = vector.broadcast %broadcast_in_dim3A_182 : f32 to vector<16xf32>
      %mul3A_184 = arith.constant 8 : i32
      %mul3A_185 = arith.muli %scan3A_111, %mul3A_184 : i32
      %add3A_186 = arith.constant 6 : i32
      %add3A_187 = arith.addi %mul3A_185, %add3A_186 : i32
      %mul3A_188 = arith.constant 16 : i32
      %mul3A_189 = arith.muli %add3A_187, %mul3A_188 : i32
      %swap3A_190 = arith.index_cast %mul3A_189 : i32 to index
      %swap3A_191 = tpu.vector_load %arg7[%swap3A_190] {strides = array<i32>} : memref<4096xf32, #tpu.memory_space<vmem>>, vector<16xf32>,
      %swap3A_192 = vector.shape_cast %swap3A_191 : vector<16xf32> to vector<16xf32>
      %swap3A_193 = vector.shape_cast %broadcast_in_dim3A_183 : vector<16xf32> to vector<16xf32>
      tpu.vector_store %arg7[%swap3A_190], %swap3A_193 {strides = array<i32>} : memref<4096xf32, #tpu.memory_space<vmem>>, vector<16xf32>,
      %broadcast_in_dim3A_194 = arith.constant 0.000000e+00 : f32
      %broadcast_in_dim3A_195 = vector.broadcast %broadcast_in_dim3A_194 : f32 to vector<16xf32>
      %mul3A_196 = arith.constant 8 : i32
      %mul3A_197 = arith.muli %scan3A_111, %mul3A_196 : i32
      %add3A_198 = arith.constant 7 : i32
      %add3A_199 = arith.addi %mul3A_197, %add3A_198 : i32
      %mul3A_200 = arith.constant 16 : i32
      %mul3A_201 = arith.muli %add3A_199, %mul3A_200 : i32
      %swap3A_202 = arith.index_cast %mul3A_201 : i32 to index
      %swap3A_203 = tpu.vector_load %arg7[%swap3A_202] {strides = array<i32>} : memref<4096xf32, #tpu.memory_space<vmem>>, vector<16xf32>,
      %swap3A_204 = vector.shape_cast %swap3A_203 : vector<16xf32> to vector<16xf32>
      %swap3A_205 = vector.shape_cast %broadcast_in_dim3A_195 : vector<16xf32> to vector<16xf32>
      tpu.vector_store %arg7[%swap3A_202], %swap3A_205 {strides = array<i32>} : memref<4096xf32, #tpu.memory_space<vmem>>, vector<16xf32>,
    }
    %scan3A_5 = arith.constant 32 : i32
    %add3A = arith.constant 0 : i32
    %add3A_6 = arith.addi %mul3A_0, %add3A : i32
    "tpu.region"() ({
      %run_scoped3A = tpu.sem_alloc : memref<!tpu.dma_semaphore, #tpu.memory_space<semaphore_mem>>
      %dma_start3A_111 = tpu.memref_slice %arg8[%add3A_6] : memref<750080xf32, #tpu.memory_space<vmem_shared>> -> memref<4096xf32, #tpu.memory_space<vmem_shared>>
      %dma_start3A_112 = tpu.memref_slice %arg8[%add3A_6] : memref<750080xf32, #tpu.memory_space<vmem_shared>> -> memref<4096xf32, #tpu.memory_space<vmem_shared>>
      tpu.enqueue_dma source(%arg7 : memref<4096xf32, #tpu.memory_space<vmem>>) target(%dma_start3A_112 : memref<4096xf32, #tpu.memory_space<vmem_shared>>) target_semaphore(%run_scoped3A : memref<!tpu.dma_semaphore, #tpu.memory_space<semaphore_mem>>)
      %dma_wait3A = tpu.memref_slice %arg8[%add3A_6] : memref<750080xf32, #tpu.memory_space<vmem_shared>> -> memref<4096xf32, #tpu.memory_space<vmem_shared>>
      %dma_wait3A_113 = tpu.memref_slice %arg8[%add3A_6] : memref<750080xf32, #tpu.memory_space<vmem_shared>> -> memref<4096xf32, #tpu.memory_space<vmem_shared>>
      tpu.wait_dma2 semaphore(%run_scoped3A : memref<!tpu.dma_semaphore, #tpu.memory_space<semaphore_mem>>) src(%arg7 : memref<4096xf32, #tpu.memory_space<vmem>>) dst(%dma_wait3A_113 : memref<4096xf32, #tpu.memory_space<vmem_shared>>)
      tpu.yield
    }) : () -> ()
    %add3A_7 = arith.constant 4096 : i32
    %add3A_8 = arith.addi %mul3A_0, %add3A_7 : i32
    "tpu.region"() ({
      %run_scoped3A = tpu.sem_alloc : memref<!tpu.dma_semaphore, #tpu.memory_space<semaphore_mem>>
      %dma_start3A_111 = tpu.memref_slice %arg8[%add3A_8] : memref<750080xf32, #tpu.memory_space<vmem_shared>> -> memref<4096xf32, #tpu.memory_space<vmem_shared>>
      %dma_start3A_112 = tpu.memref_slice %arg8[%add3A_8] : memref<750080xf32, #tpu.memory_space<vmem_shared>> -> memref<4096xf32, #tpu.memory_space<vmem_shared>>
      tpu.enqueue_dma source(%arg7 : memref<4096xf32, #tpu.memory_space<vmem>>) target(%dma_start3A_112 : memref<4096xf32, #tpu.memory_space<vmem_shared>>) target_semaphore(%run_scoped3A : memref<!tpu.dma_semaphore, #tpu.memory_space<semaphore_mem>>)
      %dma_wait3A = tpu.memref_slice %arg8[%add3A_8] : memref<750080xf32, #tpu.memory_space<vmem_shared>> -> memref<4096xf32, #tpu.memory_space<vmem_shared>>
      %dma_wait3A_113 = tpu.memref_slice %arg8[%add3A_8] : memref<750080xf32, #tpu.memory_space<vmem_shared>> -> memref<4096xf32, #tpu.memory_space<vmem_shared>>
      tpu.wait_dma2 semaphore(%run_scoped3A : memref<!tpu.dma_semaphore, #tpu.memory_space<semaphore_mem>>) src(%arg7 : memref<4096xf32, #tpu.memory_space<vmem>>) dst(%dma_wait3A_113 : memref<4096xf32, #tpu.memory_space<vmem_shared>>)
      tpu.yield
    }) : () -> ()
    %add3A_9 = arith.constant 8192 : i32
    %add3A_10 = arith.addi %mul3A_0, %add3A_9 : i32
    "tpu.region"() ({
      %run_scoped3A = tpu.sem_alloc : memref<!tpu.dma_semaphore, #tpu.memory_space<semaphore_mem>>
      %dma_start3A_111 = tpu.memref_slice %arg8[%add3A_10] : memref<750080xf32, #tpu.memory_space<vmem_shared>> -> memref<4096xf32, #tpu.memory_space<vmem_shared>>
      %dma_start3A_112 = tpu.memref_slice %arg8[%add3A_10] : memref<750080xf32, #tpu.memory_space<vmem_shared>> -> memref<4096xf32, #tpu.memory_space<vmem_shared>>
      tpu.enqueue_dma source(%arg7 : memref<4096xf32, #tpu.memory_space<vmem>>) target(%dma_start3A_112 : memref<4096xf32, #tpu.memory_space<vmem_shared>>) target_semaphore(%run_scoped3A : memref<!tpu.dma_semaphore, #tpu.memory_space<semaphore_mem>>)
      %dma_wait3A = tpu.memref_slice %arg8[%add3A_10] : memref<750080xf32, #tpu.memory_space<vmem_shared>> -> memref<4096xf32, #tpu.memory_space<vmem_shared>>
      %dma_wait3A_113 = tpu.memref_slice %arg8[%add3A_10] : memref<750080xf32, #tpu.memory_space<vmem_shared>> -> memref<4096xf32, #tpu.memory_space<vmem_shared>>
      tpu.wait_dma2 semaphore(%run_scoped3A : memref<!tpu.dma_semaphore, #tpu.memory_space<semaphore_mem>>) src(%arg7 : memref<4096xf32, #tpu.memory_space<vmem>>) dst(%dma_wait3A_113 : memref<4096xf32, #tpu.memory_space<vmem_shared>>)
      tpu.yield
    }) : () -> ()
    %add3A_11 = arith.constant 12288 : i32
    %add3A_12 = arith.addi %mul3A_0, %add3A_11 : i32
    "tpu.region"() ({
      %run_scoped3A = tpu.sem_alloc : memref<!tpu.dma_semaphore, #tpu.memory_space<semaphore_mem>>
      %dma_start3A_111 = tpu.memref_slice %arg8[%add3A_12] : memref<750080xf32, #tpu.memory_space<vmem_shared>> -> memref<4096xf32, #tpu.memory_space<vmem_shared>>
      %dma_start3A_112 = tpu.memref_slice %arg8[%add3A_12] : memref<750080xf32, #tpu.memory_space<vmem_shared>> -> memref<4096xf32, #tpu.memory_space<vmem_shared>>
      tpu.enqueue_dma source(%arg7 : memref<4096xf32, #tpu.memory_space<vmem>>) target(%dma_start3A_112 : memref<4096xf32, #tpu.memory_space<vmem_shared>>) target_semaphore(%run_scoped3A : memref<!tpu.dma_semaphore, #tpu.memory_space<semaphore_mem>>)
      %dma_wait3A = tpu.memref_slice %arg8[%add3A_12] : memref<750080xf32, #tpu.memory_space<vmem_shared>> -> memref<4096xf32, #tpu.memory_space<vmem_shared>>
      %dma_wait3A_113 = tpu.memref_slice %arg8[%add3A_12] : memref<750080xf32, #tpu.memory_space<vmem_shared>> -> memref<4096xf32, #tpu.memory_space<vmem_shared>>
      tpu.wait_dma2 semaphore(%run_scoped3A : memref<!tpu.dma_semaphore, #tpu.memory_space<semaphore_mem>>) src(%arg7 : memref<4096xf32, #tpu.memory_space<vmem>>) dst(%dma_wait3A_113 : memref<4096xf32, #tpu.memory_space<vmem_shared>>)
      tpu.yield
    }) : () -> ()
    %add3A_13 = arith.constant 16384 : i32
    %add3A_14 = arith.addi %mul3A_0, %add3A_13 : i32
    "tpu.region"() ({
      %run_scoped3A = tpu.sem_alloc : memref<!tpu.dma_semaphore, #tpu.memory_space<semaphore_mem>>
      %dma_start3A_111 = tpu.memref_slice %arg8[%add3A_14] : memref<750080xf32, #tpu.memory_space<vmem_shared>> -> memref<4096xf32, #tpu.memory_space<vmem_shared>>
      %dma_start3A_112 = tpu.memref_slice %arg8[%add3A_14] : memref<750080xf32, #tpu.memory_space<vmem_shared>> -> memref<4096xf32, #tpu.memory_space<vmem_shared>>
      tpu.enqueue_dma source(%arg7 : memref<4096xf32, #tpu.memory_space<vmem>>) target(%dma_start3A_112 : memref<4096xf32, #tpu.memory_space<vmem_shared>>) target_semaphore(%run_scoped3A : memref<!tpu.dma_semaphore, #tpu.memory_space<semaphore_mem>>)
      %dma_wait3A = tpu.memref_slice %arg8[%add3A_14] : memref<750080xf32, #tpu.memory_space<vmem_shared>> -> memref<4096xf32, #tpu.memory_space<vmem_shared>>
      %dma_wait3A_113 = tpu.memref_slice %arg8[%add3A_14] : memref<750080xf32, #tpu.memory_space<vmem_shared>> -> memref<4096xf32, #tpu.memory_space<vmem_shared>>
      tpu.wait_dma2 semaphore(%run_scoped3A : memref<!tpu.dma_semaphore, #tpu.memory_space<semaphore_mem>>) src(%arg7 : memref<4096xf32, #tpu.memory_space<vmem>>) dst(%dma_wait3A_113 : memref<4096xf32, #tpu.memory_space<vmem_shared>>)
      tpu.yield
    }) : () -> ()
    %add3A_15 = arith.constant 20480 : i32
    %add3A_16 = arith.addi %mul3A_0, %add3A_15 : i32
    "tpu.region"() ({
      %run_scoped3A = tpu.sem_alloc : memref<!tpu.dma_semaphore, #tpu.memory_space<semaphore_mem>>
      %dma_start3A_111 = tpu.memref_slice %arg8[%add3A_16] : memref<750080xf32, #tpu.memory_space<vmem_shared>> -> memref<4096xf32, #tpu.memory_space<vmem_shared>>
      %dma_start3A_112 = tpu.memref_slice %arg8[%add3A_16] : memref<750080xf32, #tpu.memory_space<vmem_shared>> -> memref<4096xf32, #tpu.memory_space<vmem_shared>>
      tpu.enqueue_dma source(%arg7 : memref<4096xf32, #tpu.memory_space<vmem>>) target(%dma_start3A_112 : memref<4096xf32, #tpu.memory_space<vmem_shared>>) target_semaphore(%run_scoped3A : memref<!tpu.dma_semaphore, #tpu.memory_space<semaphore_mem>>)
      %dma_wait3A = tpu.memref_slice %arg8[%add3A_16] : memref<750080xf32, #tpu.memory_space<vmem_shared>> -> memref<4096xf32, #tpu.memory_space<vmem_shared>>
      %dma_wait3A_113 = tpu.memref_slice %arg8[%add3A_16] : memref<750080xf32, #tpu.memory_space<vmem_shared>> -> memref<4096xf32, #tpu.memory_space<vmem_shared>>
      tpu.wait_dma2 semaphore(%run_scoped3A : memref<!tpu.dma_semaphore, #tpu.memory_space<semaphore_mem>>) src(%arg7 : memref<4096xf32, #tpu.memory_space<vmem>>) dst(%dma_wait3A_113 : memref<4096xf32, #tpu.memory_space<vmem_shared>>)
      tpu.yield
    }) : () -> ()
    %add3A_17 = arith.constant 24576 : i32
    %add3A_18 = arith.addi %mul3A_0, %add3A_17 : i32
    "tpu.region"() ({
      %run_scoped3A = tpu.sem_alloc : memref<!tpu.dma_semaphore, #tpu.memory_space<semaphore_mem>>
      %dma_start3A_111 = tpu.memref_slice %arg8[%add3A_18] : memref<750080xf32, #tpu.memory_space<vmem_shared>> -> memref<4096xf32, #tpu.memory_space<vmem_shared>>
      %dma_start3A_112 = tpu.memref_slice %arg8[%add3A_18] : memref<750080xf32, #tpu.memory_space<vmem_shared>> -> memref<4096xf32, #tpu.memory_space<vmem_shared>>
      tpu.enqueue_dma source(%arg7 : memref<4096xf32, #tpu.memory_space<vmem>>) target(%dma_start3A_112 : memref<4096xf32, #tpu.memory_space<vmem_shared>>) target_semaphore(%run_scoped3A : memref<!tpu.dma_semaphore, #tpu.memory_space<semaphore_mem>>)
      %dma_wait3A = tpu.memref_slice %arg8[%add3A_18] : memref<750080xf32, #tpu.memory_space<vmem_shared>> -> memref<4096xf32, #tpu.memory_space<vmem_shared>>
      %dma_wait3A_113 = tpu.memref_slice %arg8[%add3A_18] : memref<750080xf32, #tpu.memory_space<vmem_shared>> -> memref<4096xf32, #tpu.memory_space<vmem_shared>>
      tpu.wait_dma2 semaphore(%run_scoped3A : memref<!tpu.dma_semaphore, #tpu.memory_space<semaphore_mem>>) src(%arg7 : memref<4096xf32, #tpu.memory_space<vmem>>) dst(%dma_wait3A_113 : memref<4096xf32, #tpu.memory_space<vmem_shared>>)
      tpu.yield
    }) : () -> ()
    %add3A_19 = arith.constant 28672 : i32
    %add3A_20 = arith.addi %mul3A_0, %add3A_19 : i32
    "tpu.region"() ({
      %run_scoped3A = tpu.sem_alloc : memref<!tpu.dma_semaphore, #tpu.memory_space<semaphore_mem>>
      %dma_start3A_111 = tpu.memref_slice %arg8[%add3A_20] : memref<750080xf32, #tpu.memory_space<vmem_shared>> -> memref<4096xf32, #tpu.memory_space<vmem_shared>>
      %dma_start3A_112 = tpu.memref_slice %arg8[%add3A_20] : memref<750080xf32, #tpu.memory_space<vmem_shared>> -> memref<4096xf32, #tpu.memory_space<vmem_shared>>
      tpu.enqueue_dma source(%arg7 : memref<4096xf32, #tpu.memory_space<vmem>>) target(%dma_start3A_112 : memref<4096xf32, #tpu.memory_space<vmem_shared>>) target_semaphore(%run_scoped3A : memref<!tpu.dma_semaphore, #tpu.memory_space<semaphore_mem>>)
      %dma_wait3A = tpu.memref_slice %arg8[%add3A_20] : memref<750080xf32, #tpu.memory_space<vmem_shared>> -> memref<4096xf32, #tpu.memory_space<vmem_shared>>
      %dma_wait3A_113 = tpu.memref_slice %arg8[%add3A_20] : memref<750080xf32, #tpu.memory_space<vmem_shared>> -> memref<4096xf32, #tpu.memory_space<vmem_shared>>
      tpu.wait_dma2 semaphore(%run_scoped3A : memref<!tpu.dma_semaphore, #tpu.memory_space<semaphore_mem>>) src(%arg7 : memref<4096xf32, #tpu.memory_space<vmem>>) dst(%dma_wait3A_113 : memref<4096xf32, #tpu.memory_space<vmem_shared>>)
      tpu.yield
    }) : () -> ()
    %add3A_21 = arith.constant 32768 : i32
    %add3A_22 = arith.addi %mul3A_0, %add3A_21 : i32
    "tpu.region"() ({
      %run_scoped3A = tpu.sem_alloc : memref<!tpu.dma_semaphore, #tpu.memory_space<semaphore_mem>>
      %dma_start3A_111 = tpu.memref_slice %arg8[%add3A_22] : memref<750080xf32, #tpu.memory_space<vmem_shared>> -> memref<4096xf32, #tpu.memory_space<vmem_shared>>
      %dma_start3A_112 = tpu.memref_slice %arg8[%add3A_22] : memref<750080xf32, #tpu.memory_space<vmem_shared>> -> memref<4096xf32, #tpu.memory_space<vmem_shared>>
      tpu.enqueue_dma source(%arg7 : memref<4096xf32, #tpu.memory_space<vmem>>) target(%dma_start3A_112 : memref<4096xf32, #tpu.memory_space<vmem_shared>>) target_semaphore(%run_scoped3A : memref<!tpu.dma_semaphore, #tpu.memory_space<semaphore_mem>>)
      %dma_wait3A = tpu.memref_slice %arg8[%add3A_22] : memref<750080xf32, #tpu.memory_space<vmem_shared>> -> memref<4096xf32, #tpu.memory_space<vmem_shared>>
      %dma_wait3A_113 = tpu.memref_slice %arg8[%add3A_22] : memref<750080xf32, #tpu.memory_space<vmem_shared>> -> memref<4096xf32, #tpu.memory_space<vmem_shared>>
      tpu.wait_dma2 semaphore(%run_scoped3A : memref<!tpu.dma_semaphore, #tpu.memory_space<semaphore_mem>>) src(%arg7 : memref<4096xf32, #tpu.memory_space<vmem>>) dst(%dma_wait3A_113 : memref<4096xf32, #tpu.memory_space<vmem_shared>>)
      tpu.yield
    }) : () -> ()
    %add3A_23 = arith.constant 36864 : i32
    %add3A_24 = arith.addi %mul3A_0, %add3A_23 : i32
    "tpu.region"() ({
      %run_scoped3A = tpu.sem_alloc : memref<!tpu.dma_semaphore, #tpu.memory_space<semaphore_mem>>
      %dma_start3A_111 = tpu.memref_slice %arg8[%add3A_24] : memref<750080xf32, #tpu.memory_space<vmem_shared>> -> memref<4096xf32, #tpu.memory_space<vmem_shared>>
      %dma_start3A_112 = tpu.memref_slice %arg8[%add3A_24] : memref<750080xf32, #tpu.memory_space<vmem_shared>> -> memref<4096xf32, #tpu.memory_space<vmem_shared>>
      tpu.enqueue_dma source(%arg7 : memref<4096xf32, #tpu.memory_space<vmem>>) target(%dma_start3A_112 : memref<4096xf32, #tpu.memory_space<vmem_shared>>) target_semaphore(%run_scoped3A : memref<!tpu.dma_semaphore, #tpu.memory_space<semaphore_mem>>)
      %dma_wait3A = tpu.memref_slice %arg8[%add3A_24] : memref<750080xf32, #tpu.memory_space<vmem_shared>> -> memref<4096xf32, #tpu.memory_space<vmem_shared>>
      %dma_wait3A_113 = tpu.memref_slice %arg8[%add3A_24] : memref<750080xf32, #tpu.memory_space<vmem_shared>> -> memref<4096xf32, #tpu.memory_space<vmem_shared>>
      tpu.wait_dma2 semaphore(%run_scoped3A : memref<!tpu.dma_semaphore, #tpu.memory_space<semaphore_mem>>) src(%arg7 : memref<4096xf32, #tpu.memory_space<vmem>>) dst(%dma_wait3A_113 : memref<4096xf32, #tpu.memory_space<vmem_shared>>)
      tpu.yield
    }) : () -> ()
    %add3A_25 = arith.constant 40960 : i32
    %add3A_26 = arith.addi %mul3A_0, %add3A_25 : i32
    "tpu.region"() ({
      %run_scoped3A = tpu.sem_alloc : memref<!tpu.dma_semaphore, #tpu.memory_space<semaphore_mem>>
      %dma_start3A_111 = tpu.memref_slice %arg8[%add3A_26] : memref<750080xf32, #tpu.memory_space<vmem_shared>> -> memref<4096xf32, #tpu.memory_space<vmem_shared>>
      %dma_start3A_112 = tpu.memref_slice %arg8[%add3A_26] : memref<750080xf32, #tpu.memory_space<vmem_shared>> -> memref<4096xf32, #tpu.memory_space<vmem_shared>>
      tpu.enqueue_dma source(%arg7 : memref<4096xf32, #tpu.memory_space<vmem>>) target(%dma_start3A_112 : memref<4096xf32, #tpu.memory_space<vmem_shared>>) target_semaphore(%run_scoped3A : memref<!tpu.dma_semaphore, #tpu.memory_space<semaphore_mem>>)
      %dma_wait3A = tpu.memref_slice %arg8[%add3A_26] : memref<750080xf32, #tpu.memory_space<vmem_shared>> -> memref<4096xf32, #tpu.memory_space<vmem_shared>>
      %dma_wait3A_113 = tpu.memref_slice %arg8[%add3A_26] : memref<750080xf32, #tpu.memory_space<vmem_shared>> -> memref<4096xf32, #tpu.memory_space<vmem_shared>>
      tpu.wait_dma2 semaphore(%run_scoped3A : memref<!tpu.dma_semaphore, #tpu.memory_space<semaphore_mem>>) src(%arg7 : memref<4096xf32, #tpu.memory_space<vmem>>) dst(%dma_wait3A_113 : memref<4096xf32, #tpu.memory_space<vmem_shared>>)
      tpu.yield
    }) : () -> ()
    %add3A_27 = arith.constant 45056 : i32
    %add3A_28 = arith.addi %mul3A_0, %add3A_27 : i32
    "tpu.region"() ({
      %run_scoped3A = tpu.sem_alloc : memref<!tpu.dma_semaphore, #tpu.memory_space<semaphore_mem>>
      %dma_start3A_111 = arith.constant 0 : i32
      %dma_start3A_112 = tpu.memref_slice %arg7[%dma_start3A_111] : memref<4096xf32, #tpu.memory_space<vmem>> -> memref<1824xf32, #tpu.memory_space<vmem>>
      %dma_start3A_113 = tpu.memref_slice %arg8[%add3A_28] : memref<750080xf32, #tpu.memory_space<vmem_shared>> -> memref<1824xf32, #tpu.memory_space<vmem_shared>>
      %dma_start3A_114 = tpu.memref_slice %arg8[%add3A_28] : memref<750080xf32, #tpu.memory_space<vmem_shared>> -> memref<1824xf32, #tpu.memory_space<vmem_shared>>
      %dma_start3A_115 = arith.constant 0 : i32
      %dma_start3A_116 = tpu.memref_slice %arg7[%dma_start3A_115] : memref<4096xf32, #tpu.memory_space<vmem>> -> memref<1824xf32, #tpu.memory_space<vmem>>
      tpu.enqueue_dma source(%dma_start3A_116 : memref<1824xf32, #tpu.memory_space<vmem>>) target(%dma_start3A_114 : memref<1824xf32, #tpu.memory_space<vmem_shared>>) target_semaphore(%run_scoped3A : memref<!tpu.dma_semaphore, #tpu.memory_space<semaphore_mem>>)
      %dma_wait3A = arith.constant 0 : i32
      %dma_wait3A_117 = tpu.memref_slice %arg7[%dma_wait3A] : memref<4096xf32, #tpu.memory_space<vmem>> -> memref<1824xf32, #tpu.memory_space<vmem>>
      %dma_wait3A_118 = tpu.memref_slice %arg8[%add3A_28] : memref<750080xf32, #tpu.memory_space<vmem_shared>> -> memref<1824xf32, #tpu.memory_space<vmem_shared>>
      %dma_wait3A_119 = tpu.memref_slice %arg8[%add3A_28] : memref<750080xf32, #tpu.memory_space<vmem_shared>> -> memref<1824xf32, #tpu.memory_space<vmem_shared>>
      %dma_wait3A_120 = arith.constant 0 : i32
      %dma_wait3A_121 = tpu.memref_slice %arg7[%dma_wait3A_120] : memref<4096xf32, #tpu.memory_space<vmem>> -> memref<1824xf32, #tpu.memory_space<vmem>>
      tpu.wait_dma2 semaphore(%run_scoped3A : memref<!tpu.dma_semaphore, #tpu.memory_space<semaphore_mem>>) src(%dma_wait3A_121 : memref<1824xf32, #tpu.memory_space<vmem>>) dst(%dma_wait3A_119 : memref<1824xf32, #tpu.memory_space<vmem_shared>>)
      tpu.yield
    }) : () -> ()
    %barrier3A = arith.constant 0 : index
    tpu.barrier barrier_id(%barrier3A)
    %mul3A_29 = arith.constant 512 : i32
    %mul3A_30 = arith.muli %arg1, %mul3A_29 : i32
    %dma_start3A = arith.constant 0 : i32
    %dma_start3A_31 = arith.constant 0 : i32
    %dma_start3A_32 = arith.constant 0 : i32
    %dma_start3A_33 = tpu.memref_slice %arg5[%dma_start3A, %dma_start3A_31, %dma_start3A_32] : memref<2x32x128xi32, #tpu.memory_space<vmem>> -> memref<1x32x128xi32, #tpu.memory_space<vmem>>
    %dma_start3A_34 = tpu.memref_squeeze %dma_start3A_33 : memref<1x32x128xi32, #tpu.memory_space<vmem>> -> memref<32x128xi32, #tpu.memory_space<vmem>>
    %dma_start3A_35 = arith.constant 0 : i32
    %dma_start3A_36 = tpu.memref_slice %arg2[%mul3A_30, %dma_start3A_35] : memref<8192x128xi32, #tpu.memory_space<hbm>> -> memref<32x128xi32, #tpu.memory_space<hbm>>
    %dma_start3A_37 = arith.constant 0 : i32
    %dma_start3A_38 = arith.constant 0 : i32
    %dma_start3A_39 = tpu.memref_slice %arg5[%dma_start3A, %dma_start3A_37, %dma_start3A_38] : memref<2x32x128xi32, #tpu.memory_space<vmem>> -> memref<1x32x128xi32, #tpu.memory_space<vmem>>
    %dma_start3A_40 = tpu.memref_squeeze %dma_start3A_39 : memref<1x32x128xi32, #tpu.memory_space<vmem>> -> memref<32x128xi32, #tpu.memory_space<vmem>>
    %dma_start3A_41 = arith.constant 0 : i32
    %dma_start3A_42 = tpu.memref_slice %arg2[%mul3A_30, %dma_start3A_41] : memref<8192x128xi32, #tpu.memory_space<hbm>> -> memref<32x128xi32, #tpu.memory_space<hbm>>
    tpu.enqueue_dma source(%dma_start3A_42 : memref<32x128xi32, #tpu.memory_space<hbm>>) target(%dma_start3A_40 : memref<32x128xi32, #tpu.memory_space<vmem>>) target_semaphore(%arg9 : memref<!tpu.dma_semaphore, #tpu.memory_space<semaphore_mem>>)
    %dma_start3A_43 = arith.constant 0 : i32
    %dma_start3A_44 = arith.constant 0 : i32
    %dma_start3A_45 = arith.constant 0 : i32
    %dma_start3A_46 = tpu.memref_slice %arg6[%dma_start3A_43, %dma_start3A_44, %dma_start3A_45] : memref<2x32x128xf32, #tpu.memory_space<vmem>> -> memref<1x32x128xf32, #tpu.memory_space<vmem>>
    %dma_start3A_47 = tpu.memref_squeeze %dma_start3A_46 : memref<1x32x128xf32, #tpu.memory_space<vmem>> -> memref<32x128xf32, #tpu.memory_space<vmem>>
    %dma_start3A_48 = arith.constant 0 : i32
    %dma_start3A_49 = tpu.memref_slice %arg3[%mul3A_30, %dma_start3A_48] : memref<8192x128xf32, #tpu.memory_space<hbm>> -> memref<32x128xf32, #tpu.memory_space<hbm>>
    %dma_start3A_50 = arith.constant 0 : i32
    %dma_start3A_51 = arith.constant 0 : i32
    %dma_start3A_52 = tpu.memref_slice %arg6[%dma_start3A_43, %dma_start3A_50, %dma_start3A_51] : memref<2x32x128xf32, #tpu.memory_space<vmem>> -> memref<1x32x128xf32, #tpu.memory_space<vmem>>
    %dma_start3A_53 = tpu.memref_squeeze %dma_start3A_52 : memref<1x32x128xf32, #tpu.memory_space<vmem>> -> memref<32x128xf32, #tpu.memory_space<vmem>>
    %dma_start3A_54 = arith.constant 0 : i32
    %dma_start3A_55 = tpu.memref_slice %arg3[%mul3A_30, %dma_start3A_54] : memref<8192x128xf32, #tpu.memory_space<hbm>> -> memref<32x128xf32, #tpu.memory_space<hbm>>
    tpu.enqueue_dma source(%dma_start3A_55 : memref<32x128xf32, #tpu.memory_space<hbm>>) target(%dma_start3A_53 : memref<32x128xf32, #tpu.memory_space<vmem>>) target_semaphore(%arg9 : memref<!tpu.dma_semaphore, #tpu.memory_space<semaphore_mem>>)
    %scan3A_56 = arith.constant 0 : i32
    %scan3A_57 = arith.constant 0 : i32
    %scan3A_58 = arith.constant 8 : i32
    %scan3A_59 = arith.addi %scan3A_57, %scan3A_58 : i32
    %scan3A_60 = arith.constant 1 : i32
    scf.for %scan3A_111 = %scan3A_57 to %scan3A_59 step %scan3A_60  : i32 {
      %mul3A_112 = arith.constant 2 : i32
      %mul3A_113 = arith.muli %scan3A_111, %mul3A_112 : i32
      %add3A_114 = arith.constant 0 : i32
      %add3A_115 = arith.addi %mul3A_113, %add3A_114 : i32
      %mul3A_116 = arith.constant 32 : i32
      %mul3A_117 = arith.muli %add3A_115, %mul3A_116 : i32
      %add3A_118 = arith.addi %mul3A_30, %mul3A_117 : i32
      %dma_wait3A = arith.constant 0 : i32
      %dma_wait3A_119 = arith.constant 0 : i32
      %dma_wait3A_120 = arith.constant 0 : i32
      %dma_wait3A_121 = tpu.memref_slice %arg5[%dma_wait3A, %dma_wait3A_119, %dma_wait3A_120] : memref<2x32x128xi32, #tpu.memory_space<vmem>> -> memref<1x32x128xi32, #tpu.memory_space<vmem>>
      %dma_wait3A_122 = tpu.memref_squeeze %dma_wait3A_121 : memref<1x32x128xi32, #tpu.memory_space<vmem>> -> memref<32x128xi32, #tpu.memory_space<vmem>>
      %dma_wait3A_123 = arith.constant 0 : i32
      %dma_wait3A_124 = tpu.memref_slice %arg2[%add3A_118, %dma_wait3A_123] : memref<8192x128xi32, #tpu.memory_space<hbm>> -> memref<32x128xi32, #tpu.memory_space<hbm>>
      %dma_wait3A_125 = arith.constant 0 : i32
      %dma_wait3A_126 = arith.constant 0 : i32
      %dma_wait3A_127 = tpu.memref_slice %arg5[%dma_wait3A, %dma_wait3A_125, %dma_wait3A_126] : memref<2x32x128xi32, #tpu.memory_space<vmem>> -> memref<1x32x128xi32, #tpu.memory_space<vmem>>
      %dma_wait3A_128 = tpu.memref_squeeze %dma_wait3A_127 : memref<1x32x128xi32, #tpu.memory_space<vmem>> -> memref<32x128xi32, #tpu.memory_space<vmem>>
      %dma_wait3A_129 = arith.constant 0 : i32
      %dma_wait3A_130 = tpu.memref_slice %arg2[%add3A_118, %dma_wait3A_129] : memref<8192x128xi32, #tpu.memory_space<hbm>> -> memref<32x128xi32, #tpu.memory_space<hbm>>
      tpu.wait_dma2 semaphore(%arg9 : memref<!tpu.dma_semaphore, #tpu.memory_space<semaphore_mem>>) src(%dma_wait3A_130 : memref<32x128xi32, #tpu.memory_space<hbm>>) dst(%dma_wait3A_128 : memref<32x128xi32, #tpu.memory_space<vmem>>)
      %dma_wait3A_131 = arith.constant 0 : i32
      %dma_wait3A_132 = arith.constant 0 : i32
      %dma_wait3A_133 = arith.constant 0 : i32
      %dma_wait3A_134 = tpu.memref_slice %arg6[%dma_wait3A_131, %dma_wait3A_132, %dma_wait3A_133] : memref<2x32x128xf32, #tpu.memory_space<vmem>> -> memref<1x32x128xf32, #tpu.memory_space<vmem>>
      %dma_wait3A_135 = tpu.memref_squeeze %dma_wait3A_134 : memref<1x32x128xf32, #tpu.memory_space<vmem>> -> memref<32x128xf32, #tpu.memory_space<vmem>>
      %dma_wait3A_136 = arith.constant 0 : i32
      %dma_wait3A_137 = tpu.memref_slice %arg3[%add3A_118, %dma_wait3A_136] : memref<8192x128xf32, #tpu.memory_space<hbm>> -> memref<32x128xf32, #tpu.memory_space<hbm>>
      %dma_wait3A_138 = arith.constant 0 : i32
      %dma_wait3A_139 = arith.constant 0 : i32
      %dma_wait3A_140 = tpu.memref_slice %arg6[%dma_wait3A_131, %dma_wait3A_138, %dma_wait3A_139] : memref<2x32x128xf32, #tpu.memory_space<vmem>> -> memref<1x32x128xf32, #tpu.memory_space<vmem>>
      %dma_wait3A_141 = tpu.memref_squeeze %dma_wait3A_140 : memref<1x32x128xf32, #tpu.memory_space<vmem>> -> memref<32x128xf32, #tpu.memory_space<vmem>>
      %dma_wait3A_142 = arith.constant 0 : i32
      %dma_wait3A_143 = tpu.memref_slice %arg3[%add3A_118, %dma_wait3A_142] : memref<8192x128xf32, #tpu.memory_space<hbm>> -> memref<32x128xf32, #tpu.memory_space<hbm>>
      tpu.wait_dma2 semaphore(%arg9 : memref<!tpu.dma_semaphore, #tpu.memory_space<semaphore_mem>>) src(%dma_wait3A_143 : memref<32x128xf32, #tpu.memory_space<hbm>>) dst(%dma_wait3A_141 : memref<32x128xf32, #tpu.memory_space<vmem>>)
      %add3A_144 = arith.constant 1 : i32
      %add3A_145 = arith.addi %add3A_115, %add3A_144 : i32
      %lt3A = arith.constant 16 : i32
      %lt3A_146 = arith.cmpi slt, %add3A_145, %lt3A : i32
      %convert_element_type3A = arith.extui %lt3A_146 : i1 to i32
      %cond3A = arith.constant 0 : i32
      %cond3A_147 = arith.cmpi ne, %convert_element_type3A, %cond3A : i32
      scf.if %cond3A_147 {
        %add3A_1724 = arith.constant 1 : i32
        %add3A_1725 = arith.addi %add3A_115, %add3A_1724 : i32
        %mul3A_1726 = arith.constant 32 : i32
        %mul3A_1727 = arith.muli %add3A_1725, %mul3A_1726 : i32
        %add3A_1728 = arith.addi %mul3A_30, %mul3A_1727 : i32
        %dma_start3A_1729 = arith.constant 1 : i32
        %dma_start3A_1730 = arith.constant 0 : i32
        %dma_start3A_1731 = arith.constant 0 : i32
        %dma_start3A_1732 = tpu.memref_slice %arg5[%dma_start3A_1729, %dma_start3A_1730, %dma_start3A_1731] : memref<2x32x128xi32, #tpu.memory_space<vmem>> -> memref<1x32x128xi32, #tpu.memory_space<vmem>>
        %dma_start3A_1733 = tpu.memref_squeeze %dma_start3A_1732 : memref<1x32x128xi32, #tpu.memory_space<vmem>> -> memref<32x128xi32, #tpu.memory_space<vmem>>
        %dma_start3A_1734 = arith.constant 0 : i32
        %dma_start3A_1735 = tpu.memref_slice %arg2[%add3A_1728, %dma_start3A_1734] : memref<8192x128xi32, #tpu.memory_space<hbm>> -> memref<32x128xi32, #tpu.memory_space<hbm>>
        %dma_start3A_1736 = arith.constant 0 : i32
        %dma_start3A_1737 = arith.constant 0 : i32
        %dma_start3A_1738 = tpu.memref_slice %arg5[%dma_start3A_1729, %dma_start3A_1736, %dma_start3A_1737] : memref<2x32x128xi32, #tpu.memory_space<vmem>> -> memref<1x32x128xi32, #tpu.memory_space<vmem>>
        %dma_start3A_1739 = tpu.memref_squeeze %dma_start3A_1738 : memref<1x32x128xi32, #tpu.memory_space<vmem>> -> memref<32x128xi32, #tpu.memory_space<vmem>>
        %dma_start3A_1740 = arith.constant 0 : i32
        %dma_start3A_1741 = tpu.memref_slice %arg2[%add3A_1728, %dma_start3A_1740] : memref<8192x128xi32, #tpu.memory_space<hbm>> -> memref<32x128xi32, #tpu.memory_space<hbm>>
        tpu.enqueue_dma source(%dma_start3A_1741 : memref<32x128xi32, #tpu.memory_space<hbm>>) target(%dma_start3A_1739 : memref<32x128xi32, #tpu.memory_space<vmem>>) target_semaphore(%arg10 : memref<!tpu.dma_semaphore, #tpu.memory_space<semaphore_mem>>)
        %dma_start3A_1742 = arith.constant 1 : i32
        %dma_start3A_1743 = arith.constant 0 : i32
        %dma_start3A_1744 = arith.constant 0 : i32
        %dma_start3A_1745 = tpu.memref_slice %arg6[%dma_start3A_1742, %dma_start3A_1743, %dma_start3A_1744] : memref<2x32x128xf32, #tpu.memory_space<vmem>> -> memref<1x32x128xf32, #tpu.memory_space<vmem>>
        %dma_start3A_1746 = tpu.memref_squeeze %dma_start3A_1745 : memref<1x32x128xf32, #tpu.memory_space<vmem>> -> memref<32x128xf32, #tpu.memory_space<vmem>>
        %dma_start3A_1747 = arith.constant 0 : i32
        %dma_start3A_1748 = tpu.memref_slice %arg3[%add3A_1728, %dma_start3A_1747] : memref<8192x128xf32, #tpu.memory_space<hbm>> -> memref<32x128xf32, #tpu.memory_space<hbm>>
        %dma_start3A_1749 = arith.constant 0 : i32
        %dma_start3A_1750 = arith.constant 0 : i32
        %dma_start3A_1751 = tpu.memref_slice %arg6[%dma_start3A_1742, %dma_start3A_1749, %dma_start3A_1750] : memref<2x32x128xf32, #tpu.memory_space<vmem>> -> memref<1x32x128xf32, #tpu.memory_space<vmem>>
        %dma_start3A_1752 = tpu.memref_squeeze %dma_start3A_1751 : memref<1x32x128xf32, #tpu.memory_space<vmem>> -> memref<32x128xf32, #tpu.memory_space<vmem>>
        %dma_start3A_1753 = arith.constant 0 : i32
        %dma_start3A_1754 = tpu.memref_slice %arg3[%add3A_1728, %dma_start3A_1753] : memref<8192x128xf32, #tpu.memory_space<hbm>> -> memref<32x128xf32, #tpu.memory_space<hbm>>
        tpu.enqueue_dma source(%dma_start3A_1754 : memref<32x128xf32, #tpu.memory_space<hbm>>) target(%dma_start3A_1752 : memref<32x128xf32, #tpu.memory_space<vmem>>) target_semaphore(%arg10 : memref<!tpu.dma_semaphore, #tpu.memory_space<semaphore_mem>>)
      } else {
      }
      %dma_start3A_148 = arith.constant 0 : i32
      %dma_start3A_149 = arith.constant 0 : i32
      %dma_start3A_150 = arith.constant 0 : i32
      %dma_start3A_151 = arith.constant 0 : i32
      %dma_start3A_152 = arith.constant 0 : i32
      %dma_start3A_153 = tpu.memref_slice %arg6[%dma_start3A_148, %dma_start3A_149, %dma_start3A_152] : memref<2x32x128xf32, #tpu.memory_space<vmem>> -> memref<1x1x128xf32, #tpu.memory_space<vmem>>
      %dma_start3A_154 = tpu.memref_squeeze %dma_start3A_153 : memref<1x1x128xf32, #tpu.memory_space<vmem>> -> memref<128xf32, #tpu.memory_space<vmem>>
      %dma_start3A_155 = arith.constant 0 : i32
      %dma_start3A_156 = tpu.memref_slice %arg5[%dma_start3A_150, %dma_start3A_151, %dma_start3A_155] : memref<2x32x128xi32, #tpu.memory_space<vmem>> -> memref<1x1x128xi32, #tpu.memory_space<vmem>>
      %dma_start3A_157 = tpu.memref_squeeze %dma_start3A_156 : memref<1x1x128xi32, #tpu.memory_space<vmem>> -> memref<128xi32, #tpu.memory_space<vmem>>
      %dma_start3A_158 = arith.constant 0 : i32
      %dma_start3A_159 = tpu.memref_slice %arg8[%dma_start3A_158] : memref<750080xf32, #tpu.memory_space<vmem_shared>> -> memref<750080xf32, #tpu.memory_space<vmem_shared>>
      tpu.enqueue_indirect_dma source(%dma_start3A_154 : memref<128xf32, #tpu.memory_space<vmem>>) target(%dma_start3A_159 : memref<750080xf32, #tpu.memory_space<vmem_shared>>) offsets(%dma_start3A_157 : memref<128xi32, #tpu.memory_space<vmem>>) semaphore(%arg11 : memref<!tpu.dma_semaphore, #tpu.memory_space<semaphore_mem>>) {add = true}
      %dma_start3A_160 = arith.constant 0 : i32
      %dma_start3A_161 = arith.constant 1 : i32
      %dma_start3A_162 = arith.constant 0 : i32
      %dma_start3A_163 = arith.constant 1 : i32
      %dma_start3A_164 = arith.constant 0 : i32
      %dma_start3A_165 = tpu.memref_slice %arg6[%dma_start3A_160, %dma_start3A_161, %dma_start3A_164] : memref<2x32x128xf32, #tpu.memory_space<vmem>> -> memref<1x1x128xf32, #tpu.memory_space<vmem>>
      %dma_start3A_166 = tpu.memref_squeeze %dma_start3A_165 : memref<1x1x128xf32, #tpu.memory_space<vmem>> -> memref<128xf32, #tpu.memory_space<vmem>>
      %dma_start3A_167 = arith.constant 0 : i32
      %dma_start3A_168 = tpu.memref_slice %arg5[%dma_start3A_162, %dma_start3A_163, %dma_start3A_167] : memref<2x32x128xi32, #tpu.memory_space<vmem>> -> memref<1x1x128xi32, #tpu.memory_space<vmem>>
      %dma_start3A_169 = tpu.memref_squeeze %dma_start3A_168 : memref<1x1x128xi32, #tpu.memory_space<vmem>> -> memref<128xi32, #tpu.memory_space<vmem>>
      %dma_start3A_170 = arith.constant 0 : i32
      %dma_start3A_171 = tpu.memref_slice %arg8[%dma_start3A_170] : memref<750080xf32, #tpu.memory_space<vmem_shared>> -> memref<750080xf32, #tpu.memory_space<vmem_shared>>
      tpu.enqueue_indirect_dma source(%dma_start3A_166 : memref<128xf32, #tpu.memory_space<vmem>>) target(%dma_start3A_171 : memref<750080xf32, #tpu.memory_space<vmem_shared>>) offsets(%dma_start3A_169 : memref<128xi32, #tpu.memory_space<vmem>>) semaphore(%arg11 : memref<!tpu.dma_semaphore, #tpu.memory_space<semaphore_mem>>) {add = true}
      %dma_start3A_172 = arith.constant 0 : i32
      %dma_start3A_173 = arith.constant 2 : i32
      %dma_start3A_174 = arith.constant 0 : i32
      %dma_start3A_175 = arith.constant 2 : i32
      %dma_start3A_176 = arith.constant 0 : i32
      %dma_start3A_177 = tpu.memref_slice %arg6[%dma_start3A_172, %dma_start3A_173, %dma_start3A_176] : memref<2x32x128xf32, #tpu.memory_space<vmem>> -> memref<1x1x128xf32, #tpu.memory_space<vmem>>
      %dma_start3A_178 = tpu.memref_squeeze %dma_start3A_177 : memref<1x1x128xf32, #tpu.memory_space<vmem>> -> memref<128xf32, #tpu.memory_space<vmem>>
      %dma_start3A_179 = arith.constant 0 : i32
      %dma_start3A_180 = tpu.memref_slice %arg5[%dma_start3A_174, %dma_start3A_175, %dma_start3A_179] : memref<2x32x128xi32, #tpu.memory_space<vmem>> -> memref<1x1x128xi32, #tpu.memory_space<vmem>>
      %dma_start3A_181 = tpu.memref_squeeze %dma_start3A_180 : memref<1x1x128xi32, #tpu.memory_space<vmem>> -> memref<128xi32, #tpu.memory_space<vmem>>
      %dma_start3A_182 = arith.constant 0 : i32
      %dma_start3A_183 = tpu.memref_slice %arg8[%dma_start3A_182] : memref<750080xf32, #tpu.memory_space<vmem_shared>> -> memref<750080xf32, #tpu.memory_space<vmem_shared>>
      tpu.enqueue_indirect_dma source(%dma_start3A_178 : memref<128xf32, #tpu.memory_space<vmem>>) target(%dma_start3A_183 : memref<750080xf32, #tpu.memory_space<vmem_shared>>) offsets(%dma_start3A_181 : memref<128xi32, #tpu.memory_space<vmem>>) semaphore(%arg11 : memref<!tpu.dma_semaphore, #tpu.memory_space<semaphore_mem>>) {add = true}
      %dma_start3A_184 = arith.constant 0 : i32
      %dma_start3A_185 = arith.constant 3 : i32
      %dma_start3A_186 = arith.constant 0 : i32
      %dma_start3A_187 = arith.constant 3 : i32
      %dma_start3A_188 = arith.constant 0 : i32
      %dma_start3A_189 = tpu.memref_slice %arg6[%dma_start3A_184, %dma_start3A_185, %dma_start3A_188] : memref<2x32x128xf32, #tpu.memory_space<vmem>> -> memref<1x1x128xf32, #tpu.memory_space<vmem>>
      %dma_start3A_190 = tpu.memref_squeeze %dma_start3A_189 : memref<1x1x128xf32, #tpu.memory_space<vmem>> -> memref<128xf32, #tpu.memory_space<vmem>>
      %dma_start3A_191 = arith.constant 0 : i32
      %dma_start3A_192 = tpu.memref_slice %arg5[%dma_start3A_186, %dma_start3A_187, %dma_start3A_191] : memref<2x32x128xi32, #tpu.memory_space<vmem>> -> memref<1x1x128xi32, #tpu.memory_space<vmem>>
      %dma_start3A_193 = tpu.memref_squeeze %dma_start3A_192 : memref<1x1x128xi32, #tpu.memory_space<vmem>> -> memref<128xi32, #tpu.memory_space<vmem>>
      %dma_start3A_194 = arith.constant 0 : i32
      %dma_start3A_195 = tpu.memref_slice %arg8[%dma_start3A_194] : memref<750080xf32, #tpu.memory_space<vmem_shared>> -> memref<750080xf32, #tpu.memory_space<vmem_shared>>
      tpu.enqueue_indirect_dma source(%dma_start3A_190 : memref<128xf32, #tpu.memory_space<vmem>>) target(%dma_start3A_195 : memref<750080xf32, #tpu.memory_space<vmem_shared>>) offsets(%dma_start3A_193 : memref<128xi32, #tpu.memory_space<vmem>>) semaphore(%arg11 : memref<!tpu.dma_semaphore, #tpu.memory_space<semaphore_mem>>) {add = true}
      %dma_start3A_196 = arith.constant 0 : i32
      %dma_start3A_197 = arith.constant 4 : i32
      %dma_start3A_198 = arith.constant 0 : i32
      %dma_start3A_199 = arith.constant 4 : i32
      %dma_start3A_200 = arith.constant 0 : i32
      %dma_start3A_201 = tpu.memref_slice %arg6[%dma_start3A_196, %dma_start3A_197, %dma_start3A_200] : memref<2x32x128xf32, #tpu.memory_space<vmem>> -> memref<1x1x128xf32, #tpu.memory_space<vmem>>
      %dma_start3A_202 = tpu.memref_squeeze %dma_start3A_201 : memref<1x1x128xf32, #tpu.memory_space<vmem>> -> memref<128xf32, #tpu.memory_space<vmem>>
      %dma_start3A_203 = arith.constant 0 : i32
      %dma_start3A_204 = tpu.memref_slice %arg5[%dma_start3A_198, %dma_start3A_199, %dma_start3A_203] : memref<2x32x128xi32, #tpu.memory_space<vmem>> -> memref<1x1x128xi32, #tpu.memory_space<vmem>>
      %dma_start3A_205 = tpu.memref_squeeze %dma_start3A_204 : memref<1x1x128xi32, #tpu.memory_space<vmem>> -> memref<128xi32, #tpu.memory_space<vmem>>
      %dma_start3A_206 = arith.constant 0 : i32
      %dma_start3A_207 = tpu.memref_slice %arg8[%dma_start3A_206] : memref<750080xf32, #tpu.memory_space<vmem_shared>> -> memref<750080xf32, #tpu.memory_space<vmem_shared>>
      tpu.enqueue_indirect_dma source(%dma_start3A_202 : memref<128xf32, #tpu.memory_space<vmem>>) target(%dma_start3A_207 : memref<750080xf32, #tpu.memory_space<vmem_shared>>) offsets(%dma_start3A_205 : memref<128xi32, #tpu.memory_space<vmem>>) semaphore(%arg11 : memref<!tpu.dma_semaphore, #tpu.memory_space<semaphore_mem>>) {add = true}
      %dma_start3A_208 = arith.constant 0 : i32
      %dma_start3A_209 = arith.constant 5 : i32
      %dma_start3A_210 = arith.constant 0 : i32
      %dma_start3A_211 = arith.constant 5 : i32
      %dma_start3A_212 = arith.constant 0 : i32
      %dma_start3A_213 = tpu.memref_slice %arg6[%dma_start3A_208, %dma_start3A_209, %dma_start3A_212] : memref<2x32x128xf32, #tpu.memory_space<vmem>> -> memref<1x1x128xf32, #tpu.memory_space<vmem>>
      %dma_start3A_214 = tpu.memref_squeeze %dma_start3A_213 : memref<1x1x128xf32, #tpu.memory_space<vmem>> -> memref<128xf32, #tpu.memory_space<vmem>>
      %dma_start3A_215 = arith.constant 0 : i32
      %dma_start3A_216 = tpu.memref_slice %arg5[%dma_start3A_210, %dma_start3A_211, %dma_start3A_215] : memref<2x32x128xi32, #tpu.memory_space<vmem>> -> memref<1x1x128xi32, #tpu.memory_space<vmem>>
      %dma_start3A_217 = tpu.memref_squeeze %dma_start3A_216 : memref<1x1x128xi32, #tpu.memory_space<vmem>> -> memref<128xi32, #tpu.memory_space<vmem>>
      %dma_start3A_218 = arith.constant 0 : i32
      %dma_start3A_219 = tpu.memref_slice %arg8[%dma_start3A_218] : memref<750080xf32, #tpu.memory_space<vmem_shared>> -> memref<750080xf32, #tpu.memory_space<vmem_shared>>
      tpu.enqueue_indirect_dma source(%dma_start3A_214 : memref<128xf32, #tpu.memory_space<vmem>>) target(%dma_start3A_219 : memref<750080xf32, #tpu.memory_space<vmem_shared>>) offsets(%dma_start3A_217 : memref<128xi32, #tpu.memory_space<vmem>>) semaphore(%arg11 : memref<!tpu.dma_semaphore, #tpu.memory_space<semaphore_mem>>) {add = true}
      %dma_start3A_220 = arith.constant 0 : i32
      %dma_start3A_221 = arith.constant 6 : i32
      %dma_start3A_222 = arith.constant 0 : i32
      %dma_start3A_223 = arith.constant 6 : i32
      %dma_start3A_224 = arith.constant 0 : i32
      %dma_start3A_225 = tpu.memref_slice %arg6[%dma_start3A_220, %dma_start3A_221, %dma_start3A_224] : memref<2x32x128xf32, #tpu.memory_space<vmem>> -> memref<1x1x128xf32, #tpu.memory_space<vmem>>
      %dma_start3A_226 = tpu.memref_squeeze %dma_start3A_225 : memref<1x1x128xf32, #tpu.memory_space<vmem>> -> memref<128xf32, #tpu.memory_space<vmem>>
      %dma_start3A_227 = arith.constant 0 : i32
      %dma_start3A_228 = tpu.memref_slice %arg5[%dma_start3A_222, %dma_start3A_223, %dma_start3A_227] : memref<2x32x128xi32, #tpu.memory_space<vmem>> -> memref<1x1x128xi32, #tpu.memory_space<vmem>>
      %dma_start3A_229 = tpu.memref_squeeze %dma_start3A_228 : memref<1x1x128xi32, #tpu.memory_space<vmem>> -> memref<128xi32, #tpu.memory_space<vmem>>
      %dma_start3A_230 = arith.constant 0 : i32
      %dma_start3A_231 = tpu.memref_slice %arg8[%dma_start3A_230] : memref<750080xf32, #tpu.memory_space<vmem_shared>> -> memref<750080xf32, #tpu.memory_space<vmem_shared>>
      tpu.enqueue_indirect_dma source(%dma_start3A_226 : memref<128xf32, #tpu.memory_space<vmem>>) target(%dma_start3A_231 : memref<750080xf32, #tpu.memory_space<vmem_shared>>) offsets(%dma_start3A_229 : memref<128xi32, #tpu.memory_space<vmem>>) semaphore(%arg11 : memref<!tpu.dma_semaphore, #tpu.memory_space<semaphore_mem>>) {add = true}
      %dma_start3A_232 = arith.constant 0 : i32
      %dma_start3A_233 = arith.constant 7 : i32
      %dma_start3A_234 = arith.constant 0 : i32
      %dma_start3A_235 = arith.constant 7 : i32
      %dma_start3A_236 = arith.constant 0 : i32
      %dma_start3A_237 = tpu.memref_slice %arg6[%dma_start3A_232, %dma_start3A_233, %dma_start3A_236] : memref<2x32x128xf32, #tpu.memory_space<vmem>> -> memref<1x1x128xf32, #tpu.memory_space<vmem>>
      %dma_start3A_238 = tpu.memref_squeeze %dma_start3A_237 : memref<1x1x128xf32, #tpu.memory_space<vmem>> -> memref<128xf32, #tpu.memory_space<vmem>>
      %dma_start3A_239 = arith.constant 0 : i32
      %dma_start3A_240 = tpu.memref_slice %arg5[%dma_start3A_234, %dma_start3A_235, %dma_start3A_239] : memref<2x32x128xi32, #tpu.memory_space<vmem>> -> memref<1x1x128xi32, #tpu.memory_space<vmem>>
      %dma_start3A_241 = tpu.memref_squeeze %dma_start3A_240 : memref<1x1x128xi32, #tpu.memory_space<vmem>> -> memref<128xi32, #tpu.memory_space<vmem>>
      %dma_start3A_242 = arith.constant 0 : i32
      %dma_start3A_243 = tpu.memref_slice %arg8[%dma_start3A_242] : memref<750080xf32, #tpu.memory_space<vmem_shared>> -> memref<750080xf32, #tpu.memory_space<vmem_shared>>
      tpu.enqueue_indirect_dma source(%dma_start3A_238 : memref<128xf32, #tpu.memory_space<vmem>>) target(%dma_start3A_243 : memref<750080xf32, #tpu.memory_space<vmem_shared>>) offsets(%dma_start3A_241 : memref<128xi32, #tpu.memory_space<vmem>>) semaphore(%arg11 : memref<!tpu.dma_semaphore, #tpu.memory_space<semaphore_mem>>) {add = true}
      %dma_start3A_244 = arith.constant 0 : i32
      %dma_start3A_245 = arith.constant 8 : i32
      %dma_start3A_246 = arith.constant 0 : i32
      %dma_start3A_247 = arith.constant 8 : i32
      %dma_start3A_248 = arith.constant 0 : i32
      %dma_start3A_249 = tpu.memref_slice %arg6[%dma_start3A_244, %dma_start3A_245, %dma_start3A_248] : memref<2x32x128xf32, #tpu.memory_space<vmem>> -> memref<1x1x128xf32, #tpu.memory_space<vmem>>
      %dma_start3A_250 = tpu.memref_squeeze %dma_start3A_249 : memref<1x1x128xf32, #tpu.memory_space<vmem>> -> memref<128xf32, #tpu.memory_space<vmem>>
      %dma_start3A_251 = arith.constant 0 : i32
      %dma_start3A_252 = tpu.memref_slice %arg5[%dma_start3A_246, %dma_start3A_247, %dma_start3A_251] : memref<2x32x128xi32, #tpu.memory_space<vmem>> -> memref<1x1x128xi32, #tpu.memory_space<vmem>>
      %dma_start3A_253 = tpu.memref_squeeze %dma_start3A_252 : memref<1x1x128xi32, #tpu.memory_space<vmem>> -> memref<128xi32, #tpu.memory_space<vmem>>
      %dma_start3A_254 = arith.constant 0 : i32
      %dma_start3A_255 = tpu.memref_slice %arg8[%dma_start3A_254] : memref<750080xf32, #tpu.memory_space<vmem_shared>> -> memref<750080xf32, #tpu.memory_space<vmem_shared>>
      tpu.enqueue_indirect_dma source(%dma_start3A_250 : memref<128xf32, #tpu.memory_space<vmem>>) target(%dma_start3A_255 : memref<750080xf32, #tpu.memory_space<vmem_shared>>) offsets(%dma_start3A_253 : memref<128xi32, #tpu.memory_space<vmem>>) semaphore(%arg11 : memref<!tpu.dma_semaphore, #tpu.memory_space<semaphore_mem>>) {add = true}
      %dma_start3A_256 = arith.constant 0 : i32
      %dma_start3A_257 = arith.constant 9 : i32
      %dma_start3A_258 = arith.constant 0 : i32
      %dma_start3A_259 = arith.constant 9 : i32
      %dma_start3A_260 = arith.constant 0 : i32
      %dma_start3A_261 = tpu.memref_slice %arg6[%dma_start3A_256, %dma_start3A_257, %dma_start3A_260] : memref<2x32x128xf32, #tpu.memory_space<vmem>> -> memref<1x1x128xf32, #tpu.memory_space<vmem>>
      %dma_start3A_262 = tpu.memref_squeeze %dma_start3A_261 : memref<1x1x128xf32, #tpu.memory_space<vmem>> -> memref<128xf32, #tpu.memory_space<vmem>>
      %dma_start3A_263 = arith.constant 0 : i32
      %dma_start3A_264 = tpu.memref_slice %arg5[%dma_start3A_258, %dma_start3A_259, %dma_start3A_263] : memref<2x32x128xi32, #tpu.memory_space<vmem>> -> memref<1x1x128xi32, #tpu.memory_space<vmem>>
      %dma_start3A_265 = tpu.memref_squeeze %dma_start3A_264 : memref<1x1x128xi32, #tpu.memory_space<vmem>> -> memref<128xi32, #tpu.memory_space<vmem>>
      %dma_start3A_266 = arith.constant 0 : i32
      %dma_start3A_267 = tpu.memref_slice %arg8[%dma_start3A_266] : memref<750080xf32, #tpu.memory_space<vmem_shared>> -> memref<750080xf32, #tpu.memory_space<vmem_shared>>
      tpu.enqueue_indirect_dma source(%dma_start3A_262 : memref<128xf32, #tpu.memory_space<vmem>>) target(%dma_start3A_267 : memref<750080xf32, #tpu.memory_space<vmem_shared>>) offsets(%dma_start3A_265 : memref<128xi32, #tpu.memory_space<vmem>>) semaphore(%arg11 : memref<!tpu.dma_semaphore, #tpu.memory_space<semaphore_mem>>) {add = true}
      %dma_start3A_268 = arith.constant 0 : i32
      %dma_start3A_269 = arith.constant 10 : i32
      %dma_start3A_270 = arith.constant 0 : i32
      %dma_start3A_271 = arith.constant 10 : i32
      %dma_start3A_272 = arith.constant 0 : i32
      %dma_start3A_273 = tpu.memref_slice %arg6[%dma_start3A_268, %dma_start3A_269, %dma_start3A_272] : memref<2x32x128xf32, #tpu.memory_space<vmem>> -> memref<1x1x128xf32, #tpu.memory_space<vmem>>
      %dma_start3A_274 = tpu.memref_squeeze %dma_start3A_273 : memref<1x1x128xf32, #tpu.memory_space<vmem>> -> memref<128xf32, #tpu.memory_space<vmem>>
      %dma_start3A_275 = arith.constant 0 : i32
      %dma_start3A_276 = tpu.memref_slice %arg5[%dma_start3A_270, %dma_start3A_271, %dma_start3A_275] : memref<2x32x128xi32, #tpu.memory_space<vmem>> -> memref<1x1x128xi32, #tpu.memory_space<vmem>>
      %dma_start3A_277 = tpu.memref_squeeze %dma_start3A_276 : memref<1x1x128xi32, #tpu.memory_space<vmem>> -> memref<128xi32, #tpu.memory_space<vmem>>
      %dma_start3A_278 = arith.constant 0 : i32
      %dma_start3A_279 = tpu.memref_slice %arg8[%dma_start3A_278] : memref<750080xf32, #tpu.memory_space<vmem_shared>> -> memref<750080xf32, #tpu.memory_space<vmem_shared>>
      tpu.enqueue_indirect_dma source(%dma_start3A_274 : memref<128xf32, #tpu.memory_space<vmem>>) target(%dma_start3A_279 : memref<750080xf32, #tpu.memory_space<vmem_shared>>) offsets(%dma_start3A_277 : memref<128xi32, #tpu.memory_space<vmem>>) semaphore(%arg11 : memref<!tpu.dma_semaphore, #tpu.memory_space<semaphore_mem>>) {add = true}
      %dma_start3A_280 = arith.constant 0 : i32
      %dma_start3A_281 = arith.constant 11 : i32
      %dma_start3A_282 = arith.constant 0 : i32
      %dma_start3A_283 = arith.constant 11 : i32
      %dma_start3A_284 = arith.constant 0 : i32
      %dma_start3A_285 = tpu.memref_slice %arg6[%dma_start3A_280, %dma_start3A_281, %dma_start3A_284] : memref<2x32x128xf32, #tpu.memory_space<vmem>> -> memref<1x1x128xf32, #tpu.memory_space<vmem>>
      %dma_start3A_286 = tpu.memref_squeeze %dma_start3A_285 : memref<1x1x128xf32, #tpu.memory_space<vmem>> -> memref<128xf32, #tpu.memory_space<vmem>>
      %dma_start3A_287 = arith.constant 0 : i32
      %dma_start3A_288 = tpu.memref_slice %arg5[%dma_start3A_282, %dma_start3A_283, %dma_start3A_287] : memref<2x32x128xi32, #tpu.memory_space<vmem>> -> memref<1x1x128xi32, #tpu.memory_space<vmem>>
      %dma_start3A_289 = tpu.memref_squeeze %dma_start3A_288 : memref<1x1x128xi32, #tpu.memory_space<vmem>> -> memref<128xi32, #tpu.memory_space<vmem>>
      %dma_start3A_290 = arith.constant 0 : i32
      %dma_start3A_291 = tpu.memref_slice %arg8[%dma_start3A_290] : memref<750080xf32, #tpu.memory_space<vmem_shared>> -> memref<750080xf32, #tpu.memory_space<vmem_shared>>
      tpu.enqueue_indirect_dma source(%dma_start3A_286 : memref<128xf32, #tpu.memory_space<vmem>>) target(%dma_start3A_291 : memref<750080xf32, #tpu.memory_space<vmem_shared>>) offsets(%dma_start3A_289 : memref<128xi32, #tpu.memory_space<vmem>>) semaphore(%arg11 : memref<!tpu.dma_semaphore, #tpu.memory_space<semaphore_mem>>) {add = true}
      %dma_start3A_292 = arith.constant 0 : i32
      %dma_start3A_293 = arith.constant 12 : i32
      %dma_start3A_294 = arith.constant 0 : i32
      %dma_start3A_295 = arith.constant 12 : i32
      %dma_start3A_296 = arith.constant 0 : i32
      %dma_start3A_297 = tpu.memref_slice %arg6[%dma_start3A_292, %dma_start3A_293, %dma_start3A_296] : memref<2x32x128xf32, #tpu.memory_space<vmem>> -> memref<1x1x128xf32, #tpu.memory_space<vmem>>
      %dma_start3A_298 = tpu.memref_squeeze %dma_start3A_297 : memref<1x1x128xf32, #tpu.memory_space<vmem>> -> memref<128xf32, #tpu.memory_space<vmem>>
      %dma_start3A_299 = arith.constant 0 : i32
      %dma_start3A_300 = tpu.memref_slice %arg5[%dma_start3A_294, %dma_start3A_295, %dma_start3A_299] : memref<2x32x128xi32, #tpu.memory_space<vmem>> -> memref<1x1x128xi32, #tpu.memory_space<vmem>>
      %dma_start3A_301 = tpu.memref_squeeze %dma_start3A_300 : memref<1x1x128xi32, #tpu.memory_space<vmem>> -> memref<128xi32, #tpu.memory_space<vmem>>
      %dma_start3A_302 = arith.constant 0 : i32
      %dma_start3A_303 = tpu.memref_slice %arg8[%dma_start3A_302] : memref<750080xf32, #tpu.memory_space<vmem_shared>> -> memref<750080xf32, #tpu.memory_space<vmem_shared>>
      tpu.enqueue_indirect_dma source(%dma_start3A_298 : memref<128xf32, #tpu.memory_space<vmem>>) target(%dma_start3A_303 : memref<750080xf32, #tpu.memory_space<vmem_shared>>) offsets(%dma_start3A_301 : memref<128xi32, #tpu.memory_space<vmem>>) semaphore(%arg11 : memref<!tpu.dma_semaphore, #tpu.memory_space<semaphore_mem>>) {add = true}
      %dma_start3A_304 = arith.constant 0 : i32
      %dma_start3A_305 = arith.constant 13 : i32
      %dma_start3A_306 = arith.constant 0 : i32
      %dma_start3A_307 = arith.constant 13 : i32
      %dma_start3A_308 = arith.constant 0 : i32
      %dma_start3A_309 = tpu.memref_slice %arg6[%dma_start3A_304, %dma_start3A_305, %dma_start3A_308] : memref<2x32x128xf32, #tpu.memory_space<vmem>> -> memref<1x1x128xf32, #tpu.memory_space<vmem>>
      %dma_start3A_310 = tpu.memref_squeeze %dma_start3A_309 : memref<1x1x128xf32, #tpu.memory_space<vmem>> -> memref<128xf32, #tpu.memory_space<vmem>>
      %dma_start3A_311 = arith.constant 0 : i32
      %dma_start3A_312 = tpu.memref_slice %arg5[%dma_start3A_306, %dma_start3A_307, %dma_start3A_311] : memref<2x32x128xi32, #tpu.memory_space<vmem>> -> memref<1x1x128xi32, #tpu.memory_space<vmem>>
      %dma_start3A_313 = tpu.memref_squeeze %dma_start3A_312 : memref<1x1x128xi32, #tpu.memory_space<vmem>> -> memref<128xi32, #tpu.memory_space<vmem>>
      %dma_start3A_314 = arith.constant 0 : i32
      %dma_start3A_315 = tpu.memref_slice %arg8[%dma_start3A_314] : memref<750080xf32, #tpu.memory_space<vmem_shared>> -> memref<750080xf32, #tpu.memory_space<vmem_shared>>
      tpu.enqueue_indirect_dma source(%dma_start3A_310 : memref<128xf32, #tpu.memory_space<vmem>>) target(%dma_start3A_315 : memref<750080xf32, #tpu.memory_space<vmem_shared>>) offsets(%dma_start3A_313 : memref<128xi32, #tpu.memory_space<vmem>>) semaphore(%arg11 : memref<!tpu.dma_semaphore, #tpu.memory_space<semaphore_mem>>) {add = true}
      %dma_start3A_316 = arith.constant 0 : i32
      %dma_start3A_317 = arith.constant 14 : i32
      %dma_start3A_318 = arith.constant 0 : i32
      %dma_start3A_319 = arith.constant 14 : i32
      %dma_start3A_320 = arith.constant 0 : i32
      %dma_start3A_321 = tpu.memref_slice %arg6[%dma_start3A_316, %dma_start3A_317, %dma_start3A_320] : memref<2x32x128xf32, #tpu.memory_space<vmem>> -> memref<1x1x128xf32, #tpu.memory_space<vmem>>
      %dma_start3A_322 = tpu.memref_squeeze %dma_start3A_321 : memref<1x1x128xf32, #tpu.memory_space<vmem>> -> memref<128xf32, #tpu.memory_space<vmem>>
      %dma_start3A_323 = arith.constant 0 : i32
      %dma_start3A_324 = tpu.memref_slice %arg5[%dma_start3A_318, %dma_start3A_319, %dma_start3A_323] : memref<2x32x128xi32, #tpu.memory_space<vmem>> -> memref<1x1x128xi32, #tpu.memory_space<vmem>>
      %dma_start3A_325 = tpu.memref_squeeze %dma_start3A_324 : memref<1x1x128xi32, #tpu.memory_space<vmem>> -> memref<128xi32, #tpu.memory_space<vmem>>
      %dma_start3A_326 = arith.constant 0 : i32
      %dma_start3A_327 = tpu.memref_slice %arg8[%dma_start3A_326] : memref<750080xf32, #tpu.memory_space<vmem_shared>> -> memref<750080xf32, #tpu.memory_space<vmem_shared>>
      tpu.enqueue_indirect_dma source(%dma_start3A_322 : memref<128xf32, #tpu.memory_space<vmem>>) target(%dma_start3A_327 : memref<750080xf32, #tpu.memory_space<vmem_shared>>) offsets(%dma_start3A_325 : memref<128xi32, #tpu.memory_space<vmem>>) semaphore(%arg11 : memref<!tpu.dma_semaphore, #tpu.memory_space<semaphore_mem>>) {add = true}
      %dma_start3A_328 = arith.constant 0 : i32
      %dma_start3A_329 = arith.constant 15 : i32
      %dma_start3A_330 = arith.constant 0 : i32
      %dma_start3A_331 = arith.constant 15 : i32
      %dma_start3A_332 = arith.constant 0 : i32
      %dma_start3A_333 = tpu.memref_slice %arg6[%dma_start3A_328, %dma_start3A_329, %dma_start3A_332] : memref<2x32x128xf32, #tpu.memory_space<vmem>> -> memref<1x1x128xf32, #tpu.memory_space<vmem>>
      %dma_start3A_334 = tpu.memref_squeeze %dma_start3A_333 : memref<1x1x128xf32, #tpu.memory_space<vmem>> -> memref<128xf32, #tpu.memory_space<vmem>>
      %dma_start3A_335 = arith.constant 0 : i32
      %dma_start3A_336 = tpu.memref_slice %arg5[%dma_start3A_330, %dma_start3A_331, %dma_start3A_335] : memref<2x32x128xi32, #tpu.memory_space<vmem>> -> memref<1x1x128xi32, #tpu.memory_space<vmem>>
      %dma_start3A_337 = tpu.memref_squeeze %dma_start3A_336 : memref<1x1x128xi32, #tpu.memory_space<vmem>> -> memref<128xi32, #tpu.memory_space<vmem>>
      %dma_start3A_338 = arith.constant 0 : i32
      %dma_start3A_339 = tpu.memref_slice %arg8[%dma_start3A_338] : memref<750080xf32, #tpu.memory_space<vmem_shared>> -> memref<750080xf32, #tpu.memory_space<vmem_shared>>
      tpu.enqueue_indirect_dma source(%dma_start3A_334 : memref<128xf32, #tpu.memory_space<vmem>>) target(%dma_start3A_339 : memref<750080xf32, #tpu.memory_space<vmem_shared>>) offsets(%dma_start3A_337 : memref<128xi32, #tpu.memory_space<vmem>>) semaphore(%arg11 : memref<!tpu.dma_semaphore, #tpu.memory_space<semaphore_mem>>) {add = true}
      %dma_start3A_340 = arith.constant 0 : i32
      %dma_start3A_341 = arith.constant 16 : i32
      %dma_start3A_342 = arith.constant 0 : i32
      %dma_start3A_343 = arith.constant 16 : i32
      %dma_start3A_344 = arith.constant 0 : i32
      %dma_start3A_345 = tpu.memref_slice %arg6[%dma_start3A_340, %dma_start3A_341, %dma_start3A_344] : memref<2x32x128xf32, #tpu.memory_space<vmem>> -> memref<1x1x128xf32, #tpu.memory_space<vmem>>
      %dma_start3A_346 = tpu.memref_squeeze %dma_start3A_345 : memref<1x1x128xf32, #tpu.memory_space<vmem>> -> memref<128xf32, #tpu.memory_space<vmem>>
      %dma_start3A_347 = arith.constant 0 : i32
      %dma_start3A_348 = tpu.memref_slice %arg5[%dma_start3A_342, %dma_start3A_343, %dma_start3A_347] : memref<2x32x128xi32, #tpu.memory_space<vmem>> -> memref<1x1x128xi32, #tpu.memory_space<vmem>>
      %dma_start3A_349 = tpu.memref_squeeze %dma_start3A_348 : memref<1x1x128xi32, #tpu.memory_space<vmem>> -> memref<128xi32, #tpu.memory_space<vmem>>
      %dma_start3A_350 = arith.constant 0 : i32
      %dma_start3A_351 = tpu.memref_slice %arg8[%dma_start3A_350] : memref<750080xf32, #tpu.memory_space<vmem_shared>> -> memref<750080xf32, #tpu.memory_space<vmem_shared>>
      tpu.enqueue_indirect_dma source(%dma_start3A_346 : memref<128xf32, #tpu.memory_space<vmem>>) target(%dma_start3A_351 : memref<750080xf32, #tpu.memory_space<vmem_shared>>) offsets(%dma_start3A_349 : memref<128xi32, #tpu.memory_space<vmem>>) semaphore(%arg11 : memref<!tpu.dma_semaphore, #tpu.memory_space<semaphore_mem>>) {add = true}
      %dma_start3A_352 = arith.constant 0 : i32
      %dma_start3A_353 = arith.constant 17 : i32
      %dma_start3A_354 = arith.constant 0 : i32
      %dma_start3A_355 = arith.constant 17 : i32
      %dma_start3A_356 = arith.constant 0 : i32
      %dma_start3A_357 = tpu.memref_slice %arg6[%dma_start3A_352, %dma_start3A_353, %dma_start3A_356] : memref<2x32x128xf32, #tpu.memory_space<vmem>> -> memref<1x1x128xf32, #tpu.memory_space<vmem>>
      %dma_start3A_358 = tpu.memref_squeeze %dma_start3A_357 : memref<1x1x128xf32, #tpu.memory_space<vmem>> -> memref<128xf32, #tpu.memory_space<vmem>>
      %dma_start3A_359 = arith.constant 0 : i32
      %dma_start3A_360 = tpu.memref_slice %arg5[%dma_start3A_354, %dma_start3A_355, %dma_start3A_359] : memref<2x32x128xi32, #tpu.memory_space<vmem>> -> memref<1x1x128xi32, #tpu.memory_space<vmem>>
      %dma_start3A_361 = tpu.memref_squeeze %dma_start3A_360 : memref<1x1x128xi32, #tpu.memory_space<vmem>> -> memref<128xi32, #tpu.memory_space<vmem>>
      %dma_start3A_362 = arith.constant 0 : i32
      %dma_start3A_363 = tpu.memref_slice %arg8[%dma_start3A_362] : memref<750080xf32, #tpu.memory_space<vmem_shared>> -> memref<750080xf32, #tpu.memory_space<vmem_shared>>
      tpu.enqueue_indirect_dma source(%dma_start3A_358 : memref<128xf32, #tpu.memory_space<vmem>>) target(%dma_start3A_363 : memref<750080xf32, #tpu.memory_space<vmem_shared>>) offsets(%dma_start3A_361 : memref<128xi32, #tpu.memory_space<vmem>>) semaphore(%arg11 : memref<!tpu.dma_semaphore, #tpu.memory_space<semaphore_mem>>) {add = true}
      %dma_start3A_364 = arith.constant 0 : i32
      %dma_start3A_365 = arith.constant 18 : i32
      %dma_start3A_366 = arith.constant 0 : i32
      %dma_start3A_367 = arith.constant 18 : i32
      %dma_start3A_368 = arith.constant 0 : i32
      %dma_start3A_369 = tpu.memref_slice %arg6[%dma_start3A_364, %dma_start3A_365, %dma_start3A_368] : memref<2x32x128xf32, #tpu.memory_space<vmem>> -> memref<1x1x128xf32, #tpu.memory_space<vmem>>
      %dma_start3A_370 = tpu.memref_squeeze %dma_start3A_369 : memref<1x1x128xf32, #tpu.memory_space<vmem>> -> memref<128xf32, #tpu.memory_space<vmem>>
      %dma_start3A_371 = arith.constant 0 : i32
      %dma_start3A_372 = tpu.memref_slice %arg5[%dma_start3A_366, %dma_start3A_367, %dma_start3A_371] : memref<2x32x128xi32, #tpu.memory_space<vmem>> -> memref<1x1x128xi32, #tpu.memory_space<vmem>>
      %dma_start3A_373 = tpu.memref_squeeze %dma_start3A_372 : memref<1x1x128xi32, #tpu.memory_space<vmem>> -> memref<128xi32, #tpu.memory_space<vmem>>
      %dma_start3A_374 = arith.constant 0 : i32
      %dma_start3A_375 = tpu.memref_slice %arg8[%dma_start3A_374] : memref<750080xf32, #tpu.memory_space<vmem_shared>> -> memref<750080xf32, #tpu.memory_space<vmem_shared>>
      tpu.enqueue_indirect_dma source(%dma_start3A_370 : memref<128xf32, #tpu.memory_space<vmem>>) target(%dma_start3A_375 : memref<750080xf32, #tpu.memory_space<vmem_shared>>) offsets(%dma_start3A_373 : memref<128xi32, #tpu.memory_space<vmem>>) semaphore(%arg11 : memref<!tpu.dma_semaphore, #tpu.memory_space<semaphore_mem>>) {add = true}
      %dma_start3A_376 = arith.constant 0 : i32
      %dma_start3A_377 = arith.constant 19 : i32
      %dma_start3A_378 = arith.constant 0 : i32
      %dma_start3A_379 = arith.constant 19 : i32
      %dma_start3A_380 = arith.constant 0 : i32
      %dma_start3A_381 = tpu.memref_slice %arg6[%dma_start3A_376, %dma_start3A_377, %dma_start3A_380] : memref<2x32x128xf32, #tpu.memory_space<vmem>> -> memref<1x1x128xf32, #tpu.memory_space<vmem>>
      %dma_start3A_382 = tpu.memref_squeeze %dma_start3A_381 : memref<1x1x128xf32, #tpu.memory_space<vmem>> -> memref<128xf32, #tpu.memory_space<vmem>>
      %dma_start3A_383 = arith.constant 0 : i32
      %dma_start3A_384 = tpu.memref_slice %arg5[%dma_start3A_378, %dma_start3A_379, %dma_start3A_383] : memref<2x32x128xi32, #tpu.memory_space<vmem>> -> memref<1x1x128xi32, #tpu.memory_space<vmem>>
      %dma_start3A_385 = tpu.memref_squeeze %dma_start3A_384 : memref<1x1x128xi32, #tpu.memory_space<vmem>> -> memref<128xi32, #tpu.memory_space<vmem>>
      %dma_start3A_386 = arith.constant 0 : i32
      %dma_start3A_387 = tpu.memref_slice %arg8[%dma_start3A_386] : memref<750080xf32, #tpu.memory_space<vmem_shared>> -> memref<750080xf32, #tpu.memory_space<vmem_shared>>
      tpu.enqueue_indirect_dma source(%dma_start3A_382 : memref<128xf32, #tpu.memory_space<vmem>>) target(%dma_start3A_387 : memref<750080xf32, #tpu.memory_space<vmem_shared>>) offsets(%dma_start3A_385 : memref<128xi32, #tpu.memory_space<vmem>>) semaphore(%arg11 : memref<!tpu.dma_semaphore, #tpu.memory_space<semaphore_mem>>) {add = true}
      %dma_start3A_388 = arith.constant 0 : i32
      %dma_start3A_389 = arith.constant 20 : i32
      %dma_start3A_390 = arith.constant 0 : i32
      %dma_start3A_391 = arith.constant 20 : i32
      %dma_start3A_392 = arith.constant 0 : i32
      %dma_start3A_393 = tpu.memref_slice %arg6[%dma_start3A_388, %dma_start3A_389, %dma_start3A_392] : memref<2x32x128xf32, #tpu.memory_space<vmem>> -> memref<1x1x128xf32, #tpu.memory_space<vmem>>
      %dma_start3A_394 = tpu.memref_squeeze %dma_start3A_393 : memref<1x1x128xf32, #tpu.memory_space<vmem>> -> memref<128xf32, #tpu.memory_space<vmem>>
      %dma_start3A_395 = arith.constant 0 : i32
      %dma_start3A_396 = tpu.memref_slice %arg5[%dma_start3A_390, %dma_start3A_391, %dma_start3A_395] : memref<2x32x128xi32, #tpu.memory_space<vmem>> -> memref<1x1x128xi32, #tpu.memory_space<vmem>>
      %dma_start3A_397 = tpu.memref_squeeze %dma_start3A_396 : memref<1x1x128xi32, #tpu.memory_space<vmem>> -> memref<128xi32, #tpu.memory_space<vmem>>
      %dma_start3A_398 = arith.constant 0 : i32
      %dma_start3A_399 = tpu.memref_slice %arg8[%dma_start3A_398] : memref<750080xf32, #tpu.memory_space<vmem_shared>> -> memref<750080xf32, #tpu.memory_space<vmem_shared>>
      tpu.enqueue_indirect_dma source(%dma_start3A_394 : memref<128xf32, #tpu.memory_space<vmem>>) target(%dma_start3A_399 : memref<750080xf32, #tpu.memory_space<vmem_shared>>) offsets(%dma_start3A_397 : memref<128xi32, #tpu.memory_space<vmem>>) semaphore(%arg11 : memref<!tpu.dma_semaphore, #tpu.memory_space<semaphore_mem>>) {add = true}
      %dma_start3A_400 = arith.constant 0 : i32
      %dma_start3A_401 = arith.constant 21 : i32
      %dma_start3A_402 = arith.constant 0 : i32
      %dma_start3A_403 = arith.constant 21 : i32
      %dma_start3A_404 = arith.constant 0 : i32
      %dma_start3A_405 = tpu.memref_slice %arg6[%dma_start3A_400, %dma_start3A_401, %dma_start3A_404] : memref<2x32x128xf32, #tpu.memory_space<vmem>> -> memref<1x1x128xf32, #tpu.memory_space<vmem>>
      %dma_start3A_406 = tpu.memref_squeeze %dma_start3A_405 : memref<1x1x128xf32, #tpu.memory_space<vmem>> -> memref<128xf32, #tpu.memory_space<vmem>>
      %dma_start3A_407 = arith.constant 0 : i32
      %dma_start3A_408 = tpu.memref_slice %arg5[%dma_start3A_402, %dma_start3A_403, %dma_start3A_407] : memref<2x32x128xi32, #tpu.memory_space<vmem>> -> memref<1x1x128xi32, #tpu.memory_space<vmem>>
      %dma_start3A_409 = tpu.memref_squeeze %dma_start3A_408 : memref<1x1x128xi32, #tpu.memory_space<vmem>> -> memref<128xi32, #tpu.memory_space<vmem>>
      %dma_start3A_410 = arith.constant 0 : i32
      %dma_start3A_411 = tpu.memref_slice %arg8[%dma_start3A_410] : memref<750080xf32, #tpu.memory_space<vmem_shared>> -> memref<750080xf32, #tpu.memory_space<vmem_shared>>
      tpu.enqueue_indirect_dma source(%dma_start3A_406 : memref<128xf32, #tpu.memory_space<vmem>>) target(%dma_start3A_411 : memref<750080xf32, #tpu.memory_space<vmem_shared>>) offsets(%dma_start3A_409 : memref<128xi32, #tpu.memory_space<vmem>>) semaphore(%arg11 : memref<!tpu.dma_semaphore, #tpu.memory_space<semaphore_mem>>) {add = true}
      %dma_start3A_412 = arith.constant 0 : i32
      %dma_start3A_413 = arith.constant 22 : i32
      %dma_start3A_414 = arith.constant 0 : i32
      %dma_start3A_415 = arith.constant 22 : i32
      %dma_start3A_416 = arith.constant 0 : i32
      %dma_start3A_417 = tpu.memref_slice %arg6[%dma_start3A_412, %dma_start3A_413, %dma_start3A_416] : memref<2x32x128xf32, #tpu.memory_space<vmem>> -> memref<1x1x128xf32, #tpu.memory_space<vmem>>
      %dma_start3A_418 = tpu.memref_squeeze %dma_start3A_417 : memref<1x1x128xf32, #tpu.memory_space<vmem>> -> memref<128xf32, #tpu.memory_space<vmem>>
      %dma_start3A_419 = arith.constant 0 : i32
      %dma_start3A_420 = tpu.memref_slice %arg5[%dma_start3A_414, %dma_start3A_415, %dma_start3A_419] : memref<2x32x128xi32, #tpu.memory_space<vmem>> -> memref<1x1x128xi32, #tpu.memory_space<vmem>>
      %dma_start3A_421 = tpu.memref_squeeze %dma_start3A_420 : memref<1x1x128xi32, #tpu.memory_space<vmem>> -> memref<128xi32, #tpu.memory_space<vmem>>
      %dma_start3A_422 = arith.constant 0 : i32
      %dma_start3A_423 = tpu.memref_slice %arg8[%dma_start3A_422] : memref<750080xf32, #tpu.memory_space<vmem_shared>> -> memref<750080xf32, #tpu.memory_space<vmem_shared>>
      tpu.enqueue_indirect_dma source(%dma_start3A_418 : memref<128xf32, #tpu.memory_space<vmem>>) target(%dma_start3A_423 : memref<750080xf32, #tpu.memory_space<vmem_shared>>) offsets(%dma_start3A_421 : memref<128xi32, #tpu.memory_space<vmem>>) semaphore(%arg11 : memref<!tpu.dma_semaphore, #tpu.memory_space<semaphore_mem>>) {add = true}
      %dma_start3A_424 = arith.constant 0 : i32
      %dma_start3A_425 = arith.constant 23 : i32
      %dma_start3A_426 = arith.constant 0 : i32
      %dma_start3A_427 = arith.constant 23 : i32
      %dma_start3A_428 = arith.constant 0 : i32
      %dma_start3A_429 = tpu.memref_slice %arg6[%dma_start3A_424, %dma_start3A_425, %dma_start3A_428] : memref<2x32x128xf32, #tpu.memory_space<vmem>> -> memref<1x1x128xf32, #tpu.memory_space<vmem>>
      %dma_start3A_430 = tpu.memref_squeeze %dma_start3A_429 : memref<1x1x128xf32, #tpu.memory_space<vmem>> -> memref<128xf32, #tpu.memory_space<vmem>>
      %dma_start3A_431 = arith.constant 0 : i32
      %dma_start3A_432 = tpu.memref_slice %arg5[%dma_start3A_426, %dma_start3A_427, %dma_start3A_431] : memref<2x32x128xi32, #tpu.memory_space<vmem>> -> memref<1x1x128xi32, #tpu.memory_space<vmem>>
      %dma_start3A_433 = tpu.memref_squeeze %dma_start3A_432 : memref<1x1x128xi32, #tpu.memory_space<vmem>> -> memref<128xi32, #tpu.memory_space<vmem>>
      %dma_start3A_434 = arith.constant 0 : i32
      %dma_start3A_435 = tpu.memref_slice %arg8[%dma_start3A_434] : memref<750080xf32, #tpu.memory_space<vmem_shared>> -> memref<750080xf32, #tpu.memory_space<vmem_shared>>
      tpu.enqueue_indirect_dma source(%dma_start3A_430 : memref<128xf32, #tpu.memory_space<vmem>>) target(%dma_start3A_435 : memref<750080xf32, #tpu.memory_space<vmem_shared>>) offsets(%dma_start3A_433 : memref<128xi32, #tpu.memory_space<vmem>>) semaphore(%arg11 : memref<!tpu.dma_semaphore, #tpu.memory_space<semaphore_mem>>) {add = true}
      %dma_start3A_436 = arith.constant 0 : i32
      %dma_start3A_437 = arith.constant 24 : i32
      %dma_start3A_438 = arith.constant 0 : i32
      %dma_start3A_439 = arith.constant 24 : i32
      %dma_start3A_440 = arith.constant 0 : i32
      %dma_start3A_441 = tpu.memref_slice %arg6[%dma_start3A_436, %dma_start3A_437, %dma_start3A_440] : memref<2x32x128xf32, #tpu.memory_space<vmem>> -> memref<1x1x128xf32, #tpu.memory_space<vmem>>
      %dma_start3A_442 = tpu.memref_squeeze %dma_start3A_441 : memref<1x1x128xf32, #tpu.memory_space<vmem>> -> memref<128xf32, #tpu.memory_space<vmem>>
      %dma_start3A_443 = arith.constant 0 : i32
      %dma_start3A_444 = tpu.memref_slice %arg5[%dma_start3A_438, %dma_start3A_439, %dma_start3A_443] : memref<2x32x128xi32, #tpu.memory_space<vmem>> -> memref<1x1x128xi32, #tpu.memory_space<vmem>>
      %dma_start3A_445 = tpu.memref_squeeze %dma_start3A_444 : memref<1x1x128xi32, #tpu.memory_space<vmem>> -> memref<128xi32, #tpu.memory_space<vmem>>
      %dma_start3A_446 = arith.constant 0 : i32
      %dma_start3A_447 = tpu.memref_slice %arg8[%dma_start3A_446] : memref<750080xf32, #tpu.memory_space<vmem_shared>> -> memref<750080xf32, #tpu.memory_space<vmem_shared>>
      tpu.enqueue_indirect_dma source(%dma_start3A_442 : memref<128xf32, #tpu.memory_space<vmem>>) target(%dma_start3A_447 : memref<750080xf32, #tpu.memory_space<vmem_shared>>) offsets(%dma_start3A_445 : memref<128xi32, #tpu.memory_space<vmem>>) semaphore(%arg11 : memref<!tpu.dma_semaphore, #tpu.memory_space<semaphore_mem>>) {add = true}
      %dma_start3A_448 = arith.constant 0 : i32
      %dma_start3A_449 = arith.constant 25 : i32
      %dma_start3A_450 = arith.constant 0 : i32
      %dma_start3A_451 = arith.constant 25 : i32
      %dma_start3A_452 = arith.constant 0 : i32
      %dma_start3A_453 = tpu.memref_slice %arg6[%dma_start3A_448, %dma_start3A_449, %dma_start3A_452] : memref<2x32x128xf32, #tpu.memory_space<vmem>> -> memref<1x1x128xf32, #tpu.memory_space<vmem>>
      %dma_start3A_454 = tpu.memref_squeeze %dma_start3A_453 : memref<1x1x128xf32, #tpu.memory_space<vmem>> -> memref<128xf32, #tpu.memory_space<vmem>>
      %dma_start3A_455 = arith.constant 0 : i32
      %dma_start3A_456 = tpu.memref_slice %arg5[%dma_start3A_450, %dma_start3A_451, %dma_start3A_455] : memref<2x32x128xi32, #tpu.memory_space<vmem>> -> memref<1x1x128xi32, #tpu.memory_space<vmem>>
      %dma_start3A_457 = tpu.memref_squeeze %dma_start3A_456 : memref<1x1x128xi32, #tpu.memory_space<vmem>> -> memref<128xi32, #tpu.memory_space<vmem>>
      %dma_start3A_458 = arith.constant 0 : i32
      %dma_start3A_459 = tpu.memref_slice %arg8[%dma_start3A_458] : memref<750080xf32, #tpu.memory_space<vmem_shared>> -> memref<750080xf32, #tpu.memory_space<vmem_shared>>
      tpu.enqueue_indirect_dma source(%dma_start3A_454 : memref<128xf32, #tpu.memory_space<vmem>>) target(%dma_start3A_459 : memref<750080xf32, #tpu.memory_space<vmem_shared>>) offsets(%dma_start3A_457 : memref<128xi32, #tpu.memory_space<vmem>>) semaphore(%arg11 : memref<!tpu.dma_semaphore, #tpu.memory_space<semaphore_mem>>) {add = true}
      %dma_start3A_460 = arith.constant 0 : i32
      %dma_start3A_461 = arith.constant 26 : i32
      %dma_start3A_462 = arith.constant 0 : i32
      %dma_start3A_463 = arith.constant 26 : i32
      %dma_start3A_464 = arith.constant 0 : i32
      %dma_start3A_465 = tpu.memref_slice %arg6[%dma_start3A_460, %dma_start3A_461, %dma_start3A_464] : memref<2x32x128xf32, #tpu.memory_space<vmem>> -> memref<1x1x128xf32, #tpu.memory_space<vmem>>
      %dma_start3A_466 = tpu.memref_squeeze %dma_start3A_465 : memref<1x1x128xf32, #tpu.memory_space<vmem>> -> memref<128xf32, #tpu.memory_space<vmem>>
      %dma_start3A_467 = arith.constant 0 : i32
      %dma_start3A_468 = tpu.memref_slice %arg5[%dma_start3A_462, %dma_start3A_463, %dma_start3A_467] : memref<2x32x128xi32, #tpu.memory_space<vmem>> -> memref<1x1x128xi32, #tpu.memory_space<vmem>>
      %dma_start3A_469 = tpu.memref_squeeze %dma_start3A_468 : memref<1x1x128xi32, #tpu.memory_space<vmem>> -> memref<128xi32, #tpu.memory_space<vmem>>
      %dma_start3A_470 = arith.constant 0 : i32
      %dma_start3A_471 = tpu.memref_slice %arg8[%dma_start3A_470] : memref<750080xf32, #tpu.memory_space<vmem_shared>> -> memref<750080xf32, #tpu.memory_space<vmem_shared>>
      tpu.enqueue_indirect_dma source(%dma_start3A_466 : memref<128xf32, #tpu.memory_space<vmem>>) target(%dma_start3A_471 : memref<750080xf32, #tpu.memory_space<vmem_shared>>) offsets(%dma_start3A_469 : memref<128xi32, #tpu.memory_space<vmem>>) semaphore(%arg11 : memref<!tpu.dma_semaphore, #tpu.memory_space<semaphore_mem>>) {add = true}
      %dma_start3A_472 = arith.constant 0 : i32
      %dma_start3A_473 = arith.constant 27 : i32
      %dma_start3A_474 = arith.constant 0 : i32
      %dma_start3A_475 = arith.constant 27 : i32
      %dma_start3A_476 = arith.constant 0 : i32
      %dma_start3A_477 = tpu.memref_slice %arg6[%dma_start3A_472, %dma_start3A_473, %dma_start3A_476] : memref<2x32x128xf32, #tpu.memory_space<vmem>> -> memref<1x1x128xf32, #tpu.memory_space<vmem>>
      %dma_start3A_478 = tpu.memref_squeeze %dma_start3A_477 : memref<1x1x128xf32, #tpu.memory_space<vmem>> -> memref<128xf32, #tpu.memory_space<vmem>>
      %dma_start3A_479 = arith.constant 0 : i32
      %dma_start3A_480 = tpu.memref_slice %arg5[%dma_start3A_474, %dma_start3A_475, %dma_start3A_479] : memref<2x32x128xi32, #tpu.memory_space<vmem>> -> memref<1x1x128xi32, #tpu.memory_space<vmem>>
      %dma_start3A_481 = tpu.memref_squeeze %dma_start3A_480 : memref<1x1x128xi32, #tpu.memory_space<vmem>> -> memref<128xi32, #tpu.memory_space<vmem>>
      %dma_start3A_482 = arith.constant 0 : i32
      %dma_start3A_483 = tpu.memref_slice %arg8[%dma_start3A_482] : memref<750080xf32, #tpu.memory_space<vmem_shared>> -> memref<750080xf32, #tpu.memory_space<vmem_shared>>
      tpu.enqueue_indirect_dma source(%dma_start3A_478 : memref<128xf32, #tpu.memory_space<vmem>>) target(%dma_start3A_483 : memref<750080xf32, #tpu.memory_space<vmem_shared>>) offsets(%dma_start3A_481 : memref<128xi32, #tpu.memory_space<vmem>>) semaphore(%arg11 : memref<!tpu.dma_semaphore, #tpu.memory_space<semaphore_mem>>) {add = true}
      %dma_start3A_484 = arith.constant 0 : i32
      %dma_start3A_485 = arith.constant 28 : i32
      %dma_start3A_486 = arith.constant 0 : i32
      %dma_start3A_487 = arith.constant 28 : i32
      %dma_start3A_488 = arith.constant 0 : i32
      %dma_start3A_489 = tpu.memref_slice %arg6[%dma_start3A_484, %dma_start3A_485, %dma_start3A_488] : memref<2x32x128xf32, #tpu.memory_space<vmem>> -> memref<1x1x128xf32, #tpu.memory_space<vmem>>
      %dma_start3A_490 = tpu.memref_squeeze %dma_start3A_489 : memref<1x1x128xf32, #tpu.memory_space<vmem>> -> memref<128xf32, #tpu.memory_space<vmem>>
      %dma_start3A_491 = arith.constant 0 : i32
      %dma_start3A_492 = tpu.memref_slice %arg5[%dma_start3A_486, %dma_start3A_487, %dma_start3A_491] : memref<2x32x128xi32, #tpu.memory_space<vmem>> -> memref<1x1x128xi32, #tpu.memory_space<vmem>>
      %dma_start3A_493 = tpu.memref_squeeze %dma_start3A_492 : memref<1x1x128xi32, #tpu.memory_space<vmem>> -> memref<128xi32, #tpu.memory_space<vmem>>
      %dma_start3A_494 = arith.constant 0 : i32
      %dma_start3A_495 = tpu.memref_slice %arg8[%dma_start3A_494] : memref<750080xf32, #tpu.memory_space<vmem_shared>> -> memref<750080xf32, #tpu.memory_space<vmem_shared>>
      tpu.enqueue_indirect_dma source(%dma_start3A_490 : memref<128xf32, #tpu.memory_space<vmem>>) target(%dma_start3A_495 : memref<750080xf32, #tpu.memory_space<vmem_shared>>) offsets(%dma_start3A_493 : memref<128xi32, #tpu.memory_space<vmem>>) semaphore(%arg11 : memref<!tpu.dma_semaphore, #tpu.memory_space<semaphore_mem>>) {add = true}
      %dma_start3A_496 = arith.constant 0 : i32
      %dma_start3A_497 = arith.constant 29 : i32
      %dma_start3A_498 = arith.constant 0 : i32
      %dma_start3A_499 = arith.constant 29 : i32
      %dma_start3A_500 = arith.constant 0 : i32
      %dma_start3A_501 = tpu.memref_slice %arg6[%dma_start3A_496, %dma_start3A_497, %dma_start3A_500] : memref<2x32x128xf32, #tpu.memory_space<vmem>> -> memref<1x1x128xf32, #tpu.memory_space<vmem>>
      %dma_start3A_502 = tpu.memref_squeeze %dma_start3A_501 : memref<1x1x128xf32, #tpu.memory_space<vmem>> -> memref<128xf32, #tpu.memory_space<vmem>>
      %dma_start3A_503 = arith.constant 0 : i32
      %dma_start3A_504 = tpu.memref_slice %arg5[%dma_start3A_498, %dma_start3A_499, %dma_start3A_503] : memref<2x32x128xi32, #tpu.memory_space<vmem>> -> memref<1x1x128xi32, #tpu.memory_space<vmem>>
      %dma_start3A_505 = tpu.memref_squeeze %dma_start3A_504 : memref<1x1x128xi32, #tpu.memory_space<vmem>> -> memref<128xi32, #tpu.memory_space<vmem>>
      %dma_start3A_506 = arith.constant 0 : i32
      %dma_start3A_507 = tpu.memref_slice %arg8[%dma_start3A_506] : memref<750080xf32, #tpu.memory_space<vmem_shared>> -> memref<750080xf32, #tpu.memory_space<vmem_shared>>
      tpu.enqueue_indirect_dma source(%dma_start3A_502 : memref<128xf32, #tpu.memory_space<vmem>>) target(%dma_start3A_507 : memref<750080xf32, #tpu.memory_space<vmem_shared>>) offsets(%dma_start3A_505 : memref<128xi32, #tpu.memory_space<vmem>>) semaphore(%arg11 : memref<!tpu.dma_semaphore, #tpu.memory_space<semaphore_mem>>) {add = true}
      %dma_start3A_508 = arith.constant 0 : i32
      %dma_start3A_509 = arith.constant 30 : i32
      %dma_start3A_510 = arith.constant 0 : i32
      %dma_start3A_511 = arith.constant 30 : i32
      %dma_start3A_512 = arith.constant 0 : i32
      %dma_start3A_513 = tpu.memref_slice %arg6[%dma_start3A_508, %dma_start3A_509, %dma_start3A_512] : memref<2x32x128xf32, #tpu.memory_space<vmem>> -> memref<1x1x128xf32, #tpu.memory_space<vmem>>
      %dma_start3A_514 = tpu.memref_squeeze %dma_start3A_513 : memref<1x1x128xf32, #tpu.memory_space<vmem>> -> memref<128xf32, #tpu.memory_space<vmem>>
      %dma_start3A_515 = arith.constant 0 : i32
      %dma_start3A_516 = tpu.memref_slice %arg5[%dma_start3A_510, %dma_start3A_511, %dma_start3A_515] : memref<2x32x128xi32, #tpu.memory_space<vmem>> -> memref<1x1x128xi32, #tpu.memory_space<vmem>>
      %dma_start3A_517 = tpu.memref_squeeze %dma_start3A_516 : memref<1x1x128xi32, #tpu.memory_space<vmem>> -> memref<128xi32, #tpu.memory_space<vmem>>
      %dma_start3A_518 = arith.constant 0 : i32
      %dma_start3A_519 = tpu.memref_slice %arg8[%dma_start3A_518] : memref<750080xf32, #tpu.memory_space<vmem_shared>> -> memref<750080xf32, #tpu.memory_space<vmem_shared>>
      tpu.enqueue_indirect_dma source(%dma_start3A_514 : memref<128xf32, #tpu.memory_space<vmem>>) target(%dma_start3A_519 : memref<750080xf32, #tpu.memory_space<vmem_shared>>) offsets(%dma_start3A_517 : memref<128xi32, #tpu.memory_space<vmem>>) semaphore(%arg11 : memref<!tpu.dma_semaphore, #tpu.memory_space<semaphore_mem>>) {add = true}
      %dma_start3A_520 = arith.constant 0 : i32
      %dma_start3A_521 = arith.constant 31 : i32
      %dma_start3A_522 = arith.constant 0 : i32
      %dma_start3A_523 = arith.constant 31 : i32
      %dma_start3A_524 = arith.constant 0 : i32
      %dma_start3A_525 = tpu.memref_slice %arg6[%dma_start3A_520, %dma_start3A_521, %dma_start3A_524] : memref<2x32x128xf32, #tpu.memory_space<vmem>> -> memref<1x1x128xf32, #tpu.memory_space<vmem>>
      %dma_start3A_526 = tpu.memref_squeeze %dma_start3A_525 : memref<1x1x128xf32, #tpu.memory_space<vmem>> -> memref<128xf32, #tpu.memory_space<vmem>>
      %dma_start3A_527 = arith.constant 0 : i32
      %dma_start3A_528 = tpu.memref_slice %arg5[%dma_start3A_522, %dma_start3A_523, %dma_start3A_527] : memref<2x32x128xi32, #tpu.memory_space<vmem>> -> memref<1x1x128xi32, #tpu.memory_space<vmem>>
      %dma_start3A_529 = tpu.memref_squeeze %dma_start3A_528 : memref<1x1x128xi32, #tpu.memory_space<vmem>> -> memref<128xi32, #tpu.memory_space<vmem>>
      %dma_start3A_530 = arith.constant 0 : i32
      %dma_start3A_531 = tpu.memref_slice %arg8[%dma_start3A_530] : memref<750080xf32, #tpu.memory_space<vmem_shared>> -> memref<750080xf32, #tpu.memory_space<vmem_shared>>
      tpu.enqueue_indirect_dma source(%dma_start3A_526 : memref<128xf32, #tpu.memory_space<vmem>>) target(%dma_start3A_531 : memref<750080xf32, #tpu.memory_space<vmem_shared>>) offsets(%dma_start3A_529 : memref<128xi32, #tpu.memory_space<vmem>>) semaphore(%arg11 : memref<!tpu.dma_semaphore, #tpu.memory_space<semaphore_mem>>) {add = true}
      %dma_wait3A_532 = arith.constant 0 : i32
      %dma_wait3A_533 = arith.constant 0 : i32
      %dma_wait3A_534 = arith.constant 0 : i32
      %dma_wait3A_535 = arith.constant 0 : i32
      %dma_wait3A_536 = arith.constant 0 : i32
      %dma_wait3A_537 = tpu.memref_slice %arg6[%dma_wait3A_532, %dma_wait3A_533, %dma_wait3A_536] : memref<2x32x128xf32, #tpu.memory_space<vmem>> -> memref<1x1x128xf32, #tpu.memory_space<vmem>>
      %dma_wait3A_538 = tpu.memref_squeeze %dma_wait3A_537 : memref<1x1x128xf32, #tpu.memory_space<vmem>> -> memref<128xf32, #tpu.memory_space<vmem>>
      %dma_wait3A_539 = arith.constant 0 : i32
      %dma_wait3A_540 = tpu.memref_slice %arg5[%dma_wait3A_534, %dma_wait3A_535, %dma_wait3A_539] : memref<2x32x128xi32, #tpu.memory_space<vmem>> -> memref<1x1x128xi32, #tpu.memory_space<vmem>>
      %dma_wait3A_541 = tpu.memref_squeeze %dma_wait3A_540 : memref<1x1x128xi32, #tpu.memory_space<vmem>> -> memref<128xi32, #tpu.memory_space<vmem>>
      %dma_wait3A_542 = arith.constant 0 : i32
      %dma_wait3A_543 = tpu.memref_slice %arg8[%dma_wait3A_542] : memref<750080xf32, #tpu.memory_space<vmem_shared>> -> memref<750080xf32, #tpu.memory_space<vmem_shared>>
      tpu.wait_indirect_dma semaphore(%arg11 : memref<!tpu.dma_semaphore, #tpu.memory_space<semaphore_mem>>) src(%dma_wait3A_538 : memref<128xf32, #tpu.memory_space<vmem>>) dst(%dma_wait3A_543 : memref<750080xf32, #tpu.memory_space<vmem_shared>>)
      %dma_wait3A_544 = arith.constant 0 : i32
      %dma_wait3A_545 = arith.constant 1 : i32
      %dma_wait3A_546 = arith.constant 0 : i32
      %dma_wait3A_547 = arith.constant 1 : i32
      %dma_wait3A_548 = arith.constant 0 : i32
      %dma_wait3A_549 = tpu.memref_slice %arg6[%dma_wait3A_544, %dma_wait3A_545, %dma_wait3A_548] : memref<2x32x128xf32, #tpu.memory_space<vmem>> -> memref<1x1x128xf32, #tpu.memory_space<vmem>>
      %dma_wait3A_550 = tpu.memref_squeeze %dma_wait3A_549 : memref<1x1x128xf32, #tpu.memory_space<vmem>> -> memref<128xf32, #tpu.memory_space<vmem>>
      %dma_wait3A_551 = arith.constant 0 : i32
      %dma_wait3A_552 = tpu.memref_slice %arg5[%dma_wait3A_546, %dma_wait3A_547, %dma_wait3A_551] : memref<2x32x128xi32, #tpu.memory_space<vmem>> -> memref<1x1x128xi32, #tpu.memory_space<vmem>>
      %dma_wait3A_553 = tpu.memref_squeeze %dma_wait3A_552 : memref<1x1x128xi32, #tpu.memory_space<vmem>> -> memref<128xi32, #tpu.memory_space<vmem>>
      %dma_wait3A_554 = arith.constant 0 : i32
      %dma_wait3A_555 = tpu.memref_slice %arg8[%dma_wait3A_554] : memref<750080xf32, #tpu.memory_space<vmem_shared>> -> memref<750080xf32, #tpu.memory_space<vmem_shared>>
      tpu.wait_indirect_dma semaphore(%arg11 : memref<!tpu.dma_semaphore, #tpu.memory_space<semaphore_mem>>) src(%dma_wait3A_550 : memref<128xf32, #tpu.memory_space<vmem>>) dst(%dma_wait3A_555 : memref<750080xf32, #tpu.memory_space<vmem_shared>>)
      %dma_wait3A_556 = arith.constant 0 : i32
      %dma_wait3A_557 = arith.constant 2 : i32
      %dma_wait3A_558 = arith.constant 0 : i32
      %dma_wait3A_559 = arith.constant 2 : i32
      %dma_wait3A_560 = arith.constant 0 : i32
      %dma_wait3A_561 = tpu.memref_slice %arg6[%dma_wait3A_556, %dma_wait3A_557, %dma_wait3A_560] : memref<2x32x128xf32, #tpu.memory_space<vmem>> -> memref<1x1x128xf32, #tpu.memory_space<vmem>>
      %dma_wait3A_562 = tpu.memref_squeeze %dma_wait3A_561 : memref<1x1x128xf32, #tpu.memory_space<vmem>> -> memref<128xf32, #tpu.memory_space<vmem>>
      %dma_wait3A_563 = arith.constant 0 : i32
      %dma_wait3A_564 = tpu.memref_slice %arg5[%dma_wait3A_558, %dma_wait3A_559, %dma_wait3A_563] : memref<2x32x128xi32, #tpu.memory_space<vmem>> -> memref<1x1x128xi32, #tpu.memory_space<vmem>>
      %dma_wait3A_565 = tpu.memref_squeeze %dma_wait3A_564 : memref<1x1x128xi32, #tpu.memory_space<vmem>> -> memref<128xi32, #tpu.memory_space<vmem>>
      %dma_wait3A_566 = arith.constant 0 : i32
      %dma_wait3A_567 = tpu.memref_slice %arg8[%dma_wait3A_566] : memref<750080xf32, #tpu.memory_space<vmem_shared>> -> memref<750080xf32, #tpu.memory_space<vmem_shared>>
      tpu.wait_indirect_dma semaphore(%arg11 : memref<!tpu.dma_semaphore, #tpu.memory_space<semaphore_mem>>) src(%dma_wait3A_562 : memref<128xf32, #tpu.memory_space<vmem>>) dst(%dma_wait3A_567 : memref<750080xf32, #tpu.memory_space<vmem_shared>>)
      %dma_wait3A_568 = arith.constant 0 : i32
      %dma_wait3A_569 = arith.constant 3 : i32
      %dma_wait3A_570 = arith.constant 0 : i32
      %dma_wait3A_571 = arith.constant 3 : i32
      %dma_wait3A_572 = arith.constant 0 : i32
      %dma_wait3A_573 = tpu.memref_slice %arg6[%dma_wait3A_568, %dma_wait3A_569, %dma_wait3A_572] : memref<2x32x128xf32, #tpu.memory_space<vmem>> -> memref<1x1x128xf32, #tpu.memory_space<vmem>>
      %dma_wait3A_574 = tpu.memref_squeeze %dma_wait3A_573 : memref<1x1x128xf32, #tpu.memory_space<vmem>> -> memref<128xf32, #tpu.memory_space<vmem>>
      %dma_wait3A_575 = arith.constant 0 : i32
      %dma_wait3A_576 = tpu.memref_slice %arg5[%dma_wait3A_570, %dma_wait3A_571, %dma_wait3A_575] : memref<2x32x128xi32, #tpu.memory_space<vmem>> -> memref<1x1x128xi32, #tpu.memory_space<vmem>>
      %dma_wait3A_577 = tpu.memref_squeeze %dma_wait3A_576 : memref<1x1x128xi32, #tpu.memory_space<vmem>> -> memref<128xi32, #tpu.memory_space<vmem>>
      %dma_wait3A_578 = arith.constant 0 : i32
      %dma_wait3A_579 = tpu.memref_slice %arg8[%dma_wait3A_578] : memref<750080xf32, #tpu.memory_space<vmem_shared>> -> memref<750080xf32, #tpu.memory_space<vmem_shared>>
      tpu.wait_indirect_dma semaphore(%arg11 : memref<!tpu.dma_semaphore, #tpu.memory_space<semaphore_mem>>) src(%dma_wait3A_574 : memref<128xf32, #tpu.memory_space<vmem>>) dst(%dma_wait3A_579 : memref<750080xf32, #tpu.memory_space<vmem_shared>>)
      %dma_wait3A_580 = arith.constant 0 : i32
      %dma_wait3A_581 = arith.constant 4 : i32
      %dma_wait3A_582 = arith.constant 0 : i32
      %dma_wait3A_583 = arith.constant 4 : i32
      %dma_wait3A_584 = arith.constant 0 : i32
      %dma_wait3A_585 = tpu.memref_slice %arg6[%dma_wait3A_580, %dma_wait3A_581, %dma_wait3A_584] : memref<2x32x128xf32, #tpu.memory_space<vmem>> -> memref<1x1x128xf32, #tpu.memory_space<vmem>>
      %dma_wait3A_586 = tpu.memref_squeeze %dma_wait3A_585 : memref<1x1x128xf32, #tpu.memory_space<vmem>> -> memref<128xf32, #tpu.memory_space<vmem>>
      %dma_wait3A_587 = arith.constant 0 : i32
      %dma_wait3A_588 = tpu.memref_slice %arg5[%dma_wait3A_582, %dma_wait3A_583, %dma_wait3A_587] : memref<2x32x128xi32, #tpu.memory_space<vmem>> -> memref<1x1x128xi32, #tpu.memory_space<vmem>>
      %dma_wait3A_589 = tpu.memref_squeeze %dma_wait3A_588 : memref<1x1x128xi32, #tpu.memory_space<vmem>> -> memref<128xi32, #tpu.memory_space<vmem>>
      %dma_wait3A_590 = arith.constant 0 : i32
      %dma_wait3A_591 = tpu.memref_slice %arg8[%dma_wait3A_590] : memref<750080xf32, #tpu.memory_space<vmem_shared>> -> memref<750080xf32, #tpu.memory_space<vmem_shared>>
      tpu.wait_indirect_dma semaphore(%arg11 : memref<!tpu.dma_semaphore, #tpu.memory_space<semaphore_mem>>) src(%dma_wait3A_586 : memref<128xf32, #tpu.memory_space<vmem>>) dst(%dma_wait3A_591 : memref<750080xf32, #tpu.memory_space<vmem_shared>>)
      %dma_wait3A_592 = arith.constant 0 : i32
      %dma_wait3A_593 = arith.constant 5 : i32
      %dma_wait3A_594 = arith.constant 0 : i32
      %dma_wait3A_595 = arith.constant 5 : i32
      %dma_wait3A_596 = arith.constant 0 : i32
      %dma_wait3A_597 = tpu.memref_slice %arg6[%dma_wait3A_592, %dma_wait3A_593, %dma_wait3A_596] : memref<2x32x128xf32, #tpu.memory_space<vmem>> -> memref<1x1x128xf32, #tpu.memory_space<vmem>>
      %dma_wait3A_598 = tpu.memref_squeeze %dma_wait3A_597 : memref<1x1x128xf32, #tpu.memory_space<vmem>> -> memref<128xf32, #tpu.memory_space<vmem>>
      %dma_wait3A_599 = arith.constant 0 : i32
      %dma_wait3A_600 = tpu.memref_slice %arg5[%dma_wait3A_594, %dma_wait3A_595, %dma_wait3A_599] : memref<2x32x128xi32, #tpu.memory_space<vmem>> -> memref<1x1x128xi32, #tpu.memory_space<vmem>>
      %dma_wait3A_601 = tpu.memref_squeeze %dma_wait3A_600 : memref<1x1x128xi32, #tpu.memory_space<vmem>> -> memref<128xi32, #tpu.memory_space<vmem>>
      %dma_wait3A_602 = arith.constant 0 : i32
      %dma_wait3A_603 = tpu.memref_slice %arg8[%dma_wait3A_602] : memref<750080xf32, #tpu.memory_space<vmem_shared>> -> memref<750080xf32, #tpu.memory_space<vmem_shared>>
      tpu.wait_indirect_dma semaphore(%arg11 : memref<!tpu.dma_semaphore, #tpu.memory_space<semaphore_mem>>) src(%dma_wait3A_598 : memref<128xf32, #tpu.memory_space<vmem>>) dst(%dma_wait3A_603 : memref<750080xf32, #tpu.memory_space<vmem_shared>>)
      %dma_wait3A_604 = arith.constant 0 : i32
      %dma_wait3A_605 = arith.constant 6 : i32
      %dma_wait3A_606 = arith.constant 0 : i32
      %dma_wait3A_607 = arith.constant 6 : i32
      %dma_wait3A_608 = arith.constant 0 : i32
      %dma_wait3A_609 = tpu.memref_slice %arg6[%dma_wait3A_604, %dma_wait3A_605, %dma_wait3A_608] : memref<2x32x128xf32, #tpu.memory_space<vmem>> -> memref<1x1x128xf32, #tpu.memory_space<vmem>>
      %dma_wait3A_610 = tpu.memref_squeeze %dma_wait3A_609 : memref<1x1x128xf32, #tpu.memory_space<vmem>> -> memref<128xf32, #tpu.memory_space<vmem>>
      %dma_wait3A_611 = arith.constant 0 : i32
      %dma_wait3A_612 = tpu.memref_slice %arg5[%dma_wait3A_606, %dma_wait3A_607, %dma_wait3A_611] : memref<2x32x128xi32, #tpu.memory_space<vmem>> -> memref<1x1x128xi32, #tpu.memory_space<vmem>>
      %dma_wait3A_613 = tpu.memref_squeeze %dma_wait3A_612 : memref<1x1x128xi32, #tpu.memory_space<vmem>> -> memref<128xi32, #tpu.memory_space<vmem>>
      %dma_wait3A_614 = arith.constant 0 : i32
      %dma_wait3A_615 = tpu.memref_slice %arg8[%dma_wait3A_614] : memref<750080xf32, #tpu.memory_space<vmem_shared>> -> memref<750080xf32, #tpu.memory_space<vmem_shared>>
      tpu.wait_indirect_dma semaphore(%arg11 : memref<!tpu.dma_semaphore, #tpu.memory_space<semaphore_mem>>) src(%dma_wait3A_610 : memref<128xf32, #tpu.memory_space<vmem>>) dst(%dma_wait3A_615 : memref<750080xf32, #tpu.memory_space<vmem_shared>>)
      %dma_wait3A_616 = arith.constant 0 : i32
      %dma_wait3A_617 = arith.constant 7 : i32
      %dma_wait3A_618 = arith.constant 0 : i32
      %dma_wait3A_619 = arith.constant 7 : i32
      %dma_wait3A_620 = arith.constant 0 : i32
      %dma_wait3A_621 = tpu.memref_slice %arg6[%dma_wait3A_616, %dma_wait3A_617, %dma_wait3A_620] : memref<2x32x128xf32, #tpu.memory_space<vmem>> -> memref<1x1x128xf32, #tpu.memory_space<vmem>>
      %dma_wait3A_622 = tpu.memref_squeeze %dma_wait3A_621 : memref<1x1x128xf32, #tpu.memory_space<vmem>> -> memref<128xf32, #tpu.memory_space<vmem>>
      %dma_wait3A_623 = arith.constant 0 : i32
      %dma_wait3A_624 = tpu.memref_slice %arg5[%dma_wait3A_618, %dma_wait3A_619, %dma_wait3A_623] : memref<2x32x128xi32, #tpu.memory_space<vmem>> -> memref<1x1x128xi32, #tpu.memory_space<vmem>>
      %dma_wait3A_625 = tpu.memref_squeeze %dma_wait3A_624 : memref<1x1x128xi32, #tpu.memory_space<vmem>> -> memref<128xi32, #tpu.memory_space<vmem>>
      %dma_wait3A_626 = arith.constant 0 : i32
      %dma_wait3A_627 = tpu.memref_slice %arg8[%dma_wait3A_626] : memref<750080xf32, #tpu.memory_space<vmem_shared>> -> memref<750080xf32, #tpu.memory_space<vmem_shared>>
      tpu.wait_indirect_dma semaphore(%arg11 : memref<!tpu.dma_semaphore, #tpu.memory_space<semaphore_mem>>) src(%dma_wait3A_622 : memref<128xf32, #tpu.memory_space<vmem>>) dst(%dma_wait3A_627 : memref<750080xf32, #tpu.memory_space<vmem_shared>>)
      %dma_wait3A_628 = arith.constant 0 : i32
      %dma_wait3A_629 = arith.constant 8 : i32
      %dma_wait3A_630 = arith.constant 0 : i32
      %dma_wait3A_631 = arith.constant 8 : i32
      %dma_wait3A_632 = arith.constant 0 : i32
      %dma_wait3A_633 = tpu.memref_slice %arg6[%dma_wait3A_628, %dma_wait3A_629, %dma_wait3A_632] : memref<2x32x128xf32, #tpu.memory_space<vmem>> -> memref<1x1x128xf32, #tpu.memory_space<vmem>>
      %dma_wait3A_634 = tpu.memref_squeeze %dma_wait3A_633 : memref<1x1x128xf32, #tpu.memory_space<vmem>> -> memref<128xf32, #tpu.memory_space<vmem>>
      %dma_wait3A_635 = arith.constant 0 : i32
      %dma_wait3A_636 = tpu.memref_slice %arg5[%dma_wait3A_630, %dma_wait3A_631, %dma_wait3A_635] : memref<2x32x128xi32, #tpu.memory_space<vmem>> -> memref<1x1x128xi32, #tpu.memory_space<vmem>>
      %dma_wait3A_637 = tpu.memref_squeeze %dma_wait3A_636 : memref<1x1x128xi32, #tpu.memory_space<vmem>> -> memref<128xi32, #tpu.memory_space<vmem>>
      %dma_wait3A_638 = arith.constant 0 : i32
      %dma_wait3A_639 = tpu.memref_slice %arg8[%dma_wait3A_638] : memref<750080xf32, #tpu.memory_space<vmem_shared>> -> memref<750080xf32, #tpu.memory_space<vmem_shared>>
      tpu.wait_indirect_dma semaphore(%arg11 : memref<!tpu.dma_semaphore, #tpu.memory_space<semaphore_mem>>) src(%dma_wait3A_634 : memref<128xf32, #tpu.memory_space<vmem>>) dst(%dma_wait3A_639 : memref<750080xf32, #tpu.memory_space<vmem_shared>>)
      %dma_wait3A_640 = arith.constant 0 : i32
      %dma_wait3A_641 = arith.constant 9 : i32
      %dma_wait3A_642 = arith.constant 0 : i32
      %dma_wait3A_643 = arith.constant 9 : i32
      %dma_wait3A_644 = arith.constant 0 : i32
      %dma_wait3A_645 = tpu.memref_slice %arg6[%dma_wait3A_640, %dma_wait3A_641, %dma_wait3A_644] : memref<2x32x128xf32, #tpu.memory_space<vmem>> -> memref<1x1x128xf32, #tpu.memory_space<vmem>>
      %dma_wait3A_646 = tpu.memref_squeeze %dma_wait3A_645 : memref<1x1x128xf32, #tpu.memory_space<vmem>> -> memref<128xf32, #tpu.memory_space<vmem>>
      %dma_wait3A_647 = arith.constant 0 : i32
      %dma_wait3A_648 = tpu.memref_slice %arg5[%dma_wait3A_642, %dma_wait3A_643, %dma_wait3A_647] : memref<2x32x128xi32, #tpu.memory_space<vmem>> -> memref<1x1x128xi32, #tpu.memory_space<vmem>>
      %dma_wait3A_649 = tpu.memref_squeeze %dma_wait3A_648 : memref<1x1x128xi32, #tpu.memory_space<vmem>> -> memref<128xi32, #tpu.memory_space<vmem>>
      %dma_wait3A_650 = arith.constant 0 : i32
      %dma_wait3A_651 = tpu.memref_slice %arg8[%dma_wait3A_650] : memref<750080xf32, #tpu.memory_space<vmem_shared>> -> memref<750080xf32, #tpu.memory_space<vmem_shared>>
      tpu.wait_indirect_dma semaphore(%arg11 : memref<!tpu.dma_semaphore, #tpu.memory_space<semaphore_mem>>) src(%dma_wait3A_646 : memref<128xf32, #tpu.memory_space<vmem>>) dst(%dma_wait3A_651 : memref<750080xf32, #tpu.memory_space<vmem_shared>>)
      %dma_wait3A_652 = arith.constant 0 : i32
      %dma_wait3A_653 = arith.constant 10 : i32
      %dma_wait3A_654 = arith.constant 0 : i32
      %dma_wait3A_655 = arith.constant 10 : i32
      %dma_wait3A_656 = arith.constant 0 : i32
      %dma_wait3A_657 = tpu.memref_slice %arg6[%dma_wait3A_652, %dma_wait3A_653, %dma_wait3A_656] : memref<2x32x128xf32, #tpu.memory_space<vmem>> -> memref<1x1x128xf32, #tpu.memory_space<vmem>>
      %dma_wait3A_658 = tpu.memref_squeeze %dma_wait3A_657 : memref<1x1x128xf32, #tpu.memory_space<vmem>> -> memref<128xf32, #tpu.memory_space<vmem>>
      %dma_wait3A_659 = arith.constant 0 : i32
      %dma_wait3A_660 = tpu.memref_slice %arg5[%dma_wait3A_654, %dma_wait3A_655, %dma_wait3A_659] : memref<2x32x128xi32, #tpu.memory_space<vmem>> -> memref<1x1x128xi32, #tpu.memory_space<vmem>>
      %dma_wait3A_661 = tpu.memref_squeeze %dma_wait3A_660 : memref<1x1x128xi32, #tpu.memory_space<vmem>> -> memref<128xi32, #tpu.memory_space<vmem>>
      %dma_wait3A_662 = arith.constant 0 : i32
      %dma_wait3A_663 = tpu.memref_slice %arg8[%dma_wait3A_662] : memref<750080xf32, #tpu.memory_space<vmem_shared>> -> memref<750080xf32, #tpu.memory_space<vmem_shared>>
      tpu.wait_indirect_dma semaphore(%arg11 : memref<!tpu.dma_semaphore, #tpu.memory_space<semaphore_mem>>) src(%dma_wait3A_658 : memref<128xf32, #tpu.memory_space<vmem>>) dst(%dma_wait3A_663 : memref<750080xf32, #tpu.memory_space<vmem_shared>>)
      %dma_wait3A_664 = arith.constant 0 : i32
      %dma_wait3A_665 = arith.constant 11 : i32
      %dma_wait3A_666 = arith.constant 0 : i32
      %dma_wait3A_667 = arith.constant 11 : i32
      %dma_wait3A_668 = arith.constant 0 : i32
      %dma_wait3A_669 = tpu.memref_slice %arg6[%dma_wait3A_664, %dma_wait3A_665, %dma_wait3A_668] : memref<2x32x128xf32, #tpu.memory_space<vmem>> -> memref<1x1x128xf32, #tpu.memory_space<vmem>>
      %dma_wait3A_670 = tpu.memref_squeeze %dma_wait3A_669 : memref<1x1x128xf32, #tpu.memory_space<vmem>> -> memref<128xf32, #tpu.memory_space<vmem>>
      %dma_wait3A_671 = arith.constant 0 : i32
      %dma_wait3A_672 = tpu.memref_slice %arg5[%dma_wait3A_666, %dma_wait3A_667, %dma_wait3A_671] : memref<2x32x128xi32, #tpu.memory_space<vmem>> -> memref<1x1x128xi32, #tpu.memory_space<vmem>>
      %dma_wait3A_673 = tpu.memref_squeeze %dma_wait3A_672 : memref<1x1x128xi32, #tpu.memory_space<vmem>> -> memref<128xi32, #tpu.memory_space<vmem>>
      %dma_wait3A_674 = arith.constant 0 : i32
      %dma_wait3A_675 = tpu.memref_slice %arg8[%dma_wait3A_674] : memref<750080xf32, #tpu.memory_space<vmem_shared>> -> memref<750080xf32, #tpu.memory_space<vmem_shared>>
      tpu.wait_indirect_dma semaphore(%arg11 : memref<!tpu.dma_semaphore, #tpu.memory_space<semaphore_mem>>) src(%dma_wait3A_670 : memref<128xf32, #tpu.memory_space<vmem>>) dst(%dma_wait3A_675 : memref<750080xf32, #tpu.memory_space<vmem_shared>>)
      %dma_wait3A_676 = arith.constant 0 : i32
      %dma_wait3A_677 = arith.constant 12 : i32
      %dma_wait3A_678 = arith.constant 0 : i32
      %dma_wait3A_679 = arith.constant 12 : i32
      %dma_wait3A_680 = arith.constant 0 : i32
      %dma_wait3A_681 = tpu.memref_slice %arg6[%dma_wait3A_676, %dma_wait3A_677, %dma_wait3A_680] : memref<2x32x128xf32, #tpu.memory_space<vmem>> -> memref<1x1x128xf32, #tpu.memory_space<vmem>>
      %dma_wait3A_682 = tpu.memref_squeeze %dma_wait3A_681 : memref<1x1x128xf32, #tpu.memory_space<vmem>> -> memref<128xf32, #tpu.memory_space<vmem>>
      %dma_wait3A_683 = arith.constant 0 : i32
      %dma_wait3A_684 = tpu.memref_slice %arg5[%dma_wait3A_678, %dma_wait3A_679, %dma_wait3A_683] : memref<2x32x128xi32, #tpu.memory_space<vmem>> -> memref<1x1x128xi32, #tpu.memory_space<vmem>>
      %dma_wait3A_685 = tpu.memref_squeeze %dma_wait3A_684 : memref<1x1x128xi32, #tpu.memory_space<vmem>> -> memref<128xi32, #tpu.memory_space<vmem>>
      %dma_wait3A_686 = arith.constant 0 : i32
      %dma_wait3A_687 = tpu.memref_slice %arg8[%dma_wait3A_686] : memref<750080xf32, #tpu.memory_space<vmem_shared>> -> memref<750080xf32, #tpu.memory_space<vmem_shared>>
      tpu.wait_indirect_dma semaphore(%arg11 : memref<!tpu.dma_semaphore, #tpu.memory_space<semaphore_mem>>) src(%dma_wait3A_682 : memref<128xf32, #tpu.memory_space<vmem>>) dst(%dma_wait3A_687 : memref<750080xf32, #tpu.memory_space<vmem_shared>>)
      %dma_wait3A_688 = arith.constant 0 : i32
      %dma_wait3A_689 = arith.constant 13 : i32
      %dma_wait3A_690 = arith.constant 0 : i32
      %dma_wait3A_691 = arith.constant 13 : i32
      %dma_wait3A_692 = arith.constant 0 : i32
      %dma_wait3A_693 = tpu.memref_slice %arg6[%dma_wait3A_688, %dma_wait3A_689, %dma_wait3A_692] : memref<2x32x128xf32, #tpu.memory_space<vmem>> -> memref<1x1x128xf32, #tpu.memory_space<vmem>>
      %dma_wait3A_694 = tpu.memref_squeeze %dma_wait3A_693 : memref<1x1x128xf32, #tpu.memory_space<vmem>> -> memref<128xf32, #tpu.memory_space<vmem>>
      %dma_wait3A_695 = arith.constant 0 : i32
      %dma_wait3A_696 = tpu.memref_slice %arg5[%dma_wait3A_690, %dma_wait3A_691, %dma_wait3A_695] : memref<2x32x128xi32, #tpu.memory_space<vmem>> -> memref<1x1x128xi32, #tpu.memory_space<vmem>>
      %dma_wait3A_697 = tpu.memref_squeeze %dma_wait3A_696 : memref<1x1x128xi32, #tpu.memory_space<vmem>> -> memref<128xi32, #tpu.memory_space<vmem>>
      %dma_wait3A_698 = arith.constant 0 : i32
      %dma_wait3A_699 = tpu.memref_slice %arg8[%dma_wait3A_698] : memref<750080xf32, #tpu.memory_space<vmem_shared>> -> memref<750080xf32, #tpu.memory_space<vmem_shared>>
      tpu.wait_indirect_dma semaphore(%arg11 : memref<!tpu.dma_semaphore, #tpu.memory_space<semaphore_mem>>) src(%dma_wait3A_694 : memref<128xf32, #tpu.memory_space<vmem>>) dst(%dma_wait3A_699 : memref<750080xf32, #tpu.memory_space<vmem_shared>>)
      %dma_wait3A_700 = arith.constant 0 : i32
      %dma_wait3A_701 = arith.constant 14 : i32
      %dma_wait3A_702 = arith.constant 0 : i32
      %dma_wait3A_703 = arith.constant 14 : i32
      %dma_wait3A_704 = arith.constant 0 : i32
      %dma_wait3A_705 = tpu.memref_slice %arg6[%dma_wait3A_700, %dma_wait3A_701, %dma_wait3A_704] : memref<2x32x128xf32, #tpu.memory_space<vmem>> -> memref<1x1x128xf32, #tpu.memory_space<vmem>>
      %dma_wait3A_706 = tpu.memref_squeeze %dma_wait3A_705 : memref<1x1x128xf32, #tpu.memory_space<vmem>> -> memref<128xf32, #tpu.memory_space<vmem>>
      %dma_wait3A_707 = arith.constant 0 : i32
      %dma_wait3A_708 = tpu.memref_slice %arg5[%dma_wait3A_702, %dma_wait3A_703, %dma_wait3A_707] : memref<2x32x128xi32, #tpu.memory_space<vmem>> -> memref<1x1x128xi32, #tpu.memory_space<vmem>>
      %dma_wait3A_709 = tpu.memref_squeeze %dma_wait3A_708 : memref<1x1x128xi32, #tpu.memory_space<vmem>> -> memref<128xi32, #tpu.memory_space<vmem>>
      %dma_wait3A_710 = arith.constant 0 : i32
      %dma_wait3A_711 = tpu.memref_slice %arg8[%dma_wait3A_710] : memref<750080xf32, #tpu.memory_space<vmem_shared>> -> memref<750080xf32, #tpu.memory_space<vmem_shared>>
      tpu.wait_indirect_dma semaphore(%arg11 : memref<!tpu.dma_semaphore, #tpu.memory_space<semaphore_mem>>) src(%dma_wait3A_706 : memref<128xf32, #tpu.memory_space<vmem>>) dst(%dma_wait3A_711 : memref<750080xf32, #tpu.memory_space<vmem_shared>>)
      %dma_wait3A_712 = arith.constant 0 : i32
      %dma_wait3A_713 = arith.constant 15 : i32
      %dma_wait3A_714 = arith.constant 0 : i32
      %dma_wait3A_715 = arith.constant 15 : i32
      %dma_wait3A_716 = arith.constant 0 : i32
      %dma_wait3A_717 = tpu.memref_slice %arg6[%dma_wait3A_712, %dma_wait3A_713, %dma_wait3A_716] : memref<2x32x128xf32, #tpu.memory_space<vmem>> -> memref<1x1x128xf32, #tpu.memory_space<vmem>>
      %dma_wait3A_718 = tpu.memref_squeeze %dma_wait3A_717 : memref<1x1x128xf32, #tpu.memory_space<vmem>> -> memref<128xf32, #tpu.memory_space<vmem>>
      %dma_wait3A_719 = arith.constant 0 : i32
      %dma_wait3A_720 = tpu.memref_slice %arg5[%dma_wait3A_714, %dma_wait3A_715, %dma_wait3A_719] : memref<2x32x128xi32, #tpu.memory_space<vmem>> -> memref<1x1x128xi32, #tpu.memory_space<vmem>>
      %dma_wait3A_721 = tpu.memref_squeeze %dma_wait3A_720 : memref<1x1x128xi32, #tpu.memory_space<vmem>> -> memref<128xi32, #tpu.memory_space<vmem>>
      %dma_wait3A_722 = arith.constant 0 : i32
      %dma_wait3A_723 = tpu.memref_slice %arg8[%dma_wait3A_722] : memref<750080xf32, #tpu.memory_space<vmem_shared>> -> memref<750080xf32, #tpu.memory_space<vmem_shared>>
      tpu.wait_indirect_dma semaphore(%arg11 : memref<!tpu.dma_semaphore, #tpu.memory_space<semaphore_mem>>) src(%dma_wait3A_718 : memref<128xf32, #tpu.memory_space<vmem>>) dst(%dma_wait3A_723 : memref<750080xf32, #tpu.memory_space<vmem_shared>>)
      %dma_wait3A_724 = arith.constant 0 : i32
      %dma_wait3A_725 = arith.constant 16 : i32
      %dma_wait3A_726 = arith.constant 0 : i32
      %dma_wait3A_727 = arith.constant 16 : i32
      %dma_wait3A_728 = arith.constant 0 : i32
      %dma_wait3A_729 = tpu.memref_slice %arg6[%dma_wait3A_724, %dma_wait3A_725, %dma_wait3A_728] : memref<2x32x128xf32, #tpu.memory_space<vmem>> -> memref<1x1x128xf32, #tpu.memory_space<vmem>>
      %dma_wait3A_730 = tpu.memref_squeeze %dma_wait3A_729 : memref<1x1x128xf32, #tpu.memory_space<vmem>> -> memref<128xf32, #tpu.memory_space<vmem>>
      %dma_wait3A_731 = arith.constant 0 : i32
      %dma_wait3A_732 = tpu.memref_slice %arg5[%dma_wait3A_726, %dma_wait3A_727, %dma_wait3A_731] : memref<2x32x128xi32, #tpu.memory_space<vmem>> -> memref<1x1x128xi32, #tpu.memory_space<vmem>>
      %dma_wait3A_733 = tpu.memref_squeeze %dma_wait3A_732 : memref<1x1x128xi32, #tpu.memory_space<vmem>> -> memref<128xi32, #tpu.memory_space<vmem>>
      %dma_wait3A_734 = arith.constant 0 : i32
      %dma_wait3A_735 = tpu.memref_slice %arg8[%dma_wait3A_734] : memref<750080xf32, #tpu.memory_space<vmem_shared>> -> memref<750080xf32, #tpu.memory_space<vmem_shared>>
      tpu.wait_indirect_dma semaphore(%arg11 : memref<!tpu.dma_semaphore, #tpu.memory_space<semaphore_mem>>) src(%dma_wait3A_730 : memref<128xf32, #tpu.memory_space<vmem>>) dst(%dma_wait3A_735 : memref<750080xf32, #tpu.memory_space<vmem_shared>>)
      %dma_wait3A_736 = arith.constant 0 : i32
      %dma_wait3A_737 = arith.constant 17 : i32
      %dma_wait3A_738 = arith.constant 0 : i32
      %dma_wait3A_739 = arith.constant 17 : i32
      %dma_wait3A_740 = arith.constant 0 : i32
      %dma_wait3A_741 = tpu.memref_slice %arg6[%dma_wait3A_736, %dma_wait3A_737, %dma_wait3A_740] : memref<2x32x128xf32, #tpu.memory_space<vmem>> -> memref<1x1x128xf32, #tpu.memory_space<vmem>>
      %dma_wait3A_742 = tpu.memref_squeeze %dma_wait3A_741 : memref<1x1x128xf32, #tpu.memory_space<vmem>> -> memref<128xf32, #tpu.memory_space<vmem>>
      %dma_wait3A_743 = arith.constant 0 : i32
      %dma_wait3A_744 = tpu.memref_slice %arg5[%dma_wait3A_738, %dma_wait3A_739, %dma_wait3A_743] : memref<2x32x128xi32, #tpu.memory_space<vmem>> -> memref<1x1x128xi32, #tpu.memory_space<vmem>>
      %dma_wait3A_745 = tpu.memref_squeeze %dma_wait3A_744 : memref<1x1x128xi32, #tpu.memory_space<vmem>> -> memref<128xi32, #tpu.memory_space<vmem>>
      %dma_wait3A_746 = arith.constant 0 : i32
      %dma_wait3A_747 = tpu.memref_slice %arg8[%dma_wait3A_746] : memref<750080xf32, #tpu.memory_space<vmem_shared>> -> memref<750080xf32, #tpu.memory_space<vmem_shared>>
      tpu.wait_indirect_dma semaphore(%arg11 : memref<!tpu.dma_semaphore, #tpu.memory_space<semaphore_mem>>) src(%dma_wait3A_742 : memref<128xf32, #tpu.memory_space<vmem>>) dst(%dma_wait3A_747 : memref<750080xf32, #tpu.memory_space<vmem_shared>>)
      %dma_wait3A_748 = arith.constant 0 : i32
      %dma_wait3A_749 = arith.constant 18 : i32
      %dma_wait3A_750 = arith.constant 0 : i32
      %dma_wait3A_751 = arith.constant 18 : i32
      %dma_wait3A_752 = arith.constant 0 : i32
      %dma_wait3A_753 = tpu.memref_slice %arg6[%dma_wait3A_748, %dma_wait3A_749, %dma_wait3A_752] : memref<2x32x128xf32, #tpu.memory_space<vmem>> -> memref<1x1x128xf32, #tpu.memory_space<vmem>>
      %dma_wait3A_754 = tpu.memref_squeeze %dma_wait3A_753 : memref<1x1x128xf32, #tpu.memory_space<vmem>> -> memref<128xf32, #tpu.memory_space<vmem>>
      %dma_wait3A_755 = arith.constant 0 : i32
      %dma_wait3A_756 = tpu.memref_slice %arg5[%dma_wait3A_750, %dma_wait3A_751, %dma_wait3A_755] : memref<2x32x128xi32, #tpu.memory_space<vmem>> -> memref<1x1x128xi32, #tpu.memory_space<vmem>>
      %dma_wait3A_757 = tpu.memref_squeeze %dma_wait3A_756 : memref<1x1x128xi32, #tpu.memory_space<vmem>> -> memref<128xi32, #tpu.memory_space<vmem>>
      %dma_wait3A_758 = arith.constant 0 : i32
      %dma_wait3A_759 = tpu.memref_slice %arg8[%dma_wait3A_758] : memref<750080xf32, #tpu.memory_space<vmem_shared>> -> memref<750080xf32, #tpu.memory_space<vmem_shared>>
      tpu.wait_indirect_dma semaphore(%arg11 : memref<!tpu.dma_semaphore, #tpu.memory_space<semaphore_mem>>) src(%dma_wait3A_754 : memref<128xf32, #tpu.memory_space<vmem>>) dst(%dma_wait3A_759 : memref<750080xf32, #tpu.memory_space<vmem_shared>>)
      %dma_wait3A_760 = arith.constant 0 : i32
      %dma_wait3A_761 = arith.constant 19 : i32
      %dma_wait3A_762 = arith.constant 0 : i32
      %dma_wait3A_763 = arith.constant 19 : i32
      %dma_wait3A_764 = arith.constant 0 : i32
      %dma_wait3A_765 = tpu.memref_slice %arg6[%dma_wait3A_760, %dma_wait3A_761, %dma_wait3A_764] : memref<2x32x128xf32, #tpu.memory_space<vmem>> -> memref<1x1x128xf32, #tpu.memory_space<vmem>>
      %dma_wait3A_766 = tpu.memref_squeeze %dma_wait3A_765 : memref<1x1x128xf32, #tpu.memory_space<vmem>> -> memref<128xf32, #tpu.memory_space<vmem>>
      %dma_wait3A_767 = arith.constant 0 : i32
      %dma_wait3A_768 = tpu.memref_slice %arg5[%dma_wait3A_762, %dma_wait3A_763, %dma_wait3A_767] : memref<2x32x128xi32, #tpu.memory_space<vmem>> -> memref<1x1x128xi32, #tpu.memory_space<vmem>>
      %dma_wait3A_769 = tpu.memref_squeeze %dma_wait3A_768 : memref<1x1x128xi32, #tpu.memory_space<vmem>> -> memref<128xi32, #tpu.memory_space<vmem>>
      %dma_wait3A_770 = arith.constant 0 : i32
      %dma_wait3A_771 = tpu.memref_slice %arg8[%dma_wait3A_770] : memref<750080xf32, #tpu.memory_space<vmem_shared>> -> memref<750080xf32, #tpu.memory_space<vmem_shared>>
      tpu.wait_indirect_dma semaphore(%arg11 : memref<!tpu.dma_semaphore, #tpu.memory_space<semaphore_mem>>) src(%dma_wait3A_766 : memref<128xf32, #tpu.memory_space<vmem>>) dst(%dma_wait3A_771 : memref<750080xf32, #tpu.memory_space<vmem_shared>>)
      %dma_wait3A_772 = arith.constant 0 : i32
      %dma_wait3A_773 = arith.constant 20 : i32
      %dma_wait3A_774 = arith.constant 0 : i32
      %dma_wait3A_775 = arith.constant 20 : i32
      %dma_wait3A_776 = arith.constant 0 : i32
      %dma_wait3A_777 = tpu.memref_slice %arg6[%dma_wait3A_772, %dma_wait3A_773, %dma_wait3A_776] : memref<2x32x128xf32, #tpu.memory_space<vmem>> -> memref<1x1x128xf32, #tpu.memory_space<vmem>>
      %dma_wait3A_778 = tpu.memref_squeeze %dma_wait3A_777 : memref<1x1x128xf32, #tpu.memory_space<vmem>> -> memref<128xf32, #tpu.memory_space<vmem>>
      %dma_wait3A_779 = arith.constant 0 : i32
      %dma_wait3A_780 = tpu.memref_slice %arg5[%dma_wait3A_774, %dma_wait3A_775, %dma_wait3A_779] : memref<2x32x128xi32, #tpu.memory_space<vmem>> -> memref<1x1x128xi32, #tpu.memory_space<vmem>>
      %dma_wait3A_781 = tpu.memref_squeeze %dma_wait3A_780 : memref<1x1x128xi32, #tpu.memory_space<vmem>> -> memref<128xi32, #tpu.memory_space<vmem>>
      %dma_wait3A_782 = arith.constant 0 : i32
      %dma_wait3A_783 = tpu.memref_slice %arg8[%dma_wait3A_782] : memref<750080xf32, #tpu.memory_space<vmem_shared>> -> memref<750080xf32, #tpu.memory_space<vmem_shared>>
      tpu.wait_indirect_dma semaphore(%arg11 : memref<!tpu.dma_semaphore, #tpu.memory_space<semaphore_mem>>) src(%dma_wait3A_778 : memref<128xf32, #tpu.memory_space<vmem>>) dst(%dma_wait3A_783 : memref<750080xf32, #tpu.memory_space<vmem_shared>>)
      %dma_wait3A_784 = arith.constant 0 : i32
      %dma_wait3A_785 = arith.constant 21 : i32
      %dma_wait3A_786 = arith.constant 0 : i32
      %dma_wait3A_787 = arith.constant 21 : i32
      %dma_wait3A_788 = arith.constant 0 : i32
      %dma_wait3A_789 = tpu.memref_slice %arg6[%dma_wait3A_784, %dma_wait3A_785, %dma_wait3A_788] : memref<2x32x128xf32, #tpu.memory_space<vmem>> -> memref<1x1x128xf32, #tpu.memory_space<vmem>>
      %dma_wait3A_790 = tpu.memref_squeeze %dma_wait3A_789 : memref<1x1x128xf32, #tpu.memory_space<vmem>> -> memref<128xf32, #tpu.memory_space<vmem>>
      %dma_wait3A_791 = arith.constant 0 : i32
      %dma_wait3A_792 = tpu.memref_slice %arg5[%dma_wait3A_786, %dma_wait3A_787, %dma_wait3A_791] : memref<2x32x128xi32, #tpu.memory_space<vmem>> -> memref<1x1x128xi32, #tpu.memory_space<vmem>>
      %dma_wait3A_793 = tpu.memref_squeeze %dma_wait3A_792 : memref<1x1x128xi32, #tpu.memory_space<vmem>> -> memref<128xi32, #tpu.memory_space<vmem>>
      %dma_wait3A_794 = arith.constant 0 : i32
      %dma_wait3A_795 = tpu.memref_slice %arg8[%dma_wait3A_794] : memref<750080xf32, #tpu.memory_space<vmem_shared>> -> memref<750080xf32, #tpu.memory_space<vmem_shared>>
      tpu.wait_indirect_dma semaphore(%arg11 : memref<!tpu.dma_semaphore, #tpu.memory_space<semaphore_mem>>) src(%dma_wait3A_790 : memref<128xf32, #tpu.memory_space<vmem>>) dst(%dma_wait3A_795 : memref<750080xf32, #tpu.memory_space<vmem_shared>>)
      %dma_wait3A_796 = arith.constant 0 : i32
      %dma_wait3A_797 = arith.constant 22 : i32
      %dma_wait3A_798 = arith.constant 0 : i32
      %dma_wait3A_799 = arith.constant 22 : i32
      %dma_wait3A_800 = arith.constant 0 : i32
      %dma_wait3A_801 = tpu.memref_slice %arg6[%dma_wait3A_796, %dma_wait3A_797, %dma_wait3A_800] : memref<2x32x128xf32, #tpu.memory_space<vmem>> -> memref<1x1x128xf32, #tpu.memory_space<vmem>>
      %dma_wait3A_802 = tpu.memref_squeeze %dma_wait3A_801 : memref<1x1x128xf32, #tpu.memory_space<vmem>> -> memref<128xf32, #tpu.memory_space<vmem>>
      %dma_wait3A_803 = arith.constant 0 : i32
      %dma_wait3A_804 = tpu.memref_slice %arg5[%dma_wait3A_798, %dma_wait3A_799, %dma_wait3A_803] : memref<2x32x128xi32, #tpu.memory_space<vmem>> -> memref<1x1x128xi32, #tpu.memory_space<vmem>>
      %dma_wait3A_805 = tpu.memref_squeeze %dma_wait3A_804 : memref<1x1x128xi32, #tpu.memory_space<vmem>> -> memref<128xi32, #tpu.memory_space<vmem>>
      %dma_wait3A_806 = arith.constant 0 : i32
      %dma_wait3A_807 = tpu.memref_slice %arg8[%dma_wait3A_806] : memref<750080xf32, #tpu.memory_space<vmem_shared>> -> memref<750080xf32, #tpu.memory_space<vmem_shared>>
      tpu.wait_indirect_dma semaphore(%arg11 : memref<!tpu.dma_semaphore, #tpu.memory_space<semaphore_mem>>) src(%dma_wait3A_802 : memref<128xf32, #tpu.memory_space<vmem>>) dst(%dma_wait3A_807 : memref<750080xf32, #tpu.memory_space<vmem_shared>>)
      %dma_wait3A_808 = arith.constant 0 : i32
      %dma_wait3A_809 = arith.constant 23 : i32
      %dma_wait3A_810 = arith.constant 0 : i32
      %dma_wait3A_811 = arith.constant 23 : i32
      %dma_wait3A_812 = arith.constant 0 : i32
      %dma_wait3A_813 = tpu.memref_slice %arg6[%dma_wait3A_808, %dma_wait3A_809, %dma_wait3A_812] : memref<2x32x128xf32, #tpu.memory_space<vmem>> -> memref<1x1x128xf32, #tpu.memory_space<vmem>>
      %dma_wait3A_814 = tpu.memref_squeeze %dma_wait3A_813 : memref<1x1x128xf32, #tpu.memory_space<vmem>> -> memref<128xf32, #tpu.memory_space<vmem>>
      %dma_wait3A_815 = arith.constant 0 : i32
      %dma_wait3A_816 = tpu.memref_slice %arg5[%dma_wait3A_810, %dma_wait3A_811, %dma_wait3A_815] : memref<2x32x128xi32, #tpu.memory_space<vmem>> -> memref<1x1x128xi32, #tpu.memory_space<vmem>>
      %dma_wait3A_817 = tpu.memref_squeeze %dma_wait3A_816 : memref<1x1x128xi32, #tpu.memory_space<vmem>> -> memref<128xi32, #tpu.memory_space<vmem>>
      %dma_wait3A_818 = arith.constant 0 : i32
      %dma_wait3A_819 = tpu.memref_slice %arg8[%dma_wait3A_818] : memref<750080xf32, #tpu.memory_space<vmem_shared>> -> memref<750080xf32, #tpu.memory_space<vmem_shared>>
      tpu.wait_indirect_dma semaphore(%arg11 : memref<!tpu.dma_semaphore, #tpu.memory_space<semaphore_mem>>) src(%dma_wait3A_814 : memref<128xf32, #tpu.memory_space<vmem>>) dst(%dma_wait3A_819 : memref<750080xf32, #tpu.memory_space<vmem_shared>>)
      %dma_wait3A_820 = arith.constant 0 : i32
      %dma_wait3A_821 = arith.constant 24 : i32
      %dma_wait3A_822 = arith.constant 0 : i32
      %dma_wait3A_823 = arith.constant 24 : i32
      %dma_wait3A_824 = arith.constant 0 : i32
      %dma_wait3A_825 = tpu.memref_slice %arg6[%dma_wait3A_820, %dma_wait3A_821, %dma_wait3A_824] : memref<2x32x128xf32, #tpu.memory_space<vmem>> -> memref<1x1x128xf32, #tpu.memory_space<vmem>>
      %dma_wait3A_826 = tpu.memref_squeeze %dma_wait3A_825 : memref<1x1x128xf32, #tpu.memory_space<vmem>> -> memref<128xf32, #tpu.memory_space<vmem>>
      %dma_wait3A_827 = arith.constant 0 : i32
      %dma_wait3A_828 = tpu.memref_slice %arg5[%dma_wait3A_822, %dma_wait3A_823, %dma_wait3A_827] : memref<2x32x128xi32, #tpu.memory_space<vmem>> -> memref<1x1x128xi32, #tpu.memory_space<vmem>>
      %dma_wait3A_829 = tpu.memref_squeeze %dma_wait3A_828 : memref<1x1x128xi32, #tpu.memory_space<vmem>> -> memref<128xi32, #tpu.memory_space<vmem>>
      %dma_wait3A_830 = arith.constant 0 : i32
      %dma_wait3A_831 = tpu.memref_slice %arg8[%dma_wait3A_830] : memref<750080xf32, #tpu.memory_space<vmem_shared>> -> memref<750080xf32, #tpu.memory_space<vmem_shared>>
      tpu.wait_indirect_dma semaphore(%arg11 : memref<!tpu.dma_semaphore, #tpu.memory_space<semaphore_mem>>) src(%dma_wait3A_826 : memref<128xf32, #tpu.memory_space<vmem>>) dst(%dma_wait3A_831 : memref<750080xf32, #tpu.memory_space<vmem_shared>>)
      %dma_wait3A_832 = arith.constant 0 : i32
      %dma_wait3A_833 = arith.constant 25 : i32
      %dma_wait3A_834 = arith.constant 0 : i32
      %dma_wait3A_835 = arith.constant 25 : i32
      %dma_wait3A_836 = arith.constant 0 : i32
      %dma_wait3A_837 = tpu.memref_slice %arg6[%dma_wait3A_832, %dma_wait3A_833, %dma_wait3A_836] : memref<2x32x128xf32, #tpu.memory_space<vmem>> -> memref<1x1x128xf32, #tpu.memory_space<vmem>>
      %dma_wait3A_838 = tpu.memref_squeeze %dma_wait3A_837 : memref<1x1x128xf32, #tpu.memory_space<vmem>> -> memref<128xf32, #tpu.memory_space<vmem>>
      %dma_wait3A_839 = arith.constant 0 : i32
      %dma_wait3A_840 = tpu.memref_slice %arg5[%dma_wait3A_834, %dma_wait3A_835, %dma_wait3A_839] : memref<2x32x128xi32, #tpu.memory_space<vmem>> -> memref<1x1x128xi32, #tpu.memory_space<vmem>>
      %dma_wait3A_841 = tpu.memref_squeeze %dma_wait3A_840 : memref<1x1x128xi32, #tpu.memory_space<vmem>> -> memref<128xi32, #tpu.memory_space<vmem>>
      %dma_wait3A_842 = arith.constant 0 : i32
      %dma_wait3A_843 = tpu.memref_slice %arg8[%dma_wait3A_842] : memref<750080xf32, #tpu.memory_space<vmem_shared>> -> memref<750080xf32, #tpu.memory_space<vmem_shared>>
      tpu.wait_indirect_dma semaphore(%arg11 : memref<!tpu.dma_semaphore, #tpu.memory_space<semaphore_mem>>) src(%dma_wait3A_838 : memref<128xf32, #tpu.memory_space<vmem>>) dst(%dma_wait3A_843 : memref<750080xf32, #tpu.memory_space<vmem_shared>>)
      %dma_wait3A_844 = arith.constant 0 : i32
      %dma_wait3A_845 = arith.constant 26 : i32
      %dma_wait3A_846 = arith.constant 0 : i32
      %dma_wait3A_847 = arith.constant 26 : i32
      %dma_wait3A_848 = arith.constant 0 : i32
      %dma_wait3A_849 = tpu.memref_slice %arg6[%dma_wait3A_844, %dma_wait3A_845, %dma_wait3A_848] : memref<2x32x128xf32, #tpu.memory_space<vmem>> -> memref<1x1x128xf32, #tpu.memory_space<vmem>>
      %dma_wait3A_850 = tpu.memref_squeeze %dma_wait3A_849 : memref<1x1x128xf32, #tpu.memory_space<vmem>> -> memref<128xf32, #tpu.memory_space<vmem>>
      %dma_wait3A_851 = arith.constant 0 : i32
      %dma_wait3A_852 = tpu.memref_slice %arg5[%dma_wait3A_846, %dma_wait3A_847, %dma_wait3A_851] : memref<2x32x128xi32, #tpu.memory_space<vmem>> -> memref<1x1x128xi32, #tpu.memory_space<vmem>>
      %dma_wait3A_853 = tpu.memref_squeeze %dma_wait3A_852 : memref<1x1x128xi32, #tpu.memory_space<vmem>> -> memref<128xi32, #tpu.memory_space<vmem>>
      %dma_wait3A_854 = arith.constant 0 : i32
      %dma_wait3A_855 = tpu.memref_slice %arg8[%dma_wait3A_854] : memref<750080xf32, #tpu.memory_space<vmem_shared>> -> memref<750080xf32, #tpu.memory_space<vmem_shared>>
      tpu.wait_indirect_dma semaphore(%arg11 : memref<!tpu.dma_semaphore, #tpu.memory_space<semaphore_mem>>) src(%dma_wait3A_850 : memref<128xf32, #tpu.memory_space<vmem>>) dst(%dma_wait3A_855 : memref<750080xf32, #tpu.memory_space<vmem_shared>>)
      %dma_wait3A_856 = arith.constant 0 : i32
      %dma_wait3A_857 = arith.constant 27 : i32
      %dma_wait3A_858 = arith.constant 0 : i32
      %dma_wait3A_859 = arith.constant 27 : i32
      %dma_wait3A_860 = arith.constant 0 : i32
      %dma_wait3A_861 = tpu.memref_slice %arg6[%dma_wait3A_856, %dma_wait3A_857, %dma_wait3A_860] : memref<2x32x128xf32, #tpu.memory_space<vmem>> -> memref<1x1x128xf32, #tpu.memory_space<vmem>>
      %dma_wait3A_862 = tpu.memref_squeeze %dma_wait3A_861 : memref<1x1x128xf32, #tpu.memory_space<vmem>> -> memref<128xf32, #tpu.memory_space<vmem>>
      %dma_wait3A_863 = arith.constant 0 : i32
      %dma_wait3A_864 = tpu.memref_slice %arg5[%dma_wait3A_858, %dma_wait3A_859, %dma_wait3A_863] : memref<2x32x128xi32, #tpu.memory_space<vmem>> -> memref<1x1x128xi32, #tpu.memory_space<vmem>>
      %dma_wait3A_865 = tpu.memref_squeeze %dma_wait3A_864 : memref<1x1x128xi32, #tpu.memory_space<vmem>> -> memref<128xi32, #tpu.memory_space<vmem>>
      %dma_wait3A_866 = arith.constant 0 : i32
      %dma_wait3A_867 = tpu.memref_slice %arg8[%dma_wait3A_866] : memref<750080xf32, #tpu.memory_space<vmem_shared>> -> memref<750080xf32, #tpu.memory_space<vmem_shared>>
      tpu.wait_indirect_dma semaphore(%arg11 : memref<!tpu.dma_semaphore, #tpu.memory_space<semaphore_mem>>) src(%dma_wait3A_862 : memref<128xf32, #tpu.memory_space<vmem>>) dst(%dma_wait3A_867 : memref<750080xf32, #tpu.memory_space<vmem_shared>>)
      %dma_wait3A_868 = arith.constant 0 : i32
      %dma_wait3A_869 = arith.constant 28 : i32
      %dma_wait3A_870 = arith.constant 0 : i32
      %dma_wait3A_871 = arith.constant 28 : i32
      %dma_wait3A_872 = arith.constant 0 : i32
      %dma_wait3A_873 = tpu.memref_slice %arg6[%dma_wait3A_868, %dma_wait3A_869, %dma_wait3A_872] : memref<2x32x128xf32, #tpu.memory_space<vmem>> -> memref<1x1x128xf32, #tpu.memory_space<vmem>>
      %dma_wait3A_874 = tpu.memref_squeeze %dma_wait3A_873 : memref<1x1x128xf32, #tpu.memory_space<vmem>> -> memref<128xf32, #tpu.memory_space<vmem>>
      %dma_wait3A_875 = arith.constant 0 : i32
      %dma_wait3A_876 = tpu.memref_slice %arg5[%dma_wait3A_870, %dma_wait3A_871, %dma_wait3A_875] : memref<2x32x128xi32, #tpu.memory_space<vmem>> -> memref<1x1x128xi32, #tpu.memory_space<vmem>>
      %dma_wait3A_877 = tpu.memref_squeeze %dma_wait3A_876 : memref<1x1x128xi32, #tpu.memory_space<vmem>> -> memref<128xi32, #tpu.memory_space<vmem>>
      %dma_wait3A_878 = arith.constant 0 : i32
      %dma_wait3A_879 = tpu.memref_slice %arg8[%dma_wait3A_878] : memref<750080xf32, #tpu.memory_space<vmem_shared>> -> memref<750080xf32, #tpu.memory_space<vmem_shared>>
      tpu.wait_indirect_dma semaphore(%arg11 : memref<!tpu.dma_semaphore, #tpu.memory_space<semaphore_mem>>) src(%dma_wait3A_874 : memref<128xf32, #tpu.memory_space<vmem>>) dst(%dma_wait3A_879 : memref<750080xf32, #tpu.memory_space<vmem_shared>>)
      %dma_wait3A_880 = arith.constant 0 : i32
      %dma_wait3A_881 = arith.constant 29 : i32
      %dma_wait3A_882 = arith.constant 0 : i32
      %dma_wait3A_883 = arith.constant 29 : i32
      %dma_wait3A_884 = arith.constant 0 : i32
      %dma_wait3A_885 = tpu.memref_slice %arg6[%dma_wait3A_880, %dma_wait3A_881, %dma_wait3A_884] : memref<2x32x128xf32, #tpu.memory_space<vmem>> -> memref<1x1x128xf32, #tpu.memory_space<vmem>>
      %dma_wait3A_886 = tpu.memref_squeeze %dma_wait3A_885 : memref<1x1x128xf32, #tpu.memory_space<vmem>> -> memref<128xf32, #tpu.memory_space<vmem>>
      %dma_wait3A_887 = arith.constant 0 : i32
      %dma_wait3A_888 = tpu.memref_slice %arg5[%dma_wait3A_882, %dma_wait3A_883, %dma_wait3A_887] : memref<2x32x128xi32, #tpu.memory_space<vmem>> -> memref<1x1x128xi32, #tpu.memory_space<vmem>>
      %dma_wait3A_889 = tpu.memref_squeeze %dma_wait3A_888 : memref<1x1x128xi32, #tpu.memory_space<vmem>> -> memref<128xi32, #tpu.memory_space<vmem>>
      %dma_wait3A_890 = arith.constant 0 : i32
      %dma_wait3A_891 = tpu.memref_slice %arg8[%dma_wait3A_890] : memref<750080xf32, #tpu.memory_space<vmem_shared>> -> memref<750080xf32, #tpu.memory_space<vmem_shared>>
      tpu.wait_indirect_dma semaphore(%arg11 : memref<!tpu.dma_semaphore, #tpu.memory_space<semaphore_mem>>) src(%dma_wait3A_886 : memref<128xf32, #tpu.memory_space<vmem>>) dst(%dma_wait3A_891 : memref<750080xf32, #tpu.memory_space<vmem_shared>>)
      %dma_wait3A_892 = arith.constant 0 : i32
      %dma_wait3A_893 = arith.constant 30 : i32
      %dma_wait3A_894 = arith.constant 0 : i32
      %dma_wait3A_895 = arith.constant 30 : i32
      %dma_wait3A_896 = arith.constant 0 : i32
      %dma_wait3A_897 = tpu.memref_slice %arg6[%dma_wait3A_892, %dma_wait3A_893, %dma_wait3A_896] : memref<2x32x128xf32, #tpu.memory_space<vmem>> -> memref<1x1x128xf32, #tpu.memory_space<vmem>>
      %dma_wait3A_898 = tpu.memref_squeeze %dma_wait3A_897 : memref<1x1x128xf32, #tpu.memory_space<vmem>> -> memref<128xf32, #tpu.memory_space<vmem>>
      %dma_wait3A_899 = arith.constant 0 : i32
      %dma_wait3A_900 = tpu.memref_slice %arg5[%dma_wait3A_894, %dma_wait3A_895, %dma_wait3A_899] : memref<2x32x128xi32, #tpu.memory_space<vmem>> -> memref<1x1x128xi32, #tpu.memory_space<vmem>>
      %dma_wait3A_901 = tpu.memref_squeeze %dma_wait3A_900 : memref<1x1x128xi32, #tpu.memory_space<vmem>> -> memref<128xi32, #tpu.memory_space<vmem>>
      %dma_wait3A_902 = arith.constant 0 : i32
      %dma_wait3A_903 = tpu.memref_slice %arg8[%dma_wait3A_902] : memref<750080xf32, #tpu.memory_space<vmem_shared>> -> memref<750080xf32, #tpu.memory_space<vmem_shared>>
      tpu.wait_indirect_dma semaphore(%arg11 : memref<!tpu.dma_semaphore, #tpu.memory_space<semaphore_mem>>) src(%dma_wait3A_898 : memref<128xf32, #tpu.memory_space<vmem>>) dst(%dma_wait3A_903 : memref<750080xf32, #tpu.memory_space<vmem_shared>>)
      %dma_wait3A_904 = arith.constant 0 : i32
      %dma_wait3A_905 = arith.constant 31 : i32
      %dma_wait3A_906 = arith.constant 0 : i32
      %dma_wait3A_907 = arith.constant 31 : i32
      %dma_wait3A_908 = arith.constant 0 : i32
      %dma_wait3A_909 = tpu.memref_slice %arg6[%dma_wait3A_904, %dma_wait3A_905, %dma_wait3A_908] : memref<2x32x128xf32, #tpu.memory_space<vmem>> -> memref<1x1x128xf32, #tpu.memory_space<vmem>>
      %dma_wait3A_910 = tpu.memref_squeeze %dma_wait3A_909 : memref<1x1x128xf32, #tpu.memory_space<vmem>> -> memref<128xf32, #tpu.memory_space<vmem>>
      %dma_wait3A_911 = arith.constant 0 : i32
      %dma_wait3A_912 = tpu.memref_slice %arg5[%dma_wait3A_906, %dma_wait3A_907, %dma_wait3A_911] : memref<2x32x128xi32, #tpu.memory_space<vmem>> -> memref<1x1x128xi32, #tpu.memory_space<vmem>>
      %dma_wait3A_913 = tpu.memref_squeeze %dma_wait3A_912 : memref<1x1x128xi32, #tpu.memory_space<vmem>> -> memref<128xi32, #tpu.memory_space<vmem>>
      %dma_wait3A_914 = arith.constant 0 : i32
      %dma_wait3A_915 = tpu.memref_slice %arg8[%dma_wait3A_914] : memref<750080xf32, #tpu.memory_space<vmem_shared>> -> memref<750080xf32, #tpu.memory_space<vmem_shared>>
      tpu.wait_indirect_dma semaphore(%arg11 : memref<!tpu.dma_semaphore, #tpu.memory_space<semaphore_mem>>) src(%dma_wait3A_910 : memref<128xf32, #tpu.memory_space<vmem>>) dst(%dma_wait3A_915 : memref<750080xf32, #tpu.memory_space<vmem_shared>>)
      %mul3A_916 = arith.constant 2 : i32
      %mul3A_917 = arith.muli %scan3A_111, %mul3A_916 : i32
      %add3A_918 = arith.constant 1 : i32
      %add3A_919 = arith.addi %mul3A_917, %add3A_918 : i32
      %mul3A_920 = arith.constant 32 : i32
      %mul3A_921 = arith.muli %add3A_919, %mul3A_920 : i32
      %add3A_922 = arith.addi %mul3A_30, %mul3A_921 : i32
      %dma_wait3A_923 = arith.constant 1 : i32
      %dma_wait3A_924 = arith.constant 0 : i32
      %dma_wait3A_925 = arith.constant 0 : i32
      %dma_wait3A_926 = tpu.memref_slice %arg5[%dma_wait3A_923, %dma_wait3A_924, %dma_wait3A_925] : memref<2x32x128xi32, #tpu.memory_space<vmem>> -> memref<1x32x128xi32, #tpu.memory_space<vmem>>
      %dma_wait3A_927 = tpu.memref_squeeze %dma_wait3A_926 : memref<1x32x128xi32, #tpu.memory_space<vmem>> -> memref<32x128xi32, #tpu.memory_space<vmem>>
      %dma_wait3A_928 = arith.constant 0 : i32
      %dma_wait3A_929 = tpu.memref_slice %arg2[%add3A_922, %dma_wait3A_928] : memref<8192x128xi32, #tpu.memory_space<hbm>> -> memref<32x128xi32, #tpu.memory_space<hbm>>
      %dma_wait3A_930 = arith.constant 0 : i32
      %dma_wait3A_931 = arith.constant 0 : i32
      %dma_wait3A_932 = tpu.memref_slice %arg5[%dma_wait3A_923, %dma_wait3A_930, %dma_wait3A_931] : memref<2x32x128xi32, #tpu.memory_space<vmem>> -> memref<1x32x128xi32, #tpu.memory_space<vmem>>
      %dma_wait3A_933 = tpu.memref_squeeze %dma_wait3A_932 : memref<1x32x128xi32, #tpu.memory_space<vmem>> -> memref<32x128xi32, #tpu.memory_space<vmem>>
      %dma_wait3A_934 = arith.constant 0 : i32
      %dma_wait3A_935 = tpu.memref_slice %arg2[%add3A_922, %dma_wait3A_934] : memref<8192x128xi32, #tpu.memory_space<hbm>> -> memref<32x128xi32, #tpu.memory_space<hbm>>
      tpu.wait_dma2 semaphore(%arg10 : memref<!tpu.dma_semaphore, #tpu.memory_space<semaphore_mem>>) src(%dma_wait3A_935 : memref<32x128xi32, #tpu.memory_space<hbm>>) dst(%dma_wait3A_933 : memref<32x128xi32, #tpu.memory_space<vmem>>)
      %dma_wait3A_936 = arith.constant 1 : i32
      %dma_wait3A_937 = arith.constant 0 : i32
      %dma_wait3A_938 = arith.constant 0 : i32
      %dma_wait3A_939 = tpu.memref_slice %arg6[%dma_wait3A_936, %dma_wait3A_937, %dma_wait3A_938] : memref<2x32x128xf32, #tpu.memory_space<vmem>> -> memref<1x32x128xf32, #tpu.memory_space<vmem>>
      %dma_wait3A_940 = tpu.memref_squeeze %dma_wait3A_939 : memref<1x32x128xf32, #tpu.memory_space<vmem>> -> memref<32x128xf32, #tpu.memory_space<vmem>>
      %dma_wait3A_941 = arith.constant 0 : i32
      %dma_wait3A_942 = tpu.memref_slice %arg3[%add3A_922, %dma_wait3A_941] : memref<8192x128xf32, #tpu.memory_space<hbm>> -> memref<32x128xf32, #tpu.memory_space<hbm>>
      %dma_wait3A_943 = arith.constant 0 : i32
      %dma_wait3A_944 = arith.constant 0 : i32
      %dma_wait3A_945 = tpu.memref_slice %arg6[%dma_wait3A_936, %dma_wait3A_943, %dma_wait3A_944] : memref<2x32x128xf32, #tpu.memory_space<vmem>> -> memref<1x32x128xf32, #tpu.memory_space<vmem>>
      %dma_wait3A_946 = tpu.memref_squeeze %dma_wait3A_945 : memref<1x32x128xf32, #tpu.memory_space<vmem>> -> memref<32x128xf32, #tpu.memory_space<vmem>>
      %dma_wait3A_947 = arith.constant 0 : i32
      %dma_wait3A_948 = tpu.memref_slice %arg3[%add3A_922, %dma_wait3A_947] : memref<8192x128xf32, #tpu.memory_space<hbm>> -> memref<32x128xf32, #tpu.memory_space<hbm>>
      tpu.wait_dma2 semaphore(%arg10 : memref<!tpu.dma_semaphore, #tpu.memory_space<semaphore_mem>>) src(%dma_wait3A_948 : memref<32x128xf32, #tpu.memory_space<hbm>>) dst(%dma_wait3A_946 : memref<32x128xf32, #tpu.memory_space<vmem>>)
      %add3A_949 = arith.constant 1 : i32
      %add3A_950 = arith.addi %add3A_919, %add3A_949 : i32
      %lt3A_951 = arith.constant 16 : i32
      %lt3A_952 = arith.cmpi slt, %add3A_950, %lt3A_951 : i32
      %convert_element_type3A_953 = arith.extui %lt3A_952 : i1 to i32
      %cond3A_954 = arith.constant 0 : i32
      %cond3A_955 = arith.cmpi ne, %convert_element_type3A_953, %cond3A_954 : i32
      scf.if %cond3A_955 {
        %add3A_1724 = arith.constant 1 : i32
        %add3A_1725 = arith.addi %add3A_919, %add3A_1724 : i32
        %mul3A_1726 = arith.constant 32 : i32
        %mul3A_1727 = arith.muli %add3A_1725, %mul3A_1726 : i32
        %add3A_1728 = arith.addi %mul3A_30, %mul3A_1727 : i32
        %dma_start3A_1729 = arith.constant 0 : i32
        %dma_start3A_1730 = arith.constant 0 : i32
        %dma_start3A_1731 = arith.constant 0 : i32
        %dma_start3A_1732 = tpu.memref_slice %arg5[%dma_start3A_1729, %dma_start3A_1730, %dma_start3A_1731] : memref<2x32x128xi32, #tpu.memory_space<vmem>> -> memref<1x32x128xi32, #tpu.memory_space<vmem>>
        %dma_start3A_1733 = tpu.memref_squeeze %dma_start3A_1732 : memref<1x32x128xi32, #tpu.memory_space<vmem>> -> memref<32x128xi32, #tpu.memory_space<vmem>>
        %dma_start3A_1734 = arith.constant 0 : i32
        %dma_start3A_1735 = tpu.memref_slice %arg2[%add3A_1728, %dma_start3A_1734] : memref<8192x128xi32, #tpu.memory_space<hbm>> -> memref<32x128xi32, #tpu.memory_space<hbm>>
        %dma_start3A_1736 = arith.constant 0 : i32
        %dma_start3A_1737 = arith.constant 0 : i32
        %dma_start3A_1738 = tpu.memref_slice %arg5[%dma_start3A_1729, %dma_start3A_1736, %dma_start3A_1737] : memref<2x32x128xi32, #tpu.memory_space<vmem>> -> memref<1x32x128xi32, #tpu.memory_space<vmem>>
        %dma_start3A_1739 = tpu.memref_squeeze %dma_start3A_1738 : memref<1x32x128xi32, #tpu.memory_space<vmem>> -> memref<32x128xi32, #tpu.memory_space<vmem>>
        %dma_start3A_1740 = arith.constant 0 : i32
        %dma_start3A_1741 = tpu.memref_slice %arg2[%add3A_1728, %dma_start3A_1740] : memref<8192x128xi32, #tpu.memory_space<hbm>> -> memref<32x128xi32, #tpu.memory_space<hbm>>
        tpu.enqueue_dma source(%dma_start3A_1741 : memref<32x128xi32, #tpu.memory_space<hbm>>) target(%dma_start3A_1739 : memref<32x128xi32, #tpu.memory_space<vmem>>) target_semaphore(%arg9 : memref<!tpu.dma_semaphore, #tpu.memory_space<semaphore_mem>>)
        %dma_start3A_1742 = arith.constant 0 : i32
        %dma_start3A_1743 = arith.constant 0 : i32
        %dma_start3A_1744 = arith.constant 0 : i32
        %dma_start3A_1745 = tpu.memref_slice %arg6[%dma_start3A_1742, %dma_start3A_1743, %dma_start3A_1744] : memref<2x32x128xf32, #tpu.memory_space<vmem>> -> memref<1x32x128xf32, #tpu.memory_space<vmem>>
        %dma_start3A_1746 = tpu.memref_squeeze %dma_start3A_1745 : memref<1x32x128xf32, #tpu.memory_space<vmem>> -> memref<32x128xf32, #tpu.memory_space<vmem>>
        %dma_start3A_1747 = arith.constant 0 : i32
        %dma_start3A_1748 = tpu.memref_slice %arg3[%add3A_1728, %dma_start3A_1747] : memref<8192x128xf32, #tpu.memory_space<hbm>> -> memref<32x128xf32, #tpu.memory_space<hbm>>
        %dma_start3A_1749 = arith.constant 0 : i32
        %dma_start3A_1750 = arith.constant 0 : i32
        %dma_start3A_1751 = tpu.memref_slice %arg6[%dma_start3A_1742, %dma_start3A_1749, %dma_start3A_1750] : memref<2x32x128xf32, #tpu.memory_space<vmem>> -> memref<1x32x128xf32, #tpu.memory_space<vmem>>
        %dma_start3A_1752 = tpu.memref_squeeze %dma_start3A_1751 : memref<1x32x128xf32, #tpu.memory_space<vmem>> -> memref<32x128xf32, #tpu.memory_space<vmem>>
        %dma_start3A_1753 = arith.constant 0 : i32
        %dma_start3A_1754 = tpu.memref_slice %arg3[%add3A_1728, %dma_start3A_1753] : memref<8192x128xf32, #tpu.memory_space<hbm>> -> memref<32x128xf32, #tpu.memory_space<hbm>>
        tpu.enqueue_dma source(%dma_start3A_1754 : memref<32x128xf32, #tpu.memory_space<hbm>>) target(%dma_start3A_1752 : memref<32x128xf32, #tpu.memory_space<vmem>>) target_semaphore(%arg9 : memref<!tpu.dma_semaphore, #tpu.memory_space<semaphore_mem>>)
      } else {
      }
      %dma_start3A_956 = arith.constant 1 : i32
      %dma_start3A_957 = arith.constant 0 : i32
      %dma_start3A_958 = arith.constant 1 : i32
      %dma_start3A_959 = arith.constant 0 : i32
      %dma_start3A_960 = arith.constant 0 : i32
      %dma_start3A_961 = tpu.memref_slice %arg6[%dma_start3A_956, %dma_start3A_957, %dma_start3A_960] : memref<2x32x128xf32, #tpu.memory_space<vmem>> -> memref<1x1x128xf32, #tpu.memory_space<vmem>>
      %dma_start3A_962 = tpu.memref_squeeze %dma_start3A_961 : memref<1x1x128xf32, #tpu.memory_space<vmem>> -> memref<128xf32, #tpu.memory_space<vmem>>
      %dma_start3A_963 = arith.constant 0 : i32
      %dma_start3A_964 = tpu.memref_slice %arg5[%dma_start3A_958, %dma_start3A_959, %dma_start3A_963] : memref<2x32x128xi32, #tpu.memory_space<vmem>> -> memref<1x1x128xi32, #tpu.memory_space<vmem>>
      %dma_start3A_965 = tpu.memref_squeeze %dma_start3A_964 : memref<1x1x128xi32, #tpu.memory_space<vmem>> -> memref<128xi32, #tpu.memory_space<vmem>>
      %dma_start3A_966 = arith.constant 0 : i32
      %dma_start3A_967 = tpu.memref_slice %arg8[%dma_start3A_966] : memref<750080xf32, #tpu.memory_space<vmem_shared>> -> memref<750080xf32, #tpu.memory_space<vmem_shared>>
      tpu.enqueue_indirect_dma source(%dma_start3A_962 : memref<128xf32, #tpu.memory_space<vmem>>) target(%dma_start3A_967 : memref<750080xf32, #tpu.memory_space<vmem_shared>>) offsets(%dma_start3A_965 : memref<128xi32, #tpu.memory_space<vmem>>) semaphore(%arg11 : memref<!tpu.dma_semaphore, #tpu.memory_space<semaphore_mem>>) {add = true}
      %dma_start3A_968 = arith.constant 1 : i32
      %dma_start3A_969 = arith.constant 1 : i32
      %dma_start3A_970 = arith.constant 1 : i32
      %dma_start3A_971 = arith.constant 1 : i32
      %dma_start3A_972 = arith.constant 0 : i32
      %dma_start3A_973 = tpu.memref_slice %arg6[%dma_start3A_968, %dma_start3A_969, %dma_start3A_972] : memref<2x32x128xf32, #tpu.memory_space<vmem>> -> memref<1x1x128xf32, #tpu.memory_space<vmem>>
      %dma_start3A_974 = tpu.memref_squeeze %dma_start3A_973 : memref<1x1x128xf32, #tpu.memory_space<vmem>> -> memref<128xf32, #tpu.memory_space<vmem>>
      %dma_start3A_975 = arith.constant 0 : i32
      %dma_start3A_976 = tpu.memref_slice %arg5[%dma_start3A_970, %dma_start3A_971, %dma_start3A_975] : memref<2x32x128xi32, #tpu.memory_space<vmem>> -> memref<1x1x128xi32, #tpu.memory_space<vmem>>
      %dma_start3A_977 = tpu.memref_squeeze %dma_start3A_976 : memref<1x1x128xi32, #tpu.memory_space<vmem>> -> memref<128xi32, #tpu.memory_space<vmem>>
      %dma_start3A_978 = arith.constant 0 : i32
      %dma_start3A_979 = tpu.memref_slice %arg8[%dma_start3A_978] : memref<750080xf32, #tpu.memory_space<vmem_shared>> -> memref<750080xf32, #tpu.memory_space<vmem_shared>>
      tpu.enqueue_indirect_dma source(%dma_start3A_974 : memref<128xf32, #tpu.memory_space<vmem>>) target(%dma_start3A_979 : memref<750080xf32, #tpu.memory_space<vmem_shared>>) offsets(%dma_start3A_977 : memref<128xi32, #tpu.memory_space<vmem>>) semaphore(%arg11 : memref<!tpu.dma_semaphore, #tpu.memory_space<semaphore_mem>>) {add = true}
      %dma_start3A_980 = arith.constant 1 : i32
      %dma_start3A_981 = arith.constant 2 : i32
      %dma_start3A_982 = arith.constant 1 : i32
      %dma_start3A_983 = arith.constant 2 : i32
      %dma_start3A_984 = arith.constant 0 : i32
      %dma_start3A_985 = tpu.memref_slice %arg6[%dma_start3A_980, %dma_start3A_981, %dma_start3A_984] : memref<2x32x128xf32, #tpu.memory_space<vmem>> -> memref<1x1x128xf32, #tpu.memory_space<vmem>>
      %dma_start3A_986 = tpu.memref_squeeze %dma_start3A_985 : memref<1x1x128xf32, #tpu.memory_space<vmem>> -> memref<128xf32, #tpu.memory_space<vmem>>
      %dma_start3A_987 = arith.constant 0 : i32
      %dma_start3A_988 = tpu.memref_slice %arg5[%dma_start3A_982, %dma_start3A_983, %dma_start3A_987] : memref<2x32x128xi32, #tpu.memory_space<vmem>> -> memref<1x1x128xi32, #tpu.memory_space<vmem>>
      %dma_start3A_989 = tpu.memref_squeeze %dma_start3A_988 : memref<1x1x128xi32, #tpu.memory_space<vmem>> -> memref<128xi32, #tpu.memory_space<vmem>>
      %dma_start3A_990 = arith.constant 0 : i32
      %dma_start3A_991 = tpu.memref_slice %arg8[%dma_start3A_990] : memref<750080xf32, #tpu.memory_space<vmem_shared>> -> memref<750080xf32, #tpu.memory_space<vmem_shared>>
      tpu.enqueue_indirect_dma source(%dma_start3A_986 : memref<128xf32, #tpu.memory_space<vmem>>) target(%dma_start3A_991 : memref<750080xf32, #tpu.memory_space<vmem_shared>>) offsets(%dma_start3A_989 : memref<128xi32, #tpu.memory_space<vmem>>) semaphore(%arg11 : memref<!tpu.dma_semaphore, #tpu.memory_space<semaphore_mem>>) {add = true}
      %dma_start3A_992 = arith.constant 1 : i32
      %dma_start3A_993 = arith.constant 3 : i32
      %dma_start3A_994 = arith.constant 1 : i32
      %dma_start3A_995 = arith.constant 3 : i32
      %dma_start3A_996 = arith.constant 0 : i32
      %dma_start3A_997 = tpu.memref_slice %arg6[%dma_start3A_992, %dma_start3A_993, %dma_start3A_996] : memref<2x32x128xf32, #tpu.memory_space<vmem>> -> memref<1x1x128xf32, #tpu.memory_space<vmem>>
      %dma_start3A_998 = tpu.memref_squeeze %dma_start3A_997 : memref<1x1x128xf32, #tpu.memory_space<vmem>> -> memref<128xf32, #tpu.memory_space<vmem>>
      %dma_start3A_999 = arith.constant 0 : i32
      %dma_start3A_1000 = tpu.memref_slice %arg5[%dma_start3A_994, %dma_start3A_995, %dma_start3A_999] : memref<2x32x128xi32, #tpu.memory_space<vmem>> -> memref<1x1x128xi32, #tpu.memory_space<vmem>>
      %dma_start3A_1001 = tpu.memref_squeeze %dma_start3A_1000 : memref<1x1x128xi32, #tpu.memory_space<vmem>> -> memref<128xi32, #tpu.memory_space<vmem>>
      %dma_start3A_1002 = arith.constant 0 : i32
      %dma_start3A_1003 = tpu.memref_slice %arg8[%dma_start3A_1002] : memref<750080xf32, #tpu.memory_space<vmem_shared>> -> memref<750080xf32, #tpu.memory_space<vmem_shared>>
      tpu.enqueue_indirect_dma source(%dma_start3A_998 : memref<128xf32, #tpu.memory_space<vmem>>) target(%dma_start3A_1003 : memref<750080xf32, #tpu.memory_space<vmem_shared>>) offsets(%dma_start3A_1001 : memref<128xi32, #tpu.memory_space<vmem>>) semaphore(%arg11 : memref<!tpu.dma_semaphore, #tpu.memory_space<semaphore_mem>>) {add = true}
      %dma_start3A_1004 = arith.constant 1 : i32
      %dma_start3A_1005 = arith.constant 4 : i32
      %dma_start3A_1006 = arith.constant 1 : i32
      %dma_start3A_1007 = arith.constant 4 : i32
      %dma_start3A_1008 = arith.constant 0 : i32
      %dma_start3A_1009 = tpu.memref_slice %arg6[%dma_start3A_1004, %dma_start3A_1005, %dma_start3A_1008] : memref<2x32x128xf32, #tpu.memory_space<vmem>> -> memref<1x1x128xf32, #tpu.memory_space<vmem>>
      %dma_start3A_1010 = tpu.memref_squeeze %dma_start3A_1009 : memref<1x1x128xf32, #tpu.memory_space<vmem>> -> memref<128xf32, #tpu.memory_space<vmem>>
      %dma_start3A_1011 = arith.constant 0 : i32
      %dma_start3A_1012 = tpu.memref_slice %arg5[%dma_start3A_1006, %dma_start3A_1007, %dma_start3A_1011] : memref<2x32x128xi32, #tpu.memory_space<vmem>> -> memref<1x1x128xi32, #tpu.memory_space<vmem>>
      %dma_start3A_1013 = tpu.memref_squeeze %dma_start3A_1012 : memref<1x1x128xi32, #tpu.memory_space<vmem>> -> memref<128xi32, #tpu.memory_space<vmem>>
      %dma_start3A_1014 = arith.constant 0 : i32
      %dma_start3A_1015 = tpu.memref_slice %arg8[%dma_start3A_1014] : memref<750080xf32, #tpu.memory_space<vmem_shared>> -> memref<750080xf32, #tpu.memory_space<vmem_shared>>
      tpu.enqueue_indirect_dma source(%dma_start3A_1010 : memref<128xf32, #tpu.memory_space<vmem>>) target(%dma_start3A_1015 : memref<750080xf32, #tpu.memory_space<vmem_shared>>) offsets(%dma_start3A_1013 : memref<128xi32, #tpu.memory_space<vmem>>) semaphore(%arg11 : memref<!tpu.dma_semaphore, #tpu.memory_space<semaphore_mem>>) {add = true}
      %dma_start3A_1016 = arith.constant 1 : i32
      %dma_start3A_1017 = arith.constant 5 : i32
      %dma_start3A_1018 = arith.constant 1 : i32
      %dma_start3A_1019 = arith.constant 5 : i32
      %dma_start3A_1020 = arith.constant 0 : i32
      %dma_start3A_1021 = tpu.memref_slice %arg6[%dma_start3A_1016, %dma_start3A_1017, %dma_start3A_1020] : memref<2x32x128xf32, #tpu.memory_space<vmem>> -> memref<1x1x128xf32, #tpu.memory_space<vmem>>
      %dma_start3A_1022 = tpu.memref_squeeze %dma_start3A_1021 : memref<1x1x128xf32, #tpu.memory_space<vmem>> -> memref<128xf32, #tpu.memory_space<vmem>>
      %dma_start3A_1023 = arith.constant 0 : i32
      %dma_start3A_1024 = tpu.memref_slice %arg5[%dma_start3A_1018, %dma_start3A_1019, %dma_start3A_1023] : memref<2x32x128xi32, #tpu.memory_space<vmem>> -> memref<1x1x128xi32, #tpu.memory_space<vmem>>
      %dma_start3A_1025 = tpu.memref_squeeze %dma_start3A_1024 : memref<1x1x128xi32, #tpu.memory_space<vmem>> -> memref<128xi32, #tpu.memory_space<vmem>>
      %dma_start3A_1026 = arith.constant 0 : i32
      %dma_start3A_1027 = tpu.memref_slice %arg8[%dma_start3A_1026] : memref<750080xf32, #tpu.memory_space<vmem_shared>> -> memref<750080xf32, #tpu.memory_space<vmem_shared>>
      tpu.enqueue_indirect_dma source(%dma_start3A_1022 : memref<128xf32, #tpu.memory_space<vmem>>) target(%dma_start3A_1027 : memref<750080xf32, #tpu.memory_space<vmem_shared>>) offsets(%dma_start3A_1025 : memref<128xi32, #tpu.memory_space<vmem>>) semaphore(%arg11 : memref<!tpu.dma_semaphore, #tpu.memory_space<semaphore_mem>>) {add = true}
      %dma_start3A_1028 = arith.constant 1 : i32
      %dma_start3A_1029 = arith.constant 6 : i32
      %dma_start3A_1030 = arith.constant 1 : i32
      %dma_start3A_1031 = arith.constant 6 : i32
      %dma_start3A_1032 = arith.constant 0 : i32
      %dma_start3A_1033 = tpu.memref_slice %arg6[%dma_start3A_1028, %dma_start3A_1029, %dma_start3A_1032] : memref<2x32x128xf32, #tpu.memory_space<vmem>> -> memref<1x1x128xf32, #tpu.memory_space<vmem>>
      %dma_start3A_1034 = tpu.memref_squeeze %dma_start3A_1033 : memref<1x1x128xf32, #tpu.memory_space<vmem>> -> memref<128xf32, #tpu.memory_space<vmem>>
      %dma_start3A_1035 = arith.constant 0 : i32
      %dma_start3A_1036 = tpu.memref_slice %arg5[%dma_start3A_1030, %dma_start3A_1031, %dma_start3A_1035] : memref<2x32x128xi32, #tpu.memory_space<vmem>> -> memref<1x1x128xi32, #tpu.memory_space<vmem>>
      %dma_start3A_1037 = tpu.memref_squeeze %dma_start3A_1036 : memref<1x1x128xi32, #tpu.memory_space<vmem>> -> memref<128xi32, #tpu.memory_space<vmem>>
      %dma_start3A_1038 = arith.constant 0 : i32
      %dma_start3A_1039 = tpu.memref_slice %arg8[%dma_start3A_1038] : memref<750080xf32, #tpu.memory_space<vmem_shared>> -> memref<750080xf32, #tpu.memory_space<vmem_shared>>
      tpu.enqueue_indirect_dma source(%dma_start3A_1034 : memref<128xf32, #tpu.memory_space<vmem>>) target(%dma_start3A_1039 : memref<750080xf32, #tpu.memory_space<vmem_shared>>) offsets(%dma_start3A_1037 : memref<128xi32, #tpu.memory_space<vmem>>) semaphore(%arg11 : memref<!tpu.dma_semaphore, #tpu.memory_space<semaphore_mem>>) {add = true}
      %dma_start3A_1040 = arith.constant 1 : i32
      %dma_start3A_1041 = arith.constant 7 : i32
      %dma_start3A_1042 = arith.constant 1 : i32
      %dma_start3A_1043 = arith.constant 7 : i32
      %dma_start3A_1044 = arith.constant 0 : i32
      %dma_start3A_1045 = tpu.memref_slice %arg6[%dma_start3A_1040, %dma_start3A_1041, %dma_start3A_1044] : memref<2x32x128xf32, #tpu.memory_space<vmem>> -> memref<1x1x128xf32, #tpu.memory_space<vmem>>
      %dma_start3A_1046 = tpu.memref_squeeze %dma_start3A_1045 : memref<1x1x128xf32, #tpu.memory_space<vmem>> -> memref<128xf32, #tpu.memory_space<vmem>>
      %dma_start3A_1047 = arith.constant 0 : i32
      %dma_start3A_1048 = tpu.memref_slice %arg5[%dma_start3A_1042, %dma_start3A_1043, %dma_start3A_1047] : memref<2x32x128xi32, #tpu.memory_space<vmem>> -> memref<1x1x128xi32, #tpu.memory_space<vmem>>
      %dma_start3A_1049 = tpu.memref_squeeze %dma_start3A_1048 : memref<1x1x128xi32, #tpu.memory_space<vmem>> -> memref<128xi32, #tpu.memory_space<vmem>>
      %dma_start3A_1050 = arith.constant 0 : i32
      %dma_start3A_1051 = tpu.memref_slice %arg8[%dma_start3A_1050] : memref<750080xf32, #tpu.memory_space<vmem_shared>> -> memref<750080xf32, #tpu.memory_space<vmem_shared>>
      tpu.enqueue_indirect_dma source(%dma_start3A_1046 : memref<128xf32, #tpu.memory_space<vmem>>) target(%dma_start3A_1051 : memref<750080xf32, #tpu.memory_space<vmem_shared>>) offsets(%dma_start3A_1049 : memref<128xi32, #tpu.memory_space<vmem>>) semaphore(%arg11 : memref<!tpu.dma_semaphore, #tpu.memory_space<semaphore_mem>>) {add = true}
      %dma_start3A_1052 = arith.constant 1 : i32
      %dma_start3A_1053 = arith.constant 8 : i32
      %dma_start3A_1054 = arith.constant 1 : i32
      %dma_start3A_1055 = arith.constant 8 : i32
      %dma_start3A_1056 = arith.constant 0 : i32
      %dma_start3A_1057 = tpu.memref_slice %arg6[%dma_start3A_1052, %dma_start3A_1053, %dma_start3A_1056] : memref<2x32x128xf32, #tpu.memory_space<vmem>> -> memref<1x1x128xf32, #tpu.memory_space<vmem>>
      %dma_start3A_1058 = tpu.memref_squeeze %dma_start3A_1057 : memref<1x1x128xf32, #tpu.memory_space<vmem>> -> memref<128xf32, #tpu.memory_space<vmem>>
      %dma_start3A_1059 = arith.constant 0 : i32
      %dma_start3A_1060 = tpu.memref_slice %arg5[%dma_start3A_1054, %dma_start3A_1055, %dma_start3A_1059] : memref<2x32x128xi32, #tpu.memory_space<vmem>> -> memref<1x1x128xi32, #tpu.memory_space<vmem>>
      %dma_start3A_1061 = tpu.memref_squeeze %dma_start3A_1060 : memref<1x1x128xi32, #tpu.memory_space<vmem>> -> memref<128xi32, #tpu.memory_space<vmem>>
      %dma_start3A_1062 = arith.constant 0 : i32
      %dma_start3A_1063 = tpu.memref_slice %arg8[%dma_start3A_1062] : memref<750080xf32, #tpu.memory_space<vmem_shared>> -> memref<750080xf32, #tpu.memory_space<vmem_shared>>
      tpu.enqueue_indirect_dma source(%dma_start3A_1058 : memref<128xf32, #tpu.memory_space<vmem>>) target(%dma_start3A_1063 : memref<750080xf32, #tpu.memory_space<vmem_shared>>) offsets(%dma_start3A_1061 : memref<128xi32, #tpu.memory_space<vmem>>) semaphore(%arg11 : memref<!tpu.dma_semaphore, #tpu.memory_space<semaphore_mem>>) {add = true}
      %dma_start3A_1064 = arith.constant 1 : i32
      %dma_start3A_1065 = arith.constant 9 : i32
      %dma_start3A_1066 = arith.constant 1 : i32
      %dma_start3A_1067 = arith.constant 9 : i32
      %dma_start3A_1068 = arith.constant 0 : i32
      %dma_start3A_1069 = tpu.memref_slice %arg6[%dma_start3A_1064, %dma_start3A_1065, %dma_start3A_1068] : memref<2x32x128xf32, #tpu.memory_space<vmem>> -> memref<1x1x128xf32, #tpu.memory_space<vmem>>
      %dma_start3A_1070 = tpu.memref_squeeze %dma_start3A_1069 : memref<1x1x128xf32, #tpu.memory_space<vmem>> -> memref<128xf32, #tpu.memory_space<vmem>>
      %dma_start3A_1071 = arith.constant 0 : i32
      %dma_start3A_1072 = tpu.memref_slice %arg5[%dma_start3A_1066, %dma_start3A_1067, %dma_start3A_1071] : memref<2x32x128xi32, #tpu.memory_space<vmem>> -> memref<1x1x128xi32, #tpu.memory_space<vmem>>
      %dma_start3A_1073 = tpu.memref_squeeze %dma_start3A_1072 : memref<1x1x128xi32, #tpu.memory_space<vmem>> -> memref<128xi32, #tpu.memory_space<vmem>>
      %dma_start3A_1074 = arith.constant 0 : i32
      %dma_start3A_1075 = tpu.memref_slice %arg8[%dma_start3A_1074] : memref<750080xf32, #tpu.memory_space<vmem_shared>> -> memref<750080xf32, #tpu.memory_space<vmem_shared>>
      tpu.enqueue_indirect_dma source(%dma_start3A_1070 : memref<128xf32, #tpu.memory_space<vmem>>) target(%dma_start3A_1075 : memref<750080xf32, #tpu.memory_space<vmem_shared>>) offsets(%dma_start3A_1073 : memref<128xi32, #tpu.memory_space<vmem>>) semaphore(%arg11 : memref<!tpu.dma_semaphore, #tpu.memory_space<semaphore_mem>>) {add = true}
      %dma_start3A_1076 = arith.constant 1 : i32
      %dma_start3A_1077 = arith.constant 10 : i32
      %dma_start3A_1078 = arith.constant 1 : i32
      %dma_start3A_1079 = arith.constant 10 : i32
      %dma_start3A_1080 = arith.constant 0 : i32
      %dma_start3A_1081 = tpu.memref_slice %arg6[%dma_start3A_1076, %dma_start3A_1077, %dma_start3A_1080] : memref<2x32x128xf32, #tpu.memory_space<vmem>> -> memref<1x1x128xf32, #tpu.memory_space<vmem>>
      %dma_start3A_1082 = tpu.memref_squeeze %dma_start3A_1081 : memref<1x1x128xf32, #tpu.memory_space<vmem>> -> memref<128xf32, #tpu.memory_space<vmem>>
      %dma_start3A_1083 = arith.constant 0 : i32
      %dma_start3A_1084 = tpu.memref_slice %arg5[%dma_start3A_1078, %dma_start3A_1079, %dma_start3A_1083] : memref<2x32x128xi32, #tpu.memory_space<vmem>> -> memref<1x1x128xi32, #tpu.memory_space<vmem>>
      %dma_start3A_1085 = tpu.memref_squeeze %dma_start3A_1084 : memref<1x1x128xi32, #tpu.memory_space<vmem>> -> memref<128xi32, #tpu.memory_space<vmem>>
      %dma_start3A_1086 = arith.constant 0 : i32
      %dma_start3A_1087 = tpu.memref_slice %arg8[%dma_start3A_1086] : memref<750080xf32, #tpu.memory_space<vmem_shared>> -> memref<750080xf32, #tpu.memory_space<vmem_shared>>
      tpu.enqueue_indirect_dma source(%dma_start3A_1082 : memref<128xf32, #tpu.memory_space<vmem>>) target(%dma_start3A_1087 : memref<750080xf32, #tpu.memory_space<vmem_shared>>) offsets(%dma_start3A_1085 : memref<128xi32, #tpu.memory_space<vmem>>) semaphore(%arg11 : memref<!tpu.dma_semaphore, #tpu.memory_space<semaphore_mem>>) {add = true}
      %dma_start3A_1088 = arith.constant 1 : i32
      %dma_start3A_1089 = arith.constant 11 : i32
      %dma_start3A_1090 = arith.constant 1 : i32
      %dma_start3A_1091 = arith.constant 11 : i32
      %dma_start3A_1092 = arith.constant 0 : i32
      %dma_start3A_1093 = tpu.memref_slice %arg6[%dma_start3A_1088, %dma_start3A_1089, %dma_start3A_1092] : memref<2x32x128xf32, #tpu.memory_space<vmem>> -> memref<1x1x128xf32, #tpu.memory_space<vmem>>
      %dma_start3A_1094 = tpu.memref_squeeze %dma_start3A_1093 : memref<1x1x128xf32, #tpu.memory_space<vmem>> -> memref<128xf32, #tpu.memory_space<vmem>>
      %dma_start3A_1095 = arith.constant 0 : i32
      %dma_start3A_1096 = tpu.memref_slice %arg5[%dma_start3A_1090, %dma_start3A_1091, %dma_start3A_1095] : memref<2x32x128xi32, #tpu.memory_space<vmem>> -> memref<1x1x128xi32, #tpu.memory_space<vmem>>
      %dma_start3A_1097 = tpu.memref_squeeze %dma_start3A_1096 : memref<1x1x128xi32, #tpu.memory_space<vmem>> -> memref<128xi32, #tpu.memory_space<vmem>>
      %dma_start3A_1098 = arith.constant 0 : i32
      %dma_start3A_1099 = tpu.memref_slice %arg8[%dma_start3A_1098] : memref<750080xf32, #tpu.memory_space<vmem_shared>> -> memref<750080xf32, #tpu.memory_space<vmem_shared>>
      tpu.enqueue_indirect_dma source(%dma_start3A_1094 : memref<128xf32, #tpu.memory_space<vmem>>) target(%dma_start3A_1099 : memref<750080xf32, #tpu.memory_space<vmem_shared>>) offsets(%dma_start3A_1097 : memref<128xi32, #tpu.memory_space<vmem>>) semaphore(%arg11 : memref<!tpu.dma_semaphore, #tpu.memory_space<semaphore_mem>>) {add = true}
      %dma_start3A_1100 = arith.constant 1 : i32
      %dma_start3A_1101 = arith.constant 12 : i32
      %dma_start3A_1102 = arith.constant 1 : i32
      %dma_start3A_1103 = arith.constant 12 : i32
      %dma_start3A_1104 = arith.constant 0 : i32
      %dma_start3A_1105 = tpu.memref_slice %arg6[%dma_start3A_1100, %dma_start3A_1101, %dma_start3A_1104] : memref<2x32x128xf32, #tpu.memory_space<vmem>> -> memref<1x1x128xf32, #tpu.memory_space<vmem>>
      %dma_start3A_1106 = tpu.memref_squeeze %dma_start3A_1105 : memref<1x1x128xf32, #tpu.memory_space<vmem>> -> memref<128xf32, #tpu.memory_space<vmem>>
      %dma_start3A_1107 = arith.constant 0 : i32
      %dma_start3A_1108 = tpu.memref_slice %arg5[%dma_start3A_1102, %dma_start3A_1103, %dma_start3A_1107] : memref<2x32x128xi32, #tpu.memory_space<vmem>> -> memref<1x1x128xi32, #tpu.memory_space<vmem>>
      %dma_start3A_1109 = tpu.memref_squeeze %dma_start3A_1108 : memref<1x1x128xi32, #tpu.memory_space<vmem>> -> memref<128xi32, #tpu.memory_space<vmem>>
      %dma_start3A_1110 = arith.constant 0 : i32
      %dma_start3A_1111 = tpu.memref_slice %arg8[%dma_start3A_1110] : memref<750080xf32, #tpu.memory_space<vmem_shared>> -> memref<750080xf32, #tpu.memory_space<vmem_shared>>
      tpu.enqueue_indirect_dma source(%dma_start3A_1106 : memref<128xf32, #tpu.memory_space<vmem>>) target(%dma_start3A_1111 : memref<750080xf32, #tpu.memory_space<vmem_shared>>) offsets(%dma_start3A_1109 : memref<128xi32, #tpu.memory_space<vmem>>) semaphore(%arg11 : memref<!tpu.dma_semaphore, #tpu.memory_space<semaphore_mem>>) {add = true}
      %dma_start3A_1112 = arith.constant 1 : i32
      %dma_start3A_1113 = arith.constant 13 : i32
      %dma_start3A_1114 = arith.constant 1 : i32
      %dma_start3A_1115 = arith.constant 13 : i32
      %dma_start3A_1116 = arith.constant 0 : i32
      %dma_start3A_1117 = tpu.memref_slice %arg6[%dma_start3A_1112, %dma_start3A_1113, %dma_start3A_1116] : memref<2x32x128xf32, #tpu.memory_space<vmem>> -> memref<1x1x128xf32, #tpu.memory_space<vmem>>
      %dma_start3A_1118 = tpu.memref_squeeze %dma_start3A_1117 : memref<1x1x128xf32, #tpu.memory_space<vmem>> -> memref<128xf32, #tpu.memory_space<vmem>>
      %dma_start3A_1119 = arith.constant 0 : i32
      %dma_start3A_1120 = tpu.memref_slice %arg5[%dma_start3A_1114, %dma_start3A_1115, %dma_start3A_1119] : memref<2x32x128xi32, #tpu.memory_space<vmem>> -> memref<1x1x128xi32, #tpu.memory_space<vmem>>
      %dma_start3A_1121 = tpu.memref_squeeze %dma_start3A_1120 : memref<1x1x128xi32, #tpu.memory_space<vmem>> -> memref<128xi32, #tpu.memory_space<vmem>>
      %dma_start3A_1122 = arith.constant 0 : i32
      %dma_start3A_1123 = tpu.memref_slice %arg8[%dma_start3A_1122] : memref<750080xf32, #tpu.memory_space<vmem_shared>> -> memref<750080xf32, #tpu.memory_space<vmem_shared>>
      tpu.enqueue_indirect_dma source(%dma_start3A_1118 : memref<128xf32, #tpu.memory_space<vmem>>) target(%dma_start3A_1123 : memref<750080xf32, #tpu.memory_space<vmem_shared>>) offsets(%dma_start3A_1121 : memref<128xi32, #tpu.memory_space<vmem>>) semaphore(%arg11 : memref<!tpu.dma_semaphore, #tpu.memory_space<semaphore_mem>>) {add = true}
      %dma_start3A_1124 = arith.constant 1 : i32
      %dma_start3A_1125 = arith.constant 14 : i32
      %dma_start3A_1126 = arith.constant 1 : i32
      %dma_start3A_1127 = arith.constant 14 : i32
      %dma_start3A_1128 = arith.constant 0 : i32
      %dma_start3A_1129 = tpu.memref_slice %arg6[%dma_start3A_1124, %dma_start3A_1125, %dma_start3A_1128] : memref<2x32x128xf32, #tpu.memory_space<vmem>> -> memref<1x1x128xf32, #tpu.memory_space<vmem>>
      %dma_start3A_1130 = tpu.memref_squeeze %dma_start3A_1129 : memref<1x1x128xf32, #tpu.memory_space<vmem>> -> memref<128xf32, #tpu.memory_space<vmem>>
      %dma_start3A_1131 = arith.constant 0 : i32
      %dma_start3A_1132 = tpu.memref_slice %arg5[%dma_start3A_1126, %dma_start3A_1127, %dma_start3A_1131] : memref<2x32x128xi32, #tpu.memory_space<vmem>> -> memref<1x1x128xi32, #tpu.memory_space<vmem>>
      %dma_start3A_1133 = tpu.memref_squeeze %dma_start3A_1132 : memref<1x1x128xi32, #tpu.memory_space<vmem>> -> memref<128xi32, #tpu.memory_space<vmem>>
      %dma_start3A_1134 = arith.constant 0 : i32
      %dma_start3A_1135 = tpu.memref_slice %arg8[%dma_start3A_1134] : memref<750080xf32, #tpu.memory_space<vmem_shared>> -> memref<750080xf32, #tpu.memory_space<vmem_shared>>
      tpu.enqueue_indirect_dma source(%dma_start3A_1130 : memref<128xf32, #tpu.memory_space<vmem>>) target(%dma_start3A_1135 : memref<750080xf32, #tpu.memory_space<vmem_shared>>) offsets(%dma_start3A_1133 : memref<128xi32, #tpu.memory_space<vmem>>) semaphore(%arg11 : memref<!tpu.dma_semaphore, #tpu.memory_space<semaphore_mem>>) {add = true}
      %dma_start3A_1136 = arith.constant 1 : i32
      %dma_start3A_1137 = arith.constant 15 : i32
      %dma_start3A_1138 = arith.constant 1 : i32
      %dma_start3A_1139 = arith.constant 15 : i32
      %dma_start3A_1140 = arith.constant 0 : i32
      %dma_start3A_1141 = tpu.memref_slice %arg6[%dma_start3A_1136, %dma_start3A_1137, %dma_start3A_1140] : memref<2x32x128xf32, #tpu.memory_space<vmem>> -> memref<1x1x128xf32, #tpu.memory_space<vmem>>
      %dma_start3A_1142 = tpu.memref_squeeze %dma_start3A_1141 : memref<1x1x128xf32, #tpu.memory_space<vmem>> -> memref<128xf32, #tpu.memory_space<vmem>>
      %dma_start3A_1143 = arith.constant 0 : i32
      %dma_start3A_1144 = tpu.memref_slice %arg5[%dma_start3A_1138, %dma_start3A_1139, %dma_start3A_1143] : memref<2x32x128xi32, #tpu.memory_space<vmem>> -> memref<1x1x128xi32, #tpu.memory_space<vmem>>
      %dma_start3A_1145 = tpu.memref_squeeze %dma_start3A_1144 : memref<1x1x128xi32, #tpu.memory_space<vmem>> -> memref<128xi32, #tpu.memory_space<vmem>>
      %dma_start3A_1146 = arith.constant 0 : i32
      %dma_start3A_1147 = tpu.memref_slice %arg8[%dma_start3A_1146] : memref<750080xf32, #tpu.memory_space<vmem_shared>> -> memref<750080xf32, #tpu.memory_space<vmem_shared>>
      tpu.enqueue_indirect_dma source(%dma_start3A_1142 : memref<128xf32, #tpu.memory_space<vmem>>) target(%dma_start3A_1147 : memref<750080xf32, #tpu.memory_space<vmem_shared>>) offsets(%dma_start3A_1145 : memref<128xi32, #tpu.memory_space<vmem>>) semaphore(%arg11 : memref<!tpu.dma_semaphore, #tpu.memory_space<semaphore_mem>>) {add = true}
      %dma_start3A_1148 = arith.constant 1 : i32
      %dma_start3A_1149 = arith.constant 16 : i32
      %dma_start3A_1150 = arith.constant 1 : i32
      %dma_start3A_1151 = arith.constant 16 : i32
      %dma_start3A_1152 = arith.constant 0 : i32
      %dma_start3A_1153 = tpu.memref_slice %arg6[%dma_start3A_1148, %dma_start3A_1149, %dma_start3A_1152] : memref<2x32x128xf32, #tpu.memory_space<vmem>> -> memref<1x1x128xf32, #tpu.memory_space<vmem>>
      %dma_start3A_1154 = tpu.memref_squeeze %dma_start3A_1153 : memref<1x1x128xf32, #tpu.memory_space<vmem>> -> memref<128xf32, #tpu.memory_space<vmem>>
      %dma_start3A_1155 = arith.constant 0 : i32
      %dma_start3A_1156 = tpu.memref_slice %arg5[%dma_start3A_1150, %dma_start3A_1151, %dma_start3A_1155] : memref<2x32x128xi32, #tpu.memory_space<vmem>> -> memref<1x1x128xi32, #tpu.memory_space<vmem>>
      %dma_start3A_1157 = tpu.memref_squeeze %dma_start3A_1156 : memref<1x1x128xi32, #tpu.memory_space<vmem>> -> memref<128xi32, #tpu.memory_space<vmem>>
      %dma_start3A_1158 = arith.constant 0 : i32
      %dma_start3A_1159 = tpu.memref_slice %arg8[%dma_start3A_1158] : memref<750080xf32, #tpu.memory_space<vmem_shared>> -> memref<750080xf32, #tpu.memory_space<vmem_shared>>
      tpu.enqueue_indirect_dma source(%dma_start3A_1154 : memref<128xf32, #tpu.memory_space<vmem>>) target(%dma_start3A_1159 : memref<750080xf32, #tpu.memory_space<vmem_shared>>) offsets(%dma_start3A_1157 : memref<128xi32, #tpu.memory_space<vmem>>) semaphore(%arg11 : memref<!tpu.dma_semaphore, #tpu.memory_space<semaphore_mem>>) {add = true}
      %dma_start3A_1160 = arith.constant 1 : i32
      %dma_start3A_1161 = arith.constant 17 : i32
      %dma_start3A_1162 = arith.constant 1 : i32
      %dma_start3A_1163 = arith.constant 17 : i32
      %dma_start3A_1164 = arith.constant 0 : i32
      %dma_start3A_1165 = tpu.memref_slice %arg6[%dma_start3A_1160, %dma_start3A_1161, %dma_start3A_1164] : memref<2x32x128xf32, #tpu.memory_space<vmem>> -> memref<1x1x128xf32, #tpu.memory_space<vmem>>
      %dma_start3A_1166 = tpu.memref_squeeze %dma_start3A_1165 : memref<1x1x128xf32, #tpu.memory_space<vmem>> -> memref<128xf32, #tpu.memory_space<vmem>>
      %dma_start3A_1167 = arith.constant 0 : i32
      %dma_start3A_1168 = tpu.memref_slice %arg5[%dma_start3A_1162, %dma_start3A_1163, %dma_start3A_1167] : memref<2x32x128xi32, #tpu.memory_space<vmem>> -> memref<1x1x128xi32, #tpu.memory_space<vmem>>
      %dma_start3A_1169 = tpu.memref_squeeze %dma_start3A_1168 : memref<1x1x128xi32, #tpu.memory_space<vmem>> -> memref<128xi32, #tpu.memory_space<vmem>>
      %dma_start3A_1170 = arith.constant 0 : i32
      %dma_start3A_1171 = tpu.memref_slice %arg8[%dma_start3A_1170] : memref<750080xf32, #tpu.memory_space<vmem_shared>> -> memref<750080xf32, #tpu.memory_space<vmem_shared>>
      tpu.enqueue_indirect_dma source(%dma_start3A_1166 : memref<128xf32, #tpu.memory_space<vmem>>) target(%dma_start3A_1171 : memref<750080xf32, #tpu.memory_space<vmem_shared>>) offsets(%dma_start3A_1169 : memref<128xi32, #tpu.memory_space<vmem>>) semaphore(%arg11 : memref<!tpu.dma_semaphore, #tpu.memory_space<semaphore_mem>>) {add = true}
      %dma_start3A_1172 = arith.constant 1 : i32
      %dma_start3A_1173 = arith.constant 18 : i32
      %dma_start3A_1174 = arith.constant 1 : i32
      %dma_start3A_1175 = arith.constant 18 : i32
      %dma_start3A_1176 = arith.constant 0 : i32
      %dma_start3A_1177 = tpu.memref_slice %arg6[%dma_start3A_1172, %dma_start3A_1173, %dma_start3A_1176] : memref<2x32x128xf32, #tpu.memory_space<vmem>> -> memref<1x1x128xf32, #tpu.memory_space<vmem>>
      %dma_start3A_1178 = tpu.memref_squeeze %dma_start3A_1177 : memref<1x1x128xf32, #tpu.memory_space<vmem>> -> memref<128xf32, #tpu.memory_space<vmem>>
      %dma_start3A_1179 = arith.constant 0 : i32
      %dma_start3A_1180 = tpu.memref_slice %arg5[%dma_start3A_1174, %dma_start3A_1175, %dma_start3A_1179] : memref<2x32x128xi32, #tpu.memory_space<vmem>> -> memref<1x1x128xi32, #tpu.memory_space<vmem>>
      %dma_start3A_1181 = tpu.memref_squeeze %dma_start3A_1180 : memref<1x1x128xi32, #tpu.memory_space<vmem>> -> memref<128xi32, #tpu.memory_space<vmem>>
      %dma_start3A_1182 = arith.constant 0 : i32
      %dma_start3A_1183 = tpu.memref_slice %arg8[%dma_start3A_1182] : memref<750080xf32, #tpu.memory_space<vmem_shared>> -> memref<750080xf32, #tpu.memory_space<vmem_shared>>
      tpu.enqueue_indirect_dma source(%dma_start3A_1178 : memref<128xf32, #tpu.memory_space<vmem>>) target(%dma_start3A_1183 : memref<750080xf32, #tpu.memory_space<vmem_shared>>) offsets(%dma_start3A_1181 : memref<128xi32, #tpu.memory_space<vmem>>) semaphore(%arg11 : memref<!tpu.dma_semaphore, #tpu.memory_space<semaphore_mem>>) {add = true}
      %dma_start3A_1184 = arith.constant 1 : i32
      %dma_start3A_1185 = arith.constant 19 : i32
      %dma_start3A_1186 = arith.constant 1 : i32
      %dma_start3A_1187 = arith.constant 19 : i32
      %dma_start3A_1188 = arith.constant 0 : i32
      %dma_start3A_1189 = tpu.memref_slice %arg6[%dma_start3A_1184, %dma_start3A_1185, %dma_start3A_1188] : memref<2x32x128xf32, #tpu.memory_space<vmem>> -> memref<1x1x128xf32, #tpu.memory_space<vmem>>
      %dma_start3A_1190 = tpu.memref_squeeze %dma_start3A_1189 : memref<1x1x128xf32, #tpu.memory_space<vmem>> -> memref<128xf32, #tpu.memory_space<vmem>>
      %dma_start3A_1191 = arith.constant 0 : i32
      %dma_start3A_1192 = tpu.memref_slice %arg5[%dma_start3A_1186, %dma_start3A_1187, %dma_start3A_1191] : memref<2x32x128xi32, #tpu.memory_space<vmem>> -> memref<1x1x128xi32, #tpu.memory_space<vmem>>
      %dma_start3A_1193 = tpu.memref_squeeze %dma_start3A_1192 : memref<1x1x128xi32, #tpu.memory_space<vmem>> -> memref<128xi32, #tpu.memory_space<vmem>>
      %dma_start3A_1194 = arith.constant 0 : i32
      %dma_start3A_1195 = tpu.memref_slice %arg8[%dma_start3A_1194] : memref<750080xf32, #tpu.memory_space<vmem_shared>> -> memref<750080xf32, #tpu.memory_space<vmem_shared>>
      tpu.enqueue_indirect_dma source(%dma_start3A_1190 : memref<128xf32, #tpu.memory_space<vmem>>) target(%dma_start3A_1195 : memref<750080xf32, #tpu.memory_space<vmem_shared>>) offsets(%dma_start3A_1193 : memref<128xi32, #tpu.memory_space<vmem>>) semaphore(%arg11 : memref<!tpu.dma_semaphore, #tpu.memory_space<semaphore_mem>>) {add = true}
      %dma_start3A_1196 = arith.constant 1 : i32
      %dma_start3A_1197 = arith.constant 20 : i32
      %dma_start3A_1198 = arith.constant 1 : i32
      %dma_start3A_1199 = arith.constant 20 : i32
      %dma_start3A_1200 = arith.constant 0 : i32
      %dma_start3A_1201 = tpu.memref_slice %arg6[%dma_start3A_1196, %dma_start3A_1197, %dma_start3A_1200] : memref<2x32x128xf32, #tpu.memory_space<vmem>> -> memref<1x1x128xf32, #tpu.memory_space<vmem>>
      %dma_start3A_1202 = tpu.memref_squeeze %dma_start3A_1201 : memref<1x1x128xf32, #tpu.memory_space<vmem>> -> memref<128xf32, #tpu.memory_space<vmem>>
      %dma_start3A_1203 = arith.constant 0 : i32
      %dma_start3A_1204 = tpu.memref_slice %arg5[%dma_start3A_1198, %dma_start3A_1199, %dma_start3A_1203] : memref<2x32x128xi32, #tpu.memory_space<vmem>> -> memref<1x1x128xi32, #tpu.memory_space<vmem>>
      %dma_start3A_1205 = tpu.memref_squeeze %dma_start3A_1204 : memref<1x1x128xi32, #tpu.memory_space<vmem>> -> memref<128xi32, #tpu.memory_space<vmem>>
      %dma_start3A_1206 = arith.constant 0 : i32
      %dma_start3A_1207 = tpu.memref_slice %arg8[%dma_start3A_1206] : memref<750080xf32, #tpu.memory_space<vmem_shared>> -> memref<750080xf32, #tpu.memory_space<vmem_shared>>
      tpu.enqueue_indirect_dma source(%dma_start3A_1202 : memref<128xf32, #tpu.memory_space<vmem>>) target(%dma_start3A_1207 : memref<750080xf32, #tpu.memory_space<vmem_shared>>) offsets(%dma_start3A_1205 : memref<128xi32, #tpu.memory_space<vmem>>) semaphore(%arg11 : memref<!tpu.dma_semaphore, #tpu.memory_space<semaphore_mem>>) {add = true}
      %dma_start3A_1208 = arith.constant 1 : i32
      %dma_start3A_1209 = arith.constant 21 : i32
      %dma_start3A_1210 = arith.constant 1 : i32
      %dma_start3A_1211 = arith.constant 21 : i32
      %dma_start3A_1212 = arith.constant 0 : i32
      %dma_start3A_1213 = tpu.memref_slice %arg6[%dma_start3A_1208, %dma_start3A_1209, %dma_start3A_1212] : memref<2x32x128xf32, #tpu.memory_space<vmem>> -> memref<1x1x128xf32, #tpu.memory_space<vmem>>
      %dma_start3A_1214 = tpu.memref_squeeze %dma_start3A_1213 : memref<1x1x128xf32, #tpu.memory_space<vmem>> -> memref<128xf32, #tpu.memory_space<vmem>>
      %dma_start3A_1215 = arith.constant 0 : i32
      %dma_start3A_1216 = tpu.memref_slice %arg5[%dma_start3A_1210, %dma_start3A_1211, %dma_start3A_1215] : memref<2x32x128xi32, #tpu.memory_space<vmem>> -> memref<1x1x128xi32, #tpu.memory_space<vmem>>
      %dma_start3A_1217 = tpu.memref_squeeze %dma_start3A_1216 : memref<1x1x128xi32, #tpu.memory_space<vmem>> -> memref<128xi32, #tpu.memory_space<vmem>>
      %dma_start3A_1218 = arith.constant 0 : i32
      %dma_start3A_1219 = tpu.memref_slice %arg8[%dma_start3A_1218] : memref<750080xf32, #tpu.memory_space<vmem_shared>> -> memref<750080xf32, #tpu.memory_space<vmem_shared>>
      tpu.enqueue_indirect_dma source(%dma_start3A_1214 : memref<128xf32, #tpu.memory_space<vmem>>) target(%dma_start3A_1219 : memref<750080xf32, #tpu.memory_space<vmem_shared>>) offsets(%dma_start3A_1217 : memref<128xi32, #tpu.memory_space<vmem>>) semaphore(%arg11 : memref<!tpu.dma_semaphore, #tpu.memory_space<semaphore_mem>>) {add = true}
      %dma_start3A_1220 = arith.constant 1 : i32
      %dma_start3A_1221 = arith.constant 22 : i32
      %dma_start3A_1222 = arith.constant 1 : i32
      %dma_start3A_1223 = arith.constant 22 : i32
      %dma_start3A_1224 = arith.constant 0 : i32
      %dma_start3A_1225 = tpu.memref_slice %arg6[%dma_start3A_1220, %dma_start3A_1221, %dma_start3A_1224] : memref<2x32x128xf32, #tpu.memory_space<vmem>> -> memref<1x1x128xf32, #tpu.memory_space<vmem>>
      %dma_start3A_1226 = tpu.memref_squeeze %dma_start3A_1225 : memref<1x1x128xf32, #tpu.memory_space<vmem>> -> memref<128xf32, #tpu.memory_space<vmem>>
      %dma_start3A_1227 = arith.constant 0 : i32
      %dma_start3A_1228 = tpu.memref_slice %arg5[%dma_start3A_1222, %dma_start3A_1223, %dma_start3A_1227] : memref<2x32x128xi32, #tpu.memory_space<vmem>> -> memref<1x1x128xi32, #tpu.memory_space<vmem>>
      %dma_start3A_1229 = tpu.memref_squeeze %dma_start3A_1228 : memref<1x1x128xi32, #tpu.memory_space<vmem>> -> memref<128xi32, #tpu.memory_space<vmem>>
      %dma_start3A_1230 = arith.constant 0 : i32
      %dma_start3A_1231 = tpu.memref_slice %arg8[%dma_start3A_1230] : memref<750080xf32, #tpu.memory_space<vmem_shared>> -> memref<750080xf32, #tpu.memory_space<vmem_shared>>
      tpu.enqueue_indirect_dma source(%dma_start3A_1226 : memref<128xf32, #tpu.memory_space<vmem>>) target(%dma_start3A_1231 : memref<750080xf32, #tpu.memory_space<vmem_shared>>) offsets(%dma_start3A_1229 : memref<128xi32, #tpu.memory_space<vmem>>) semaphore(%arg11 : memref<!tpu.dma_semaphore, #tpu.memory_space<semaphore_mem>>) {add = true}
      %dma_start3A_1232 = arith.constant 1 : i32
      %dma_start3A_1233 = arith.constant 23 : i32
      %dma_start3A_1234 = arith.constant 1 : i32
      %dma_start3A_1235 = arith.constant 23 : i32
      %dma_start3A_1236 = arith.constant 0 : i32
      %dma_start3A_1237 = tpu.memref_slice %arg6[%dma_start3A_1232, %dma_start3A_1233, %dma_start3A_1236] : memref<2x32x128xf32, #tpu.memory_space<vmem>> -> memref<1x1x128xf32, #tpu.memory_space<vmem>>
      %dma_start3A_1238 = tpu.memref_squeeze %dma_start3A_1237 : memref<1x1x128xf32, #tpu.memory_space<vmem>> -> memref<128xf32, #tpu.memory_space<vmem>>
      %dma_start3A_1239 = arith.constant 0 : i32
      %dma_start3A_1240 = tpu.memref_slice %arg5[%dma_start3A_1234, %dma_start3A_1235, %dma_start3A_1239] : memref<2x32x128xi32, #tpu.memory_space<vmem>> -> memref<1x1x128xi32, #tpu.memory_space<vmem>>
      %dma_start3A_1241 = tpu.memref_squeeze %dma_start3A_1240 : memref<1x1x128xi32, #tpu.memory_space<vmem>> -> memref<128xi32, #tpu.memory_space<vmem>>
      %dma_start3A_1242 = arith.constant 0 : i32
      %dma_start3A_1243 = tpu.memref_slice %arg8[%dma_start3A_1242] : memref<750080xf32, #tpu.memory_space<vmem_shared>> -> memref<750080xf32, #tpu.memory_space<vmem_shared>>
      tpu.enqueue_indirect_dma source(%dma_start3A_1238 : memref<128xf32, #tpu.memory_space<vmem>>) target(%dma_start3A_1243 : memref<750080xf32, #tpu.memory_space<vmem_shared>>) offsets(%dma_start3A_1241 : memref<128xi32, #tpu.memory_space<vmem>>) semaphore(%arg11 : memref<!tpu.dma_semaphore, #tpu.memory_space<semaphore_mem>>) {add = true}
      %dma_start3A_1244 = arith.constant 1 : i32
      %dma_start3A_1245 = arith.constant 24 : i32
      %dma_start3A_1246 = arith.constant 1 : i32
      %dma_start3A_1247 = arith.constant 24 : i32
      %dma_start3A_1248 = arith.constant 0 : i32
      %dma_start3A_1249 = tpu.memref_slice %arg6[%dma_start3A_1244, %dma_start3A_1245, %dma_start3A_1248] : memref<2x32x128xf32, #tpu.memory_space<vmem>> -> memref<1x1x128xf32, #tpu.memory_space<vmem>>
      %dma_start3A_1250 = tpu.memref_squeeze %dma_start3A_1249 : memref<1x1x128xf32, #tpu.memory_space<vmem>> -> memref<128xf32, #tpu.memory_space<vmem>>
      %dma_start3A_1251 = arith.constant 0 : i32
      %dma_start3A_1252 = tpu.memref_slice %arg5[%dma_start3A_1246, %dma_start3A_1247, %dma_start3A_1251] : memref<2x32x128xi32, #tpu.memory_space<vmem>> -> memref<1x1x128xi32, #tpu.memory_space<vmem>>
      %dma_start3A_1253 = tpu.memref_squeeze %dma_start3A_1252 : memref<1x1x128xi32, #tpu.memory_space<vmem>> -> memref<128xi32, #tpu.memory_space<vmem>>
      %dma_start3A_1254 = arith.constant 0 : i32
      %dma_start3A_1255 = tpu.memref_slice %arg8[%dma_start3A_1254] : memref<750080xf32, #tpu.memory_space<vmem_shared>> -> memref<750080xf32, #tpu.memory_space<vmem_shared>>
      tpu.enqueue_indirect_dma source(%dma_start3A_1250 : memref<128xf32, #tpu.memory_space<vmem>>) target(%dma_start3A_1255 : memref<750080xf32, #tpu.memory_space<vmem_shared>>) offsets(%dma_start3A_1253 : memref<128xi32, #tpu.memory_space<vmem>>) semaphore(%arg11 : memref<!tpu.dma_semaphore, #tpu.memory_space<semaphore_mem>>) {add = true}
      %dma_start3A_1256 = arith.constant 1 : i32
      %dma_start3A_1257 = arith.constant 25 : i32
      %dma_start3A_1258 = arith.constant 1 : i32
      %dma_start3A_1259 = arith.constant 25 : i32
      %dma_start3A_1260 = arith.constant 0 : i32
      %dma_start3A_1261 = tpu.memref_slice %arg6[%dma_start3A_1256, %dma_start3A_1257, %dma_start3A_1260] : memref<2x32x128xf32, #tpu.memory_space<vmem>> -> memref<1x1x128xf32, #tpu.memory_space<vmem>>
      %dma_start3A_1262 = tpu.memref_squeeze %dma_start3A_1261 : memref<1x1x128xf32, #tpu.memory_space<vmem>> -> memref<128xf32, #tpu.memory_space<vmem>>
      %dma_start3A_1263 = arith.constant 0 : i32
      %dma_start3A_1264 = tpu.memref_slice %arg5[%dma_start3A_1258, %dma_start3A_1259, %dma_start3A_1263] : memref<2x32x128xi32, #tpu.memory_space<vmem>> -> memref<1x1x128xi32, #tpu.memory_space<vmem>>
      %dma_start3A_1265 = tpu.memref_squeeze %dma_start3A_1264 : memref<1x1x128xi32, #tpu.memory_space<vmem>> -> memref<128xi32, #tpu.memory_space<vmem>>
      %dma_start3A_1266 = arith.constant 0 : i32
      %dma_start3A_1267 = tpu.memref_slice %arg8[%dma_start3A_1266] : memref<750080xf32, #tpu.memory_space<vmem_shared>> -> memref<750080xf32, #tpu.memory_space<vmem_shared>>
      tpu.enqueue_indirect_dma source(%dma_start3A_1262 : memref<128xf32, #tpu.memory_space<vmem>>) target(%dma_start3A_1267 : memref<750080xf32, #tpu.memory_space<vmem_shared>>) offsets(%dma_start3A_1265 : memref<128xi32, #tpu.memory_space<vmem>>) semaphore(%arg11 : memref<!tpu.dma_semaphore, #tpu.memory_space<semaphore_mem>>) {add = true}
      %dma_start3A_1268 = arith.constant 1 : i32
      %dma_start3A_1269 = arith.constant 26 : i32
      %dma_start3A_1270 = arith.constant 1 : i32
      %dma_start3A_1271 = arith.constant 26 : i32
      %dma_start3A_1272 = arith.constant 0 : i32
      %dma_start3A_1273 = tpu.memref_slice %arg6[%dma_start3A_1268, %dma_start3A_1269, %dma_start3A_1272] : memref<2x32x128xf32, #tpu.memory_space<vmem>> -> memref<1x1x128xf32, #tpu.memory_space<vmem>>
      %dma_start3A_1274 = tpu.memref_squeeze %dma_start3A_1273 : memref<1x1x128xf32, #tpu.memory_space<vmem>> -> memref<128xf32, #tpu.memory_space<vmem>>
      %dma_start3A_1275 = arith.constant 0 : i32
      %dma_start3A_1276 = tpu.memref_slice %arg5[%dma_start3A_1270, %dma_start3A_1271, %dma_start3A_1275] : memref<2x32x128xi32, #tpu.memory_space<vmem>> -> memref<1x1x128xi32, #tpu.memory_space<vmem>>
      %dma_start3A_1277 = tpu.memref_squeeze %dma_start3A_1276 : memref<1x1x128xi32, #tpu.memory_space<vmem>> -> memref<128xi32, #tpu.memory_space<vmem>>
      %dma_start3A_1278 = arith.constant 0 : i32
      %dma_start3A_1279 = tpu.memref_slice %arg8[%dma_start3A_1278] : memref<750080xf32, #tpu.memory_space<vmem_shared>> -> memref<750080xf32, #tpu.memory_space<vmem_shared>>
      tpu.enqueue_indirect_dma source(%dma_start3A_1274 : memref<128xf32, #tpu.memory_space<vmem>>) target(%dma_start3A_1279 : memref<750080xf32, #tpu.memory_space<vmem_shared>>) offsets(%dma_start3A_1277 : memref<128xi32, #tpu.memory_space<vmem>>) semaphore(%arg11 : memref<!tpu.dma_semaphore, #tpu.memory_space<semaphore_mem>>) {add = true}
      %dma_start3A_1280 = arith.constant 1 : i32
      %dma_start3A_1281 = arith.constant 27 : i32
      %dma_start3A_1282 = arith.constant 1 : i32
      %dma_start3A_1283 = arith.constant 27 : i32
      %dma_start3A_1284 = arith.constant 0 : i32
      %dma_start3A_1285 = tpu.memref_slice %arg6[%dma_start3A_1280, %dma_start3A_1281, %dma_start3A_1284] : memref<2x32x128xf32, #tpu.memory_space<vmem>> -> memref<1x1x128xf32, #tpu.memory_space<vmem>>
      %dma_start3A_1286 = tpu.memref_squeeze %dma_start3A_1285 : memref<1x1x128xf32, #tpu.memory_space<vmem>> -> memref<128xf32, #tpu.memory_space<vmem>>
      %dma_start3A_1287 = arith.constant 0 : i32
      %dma_start3A_1288 = tpu.memref_slice %arg5[%dma_start3A_1282, %dma_start3A_1283, %dma_start3A_1287] : memref<2x32x128xi32, #tpu.memory_space<vmem>> -> memref<1x1x128xi32, #tpu.memory_space<vmem>>
      %dma_start3A_1289 = tpu.memref_squeeze %dma_start3A_1288 : memref<1x1x128xi32, #tpu.memory_space<vmem>> -> memref<128xi32, #tpu.memory_space<vmem>>
      %dma_start3A_1290 = arith.constant 0 : i32
      %dma_start3A_1291 = tpu.memref_slice %arg8[%dma_start3A_1290] : memref<750080xf32, #tpu.memory_space<vmem_shared>> -> memref<750080xf32, #tpu.memory_space<vmem_shared>>
      tpu.enqueue_indirect_dma source(%dma_start3A_1286 : memref<128xf32, #tpu.memory_space<vmem>>) target(%dma_start3A_1291 : memref<750080xf32, #tpu.memory_space<vmem_shared>>) offsets(%dma_start3A_1289 : memref<128xi32, #tpu.memory_space<vmem>>) semaphore(%arg11 : memref<!tpu.dma_semaphore, #tpu.memory_space<semaphore_mem>>) {add = true}
      %dma_start3A_1292 = arith.constant 1 : i32
      %dma_start3A_1293 = arith.constant 28 : i32
      %dma_start3A_1294 = arith.constant 1 : i32
      %dma_start3A_1295 = arith.constant 28 : i32
      %dma_start3A_1296 = arith.constant 0 : i32
      %dma_start3A_1297 = tpu.memref_slice %arg6[%dma_start3A_1292, %dma_start3A_1293, %dma_start3A_1296] : memref<2x32x128xf32, #tpu.memory_space<vmem>> -> memref<1x1x128xf32, #tpu.memory_space<vmem>>
      %dma_start3A_1298 = tpu.memref_squeeze %dma_start3A_1297 : memref<1x1x128xf32, #tpu.memory_space<vmem>> -> memref<128xf32, #tpu.memory_space<vmem>>
      %dma_start3A_1299 = arith.constant 0 : i32
      %dma_start3A_1300 = tpu.memref_slice %arg5[%dma_start3A_1294, %dma_start3A_1295, %dma_start3A_1299] : memref<2x32x128xi32, #tpu.memory_space<vmem>> -> memref<1x1x128xi32, #tpu.memory_space<vmem>>
      %dma_start3A_1301 = tpu.memref_squeeze %dma_start3A_1300 : memref<1x1x128xi32, #tpu.memory_space<vmem>> -> memref<128xi32, #tpu.memory_space<vmem>>
      %dma_start3A_1302 = arith.constant 0 : i32
      %dma_start3A_1303 = tpu.memref_slice %arg8[%dma_start3A_1302] : memref<750080xf32, #tpu.memory_space<vmem_shared>> -> memref<750080xf32, #tpu.memory_space<vmem_shared>>
      tpu.enqueue_indirect_dma source(%dma_start3A_1298 : memref<128xf32, #tpu.memory_space<vmem>>) target(%dma_start3A_1303 : memref<750080xf32, #tpu.memory_space<vmem_shared>>) offsets(%dma_start3A_1301 : memref<128xi32, #tpu.memory_space<vmem>>) semaphore(%arg11 : memref<!tpu.dma_semaphore, #tpu.memory_space<semaphore_mem>>) {add = true}
      %dma_start3A_1304 = arith.constant 1 : i32
      %dma_start3A_1305 = arith.constant 29 : i32
      %dma_start3A_1306 = arith.constant 1 : i32
      %dma_start3A_1307 = arith.constant 29 : i32
      %dma_start3A_1308 = arith.constant 0 : i32
      %dma_start3A_1309 = tpu.memref_slice %arg6[%dma_start3A_1304, %dma_start3A_1305, %dma_start3A_1308] : memref<2x32x128xf32, #tpu.memory_space<vmem>> -> memref<1x1x128xf32, #tpu.memory_space<vmem>>
      %dma_start3A_1310 = tpu.memref_squeeze %dma_start3A_1309 : memref<1x1x128xf32, #tpu.memory_space<vmem>> -> memref<128xf32, #tpu.memory_space<vmem>>
      %dma_start3A_1311 = arith.constant 0 : i32
      %dma_start3A_1312 = tpu.memref_slice %arg5[%dma_start3A_1306, %dma_start3A_1307, %dma_start3A_1311] : memref<2x32x128xi32, #tpu.memory_space<vmem>> -> memref<1x1x128xi32, #tpu.memory_space<vmem>>
      %dma_start3A_1313 = tpu.memref_squeeze %dma_start3A_1312 : memref<1x1x128xi32, #tpu.memory_space<vmem>> -> memref<128xi32, #tpu.memory_space<vmem>>
      %dma_start3A_1314 = arith.constant 0 : i32
      %dma_start3A_1315 = tpu.memref_slice %arg8[%dma_start3A_1314] : memref<750080xf32, #tpu.memory_space<vmem_shared>> -> memref<750080xf32, #tpu.memory_space<vmem_shared>>
      tpu.enqueue_indirect_dma source(%dma_start3A_1310 : memref<128xf32, #tpu.memory_space<vmem>>) target(%dma_start3A_1315 : memref<750080xf32, #tpu.memory_space<vmem_shared>>) offsets(%dma_start3A_1313 : memref<128xi32, #tpu.memory_space<vmem>>) semaphore(%arg11 : memref<!tpu.dma_semaphore, #tpu.memory_space<semaphore_mem>>) {add = true}
      %dma_start3A_1316 = arith.constant 1 : i32
      %dma_start3A_1317 = arith.constant 30 : i32
      %dma_start3A_1318 = arith.constant 1 : i32
      %dma_start3A_1319 = arith.constant 30 : i32
      %dma_start3A_1320 = arith.constant 0 : i32
      %dma_start3A_1321 = tpu.memref_slice %arg6[%dma_start3A_1316, %dma_start3A_1317, %dma_start3A_1320] : memref<2x32x128xf32, #tpu.memory_space<vmem>> -> memref<1x1x128xf32, #tpu.memory_space<vmem>>
      %dma_start3A_1322 = tpu.memref_squeeze %dma_start3A_1321 : memref<1x1x128xf32, #tpu.memory_space<vmem>> -> memref<128xf32, #tpu.memory_space<vmem>>
      %dma_start3A_1323 = arith.constant 0 : i32
      %dma_start3A_1324 = tpu.memref_slice %arg5[%dma_start3A_1318, %dma_start3A_1319, %dma_start3A_1323] : memref<2x32x128xi32, #tpu.memory_space<vmem>> -> memref<1x1x128xi32, #tpu.memory_space<vmem>>
      %dma_start3A_1325 = tpu.memref_squeeze %dma_start3A_1324 : memref<1x1x128xi32, #tpu.memory_space<vmem>> -> memref<128xi32, #tpu.memory_space<vmem>>
      %dma_start3A_1326 = arith.constant 0 : i32
      %dma_start3A_1327 = tpu.memref_slice %arg8[%dma_start3A_1326] : memref<750080xf32, #tpu.memory_space<vmem_shared>> -> memref<750080xf32, #tpu.memory_space<vmem_shared>>
      tpu.enqueue_indirect_dma source(%dma_start3A_1322 : memref<128xf32, #tpu.memory_space<vmem>>) target(%dma_start3A_1327 : memref<750080xf32, #tpu.memory_space<vmem_shared>>) offsets(%dma_start3A_1325 : memref<128xi32, #tpu.memory_space<vmem>>) semaphore(%arg11 : memref<!tpu.dma_semaphore, #tpu.memory_space<semaphore_mem>>) {add = true}
      %dma_start3A_1328 = arith.constant 1 : i32
      %dma_start3A_1329 = arith.constant 31 : i32
      %dma_start3A_1330 = arith.constant 1 : i32
      %dma_start3A_1331 = arith.constant 31 : i32
      %dma_start3A_1332 = arith.constant 0 : i32
      %dma_start3A_1333 = tpu.memref_slice %arg6[%dma_start3A_1328, %dma_start3A_1329, %dma_start3A_1332] : memref<2x32x128xf32, #tpu.memory_space<vmem>> -> memref<1x1x128xf32, #tpu.memory_space<vmem>>
      %dma_start3A_1334 = tpu.memref_squeeze %dma_start3A_1333 : memref<1x1x128xf32, #tpu.memory_space<vmem>> -> memref<128xf32, #tpu.memory_space<vmem>>
      %dma_start3A_1335 = arith.constant 0 : i32
      %dma_start3A_1336 = tpu.memref_slice %arg5[%dma_start3A_1330, %dma_start3A_1331, %dma_start3A_1335] : memref<2x32x128xi32, #tpu.memory_space<vmem>> -> memref<1x1x128xi32, #tpu.memory_space<vmem>>
      %dma_start3A_1337 = tpu.memref_squeeze %dma_start3A_1336 : memref<1x1x128xi32, #tpu.memory_space<vmem>> -> memref<128xi32, #tpu.memory_space<vmem>>
      %dma_start3A_1338 = arith.constant 0 : i32
      %dma_start3A_1339 = tpu.memref_slice %arg8[%dma_start3A_1338] : memref<750080xf32, #tpu.memory_space<vmem_shared>> -> memref<750080xf32, #tpu.memory_space<vmem_shared>>
      tpu.enqueue_indirect_dma source(%dma_start3A_1334 : memref<128xf32, #tpu.memory_space<vmem>>) target(%dma_start3A_1339 : memref<750080xf32, #tpu.memory_space<vmem_shared>>) offsets(%dma_start3A_1337 : memref<128xi32, #tpu.memory_space<vmem>>) semaphore(%arg11 : memref<!tpu.dma_semaphore, #tpu.memory_space<semaphore_mem>>) {add = true}
      %dma_wait3A_1340 = arith.constant 1 : i32
      %dma_wait3A_1341 = arith.constant 0 : i32
      %dma_wait3A_1342 = arith.constant 1 : i32
      %dma_wait3A_1343 = arith.constant 0 : i32
      %dma_wait3A_1344 = arith.constant 0 : i32
      %dma_wait3A_1345 = tpu.memref_slice %arg6[%dma_wait3A_1340, %dma_wait3A_1341, %dma_wait3A_1344] : memref<2x32x128xf32, #tpu.memory_space<vmem>> -> memref<1x1x128xf32, #tpu.memory_space<vmem>>
      %dma_wait3A_1346 = tpu.memref_squeeze %dma_wait3A_1345 : memref<1x1x128xf32, #tpu.memory_space<vmem>> -> memref<128xf32, #tpu.memory_space<vmem>>
      %dma_wait3A_1347 = arith.constant 0 : i32
      %dma_wait3A_1348 = tpu.memref_slice %arg5[%dma_wait3A_1342, %dma_wait3A_1343, %dma_wait3A_1347] : memref<2x32x128xi32, #tpu.memory_space<vmem>> -> memref<1x1x128xi32, #tpu.memory_space<vmem>>
      %dma_wait3A_1349 = tpu.memref_squeeze %dma_wait3A_1348 : memref<1x1x128xi32, #tpu.memory_space<vmem>> -> memref<128xi32, #tpu.memory_space<vmem>>
      %dma_wait3A_1350 = arith.constant 0 : i32
      %dma_wait3A_1351 = tpu.memref_slice %arg8[%dma_wait3A_1350] : memref<750080xf32, #tpu.memory_space<vmem_shared>> -> memref<750080xf32, #tpu.memory_space<vmem_shared>>
      tpu.wait_indirect_dma semaphore(%arg11 : memref<!tpu.dma_semaphore, #tpu.memory_space<semaphore_mem>>) src(%dma_wait3A_1346 : memref<128xf32, #tpu.memory_space<vmem>>) dst(%dma_wait3A_1351 : memref<750080xf32, #tpu.memory_space<vmem_shared>>)
      %dma_wait3A_1352 = arith.constant 1 : i32
      %dma_wait3A_1353 = arith.constant 1 : i32
      %dma_wait3A_1354 = arith.constant 1 : i32
      %dma_wait3A_1355 = arith.constant 1 : i32
      %dma_wait3A_1356 = arith.constant 0 : i32
      %dma_wait3A_1357 = tpu.memref_slice %arg6[%dma_wait3A_1352, %dma_wait3A_1353, %dma_wait3A_1356] : memref<2x32x128xf32, #tpu.memory_space<vmem>> -> memref<1x1x128xf32, #tpu.memory_space<vmem>>
      %dma_wait3A_1358 = tpu.memref_squeeze %dma_wait3A_1357 : memref<1x1x128xf32, #tpu.memory_space<vmem>> -> memref<128xf32, #tpu.memory_space<vmem>>
      %dma_wait3A_1359 = arith.constant 0 : i32
      %dma_wait3A_1360 = tpu.memref_slice %arg5[%dma_wait3A_1354, %dma_wait3A_1355, %dma_wait3A_1359] : memref<2x32x128xi32, #tpu.memory_space<vmem>> -> memref<1x1x128xi32, #tpu.memory_space<vmem>>
      %dma_wait3A_1361 = tpu.memref_squeeze %dma_wait3A_1360 : memref<1x1x128xi32, #tpu.memory_space<vmem>> -> memref<128xi32, #tpu.memory_space<vmem>>
      %dma_wait3A_1362 = arith.constant 0 : i32
      %dma_wait3A_1363 = tpu.memref_slice %arg8[%dma_wait3A_1362] : memref<750080xf32, #tpu.memory_space<vmem_shared>> -> memref<750080xf32, #tpu.memory_space<vmem_shared>>
      tpu.wait_indirect_dma semaphore(%arg11 : memref<!tpu.dma_semaphore, #tpu.memory_space<semaphore_mem>>) src(%dma_wait3A_1358 : memref<128xf32, #tpu.memory_space<vmem>>) dst(%dma_wait3A_1363 : memref<750080xf32, #tpu.memory_space<vmem_shared>>)
      %dma_wait3A_1364 = arith.constant 1 : i32
      %dma_wait3A_1365 = arith.constant 2 : i32
      %dma_wait3A_1366 = arith.constant 1 : i32
      %dma_wait3A_1367 = arith.constant 2 : i32
      %dma_wait3A_1368 = arith.constant 0 : i32
      %dma_wait3A_1369 = tpu.memref_slice %arg6[%dma_wait3A_1364, %dma_wait3A_1365, %dma_wait3A_1368] : memref<2x32x128xf32, #tpu.memory_space<vmem>> -> memref<1x1x128xf32, #tpu.memory_space<vmem>>
      %dma_wait3A_1370 = tpu.memref_squeeze %dma_wait3A_1369 : memref<1x1x128xf32, #tpu.memory_space<vmem>> -> memref<128xf32, #tpu.memory_space<vmem>>
      %dma_wait3A_1371 = arith.constant 0 : i32
      %dma_wait3A_1372 = tpu.memref_slice %arg5[%dma_wait3A_1366, %dma_wait3A_1367, %dma_wait3A_1371] : memref<2x32x128xi32, #tpu.memory_space<vmem>> -> memref<1x1x128xi32, #tpu.memory_space<vmem>>
      %dma_wait3A_1373 = tpu.memref_squeeze %dma_wait3A_1372 : memref<1x1x128xi32, #tpu.memory_space<vmem>> -> memref<128xi32, #tpu.memory_space<vmem>>
      %dma_wait3A_1374 = arith.constant 0 : i32
      %dma_wait3A_1375 = tpu.memref_slice %arg8[%dma_wait3A_1374] : memref<750080xf32, #tpu.memory_space<vmem_shared>> -> memref<750080xf32, #tpu.memory_space<vmem_shared>>
      tpu.wait_indirect_dma semaphore(%arg11 : memref<!tpu.dma_semaphore, #tpu.memory_space<semaphore_mem>>) src(%dma_wait3A_1370 : memref<128xf32, #tpu.memory_space<vmem>>) dst(%dma_wait3A_1375 : memref<750080xf32, #tpu.memory_space<vmem_shared>>)
      %dma_wait3A_1376 = arith.constant 1 : i32
      %dma_wait3A_1377 = arith.constant 3 : i32
      %dma_wait3A_1378 = arith.constant 1 : i32
      %dma_wait3A_1379 = arith.constant 3 : i32
      %dma_wait3A_1380 = arith.constant 0 : i32
      %dma_wait3A_1381 = tpu.memref_slice %arg6[%dma_wait3A_1376, %dma_wait3A_1377, %dma_wait3A_1380] : memref<2x32x128xf32, #tpu.memory_space<vmem>> -> memref<1x1x128xf32, #tpu.memory_space<vmem>>
      %dma_wait3A_1382 = tpu.memref_squeeze %dma_wait3A_1381 : memref<1x1x128xf32, #tpu.memory_space<vmem>> -> memref<128xf32, #tpu.memory_space<vmem>>
      %dma_wait3A_1383 = arith.constant 0 : i32
      %dma_wait3A_1384 = tpu.memref_slice %arg5[%dma_wait3A_1378, %dma_wait3A_1379, %dma_wait3A_1383] : memref<2x32x128xi32, #tpu.memory_space<vmem>> -> memref<1x1x128xi32, #tpu.memory_space<vmem>>
      %dma_wait3A_1385 = tpu.memref_squeeze %dma_wait3A_1384 : memref<1x1x128xi32, #tpu.memory_space<vmem>> -> memref<128xi32, #tpu.memory_space<vmem>>
      %dma_wait3A_1386 = arith.constant 0 : i32
      %dma_wait3A_1387 = tpu.memref_slice %arg8[%dma_wait3A_1386] : memref<750080xf32, #tpu.memory_space<vmem_shared>> -> memref<750080xf32, #tpu.memory_space<vmem_shared>>
      tpu.wait_indirect_dma semaphore(%arg11 : memref<!tpu.dma_semaphore, #tpu.memory_space<semaphore_mem>>) src(%dma_wait3A_1382 : memref<128xf32, #tpu.memory_space<vmem>>) dst(%dma_wait3A_1387 : memref<750080xf32, #tpu.memory_space<vmem_shared>>)
      %dma_wait3A_1388 = arith.constant 1 : i32
      %dma_wait3A_1389 = arith.constant 4 : i32
      %dma_wait3A_1390 = arith.constant 1 : i32
      %dma_wait3A_1391 = arith.constant 4 : i32
      %dma_wait3A_1392 = arith.constant 0 : i32
      %dma_wait3A_1393 = tpu.memref_slice %arg6[%dma_wait3A_1388, %dma_wait3A_1389, %dma_wait3A_1392] : memref<2x32x128xf32, #tpu.memory_space<vmem>> -> memref<1x1x128xf32, #tpu.memory_space<vmem>>
      %dma_wait3A_1394 = tpu.memref_squeeze %dma_wait3A_1393 : memref<1x1x128xf32, #tpu.memory_space<vmem>> -> memref<128xf32, #tpu.memory_space<vmem>>
      %dma_wait3A_1395 = arith.constant 0 : i32
      %dma_wait3A_1396 = tpu.memref_slice %arg5[%dma_wait3A_1390, %dma_wait3A_1391, %dma_wait3A_1395] : memref<2x32x128xi32, #tpu.memory_space<vmem>> -> memref<1x1x128xi32, #tpu.memory_space<vmem>>
      %dma_wait3A_1397 = tpu.memref_squeeze %dma_wait3A_1396 : memref<1x1x128xi32, #tpu.memory_space<vmem>> -> memref<128xi32, #tpu.memory_space<vmem>>
      %dma_wait3A_1398 = arith.constant 0 : i32
      %dma_wait3A_1399 = tpu.memref_slice %arg8[%dma_wait3A_1398] : memref<750080xf32, #tpu.memory_space<vmem_shared>> -> memref<750080xf32, #tpu.memory_space<vmem_shared>>
      tpu.wait_indirect_dma semaphore(%arg11 : memref<!tpu.dma_semaphore, #tpu.memory_space<semaphore_mem>>) src(%dma_wait3A_1394 : memref<128xf32, #tpu.memory_space<vmem>>) dst(%dma_wait3A_1399 : memref<750080xf32, #tpu.memory_space<vmem_shared>>)
      %dma_wait3A_1400 = arith.constant 1 : i32
      %dma_wait3A_1401 = arith.constant 5 : i32
      %dma_wait3A_1402 = arith.constant 1 : i32
      %dma_wait3A_1403 = arith.constant 5 : i32
      %dma_wait3A_1404 = arith.constant 0 : i32
      %dma_wait3A_1405 = tpu.memref_slice %arg6[%dma_wait3A_1400, %dma_wait3A_1401, %dma_wait3A_1404] : memref<2x32x128xf32, #tpu.memory_space<vmem>> -> memref<1x1x128xf32, #tpu.memory_space<vmem>>
      %dma_wait3A_1406 = tpu.memref_squeeze %dma_wait3A_1405 : memref<1x1x128xf32, #tpu.memory_space<vmem>> -> memref<128xf32, #tpu.memory_space<vmem>>
      %dma_wait3A_1407 = arith.constant 0 : i32
      %dma_wait3A_1408 = tpu.memref_slice %arg5[%dma_wait3A_1402, %dma_wait3A_1403, %dma_wait3A_1407] : memref<2x32x128xi32, #tpu.memory_space<vmem>> -> memref<1x1x128xi32, #tpu.memory_space<vmem>>
      %dma_wait3A_1409 = tpu.memref_squeeze %dma_wait3A_1408 : memref<1x1x128xi32, #tpu.memory_space<vmem>> -> memref<128xi32, #tpu.memory_space<vmem>>
      %dma_wait3A_1410 = arith.constant 0 : i32
      %dma_wait3A_1411 = tpu.memref_slice %arg8[%dma_wait3A_1410] : memref<750080xf32, #tpu.memory_space<vmem_shared>> -> memref<750080xf32, #tpu.memory_space<vmem_shared>>
      tpu.wait_indirect_dma semaphore(%arg11 : memref<!tpu.dma_semaphore, #tpu.memory_space<semaphore_mem>>) src(%dma_wait3A_1406 : memref<128xf32, #tpu.memory_space<vmem>>) dst(%dma_wait3A_1411 : memref<750080xf32, #tpu.memory_space<vmem_shared>>)
      %dma_wait3A_1412 = arith.constant 1 : i32
      %dma_wait3A_1413 = arith.constant 6 : i32
      %dma_wait3A_1414 = arith.constant 1 : i32
      %dma_wait3A_1415 = arith.constant 6 : i32
      %dma_wait3A_1416 = arith.constant 0 : i32
      %dma_wait3A_1417 = tpu.memref_slice %arg6[%dma_wait3A_1412, %dma_wait3A_1413, %dma_wait3A_1416] : memref<2x32x128xf32, #tpu.memory_space<vmem>> -> memref<1x1x128xf32, #tpu.memory_space<vmem>>
      %dma_wait3A_1418 = tpu.memref_squeeze %dma_wait3A_1417 : memref<1x1x128xf32, #tpu.memory_space<vmem>> -> memref<128xf32, #tpu.memory_space<vmem>>
      %dma_wait3A_1419 = arith.constant 0 : i32
      %dma_wait3A_1420 = tpu.memref_slice %arg5[%dma_wait3A_1414, %dma_wait3A_1415, %dma_wait3A_1419] : memref<2x32x128xi32, #tpu.memory_space<vmem>> -> memref<1x1x128xi32, #tpu.memory_space<vmem>>
      %dma_wait3A_1421 = tpu.memref_squeeze %dma_wait3A_1420 : memref<1x1x128xi32, #tpu.memory_space<vmem>> -> memref<128xi32, #tpu.memory_space<vmem>>
      %dma_wait3A_1422 = arith.constant 0 : i32
      %dma_wait3A_1423 = tpu.memref_slice %arg8[%dma_wait3A_1422] : memref<750080xf32, #tpu.memory_space<vmem_shared>> -> memref<750080xf32, #tpu.memory_space<vmem_shared>>
      tpu.wait_indirect_dma semaphore(%arg11 : memref<!tpu.dma_semaphore, #tpu.memory_space<semaphore_mem>>) src(%dma_wait3A_1418 : memref<128xf32, #tpu.memory_space<vmem>>) dst(%dma_wait3A_1423 : memref<750080xf32, #tpu.memory_space<vmem_shared>>)
      %dma_wait3A_1424 = arith.constant 1 : i32
      %dma_wait3A_1425 = arith.constant 7 : i32
      %dma_wait3A_1426 = arith.constant 1 : i32
      %dma_wait3A_1427 = arith.constant 7 : i32
      %dma_wait3A_1428 = arith.constant 0 : i32
      %dma_wait3A_1429 = tpu.memref_slice %arg6[%dma_wait3A_1424, %dma_wait3A_1425, %dma_wait3A_1428] : memref<2x32x128xf32, #tpu.memory_space<vmem>> -> memref<1x1x128xf32, #tpu.memory_space<vmem>>
      %dma_wait3A_1430 = tpu.memref_squeeze %dma_wait3A_1429 : memref<1x1x128xf32, #tpu.memory_space<vmem>> -> memref<128xf32, #tpu.memory_space<vmem>>
      %dma_wait3A_1431 = arith.constant 0 : i32
      %dma_wait3A_1432 = tpu.memref_slice %arg5[%dma_wait3A_1426, %dma_wait3A_1427, %dma_wait3A_1431] : memref<2x32x128xi32, #tpu.memory_space<vmem>> -> memref<1x1x128xi32, #tpu.memory_space<vmem>>
      %dma_wait3A_1433 = tpu.memref_squeeze %dma_wait3A_1432 : memref<1x1x128xi32, #tpu.memory_space<vmem>> -> memref<128xi32, #tpu.memory_space<vmem>>
      %dma_wait3A_1434 = arith.constant 0 : i32
      %dma_wait3A_1435 = tpu.memref_slice %arg8[%dma_wait3A_1434] : memref<750080xf32, #tpu.memory_space<vmem_shared>> -> memref<750080xf32, #tpu.memory_space<vmem_shared>>
      tpu.wait_indirect_dma semaphore(%arg11 : memref<!tpu.dma_semaphore, #tpu.memory_space<semaphore_mem>>) src(%dma_wait3A_1430 : memref<128xf32, #tpu.memory_space<vmem>>) dst(%dma_wait3A_1435 : memref<750080xf32, #tpu.memory_space<vmem_shared>>)
      %dma_wait3A_1436 = arith.constant 1 : i32
      %dma_wait3A_1437 = arith.constant 8 : i32
      %dma_wait3A_1438 = arith.constant 1 : i32
      %dma_wait3A_1439 = arith.constant 8 : i32
      %dma_wait3A_1440 = arith.constant 0 : i32
      %dma_wait3A_1441 = tpu.memref_slice %arg6[%dma_wait3A_1436, %dma_wait3A_1437, %dma_wait3A_1440] : memref<2x32x128xf32, #tpu.memory_space<vmem>> -> memref<1x1x128xf32, #tpu.memory_space<vmem>>
      %dma_wait3A_1442 = tpu.memref_squeeze %dma_wait3A_1441 : memref<1x1x128xf32, #tpu.memory_space<vmem>> -> memref<128xf32, #tpu.memory_space<vmem>>
      %dma_wait3A_1443 = arith.constant 0 : i32
      %dma_wait3A_1444 = tpu.memref_slice %arg5[%dma_wait3A_1438, %dma_wait3A_1439, %dma_wait3A_1443] : memref<2x32x128xi32, #tpu.memory_space<vmem>> -> memref<1x1x128xi32, #tpu.memory_space<vmem>>
      %dma_wait3A_1445 = tpu.memref_squeeze %dma_wait3A_1444 : memref<1x1x128xi32, #tpu.memory_space<vmem>> -> memref<128xi32, #tpu.memory_space<vmem>>
      %dma_wait3A_1446 = arith.constant 0 : i32
      %dma_wait3A_1447 = tpu.memref_slice %arg8[%dma_wait3A_1446] : memref<750080xf32, #tpu.memory_space<vmem_shared>> -> memref<750080xf32, #tpu.memory_space<vmem_shared>>
      tpu.wait_indirect_dma semaphore(%arg11 : memref<!tpu.dma_semaphore, #tpu.memory_space<semaphore_mem>>) src(%dma_wait3A_1442 : memref<128xf32, #tpu.memory_space<vmem>>) dst(%dma_wait3A_1447 : memref<750080xf32, #tpu.memory_space<vmem_shared>>)
      %dma_wait3A_1448 = arith.constant 1 : i32
      %dma_wait3A_1449 = arith.constant 9 : i32
      %dma_wait3A_1450 = arith.constant 1 : i32
      %dma_wait3A_1451 = arith.constant 9 : i32
      %dma_wait3A_1452 = arith.constant 0 : i32
      %dma_wait3A_1453 = tpu.memref_slice %arg6[%dma_wait3A_1448, %dma_wait3A_1449, %dma_wait3A_1452] : memref<2x32x128xf32, #tpu.memory_space<vmem>> -> memref<1x1x128xf32, #tpu.memory_space<vmem>>
      %dma_wait3A_1454 = tpu.memref_squeeze %dma_wait3A_1453 : memref<1x1x128xf32, #tpu.memory_space<vmem>> -> memref<128xf32, #tpu.memory_space<vmem>>
      %dma_wait3A_1455 = arith.constant 0 : i32
      %dma_wait3A_1456 = tpu.memref_slice %arg5[%dma_wait3A_1450, %dma_wait3A_1451, %dma_wait3A_1455] : memref<2x32x128xi32, #tpu.memory_space<vmem>> -> memref<1x1x128xi32, #tpu.memory_space<vmem>>
      %dma_wait3A_1457 = tpu.memref_squeeze %dma_wait3A_1456 : memref<1x1x128xi32, #tpu.memory_space<vmem>> -> memref<128xi32, #tpu.memory_space<vmem>>
      %dma_wait3A_1458 = arith.constant 0 : i32
      %dma_wait3A_1459 = tpu.memref_slice %arg8[%dma_wait3A_1458] : memref<750080xf32, #tpu.memory_space<vmem_shared>> -> memref<750080xf32, #tpu.memory_space<vmem_shared>>
      tpu.wait_indirect_dma semaphore(%arg11 : memref<!tpu.dma_semaphore, #tpu.memory_space<semaphore_mem>>) src(%dma_wait3A_1454 : memref<128xf32, #tpu.memory_space<vmem>>) dst(%dma_wait3A_1459 : memref<750080xf32, #tpu.memory_space<vmem_shared>>)
      %dma_wait3A_1460 = arith.constant 1 : i32
      %dma_wait3A_1461 = arith.constant 10 : i32
      %dma_wait3A_1462 = arith.constant 1 : i32
      %dma_wait3A_1463 = arith.constant 10 : i32
      %dma_wait3A_1464 = arith.constant 0 : i32
      %dma_wait3A_1465 = tpu.memref_slice %arg6[%dma_wait3A_1460, %dma_wait3A_1461, %dma_wait3A_1464] : memref<2x32x128xf32, #tpu.memory_space<vmem>> -> memref<1x1x128xf32, #tpu.memory_space<vmem>>
      %dma_wait3A_1466 = tpu.memref_squeeze %dma_wait3A_1465 : memref<1x1x128xf32, #tpu.memory_space<vmem>> -> memref<128xf32, #tpu.memory_space<vmem>>
      %dma_wait3A_1467 = arith.constant 0 : i32
      %dma_wait3A_1468 = tpu.memref_slice %arg5[%dma_wait3A_1462, %dma_wait3A_1463, %dma_wait3A_1467] : memref<2x32x128xi32, #tpu.memory_space<vmem>> -> memref<1x1x128xi32, #tpu.memory_space<vmem>>
      %dma_wait3A_1469 = tpu.memref_squeeze %dma_wait3A_1468 : memref<1x1x128xi32, #tpu.memory_space<vmem>> -> memref<128xi32, #tpu.memory_space<vmem>>
      %dma_wait3A_1470 = arith.constant 0 : i32
      %dma_wait3A_1471 = tpu.memref_slice %arg8[%dma_wait3A_1470] : memref<750080xf32, #tpu.memory_space<vmem_shared>> -> memref<750080xf32, #tpu.memory_space<vmem_shared>>
      tpu.wait_indirect_dma semaphore(%arg11 : memref<!tpu.dma_semaphore, #tpu.memory_space<semaphore_mem>>) src(%dma_wait3A_1466 : memref<128xf32, #tpu.memory_space<vmem>>) dst(%dma_wait3A_1471 : memref<750080xf32, #tpu.memory_space<vmem_shared>>)
      %dma_wait3A_1472 = arith.constant 1 : i32
      %dma_wait3A_1473 = arith.constant 11 : i32
      %dma_wait3A_1474 = arith.constant 1 : i32
      %dma_wait3A_1475 = arith.constant 11 : i32
      %dma_wait3A_1476 = arith.constant 0 : i32
      %dma_wait3A_1477 = tpu.memref_slice %arg6[%dma_wait3A_1472, %dma_wait3A_1473, %dma_wait3A_1476] : memref<2x32x128xf32, #tpu.memory_space<vmem>> -> memref<1x1x128xf32, #tpu.memory_space<vmem>>
      %dma_wait3A_1478 = tpu.memref_squeeze %dma_wait3A_1477 : memref<1x1x128xf32, #tpu.memory_space<vmem>> -> memref<128xf32, #tpu.memory_space<vmem>>
      %dma_wait3A_1479 = arith.constant 0 : i32
      %dma_wait3A_1480 = tpu.memref_slice %arg5[%dma_wait3A_1474, %dma_wait3A_1475, %dma_wait3A_1479] : memref<2x32x128xi32, #tpu.memory_space<vmem>> -> memref<1x1x128xi32, #tpu.memory_space<vmem>>
      %dma_wait3A_1481 = tpu.memref_squeeze %dma_wait3A_1480 : memref<1x1x128xi32, #tpu.memory_space<vmem>> -> memref<128xi32, #tpu.memory_space<vmem>>
      %dma_wait3A_1482 = arith.constant 0 : i32
      %dma_wait3A_1483 = tpu.memref_slice %arg8[%dma_wait3A_1482] : memref<750080xf32, #tpu.memory_space<vmem_shared>> -> memref<750080xf32, #tpu.memory_space<vmem_shared>>
      tpu.wait_indirect_dma semaphore(%arg11 : memref<!tpu.dma_semaphore, #tpu.memory_space<semaphore_mem>>) src(%dma_wait3A_1478 : memref<128xf32, #tpu.memory_space<vmem>>) dst(%dma_wait3A_1483 : memref<750080xf32, #tpu.memory_space<vmem_shared>>)
      %dma_wait3A_1484 = arith.constant 1 : i32
      %dma_wait3A_1485 = arith.constant 12 : i32
      %dma_wait3A_1486 = arith.constant 1 : i32
      %dma_wait3A_1487 = arith.constant 12 : i32
      %dma_wait3A_1488 = arith.constant 0 : i32
      %dma_wait3A_1489 = tpu.memref_slice %arg6[%dma_wait3A_1484, %dma_wait3A_1485, %dma_wait3A_1488] : memref<2x32x128xf32, #tpu.memory_space<vmem>> -> memref<1x1x128xf32, #tpu.memory_space<vmem>>
      %dma_wait3A_1490 = tpu.memref_squeeze %dma_wait3A_1489 : memref<1x1x128xf32, #tpu.memory_space<vmem>> -> memref<128xf32, #tpu.memory_space<vmem>>
      %dma_wait3A_1491 = arith.constant 0 : i32
      %dma_wait3A_1492 = tpu.memref_slice %arg5[%dma_wait3A_1486, %dma_wait3A_1487, %dma_wait3A_1491] : memref<2x32x128xi32, #tpu.memory_space<vmem>> -> memref<1x1x128xi32, #tpu.memory_space<vmem>>
      %dma_wait3A_1493 = tpu.memref_squeeze %dma_wait3A_1492 : memref<1x1x128xi32, #tpu.memory_space<vmem>> -> memref<128xi32, #tpu.memory_space<vmem>>
      %dma_wait3A_1494 = arith.constant 0 : i32
      %dma_wait3A_1495 = tpu.memref_slice %arg8[%dma_wait3A_1494] : memref<750080xf32, #tpu.memory_space<vmem_shared>> -> memref<750080xf32, #tpu.memory_space<vmem_shared>>
      tpu.wait_indirect_dma semaphore(%arg11 : memref<!tpu.dma_semaphore, #tpu.memory_space<semaphore_mem>>) src(%dma_wait3A_1490 : memref<128xf32, #tpu.memory_space<vmem>>) dst(%dma_wait3A_1495 : memref<750080xf32, #tpu.memory_space<vmem_shared>>)
      %dma_wait3A_1496 = arith.constant 1 : i32
      %dma_wait3A_1497 = arith.constant 13 : i32
      %dma_wait3A_1498 = arith.constant 1 : i32
      %dma_wait3A_1499 = arith.constant 13 : i32
      %dma_wait3A_1500 = arith.constant 0 : i32
      %dma_wait3A_1501 = tpu.memref_slice %arg6[%dma_wait3A_1496, %dma_wait3A_1497, %dma_wait3A_1500] : memref<2x32x128xf32, #tpu.memory_space<vmem>> -> memref<1x1x128xf32, #tpu.memory_space<vmem>>
      %dma_wait3A_1502 = tpu.memref_squeeze %dma_wait3A_1501 : memref<1x1x128xf32, #tpu.memory_space<vmem>> -> memref<128xf32, #tpu.memory_space<vmem>>
      %dma_wait3A_1503 = arith.constant 0 : i32
      %dma_wait3A_1504 = tpu.memref_slice %arg5[%dma_wait3A_1498, %dma_wait3A_1499, %dma_wait3A_1503] : memref<2x32x128xi32, #tpu.memory_space<vmem>> -> memref<1x1x128xi32, #tpu.memory_space<vmem>>
      %dma_wait3A_1505 = tpu.memref_squeeze %dma_wait3A_1504 : memref<1x1x128xi32, #tpu.memory_space<vmem>> -> memref<128xi32, #tpu.memory_space<vmem>>
      %dma_wait3A_1506 = arith.constant 0 : i32
      %dma_wait3A_1507 = tpu.memref_slice %arg8[%dma_wait3A_1506] : memref<750080xf32, #tpu.memory_space<vmem_shared>> -> memref<750080xf32, #tpu.memory_space<vmem_shared>>
      tpu.wait_indirect_dma semaphore(%arg11 : memref<!tpu.dma_semaphore, #tpu.memory_space<semaphore_mem>>) src(%dma_wait3A_1502 : memref<128xf32, #tpu.memory_space<vmem>>) dst(%dma_wait3A_1507 : memref<750080xf32, #tpu.memory_space<vmem_shared>>)
      %dma_wait3A_1508 = arith.constant 1 : i32
      %dma_wait3A_1509 = arith.constant 14 : i32
      %dma_wait3A_1510 = arith.constant 1 : i32
      %dma_wait3A_1511 = arith.constant 14 : i32
      %dma_wait3A_1512 = arith.constant 0 : i32
      %dma_wait3A_1513 = tpu.memref_slice %arg6[%dma_wait3A_1508, %dma_wait3A_1509, %dma_wait3A_1512] : memref<2x32x128xf32, #tpu.memory_space<vmem>> -> memref<1x1x128xf32, #tpu.memory_space<vmem>>
      %dma_wait3A_1514 = tpu.memref_squeeze %dma_wait3A_1513 : memref<1x1x128xf32, #tpu.memory_space<vmem>> -> memref<128xf32, #tpu.memory_space<vmem>>
      %dma_wait3A_1515 = arith.constant 0 : i32
      %dma_wait3A_1516 = tpu.memref_slice %arg5[%dma_wait3A_1510, %dma_wait3A_1511, %dma_wait3A_1515] : memref<2x32x128xi32, #tpu.memory_space<vmem>> -> memref<1x1x128xi32, #tpu.memory_space<vmem>>
      %dma_wait3A_1517 = tpu.memref_squeeze %dma_wait3A_1516 : memref<1x1x128xi32, #tpu.memory_space<vmem>> -> memref<128xi32, #tpu.memory_space<vmem>>
      %dma_wait3A_1518 = arith.constant 0 : i32
      %dma_wait3A_1519 = tpu.memref_slice %arg8[%dma_wait3A_1518] : memref<750080xf32, #tpu.memory_space<vmem_shared>> -> memref<750080xf32, #tpu.memory_space<vmem_shared>>
      tpu.wait_indirect_dma semaphore(%arg11 : memref<!tpu.dma_semaphore, #tpu.memory_space<semaphore_mem>>) src(%dma_wait3A_1514 : memref<128xf32, #tpu.memory_space<vmem>>) dst(%dma_wait3A_1519 : memref<750080xf32, #tpu.memory_space<vmem_shared>>)
      %dma_wait3A_1520 = arith.constant 1 : i32
      %dma_wait3A_1521 = arith.constant 15 : i32
      %dma_wait3A_1522 = arith.constant 1 : i32
      %dma_wait3A_1523 = arith.constant 15 : i32
      %dma_wait3A_1524 = arith.constant 0 : i32
      %dma_wait3A_1525 = tpu.memref_slice %arg6[%dma_wait3A_1520, %dma_wait3A_1521, %dma_wait3A_1524] : memref<2x32x128xf32, #tpu.memory_space<vmem>> -> memref<1x1x128xf32, #tpu.memory_space<vmem>>
      %dma_wait3A_1526 = tpu.memref_squeeze %dma_wait3A_1525 : memref<1x1x128xf32, #tpu.memory_space<vmem>> -> memref<128xf32, #tpu.memory_space<vmem>>
      %dma_wait3A_1527 = arith.constant 0 : i32
      %dma_wait3A_1528 = tpu.memref_slice %arg5[%dma_wait3A_1522, %dma_wait3A_1523, %dma_wait3A_1527] : memref<2x32x128xi32, #tpu.memory_space<vmem>> -> memref<1x1x128xi32, #tpu.memory_space<vmem>>
      %dma_wait3A_1529 = tpu.memref_squeeze %dma_wait3A_1528 : memref<1x1x128xi32, #tpu.memory_space<vmem>> -> memref<128xi32, #tpu.memory_space<vmem>>
      %dma_wait3A_1530 = arith.constant 0 : i32
      %dma_wait3A_1531 = tpu.memref_slice %arg8[%dma_wait3A_1530] : memref<750080xf32, #tpu.memory_space<vmem_shared>> -> memref<750080xf32, #tpu.memory_space<vmem_shared>>
      tpu.wait_indirect_dma semaphore(%arg11 : memref<!tpu.dma_semaphore, #tpu.memory_space<semaphore_mem>>) src(%dma_wait3A_1526 : memref<128xf32, #tpu.memory_space<vmem>>) dst(%dma_wait3A_1531 : memref<750080xf32, #tpu.memory_space<vmem_shared>>)
      %dma_wait3A_1532 = arith.constant 1 : i32
      %dma_wait3A_1533 = arith.constant 16 : i32
      %dma_wait3A_1534 = arith.constant 1 : i32
      %dma_wait3A_1535 = arith.constant 16 : i32
      %dma_wait3A_1536 = arith.constant 0 : i32
      %dma_wait3A_1537 = tpu.memref_slice %arg6[%dma_wait3A_1532, %dma_wait3A_1533, %dma_wait3A_1536] : memref<2x32x128xf32, #tpu.memory_space<vmem>> -> memref<1x1x128xf32, #tpu.memory_space<vmem>>
      %dma_wait3A_1538 = tpu.memref_squeeze %dma_wait3A_1537 : memref<1x1x128xf32, #tpu.memory_space<vmem>> -> memref<128xf32, #tpu.memory_space<vmem>>
      %dma_wait3A_1539 = arith.constant 0 : i32
      %dma_wait3A_1540 = tpu.memref_slice %arg5[%dma_wait3A_1534, %dma_wait3A_1535, %dma_wait3A_1539] : memref<2x32x128xi32, #tpu.memory_space<vmem>> -> memref<1x1x128xi32, #tpu.memory_space<vmem>>
      %dma_wait3A_1541 = tpu.memref_squeeze %dma_wait3A_1540 : memref<1x1x128xi32, #tpu.memory_space<vmem>> -> memref<128xi32, #tpu.memory_space<vmem>>
      %dma_wait3A_1542 = arith.constant 0 : i32
      %dma_wait3A_1543 = tpu.memref_slice %arg8[%dma_wait3A_1542] : memref<750080xf32, #tpu.memory_space<vmem_shared>> -> memref<750080xf32, #tpu.memory_space<vmem_shared>>
      tpu.wait_indirect_dma semaphore(%arg11 : memref<!tpu.dma_semaphore, #tpu.memory_space<semaphore_mem>>) src(%dma_wait3A_1538 : memref<128xf32, #tpu.memory_space<vmem>>) dst(%dma_wait3A_1543 : memref<750080xf32, #tpu.memory_space<vmem_shared>>)
      %dma_wait3A_1544 = arith.constant 1 : i32
      %dma_wait3A_1545 = arith.constant 17 : i32
      %dma_wait3A_1546 = arith.constant 1 : i32
      %dma_wait3A_1547 = arith.constant 17 : i32
      %dma_wait3A_1548 = arith.constant 0 : i32
      %dma_wait3A_1549 = tpu.memref_slice %arg6[%dma_wait3A_1544, %dma_wait3A_1545, %dma_wait3A_1548] : memref<2x32x128xf32, #tpu.memory_space<vmem>> -> memref<1x1x128xf32, #tpu.memory_space<vmem>>
      %dma_wait3A_1550 = tpu.memref_squeeze %dma_wait3A_1549 : memref<1x1x128xf32, #tpu.memory_space<vmem>> -> memref<128xf32, #tpu.memory_space<vmem>>
      %dma_wait3A_1551 = arith.constant 0 : i32
      %dma_wait3A_1552 = tpu.memref_slice %arg5[%dma_wait3A_1546, %dma_wait3A_1547, %dma_wait3A_1551] : memref<2x32x128xi32, #tpu.memory_space<vmem>> -> memref<1x1x128xi32, #tpu.memory_space<vmem>>
      %dma_wait3A_1553 = tpu.memref_squeeze %dma_wait3A_1552 : memref<1x1x128xi32, #tpu.memory_space<vmem>> -> memref<128xi32, #tpu.memory_space<vmem>>
      %dma_wait3A_1554 = arith.constant 0 : i32
      %dma_wait3A_1555 = tpu.memref_slice %arg8[%dma_wait3A_1554] : memref<750080xf32, #tpu.memory_space<vmem_shared>> -> memref<750080xf32, #tpu.memory_space<vmem_shared>>
      tpu.wait_indirect_dma semaphore(%arg11 : memref<!tpu.dma_semaphore, #tpu.memory_space<semaphore_mem>>) src(%dma_wait3A_1550 : memref<128xf32, #tpu.memory_space<vmem>>) dst(%dma_wait3A_1555 : memref<750080xf32, #tpu.memory_space<vmem_shared>>)
      %dma_wait3A_1556 = arith.constant 1 : i32
      %dma_wait3A_1557 = arith.constant 18 : i32
      %dma_wait3A_1558 = arith.constant 1 : i32
      %dma_wait3A_1559 = arith.constant 18 : i32
      %dma_wait3A_1560 = arith.constant 0 : i32
      %dma_wait3A_1561 = tpu.memref_slice %arg6[%dma_wait3A_1556, %dma_wait3A_1557, %dma_wait3A_1560] : memref<2x32x128xf32, #tpu.memory_space<vmem>> -> memref<1x1x128xf32, #tpu.memory_space<vmem>>
      %dma_wait3A_1562 = tpu.memref_squeeze %dma_wait3A_1561 : memref<1x1x128xf32, #tpu.memory_space<vmem>> -> memref<128xf32, #tpu.memory_space<vmem>>
      %dma_wait3A_1563 = arith.constant 0 : i32
      %dma_wait3A_1564 = tpu.memref_slice %arg5[%dma_wait3A_1558, %dma_wait3A_1559, %dma_wait3A_1563] : memref<2x32x128xi32, #tpu.memory_space<vmem>> -> memref<1x1x128xi32, #tpu.memory_space<vmem>>
      %dma_wait3A_1565 = tpu.memref_squeeze %dma_wait3A_1564 : memref<1x1x128xi32, #tpu.memory_space<vmem>> -> memref<128xi32, #tpu.memory_space<vmem>>
      %dma_wait3A_1566 = arith.constant 0 : i32
      %dma_wait3A_1567 = tpu.memref_slice %arg8[%dma_wait3A_1566] : memref<750080xf32, #tpu.memory_space<vmem_shared>> -> memref<750080xf32, #tpu.memory_space<vmem_shared>>
      tpu.wait_indirect_dma semaphore(%arg11 : memref<!tpu.dma_semaphore, #tpu.memory_space<semaphore_mem>>) src(%dma_wait3A_1562 : memref<128xf32, #tpu.memory_space<vmem>>) dst(%dma_wait3A_1567 : memref<750080xf32, #tpu.memory_space<vmem_shared>>)
      %dma_wait3A_1568 = arith.constant 1 : i32
      %dma_wait3A_1569 = arith.constant 19 : i32
      %dma_wait3A_1570 = arith.constant 1 : i32
      %dma_wait3A_1571 = arith.constant 19 : i32
      %dma_wait3A_1572 = arith.constant 0 : i32
      %dma_wait3A_1573 = tpu.memref_slice %arg6[%dma_wait3A_1568, %dma_wait3A_1569, %dma_wait3A_1572] : memref<2x32x128xf32, #tpu.memory_space<vmem>> -> memref<1x1x128xf32, #tpu.memory_space<vmem>>
      %dma_wait3A_1574 = tpu.memref_squeeze %dma_wait3A_1573 : memref<1x1x128xf32, #tpu.memory_space<vmem>> -> memref<128xf32, #tpu.memory_space<vmem>>
      %dma_wait3A_1575 = arith.constant 0 : i32
      %dma_wait3A_1576 = tpu.memref_slice %arg5[%dma_wait3A_1570, %dma_wait3A_1571, %dma_wait3A_1575] : memref<2x32x128xi32, #tpu.memory_space<vmem>> -> memref<1x1x128xi32, #tpu.memory_space<vmem>>
      %dma_wait3A_1577 = tpu.memref_squeeze %dma_wait3A_1576 : memref<1x1x128xi32, #tpu.memory_space<vmem>> -> memref<128xi32, #tpu.memory_space<vmem>>
      %dma_wait3A_1578 = arith.constant 0 : i32
      %dma_wait3A_1579 = tpu.memref_slice %arg8[%dma_wait3A_1578] : memref<750080xf32, #tpu.memory_space<vmem_shared>> -> memref<750080xf32, #tpu.memory_space<vmem_shared>>
      tpu.wait_indirect_dma semaphore(%arg11 : memref<!tpu.dma_semaphore, #tpu.memory_space<semaphore_mem>>) src(%dma_wait3A_1574 : memref<128xf32, #tpu.memory_space<vmem>>) dst(%dma_wait3A_1579 : memref<750080xf32, #tpu.memory_space<vmem_shared>>)
      %dma_wait3A_1580 = arith.constant 1 : i32
      %dma_wait3A_1581 = arith.constant 20 : i32
      %dma_wait3A_1582 = arith.constant 1 : i32
      %dma_wait3A_1583 = arith.constant 20 : i32
      %dma_wait3A_1584 = arith.constant 0 : i32
      %dma_wait3A_1585 = tpu.memref_slice %arg6[%dma_wait3A_1580, %dma_wait3A_1581, %dma_wait3A_1584] : memref<2x32x128xf32, #tpu.memory_space<vmem>> -> memref<1x1x128xf32, #tpu.memory_space<vmem>>
      %dma_wait3A_1586 = tpu.memref_squeeze %dma_wait3A_1585 : memref<1x1x128xf32, #tpu.memory_space<vmem>> -> memref<128xf32, #tpu.memory_space<vmem>>
      %dma_wait3A_1587 = arith.constant 0 : i32
      %dma_wait3A_1588 = tpu.memref_slice %arg5[%dma_wait3A_1582, %dma_wait3A_1583, %dma_wait3A_1587] : memref<2x32x128xi32, #tpu.memory_space<vmem>> -> memref<1x1x128xi32, #tpu.memory_space<vmem>>
      %dma_wait3A_1589 = tpu.memref_squeeze %dma_wait3A_1588 : memref<1x1x128xi32, #tpu.memory_space<vmem>> -> memref<128xi32, #tpu.memory_space<vmem>>
      %dma_wait3A_1590 = arith.constant 0 : i32
      %dma_wait3A_1591 = tpu.memref_slice %arg8[%dma_wait3A_1590] : memref<750080xf32, #tpu.memory_space<vmem_shared>> -> memref<750080xf32, #tpu.memory_space<vmem_shared>>
      tpu.wait_indirect_dma semaphore(%arg11 : memref<!tpu.dma_semaphore, #tpu.memory_space<semaphore_mem>>) src(%dma_wait3A_1586 : memref<128xf32, #tpu.memory_space<vmem>>) dst(%dma_wait3A_1591 : memref<750080xf32, #tpu.memory_space<vmem_shared>>)
      %dma_wait3A_1592 = arith.constant 1 : i32
      %dma_wait3A_1593 = arith.constant 21 : i32
      %dma_wait3A_1594 = arith.constant 1 : i32
      %dma_wait3A_1595 = arith.constant 21 : i32
      %dma_wait3A_1596 = arith.constant 0 : i32
      %dma_wait3A_1597 = tpu.memref_slice %arg6[%dma_wait3A_1592, %dma_wait3A_1593, %dma_wait3A_1596] : memref<2x32x128xf32, #tpu.memory_space<vmem>> -> memref<1x1x128xf32, #tpu.memory_space<vmem>>
      %dma_wait3A_1598 = tpu.memref_squeeze %dma_wait3A_1597 : memref<1x1x128xf32, #tpu.memory_space<vmem>> -> memref<128xf32, #tpu.memory_space<vmem>>
      %dma_wait3A_1599 = arith.constant 0 : i32
      %dma_wait3A_1600 = tpu.memref_slice %arg5[%dma_wait3A_1594, %dma_wait3A_1595, %dma_wait3A_1599] : memref<2x32x128xi32, #tpu.memory_space<vmem>> -> memref<1x1x128xi32, #tpu.memory_space<vmem>>
      %dma_wait3A_1601 = tpu.memref_squeeze %dma_wait3A_1600 : memref<1x1x128xi32, #tpu.memory_space<vmem>> -> memref<128xi32, #tpu.memory_space<vmem>>
      %dma_wait3A_1602 = arith.constant 0 : i32
      %dma_wait3A_1603 = tpu.memref_slice %arg8[%dma_wait3A_1602] : memref<750080xf32, #tpu.memory_space<vmem_shared>> -> memref<750080xf32, #tpu.memory_space<vmem_shared>>
      tpu.wait_indirect_dma semaphore(%arg11 : memref<!tpu.dma_semaphore, #tpu.memory_space<semaphore_mem>>) src(%dma_wait3A_1598 : memref<128xf32, #tpu.memory_space<vmem>>) dst(%dma_wait3A_1603 : memref<750080xf32, #tpu.memory_space<vmem_shared>>)
      %dma_wait3A_1604 = arith.constant 1 : i32
      %dma_wait3A_1605 = arith.constant 22 : i32
      %dma_wait3A_1606 = arith.constant 1 : i32
      %dma_wait3A_1607 = arith.constant 22 : i32
      %dma_wait3A_1608 = arith.constant 0 : i32
      %dma_wait3A_1609 = tpu.memref_slice %arg6[%dma_wait3A_1604, %dma_wait3A_1605, %dma_wait3A_1608] : memref<2x32x128xf32, #tpu.memory_space<vmem>> -> memref<1x1x128xf32, #tpu.memory_space<vmem>>
      %dma_wait3A_1610 = tpu.memref_squeeze %dma_wait3A_1609 : memref<1x1x128xf32, #tpu.memory_space<vmem>> -> memref<128xf32, #tpu.memory_space<vmem>>
      %dma_wait3A_1611 = arith.constant 0 : i32
      %dma_wait3A_1612 = tpu.memref_slice %arg5[%dma_wait3A_1606, %dma_wait3A_1607, %dma_wait3A_1611] : memref<2x32x128xi32, #tpu.memory_space<vmem>> -> memref<1x1x128xi32, #tpu.memory_space<vmem>>
      %dma_wait3A_1613 = tpu.memref_squeeze %dma_wait3A_1612 : memref<1x1x128xi32, #tpu.memory_space<vmem>> -> memref<128xi32, #tpu.memory_space<vmem>>
      %dma_wait3A_1614 = arith.constant 0 : i32
      %dma_wait3A_1615 = tpu.memref_slice %arg8[%dma_wait3A_1614] : memref<750080xf32, #tpu.memory_space<vmem_shared>> -> memref<750080xf32, #tpu.memory_space<vmem_shared>>
      tpu.wait_indirect_dma semaphore(%arg11 : memref<!tpu.dma_semaphore, #tpu.memory_space<semaphore_mem>>) src(%dma_wait3A_1610 : memref<128xf32, #tpu.memory_space<vmem>>) dst(%dma_wait3A_1615 : memref<750080xf32, #tpu.memory_space<vmem_shared>>)
      %dma_wait3A_1616 = arith.constant 1 : i32
      %dma_wait3A_1617 = arith.constant 23 : i32
      %dma_wait3A_1618 = arith.constant 1 : i32
      %dma_wait3A_1619 = arith.constant 23 : i32
      %dma_wait3A_1620 = arith.constant 0 : i32
      %dma_wait3A_1621 = tpu.memref_slice %arg6[%dma_wait3A_1616, %dma_wait3A_1617, %dma_wait3A_1620] : memref<2x32x128xf32, #tpu.memory_space<vmem>> -> memref<1x1x128xf32, #tpu.memory_space<vmem>>
      %dma_wait3A_1622 = tpu.memref_squeeze %dma_wait3A_1621 : memref<1x1x128xf32, #tpu.memory_space<vmem>> -> memref<128xf32, #tpu.memory_space<vmem>>
      %dma_wait3A_1623 = arith.constant 0 : i32
      %dma_wait3A_1624 = tpu.memref_slice %arg5[%dma_wait3A_1618, %dma_wait3A_1619, %dma_wait3A_1623] : memref<2x32x128xi32, #tpu.memory_space<vmem>> -> memref<1x1x128xi32, #tpu.memory_space<vmem>>
      %dma_wait3A_1625 = tpu.memref_squeeze %dma_wait3A_1624 : memref<1x1x128xi32, #tpu.memory_space<vmem>> -> memref<128xi32, #tpu.memory_space<vmem>>
      %dma_wait3A_1626 = arith.constant 0 : i32
      %dma_wait3A_1627 = tpu.memref_slice %arg8[%dma_wait3A_1626] : memref<750080xf32, #tpu.memory_space<vmem_shared>> -> memref<750080xf32, #tpu.memory_space<vmem_shared>>
      tpu.wait_indirect_dma semaphore(%arg11 : memref<!tpu.dma_semaphore, #tpu.memory_space<semaphore_mem>>) src(%dma_wait3A_1622 : memref<128xf32, #tpu.memory_space<vmem>>) dst(%dma_wait3A_1627 : memref<750080xf32, #tpu.memory_space<vmem_shared>>)
      %dma_wait3A_1628 = arith.constant 1 : i32
      %dma_wait3A_1629 = arith.constant 24 : i32
      %dma_wait3A_1630 = arith.constant 1 : i32
      %dma_wait3A_1631 = arith.constant 24 : i32
      %dma_wait3A_1632 = arith.constant 0 : i32
      %dma_wait3A_1633 = tpu.memref_slice %arg6[%dma_wait3A_1628, %dma_wait3A_1629, %dma_wait3A_1632] : memref<2x32x128xf32, #tpu.memory_space<vmem>> -> memref<1x1x128xf32, #tpu.memory_space<vmem>>
      %dma_wait3A_1634 = tpu.memref_squeeze %dma_wait3A_1633 : memref<1x1x128xf32, #tpu.memory_space<vmem>> -> memref<128xf32, #tpu.memory_space<vmem>>
      %dma_wait3A_1635 = arith.constant 0 : i32
      %dma_wait3A_1636 = tpu.memref_slice %arg5[%dma_wait3A_1630, %dma_wait3A_1631, %dma_wait3A_1635] : memref<2x32x128xi32, #tpu.memory_space<vmem>> -> memref<1x1x128xi32, #tpu.memory_space<vmem>>
      %dma_wait3A_1637 = tpu.memref_squeeze %dma_wait3A_1636 : memref<1x1x128xi32, #tpu.memory_space<vmem>> -> memref<128xi32, #tpu.memory_space<vmem>>
      %dma_wait3A_1638 = arith.constant 0 : i32
      %dma_wait3A_1639 = tpu.memref_slice %arg8[%dma_wait3A_1638] : memref<750080xf32, #tpu.memory_space<vmem_shared>> -> memref<750080xf32, #tpu.memory_space<vmem_shared>>
      tpu.wait_indirect_dma semaphore(%arg11 : memref<!tpu.dma_semaphore, #tpu.memory_space<semaphore_mem>>) src(%dma_wait3A_1634 : memref<128xf32, #tpu.memory_space<vmem>>) dst(%dma_wait3A_1639 : memref<750080xf32, #tpu.memory_space<vmem_shared>>)
      %dma_wait3A_1640 = arith.constant 1 : i32
      %dma_wait3A_1641 = arith.constant 25 : i32
      %dma_wait3A_1642 = arith.constant 1 : i32
      %dma_wait3A_1643 = arith.constant 25 : i32
      %dma_wait3A_1644 = arith.constant 0 : i32
      %dma_wait3A_1645 = tpu.memref_slice %arg6[%dma_wait3A_1640, %dma_wait3A_1641, %dma_wait3A_1644] : memref<2x32x128xf32, #tpu.memory_space<vmem>> -> memref<1x1x128xf32, #tpu.memory_space<vmem>>
      %dma_wait3A_1646 = tpu.memref_squeeze %dma_wait3A_1645 : memref<1x1x128xf32, #tpu.memory_space<vmem>> -> memref<128xf32, #tpu.memory_space<vmem>>
      %dma_wait3A_1647 = arith.constant 0 : i32
      %dma_wait3A_1648 = tpu.memref_slice %arg5[%dma_wait3A_1642, %dma_wait3A_1643, %dma_wait3A_1647] : memref<2x32x128xi32, #tpu.memory_space<vmem>> -> memref<1x1x128xi32, #tpu.memory_space<vmem>>
      %dma_wait3A_1649 = tpu.memref_squeeze %dma_wait3A_1648 : memref<1x1x128xi32, #tpu.memory_space<vmem>> -> memref<128xi32, #tpu.memory_space<vmem>>
      %dma_wait3A_1650 = arith.constant 0 : i32
      %dma_wait3A_1651 = tpu.memref_slice %arg8[%dma_wait3A_1650] : memref<750080xf32, #tpu.memory_space<vmem_shared>> -> memref<750080xf32, #tpu.memory_space<vmem_shared>>
      tpu.wait_indirect_dma semaphore(%arg11 : memref<!tpu.dma_semaphore, #tpu.memory_space<semaphore_mem>>) src(%dma_wait3A_1646 : memref<128xf32, #tpu.memory_space<vmem>>) dst(%dma_wait3A_1651 : memref<750080xf32, #tpu.memory_space<vmem_shared>>)
      %dma_wait3A_1652 = arith.constant 1 : i32
      %dma_wait3A_1653 = arith.constant 26 : i32
      %dma_wait3A_1654 = arith.constant 1 : i32
      %dma_wait3A_1655 = arith.constant 26 : i32
      %dma_wait3A_1656 = arith.constant 0 : i32
      %dma_wait3A_1657 = tpu.memref_slice %arg6[%dma_wait3A_1652, %dma_wait3A_1653, %dma_wait3A_1656] : memref<2x32x128xf32, #tpu.memory_space<vmem>> -> memref<1x1x128xf32, #tpu.memory_space<vmem>>
      %dma_wait3A_1658 = tpu.memref_squeeze %dma_wait3A_1657 : memref<1x1x128xf32, #tpu.memory_space<vmem>> -> memref<128xf32, #tpu.memory_space<vmem>>
      %dma_wait3A_1659 = arith.constant 0 : i32
      %dma_wait3A_1660 = tpu.memref_slice %arg5[%dma_wait3A_1654, %dma_wait3A_1655, %dma_wait3A_1659] : memref<2x32x128xi32, #tpu.memory_space<vmem>> -> memref<1x1x128xi32, #tpu.memory_space<vmem>>
      %dma_wait3A_1661 = tpu.memref_squeeze %dma_wait3A_1660 : memref<1x1x128xi32, #tpu.memory_space<vmem>> -> memref<128xi32, #tpu.memory_space<vmem>>
      %dma_wait3A_1662 = arith.constant 0 : i32
      %dma_wait3A_1663 = tpu.memref_slice %arg8[%dma_wait3A_1662] : memref<750080xf32, #tpu.memory_space<vmem_shared>> -> memref<750080xf32, #tpu.memory_space<vmem_shared>>
      tpu.wait_indirect_dma semaphore(%arg11 : memref<!tpu.dma_semaphore, #tpu.memory_space<semaphore_mem>>) src(%dma_wait3A_1658 : memref<128xf32, #tpu.memory_space<vmem>>) dst(%dma_wait3A_1663 : memref<750080xf32, #tpu.memory_space<vmem_shared>>)
      %dma_wait3A_1664 = arith.constant 1 : i32
      %dma_wait3A_1665 = arith.constant 27 : i32
      %dma_wait3A_1666 = arith.constant 1 : i32
      %dma_wait3A_1667 = arith.constant 27 : i32
      %dma_wait3A_1668 = arith.constant 0 : i32
      %dma_wait3A_1669 = tpu.memref_slice %arg6[%dma_wait3A_1664, %dma_wait3A_1665, %dma_wait3A_1668] : memref<2x32x128xf32, #tpu.memory_space<vmem>> -> memref<1x1x128xf32, #tpu.memory_space<vmem>>
      %dma_wait3A_1670 = tpu.memref_squeeze %dma_wait3A_1669 : memref<1x1x128xf32, #tpu.memory_space<vmem>> -> memref<128xf32, #tpu.memory_space<vmem>>
      %dma_wait3A_1671 = arith.constant 0 : i32
      %dma_wait3A_1672 = tpu.memref_slice %arg5[%dma_wait3A_1666, %dma_wait3A_1667, %dma_wait3A_1671] : memref<2x32x128xi32, #tpu.memory_space<vmem>> -> memref<1x1x128xi32, #tpu.memory_space<vmem>>
      %dma_wait3A_1673 = tpu.memref_squeeze %dma_wait3A_1672 : memref<1x1x128xi32, #tpu.memory_space<vmem>> -> memref<128xi32, #tpu.memory_space<vmem>>
      %dma_wait3A_1674 = arith.constant 0 : i32
      %dma_wait3A_1675 = tpu.memref_slice %arg8[%dma_wait3A_1674] : memref<750080xf32, #tpu.memory_space<vmem_shared>> -> memref<750080xf32, #tpu.memory_space<vmem_shared>>
      tpu.wait_indirect_dma semaphore(%arg11 : memref<!tpu.dma_semaphore, #tpu.memory_space<semaphore_mem>>) src(%dma_wait3A_1670 : memref<128xf32, #tpu.memory_space<vmem>>) dst(%dma_wait3A_1675 : memref<750080xf32, #tpu.memory_space<vmem_shared>>)
      %dma_wait3A_1676 = arith.constant 1 : i32
      %dma_wait3A_1677 = arith.constant 28 : i32
      %dma_wait3A_1678 = arith.constant 1 : i32
      %dma_wait3A_1679 = arith.constant 28 : i32
      %dma_wait3A_1680 = arith.constant 0 : i32
      %dma_wait3A_1681 = tpu.memref_slice %arg6[%dma_wait3A_1676, %dma_wait3A_1677, %dma_wait3A_1680] : memref<2x32x128xf32, #tpu.memory_space<vmem>> -> memref<1x1x128xf32, #tpu.memory_space<vmem>>
      %dma_wait3A_1682 = tpu.memref_squeeze %dma_wait3A_1681 : memref<1x1x128xf32, #tpu.memory_space<vmem>> -> memref<128xf32, #tpu.memory_space<vmem>>
      %dma_wait3A_1683 = arith.constant 0 : i32
      %dma_wait3A_1684 = tpu.memref_slice %arg5[%dma_wait3A_1678, %dma_wait3A_1679, %dma_wait3A_1683] : memref<2x32x128xi32, #tpu.memory_space<vmem>> -> memref<1x1x128xi32, #tpu.memory_space<vmem>>
      %dma_wait3A_1685 = tpu.memref_squeeze %dma_wait3A_1684 : memref<1x1x128xi32, #tpu.memory_space<vmem>> -> memref<128xi32, #tpu.memory_space<vmem>>
      %dma_wait3A_1686 = arith.constant 0 : i32
      %dma_wait3A_1687 = tpu.memref_slice %arg8[%dma_wait3A_1686] : memref<750080xf32, #tpu.memory_space<vmem_shared>> -> memref<750080xf32, #tpu.memory_space<vmem_shared>>
      tpu.wait_indirect_dma semaphore(%arg11 : memref<!tpu.dma_semaphore, #tpu.memory_space<semaphore_mem>>) src(%dma_wait3A_1682 : memref<128xf32, #tpu.memory_space<vmem>>) dst(%dma_wait3A_1687 : memref<750080xf32, #tpu.memory_space<vmem_shared>>)
      %dma_wait3A_1688 = arith.constant 1 : i32
      %dma_wait3A_1689 = arith.constant 29 : i32
      %dma_wait3A_1690 = arith.constant 1 : i32
      %dma_wait3A_1691 = arith.constant 29 : i32
      %dma_wait3A_1692 = arith.constant 0 : i32
      %dma_wait3A_1693 = tpu.memref_slice %arg6[%dma_wait3A_1688, %dma_wait3A_1689, %dma_wait3A_1692] : memref<2x32x128xf32, #tpu.memory_space<vmem>> -> memref<1x1x128xf32, #tpu.memory_space<vmem>>
      %dma_wait3A_1694 = tpu.memref_squeeze %dma_wait3A_1693 : memref<1x1x128xf32, #tpu.memory_space<vmem>> -> memref<128xf32, #tpu.memory_space<vmem>>
      %dma_wait3A_1695 = arith.constant 0 : i32
      %dma_wait3A_1696 = tpu.memref_slice %arg5[%dma_wait3A_1690, %dma_wait3A_1691, %dma_wait3A_1695] : memref<2x32x128xi32, #tpu.memory_space<vmem>> -> memref<1x1x128xi32, #tpu.memory_space<vmem>>
      %dma_wait3A_1697 = tpu.memref_squeeze %dma_wait3A_1696 : memref<1x1x128xi32, #tpu.memory_space<vmem>> -> memref<128xi32, #tpu.memory_space<vmem>>
      %dma_wait3A_1698 = arith.constant 0 : i32
      %dma_wait3A_1699 = tpu.memref_slice %arg8[%dma_wait3A_1698] : memref<750080xf32, #tpu.memory_space<vmem_shared>> -> memref<750080xf32, #tpu.memory_space<vmem_shared>>
      tpu.wait_indirect_dma semaphore(%arg11 : memref<!tpu.dma_semaphore, #tpu.memory_space<semaphore_mem>>) src(%dma_wait3A_1694 : memref<128xf32, #tpu.memory_space<vmem>>) dst(%dma_wait3A_1699 : memref<750080xf32, #tpu.memory_space<vmem_shared>>)
      %dma_wait3A_1700 = arith.constant 1 : i32
      %dma_wait3A_1701 = arith.constant 30 : i32
      %dma_wait3A_1702 = arith.constant 1 : i32
      %dma_wait3A_1703 = arith.constant 30 : i32
      %dma_wait3A_1704 = arith.constant 0 : i32
      %dma_wait3A_1705 = tpu.memref_slice %arg6[%dma_wait3A_1700, %dma_wait3A_1701, %dma_wait3A_1704] : memref<2x32x128xf32, #tpu.memory_space<vmem>> -> memref<1x1x128xf32, #tpu.memory_space<vmem>>
      %dma_wait3A_1706 = tpu.memref_squeeze %dma_wait3A_1705 : memref<1x1x128xf32, #tpu.memory_space<vmem>> -> memref<128xf32, #tpu.memory_space<vmem>>
      %dma_wait3A_1707 = arith.constant 0 : i32
      %dma_wait3A_1708 = tpu.memref_slice %arg5[%dma_wait3A_1702, %dma_wait3A_1703, %dma_wait3A_1707] : memref<2x32x128xi32, #tpu.memory_space<vmem>> -> memref<1x1x128xi32, #tpu.memory_space<vmem>>
      %dma_wait3A_1709 = tpu.memref_squeeze %dma_wait3A_1708 : memref<1x1x128xi32, #tpu.memory_space<vmem>> -> memref<128xi32, #tpu.memory_space<vmem>>
      %dma_wait3A_1710 = arith.constant 0 : i32
      %dma_wait3A_1711 = tpu.memref_slice %arg8[%dma_wait3A_1710] : memref<750080xf32, #tpu.memory_space<vmem_shared>> -> memref<750080xf32, #tpu.memory_space<vmem_shared>>
      tpu.wait_indirect_dma semaphore(%arg11 : memref<!tpu.dma_semaphore, #tpu.memory_space<semaphore_mem>>) src(%dma_wait3A_1706 : memref<128xf32, #tpu.memory_space<vmem>>) dst(%dma_wait3A_1711 : memref<750080xf32, #tpu.memory_space<vmem_shared>>)
      %dma_wait3A_1712 = arith.constant 1 : i32
      %dma_wait3A_1713 = arith.constant 31 : i32
      %dma_wait3A_1714 = arith.constant 1 : i32
      %dma_wait3A_1715 = arith.constant 31 : i32
      %dma_wait3A_1716 = arith.constant 0 : i32
      %dma_wait3A_1717 = tpu.memref_slice %arg6[%dma_wait3A_1712, %dma_wait3A_1713, %dma_wait3A_1716] : memref<2x32x128xf32, #tpu.memory_space<vmem>> -> memref<1x1x128xf32, #tpu.memory_space<vmem>>
      %dma_wait3A_1718 = tpu.memref_squeeze %dma_wait3A_1717 : memref<1x1x128xf32, #tpu.memory_space<vmem>> -> memref<128xf32, #tpu.memory_space<vmem>>
      %dma_wait3A_1719 = arith.constant 0 : i32
      %dma_wait3A_1720 = tpu.memref_slice %arg5[%dma_wait3A_1714, %dma_wait3A_1715, %dma_wait3A_1719] : memref<2x32x128xi32, #tpu.memory_space<vmem>> -> memref<1x1x128xi32, #tpu.memory_space<vmem>>
      %dma_wait3A_1721 = tpu.memref_squeeze %dma_wait3A_1720 : memref<1x1x128xi32, #tpu.memory_space<vmem>> -> memref<128xi32, #tpu.memory_space<vmem>>
      %dma_wait3A_1722 = arith.constant 0 : i32
      %dma_wait3A_1723 = tpu.memref_slice %arg8[%dma_wait3A_1722] : memref<750080xf32, #tpu.memory_space<vmem_shared>> -> memref<750080xf32, #tpu.memory_space<vmem_shared>>
      tpu.wait_indirect_dma semaphore(%arg11 : memref<!tpu.dma_semaphore, #tpu.memory_space<semaphore_mem>>) src(%dma_wait3A_1718 : memref<128xf32, #tpu.memory_space<vmem>>) dst(%dma_wait3A_1723 : memref<750080xf32, #tpu.memory_space<vmem_shared>>)
    }
    %scan3A_61 = arith.constant 8 : i32
    %barrier3A_62 = arith.constant 0 : index
    tpu.barrier barrier_id(%barrier3A_62)
    %add3A_63 = arith.constant 0 : i32
    %add3A_64 = arith.addi %mul3A_0, %add3A_63 : i32
    "tpu.region"() ({
      %run_scoped3A = tpu.sem_alloc : memref<!tpu.dma_semaphore, #tpu.memory_space<semaphore_mem>>
      %dma_start3A_111 = tpu.memref_slice %arg8[%add3A_64] : memref<750080xf32, #tpu.memory_space<vmem_shared>> -> memref<4096xf32, #tpu.memory_space<vmem_shared>>
      %dma_start3A_112 = tpu.memref_slice %arg8[%add3A_64] : memref<750080xf32, #tpu.memory_space<vmem_shared>> -> memref<4096xf32, #tpu.memory_space<vmem_shared>>
      tpu.enqueue_dma source(%dma_start3A_112 : memref<4096xf32, #tpu.memory_space<vmem_shared>>) target(%arg7 : memref<4096xf32, #tpu.memory_space<vmem>>) target_semaphore(%run_scoped3A : memref<!tpu.dma_semaphore, #tpu.memory_space<semaphore_mem>>)
      %dma_wait3A = tpu.memref_slice %arg8[%add3A_64] : memref<750080xf32, #tpu.memory_space<vmem_shared>> -> memref<4096xf32, #tpu.memory_space<vmem_shared>>
      %dma_wait3A_113 = tpu.memref_slice %arg8[%add3A_64] : memref<750080xf32, #tpu.memory_space<vmem_shared>> -> memref<4096xf32, #tpu.memory_space<vmem_shared>>
      tpu.wait_dma2 semaphore(%run_scoped3A : memref<!tpu.dma_semaphore, #tpu.memory_space<semaphore_mem>>) src(%dma_wait3A_113 : memref<4096xf32, #tpu.memory_space<vmem_shared>>) dst(%arg7 : memref<4096xf32, #tpu.memory_space<vmem>>)
      tpu.yield
    }) : () -> ()
    %add3A_65 = arith.constant 0 : i32
    %add3A_66 = arith.addi %mul3A_0, %add3A_65 : i32
    "tpu.region"() ({
      %run_scoped3A = tpu.sem_alloc : memref<!tpu.dma_semaphore, #tpu.memory_space<semaphore_mem>>
      %dma_start3A_111 = tpu.memref_slice %arg4[%add3A_66] : memref<750080xf32, #tpu.memory_space<hbm>> -> memref<4096xf32, #tpu.memory_space<hbm>>
      %dma_start3A_112 = tpu.memref_slice %arg4[%add3A_66] : memref<750080xf32, #tpu.memory_space<hbm>> -> memref<4096xf32, #tpu.memory_space<hbm>>
      tpu.enqueue_dma source(%arg7 : memref<4096xf32, #tpu.memory_space<vmem>>) target(%dma_start3A_112 : memref<4096xf32, #tpu.memory_space<hbm>>) target_semaphore(%run_scoped3A : memref<!tpu.dma_semaphore, #tpu.memory_space<semaphore_mem>>)
      %dma_wait3A = tpu.memref_slice %arg4[%add3A_66] : memref<750080xf32, #tpu.memory_space<hbm>> -> memref<4096xf32, #tpu.memory_space<hbm>>
      %dma_wait3A_113 = tpu.memref_slice %arg4[%add3A_66] : memref<750080xf32, #tpu.memory_space<hbm>> -> memref<4096xf32, #tpu.memory_space<hbm>>
      tpu.wait_dma2 semaphore(%run_scoped3A : memref<!tpu.dma_semaphore, #tpu.memory_space<semaphore_mem>>) src(%arg7 : memref<4096xf32, #tpu.memory_space<vmem>>) dst(%dma_wait3A_113 : memref<4096xf32, #tpu.memory_space<hbm>>)
      tpu.yield
    }) : () -> ()
    %add3A_67 = arith.constant 4096 : i32
    %add3A_68 = arith.addi %mul3A_0, %add3A_67 : i32
    "tpu.region"() ({
      %run_scoped3A = tpu.sem_alloc : memref<!tpu.dma_semaphore, #tpu.memory_space<semaphore_mem>>
      %dma_start3A_111 = tpu.memref_slice %arg8[%add3A_68] : memref<750080xf32, #tpu.memory_space<vmem_shared>> -> memref<4096xf32, #tpu.memory_space<vmem_shared>>
      %dma_start3A_112 = tpu.memref_slice %arg8[%add3A_68] : memref<750080xf32, #tpu.memory_space<vmem_shared>> -> memref<4096xf32, #tpu.memory_space<vmem_shared>>
      tpu.enqueue_dma source(%dma_start3A_112 : memref<4096xf32, #tpu.memory_space<vmem_shared>>) target(%arg7 : memref<4096xf32, #tpu.memory_space<vmem>>) target_semaphore(%run_scoped3A : memref<!tpu.dma_semaphore, #tpu.memory_space<semaphore_mem>>)
      %dma_wait3A = tpu.memref_slice %arg8[%add3A_68] : memref<750080xf32, #tpu.memory_space<vmem_shared>> -> memref<4096xf32, #tpu.memory_space<vmem_shared>>
      %dma_wait3A_113 = tpu.memref_slice %arg8[%add3A_68] : memref<750080xf32, #tpu.memory_space<vmem_shared>> -> memref<4096xf32, #tpu.memory_space<vmem_shared>>
      tpu.wait_dma2 semaphore(%run_scoped3A : memref<!tpu.dma_semaphore, #tpu.memory_space<semaphore_mem>>) src(%dma_wait3A_113 : memref<4096xf32, #tpu.memory_space<vmem_shared>>) dst(%arg7 : memref<4096xf32, #tpu.memory_space<vmem>>)
      tpu.yield
    }) : () -> ()
    %add3A_69 = arith.constant 4096 : i32
    %add3A_70 = arith.addi %mul3A_0, %add3A_69 : i32
    "tpu.region"() ({
      %run_scoped3A = tpu.sem_alloc : memref<!tpu.dma_semaphore, #tpu.memory_space<semaphore_mem>>
      %dma_start3A_111 = tpu.memref_slice %arg4[%add3A_70] : memref<750080xf32, #tpu.memory_space<hbm>> -> memref<4096xf32, #tpu.memory_space<hbm>>
      %dma_start3A_112 = tpu.memref_slice %arg4[%add3A_70] : memref<750080xf32, #tpu.memory_space<hbm>> -> memref<4096xf32, #tpu.memory_space<hbm>>
      tpu.enqueue_dma source(%arg7 : memref<4096xf32, #tpu.memory_space<vmem>>) target(%dma_start3A_112 : memref<4096xf32, #tpu.memory_space<hbm>>) target_semaphore(%run_scoped3A : memref<!tpu.dma_semaphore, #tpu.memory_space<semaphore_mem>>)
      %dma_wait3A = tpu.memref_slice %arg4[%add3A_70] : memref<750080xf32, #tpu.memory_space<hbm>> -> memref<4096xf32, #tpu.memory_space<hbm>>
      %dma_wait3A_113 = tpu.memref_slice %arg4[%add3A_70] : memref<750080xf32, #tpu.memory_space<hbm>> -> memref<4096xf32, #tpu.memory_space<hbm>>
      tpu.wait_dma2 semaphore(%run_scoped3A : memref<!tpu.dma_semaphore, #tpu.memory_space<semaphore_mem>>) src(%arg7 : memref<4096xf32, #tpu.memory_space<vmem>>) dst(%dma_wait3A_113 : memref<4096xf32, #tpu.memory_space<hbm>>)
      tpu.yield
    }) : () -> ()
    %add3A_71 = arith.constant 8192 : i32
    %add3A_72 = arith.addi %mul3A_0, %add3A_71 : i32
    "tpu.region"() ({
      %run_scoped3A = tpu.sem_alloc : memref<!tpu.dma_semaphore, #tpu.memory_space<semaphore_mem>>
      %dma_start3A_111 = tpu.memref_slice %arg8[%add3A_72] : memref<750080xf32, #tpu.memory_space<vmem_shared>> -> memref<4096xf32, #tpu.memory_space<vmem_shared>>
      %dma_start3A_112 = tpu.memref_slice %arg8[%add3A_72] : memref<750080xf32, #tpu.memory_space<vmem_shared>> -> memref<4096xf32, #tpu.memory_space<vmem_shared>>
      tpu.enqueue_dma source(%dma_start3A_112 : memref<4096xf32, #tpu.memory_space<vmem_shared>>) target(%arg7 : memref<4096xf32, #tpu.memory_space<vmem>>) target_semaphore(%run_scoped3A : memref<!tpu.dma_semaphore, #tpu.memory_space<semaphore_mem>>)
      %dma_wait3A = tpu.memref_slice %arg8[%add3A_72] : memref<750080xf32, #tpu.memory_space<vmem_shared>> -> memref<4096xf32, #tpu.memory_space<vmem_shared>>
      %dma_wait3A_113 = tpu.memref_slice %arg8[%add3A_72] : memref<750080xf32, #tpu.memory_space<vmem_shared>> -> memref<4096xf32, #tpu.memory_space<vmem_shared>>
      tpu.wait_dma2 semaphore(%run_scoped3A : memref<!tpu.dma_semaphore, #tpu.memory_space<semaphore_mem>>) src(%dma_wait3A_113 : memref<4096xf32, #tpu.memory_space<vmem_shared>>) dst(%arg7 : memref<4096xf32, #tpu.memory_space<vmem>>)
      tpu.yield
    }) : () -> ()
    %add3A_73 = arith.constant 8192 : i32
    %add3A_74 = arith.addi %mul3A_0, %add3A_73 : i32
    "tpu.region"() ({
      %run_scoped3A = tpu.sem_alloc : memref<!tpu.dma_semaphore, #tpu.memory_space<semaphore_mem>>
      %dma_start3A_111 = tpu.memref_slice %arg4[%add3A_74] : memref<750080xf32, #tpu.memory_space<hbm>> -> memref<4096xf32, #tpu.memory_space<hbm>>
      %dma_start3A_112 = tpu.memref_slice %arg4[%add3A_74] : memref<750080xf32, #tpu.memory_space<hbm>> -> memref<4096xf32, #tpu.memory_space<hbm>>
      tpu.enqueue_dma source(%arg7 : memref<4096xf32, #tpu.memory_space<vmem>>) target(%dma_start3A_112 : memref<4096xf32, #tpu.memory_space<hbm>>) target_semaphore(%run_scoped3A : memref<!tpu.dma_semaphore, #tpu.memory_space<semaphore_mem>>)
      %dma_wait3A = tpu.memref_slice %arg4[%add3A_74] : memref<750080xf32, #tpu.memory_space<hbm>> -> memref<4096xf32, #tpu.memory_space<hbm>>
      %dma_wait3A_113 = tpu.memref_slice %arg4[%add3A_74] : memref<750080xf32, #tpu.memory_space<hbm>> -> memref<4096xf32, #tpu.memory_space<hbm>>
      tpu.wait_dma2 semaphore(%run_scoped3A : memref<!tpu.dma_semaphore, #tpu.memory_space<semaphore_mem>>) src(%arg7 : memref<4096xf32, #tpu.memory_space<vmem>>) dst(%dma_wait3A_113 : memref<4096xf32, #tpu.memory_space<hbm>>)
      tpu.yield
    }) : () -> ()
    %add3A_75 = arith.constant 12288 : i32
    %add3A_76 = arith.addi %mul3A_0, %add3A_75 : i32
    "tpu.region"() ({
      %run_scoped3A = tpu.sem_alloc : memref<!tpu.dma_semaphore, #tpu.memory_space<semaphore_mem>>
      %dma_start3A_111 = tpu.memref_slice %arg8[%add3A_76] : memref<750080xf32, #tpu.memory_space<vmem_shared>> -> memref<4096xf32, #tpu.memory_space<vmem_shared>>
      %dma_start3A_112 = tpu.memref_slice %arg8[%add3A_76] : memref<750080xf32, #tpu.memory_space<vmem_shared>> -> memref<4096xf32, #tpu.memory_space<vmem_shared>>
      tpu.enqueue_dma source(%dma_start3A_112 : memref<4096xf32, #tpu.memory_space<vmem_shared>>) target(%arg7 : memref<4096xf32, #tpu.memory_space<vmem>>) target_semaphore(%run_scoped3A : memref<!tpu.dma_semaphore, #tpu.memory_space<semaphore_mem>>)
      %dma_wait3A = tpu.memref_slice %arg8[%add3A_76] : memref<750080xf32, #tpu.memory_space<vmem_shared>> -> memref<4096xf32, #tpu.memory_space<vmem_shared>>
      %dma_wait3A_113 = tpu.memref_slice %arg8[%add3A_76] : memref<750080xf32, #tpu.memory_space<vmem_shared>> -> memref<4096xf32, #tpu.memory_space<vmem_shared>>
      tpu.wait_dma2 semaphore(%run_scoped3A : memref<!tpu.dma_semaphore, #tpu.memory_space<semaphore_mem>>) src(%dma_wait3A_113 : memref<4096xf32, #tpu.memory_space<vmem_shared>>) dst(%arg7 : memref<4096xf32, #tpu.memory_space<vmem>>)
      tpu.yield
    }) : () -> ()
    %add3A_77 = arith.constant 12288 : i32
    %add3A_78 = arith.addi %mul3A_0, %add3A_77 : i32
    "tpu.region"() ({
      %run_scoped3A = tpu.sem_alloc : memref<!tpu.dma_semaphore, #tpu.memory_space<semaphore_mem>>
      %dma_start3A_111 = tpu.memref_slice %arg4[%add3A_78] : memref<750080xf32, #tpu.memory_space<hbm>> -> memref<4096xf32, #tpu.memory_space<hbm>>
      %dma_start3A_112 = tpu.memref_slice %arg4[%add3A_78] : memref<750080xf32, #tpu.memory_space<hbm>> -> memref<4096xf32, #tpu.memory_space<hbm>>
      tpu.enqueue_dma source(%arg7 : memref<4096xf32, #tpu.memory_space<vmem>>) target(%dma_start3A_112 : memref<4096xf32, #tpu.memory_space<hbm>>) target_semaphore(%run_scoped3A : memref<!tpu.dma_semaphore, #tpu.memory_space<semaphore_mem>>)
      %dma_wait3A = tpu.memref_slice %arg4[%add3A_78] : memref<750080xf32, #tpu.memory_space<hbm>> -> memref<4096xf32, #tpu.memory_space<hbm>>
      %dma_wait3A_113 = tpu.memref_slice %arg4[%add3A_78] : memref<750080xf32, #tpu.memory_space<hbm>> -> memref<4096xf32, #tpu.memory_space<hbm>>
      tpu.wait_dma2 semaphore(%run_scoped3A : memref<!tpu.dma_semaphore, #tpu.memory_space<semaphore_mem>>) src(%arg7 : memref<4096xf32, #tpu.memory_space<vmem>>) dst(%dma_wait3A_113 : memref<4096xf32, #tpu.memory_space<hbm>>)
      tpu.yield
    }) : () -> ()
    %add3A_79 = arith.constant 16384 : i32
    %add3A_80 = arith.addi %mul3A_0, %add3A_79 : i32
    "tpu.region"() ({
      %run_scoped3A = tpu.sem_alloc : memref<!tpu.dma_semaphore, #tpu.memory_space<semaphore_mem>>
      %dma_start3A_111 = tpu.memref_slice %arg8[%add3A_80] : memref<750080xf32, #tpu.memory_space<vmem_shared>> -> memref<4096xf32, #tpu.memory_space<vmem_shared>>
      %dma_start3A_112 = tpu.memref_slice %arg8[%add3A_80] : memref<750080xf32, #tpu.memory_space<vmem_shared>> -> memref<4096xf32, #tpu.memory_space<vmem_shared>>
      tpu.enqueue_dma source(%dma_start3A_112 : memref<4096xf32, #tpu.memory_space<vmem_shared>>) target(%arg7 : memref<4096xf32, #tpu.memory_space<vmem>>) target_semaphore(%run_scoped3A : memref<!tpu.dma_semaphore, #tpu.memory_space<semaphore_mem>>)
      %dma_wait3A = tpu.memref_slice %arg8[%add3A_80] : memref<750080xf32, #tpu.memory_space<vmem_shared>> -> memref<4096xf32, #tpu.memory_space<vmem_shared>>
      %dma_wait3A_113 = tpu.memref_slice %arg8[%add3A_80] : memref<750080xf32, #tpu.memory_space<vmem_shared>> -> memref<4096xf32, #tpu.memory_space<vmem_shared>>
      tpu.wait_dma2 semaphore(%run_scoped3A : memref<!tpu.dma_semaphore, #tpu.memory_space<semaphore_mem>>) src(%dma_wait3A_113 : memref<4096xf32, #tpu.memory_space<vmem_shared>>) dst(%arg7 : memref<4096xf32, #tpu.memory_space<vmem>>)
      tpu.yield
    }) : () -> ()
    %add3A_81 = arith.constant 16384 : i32
    %add3A_82 = arith.addi %mul3A_0, %add3A_81 : i32
    "tpu.region"() ({
      %run_scoped3A = tpu.sem_alloc : memref<!tpu.dma_semaphore, #tpu.memory_space<semaphore_mem>>
      %dma_start3A_111 = tpu.memref_slice %arg4[%add3A_82] : memref<750080xf32, #tpu.memory_space<hbm>> -> memref<4096xf32, #tpu.memory_space<hbm>>
      %dma_start3A_112 = tpu.memref_slice %arg4[%add3A_82] : memref<750080xf32, #tpu.memory_space<hbm>> -> memref<4096xf32, #tpu.memory_space<hbm>>
      tpu.enqueue_dma source(%arg7 : memref<4096xf32, #tpu.memory_space<vmem>>) target(%dma_start3A_112 : memref<4096xf32, #tpu.memory_space<hbm>>) target_semaphore(%run_scoped3A : memref<!tpu.dma_semaphore, #tpu.memory_space<semaphore_mem>>)
      %dma_wait3A = tpu.memref_slice %arg4[%add3A_82] : memref<750080xf32, #tpu.memory_space<hbm>> -> memref<4096xf32, #tpu.memory_space<hbm>>
      %dma_wait3A_113 = tpu.memref_slice %arg4[%add3A_82] : memref<750080xf32, #tpu.memory_space<hbm>> -> memref<4096xf32, #tpu.memory_space<hbm>>
      tpu.wait_dma2 semaphore(%run_scoped3A : memref<!tpu.dma_semaphore, #tpu.memory_space<semaphore_mem>>) src(%arg7 : memref<4096xf32, #tpu.memory_space<vmem>>) dst(%dma_wait3A_113 : memref<4096xf32, #tpu.memory_space<hbm>>)
      tpu.yield
    }) : () -> ()
    %add3A_83 = arith.constant 20480 : i32
    %add3A_84 = arith.addi %mul3A_0, %add3A_83 : i32
    "tpu.region"() ({
      %run_scoped3A = tpu.sem_alloc : memref<!tpu.dma_semaphore, #tpu.memory_space<semaphore_mem>>
      %dma_start3A_111 = tpu.memref_slice %arg8[%add3A_84] : memref<750080xf32, #tpu.memory_space<vmem_shared>> -> memref<4096xf32, #tpu.memory_space<vmem_shared>>
      %dma_start3A_112 = tpu.memref_slice %arg8[%add3A_84] : memref<750080xf32, #tpu.memory_space<vmem_shared>> -> memref<4096xf32, #tpu.memory_space<vmem_shared>>
      tpu.enqueue_dma source(%dma_start3A_112 : memref<4096xf32, #tpu.memory_space<vmem_shared>>) target(%arg7 : memref<4096xf32, #tpu.memory_space<vmem>>) target_semaphore(%run_scoped3A : memref<!tpu.dma_semaphore, #tpu.memory_space<semaphore_mem>>)
      %dma_wait3A = tpu.memref_slice %arg8[%add3A_84] : memref<750080xf32, #tpu.memory_space<vmem_shared>> -> memref<4096xf32, #tpu.memory_space<vmem_shared>>
      %dma_wait3A_113 = tpu.memref_slice %arg8[%add3A_84] : memref<750080xf32, #tpu.memory_space<vmem_shared>> -> memref<4096xf32, #tpu.memory_space<vmem_shared>>
      tpu.wait_dma2 semaphore(%run_scoped3A : memref<!tpu.dma_semaphore, #tpu.memory_space<semaphore_mem>>) src(%dma_wait3A_113 : memref<4096xf32, #tpu.memory_space<vmem_shared>>) dst(%arg7 : memref<4096xf32, #tpu.memory_space<vmem>>)
      tpu.yield
    }) : () -> ()
    %add3A_85 = arith.constant 20480 : i32
    %add3A_86 = arith.addi %mul3A_0, %add3A_85 : i32
    "tpu.region"() ({
      %run_scoped3A = tpu.sem_alloc : memref<!tpu.dma_semaphore, #tpu.memory_space<semaphore_mem>>
      %dma_start3A_111 = tpu.memref_slice %arg4[%add3A_86] : memref<750080xf32, #tpu.memory_space<hbm>> -> memref<4096xf32, #tpu.memory_space<hbm>>
      %dma_start3A_112 = tpu.memref_slice %arg4[%add3A_86] : memref<750080xf32, #tpu.memory_space<hbm>> -> memref<4096xf32, #tpu.memory_space<hbm>>
      tpu.enqueue_dma source(%arg7 : memref<4096xf32, #tpu.memory_space<vmem>>) target(%dma_start3A_112 : memref<4096xf32, #tpu.memory_space<hbm>>) target_semaphore(%run_scoped3A : memref<!tpu.dma_semaphore, #tpu.memory_space<semaphore_mem>>)
      %dma_wait3A = tpu.memref_slice %arg4[%add3A_86] : memref<750080xf32, #tpu.memory_space<hbm>> -> memref<4096xf32, #tpu.memory_space<hbm>>
      %dma_wait3A_113 = tpu.memref_slice %arg4[%add3A_86] : memref<750080xf32, #tpu.memory_space<hbm>> -> memref<4096xf32, #tpu.memory_space<hbm>>
      tpu.wait_dma2 semaphore(%run_scoped3A : memref<!tpu.dma_semaphore, #tpu.memory_space<semaphore_mem>>) src(%arg7 : memref<4096xf32, #tpu.memory_space<vmem>>) dst(%dma_wait3A_113 : memref<4096xf32, #tpu.memory_space<hbm>>)
      tpu.yield
    }) : () -> ()
    %add3A_87 = arith.constant 24576 : i32
    %add3A_88 = arith.addi %mul3A_0, %add3A_87 : i32
    "tpu.region"() ({
      %run_scoped3A = tpu.sem_alloc : memref<!tpu.dma_semaphore, #tpu.memory_space<semaphore_mem>>
      %dma_start3A_111 = tpu.memref_slice %arg8[%add3A_88] : memref<750080xf32, #tpu.memory_space<vmem_shared>> -> memref<4096xf32, #tpu.memory_space<vmem_shared>>
      %dma_start3A_112 = tpu.memref_slice %arg8[%add3A_88] : memref<750080xf32, #tpu.memory_space<vmem_shared>> -> memref<4096xf32, #tpu.memory_space<vmem_shared>>
      tpu.enqueue_dma source(%dma_start3A_112 : memref<4096xf32, #tpu.memory_space<vmem_shared>>) target(%arg7 : memref<4096xf32, #tpu.memory_space<vmem>>) target_semaphore(%run_scoped3A : memref<!tpu.dma_semaphore, #tpu.memory_space<semaphore_mem>>)
      %dma_wait3A = tpu.memref_slice %arg8[%add3A_88] : memref<750080xf32, #tpu.memory_space<vmem_shared>> -> memref<4096xf32, #tpu.memory_space<vmem_shared>>
      %dma_wait3A_113 = tpu.memref_slice %arg8[%add3A_88] : memref<750080xf32, #tpu.memory_space<vmem_shared>> -> memref<4096xf32, #tpu.memory_space<vmem_shared>>
      tpu.wait_dma2 semaphore(%run_scoped3A : memref<!tpu.dma_semaphore, #tpu.memory_space<semaphore_mem>>) src(%dma_wait3A_113 : memref<4096xf32, #tpu.memory_space<vmem_shared>>) dst(%arg7 : memref<4096xf32, #tpu.memory_space<vmem>>)
      tpu.yield
    }) : () -> ()
    %add3A_89 = arith.constant 24576 : i32
    %add3A_90 = arith.addi %mul3A_0, %add3A_89 : i32
    "tpu.region"() ({
      %run_scoped3A = tpu.sem_alloc : memref<!tpu.dma_semaphore, #tpu.memory_space<semaphore_mem>>
      %dma_start3A_111 = tpu.memref_slice %arg4[%add3A_90] : memref<750080xf32, #tpu.memory_space<hbm>> -> memref<4096xf32, #tpu.memory_space<hbm>>
      %dma_start3A_112 = tpu.memref_slice %arg4[%add3A_90] : memref<750080xf32, #tpu.memory_space<hbm>> -> memref<4096xf32, #tpu.memory_space<hbm>>
      tpu.enqueue_dma source(%arg7 : memref<4096xf32, #tpu.memory_space<vmem>>) target(%dma_start3A_112 : memref<4096xf32, #tpu.memory_space<hbm>>) target_semaphore(%run_scoped3A : memref<!tpu.dma_semaphore, #tpu.memory_space<semaphore_mem>>)
      %dma_wait3A = tpu.memref_slice %arg4[%add3A_90] : memref<750080xf32, #tpu.memory_space<hbm>> -> memref<4096xf32, #tpu.memory_space<hbm>>
      %dma_wait3A_113 = tpu.memref_slice %arg4[%add3A_90] : memref<750080xf32, #tpu.memory_space<hbm>> -> memref<4096xf32, #tpu.memory_space<hbm>>
      tpu.wait_dma2 semaphore(%run_scoped3A : memref<!tpu.dma_semaphore, #tpu.memory_space<semaphore_mem>>) src(%arg7 : memref<4096xf32, #tpu.memory_space<vmem>>) dst(%dma_wait3A_113 : memref<4096xf32, #tpu.memory_space<hbm>>)
      tpu.yield
    }) : () -> ()
    %add3A_91 = arith.constant 28672 : i32
    %add3A_92 = arith.addi %mul3A_0, %add3A_91 : i32
    "tpu.region"() ({
      %run_scoped3A = tpu.sem_alloc : memref<!tpu.dma_semaphore, #tpu.memory_space<semaphore_mem>>
      %dma_start3A_111 = tpu.memref_slice %arg8[%add3A_92] : memref<750080xf32, #tpu.memory_space<vmem_shared>> -> memref<4096xf32, #tpu.memory_space<vmem_shared>>
      %dma_start3A_112 = tpu.memref_slice %arg8[%add3A_92] : memref<750080xf32, #tpu.memory_space<vmem_shared>> -> memref<4096xf32, #tpu.memory_space<vmem_shared>>
      tpu.enqueue_dma source(%dma_start3A_112 : memref<4096xf32, #tpu.memory_space<vmem_shared>>) target(%arg7 : memref<4096xf32, #tpu.memory_space<vmem>>) target_semaphore(%run_scoped3A : memref<!tpu.dma_semaphore, #tpu.memory_space<semaphore_mem>>)
      %dma_wait3A = tpu.memref_slice %arg8[%add3A_92] : memref<750080xf32, #tpu.memory_space<vmem_shared>> -> memref<4096xf32, #tpu.memory_space<vmem_shared>>
      %dma_wait3A_113 = tpu.memref_slice %arg8[%add3A_92] : memref<750080xf32, #tpu.memory_space<vmem_shared>> -> memref<4096xf32, #tpu.memory_space<vmem_shared>>
      tpu.wait_dma2 semaphore(%run_scoped3A : memref<!tpu.dma_semaphore, #tpu.memory_space<semaphore_mem>>) src(%dma_wait3A_113 : memref<4096xf32, #tpu.memory_space<vmem_shared>>) dst(%arg7 : memref<4096xf32, #tpu.memory_space<vmem>>)
      tpu.yield
    }) : () -> ()
    %add3A_93 = arith.constant 28672 : i32
    %add3A_94 = arith.addi %mul3A_0, %add3A_93 : i32
    "tpu.region"() ({
      %run_scoped3A = tpu.sem_alloc : memref<!tpu.dma_semaphore, #tpu.memory_space<semaphore_mem>>
      %dma_start3A_111 = tpu.memref_slice %arg4[%add3A_94] : memref<750080xf32, #tpu.memory_space<hbm>> -> memref<4096xf32, #tpu.memory_space<hbm>>
      %dma_start3A_112 = tpu.memref_slice %arg4[%add3A_94] : memref<750080xf32, #tpu.memory_space<hbm>> -> memref<4096xf32, #tpu.memory_space<hbm>>
      tpu.enqueue_dma source(%arg7 : memref<4096xf32, #tpu.memory_space<vmem>>) target(%dma_start3A_112 : memref<4096xf32, #tpu.memory_space<hbm>>) target_semaphore(%run_scoped3A : memref<!tpu.dma_semaphore, #tpu.memory_space<semaphore_mem>>)
      %dma_wait3A = tpu.memref_slice %arg4[%add3A_94] : memref<750080xf32, #tpu.memory_space<hbm>> -> memref<4096xf32, #tpu.memory_space<hbm>>
      %dma_wait3A_113 = tpu.memref_slice %arg4[%add3A_94] : memref<750080xf32, #tpu.memory_space<hbm>> -> memref<4096xf32, #tpu.memory_space<hbm>>
      tpu.wait_dma2 semaphore(%run_scoped3A : memref<!tpu.dma_semaphore, #tpu.memory_space<semaphore_mem>>) src(%arg7 : memref<4096xf32, #tpu.memory_space<vmem>>) dst(%dma_wait3A_113 : memref<4096xf32, #tpu.memory_space<hbm>>)
      tpu.yield
    }) : () -> ()
    %add3A_95 = arith.constant 32768 : i32
    %add3A_96 = arith.addi %mul3A_0, %add3A_95 : i32
    "tpu.region"() ({
      %run_scoped3A = tpu.sem_alloc : memref<!tpu.dma_semaphore, #tpu.memory_space<semaphore_mem>>
      %dma_start3A_111 = tpu.memref_slice %arg8[%add3A_96] : memref<750080xf32, #tpu.memory_space<vmem_shared>> -> memref<4096xf32, #tpu.memory_space<vmem_shared>>
      %dma_start3A_112 = tpu.memref_slice %arg8[%add3A_96] : memref<750080xf32, #tpu.memory_space<vmem_shared>> -> memref<4096xf32, #tpu.memory_space<vmem_shared>>
      tpu.enqueue_dma source(%dma_start3A_112 : memref<4096xf32, #tpu.memory_space<vmem_shared>>) target(%arg7 : memref<4096xf32, #tpu.memory_space<vmem>>) target_semaphore(%run_scoped3A : memref<!tpu.dma_semaphore, #tpu.memory_space<semaphore_mem>>)
      %dma_wait3A = tpu.memref_slice %arg8[%add3A_96] : memref<750080xf32, #tpu.memory_space<vmem_shared>> -> memref<4096xf32, #tpu.memory_space<vmem_shared>>
      %dma_wait3A_113 = tpu.memref_slice %arg8[%add3A_96] : memref<750080xf32, #tpu.memory_space<vmem_shared>> -> memref<4096xf32, #tpu.memory_space<vmem_shared>>
      tpu.wait_dma2 semaphore(%run_scoped3A : memref<!tpu.dma_semaphore, #tpu.memory_space<semaphore_mem>>) src(%dma_wait3A_113 : memref<4096xf32, #tpu.memory_space<vmem_shared>>) dst(%arg7 : memref<4096xf32, #tpu.memory_space<vmem>>)
      tpu.yield
    }) : () -> ()
    %add3A_97 = arith.constant 32768 : i32
    %add3A_98 = arith.addi %mul3A_0, %add3A_97 : i32
    "tpu.region"() ({
      %run_scoped3A = tpu.sem_alloc : memref<!tpu.dma_semaphore, #tpu.memory_space<semaphore_mem>>
      %dma_start3A_111 = tpu.memref_slice %arg4[%add3A_98] : memref<750080xf32, #tpu.memory_space<hbm>> -> memref<4096xf32, #tpu.memory_space<hbm>>
      %dma_start3A_112 = tpu.memref_slice %arg4[%add3A_98] : memref<750080xf32, #tpu.memory_space<hbm>> -> memref<4096xf32, #tpu.memory_space<hbm>>
      tpu.enqueue_dma source(%arg7 : memref<4096xf32, #tpu.memory_space<vmem>>) target(%dma_start3A_112 : memref<4096xf32, #tpu.memory_space<hbm>>) target_semaphore(%run_scoped3A : memref<!tpu.dma_semaphore, #tpu.memory_space<semaphore_mem>>)
      %dma_wait3A = tpu.memref_slice %arg4[%add3A_98] : memref<750080xf32, #tpu.memory_space<hbm>> -> memref<4096xf32, #tpu.memory_space<hbm>>
      %dma_wait3A_113 = tpu.memref_slice %arg4[%add3A_98] : memref<750080xf32, #tpu.memory_space<hbm>> -> memref<4096xf32, #tpu.memory_space<hbm>>
      tpu.wait_dma2 semaphore(%run_scoped3A : memref<!tpu.dma_semaphore, #tpu.memory_space<semaphore_mem>>) src(%arg7 : memref<4096xf32, #tpu.memory_space<vmem>>) dst(%dma_wait3A_113 : memref<4096xf32, #tpu.memory_space<hbm>>)
      tpu.yield
    }) : () -> ()
    %add3A_99 = arith.constant 36864 : i32
    %add3A_100 = arith.addi %mul3A_0, %add3A_99 : i32
    "tpu.region"() ({
      %run_scoped3A = tpu.sem_alloc : memref<!tpu.dma_semaphore, #tpu.memory_space<semaphore_mem>>
      %dma_start3A_111 = tpu.memref_slice %arg8[%add3A_100] : memref<750080xf32, #tpu.memory_space<vmem_shared>> -> memref<4096xf32, #tpu.memory_space<vmem_shared>>
      %dma_start3A_112 = tpu.memref_slice %arg8[%add3A_100] : memref<750080xf32, #tpu.memory_space<vmem_shared>> -> memref<4096xf32, #tpu.memory_space<vmem_shared>>
      tpu.enqueue_dma source(%dma_start3A_112 : memref<4096xf32, #tpu.memory_space<vmem_shared>>) target(%arg7 : memref<4096xf32, #tpu.memory_space<vmem>>) target_semaphore(%run_scoped3A : memref<!tpu.dma_semaphore, #tpu.memory_space<semaphore_mem>>)
      %dma_wait3A = tpu.memref_slice %arg8[%add3A_100] : memref<750080xf32, #tpu.memory_space<vmem_shared>> -> memref<4096xf32, #tpu.memory_space<vmem_shared>>
      %dma_wait3A_113 = tpu.memref_slice %arg8[%add3A_100] : memref<750080xf32, #tpu.memory_space<vmem_shared>> -> memref<4096xf32, #tpu.memory_space<vmem_shared>>
      tpu.wait_dma2 semaphore(%run_scoped3A : memref<!tpu.dma_semaphore, #tpu.memory_space<semaphore_mem>>) src(%dma_wait3A_113 : memref<4096xf32, #tpu.memory_space<vmem_shared>>) dst(%arg7 : memref<4096xf32, #tpu.memory_space<vmem>>)
      tpu.yield
    }) : () -> ()
    %add3A_101 = arith.constant 36864 : i32
    %add3A_102 = arith.addi %mul3A_0, %add3A_101 : i32
    "tpu.region"() ({
      %run_scoped3A = tpu.sem_alloc : memref<!tpu.dma_semaphore, #tpu.memory_space<semaphore_mem>>
      %dma_start3A_111 = tpu.memref_slice %arg4[%add3A_102] : memref<750080xf32, #tpu.memory_space<hbm>> -> memref<4096xf32, #tpu.memory_space<hbm>>
      %dma_start3A_112 = tpu.memref_slice %arg4[%add3A_102] : memref<750080xf32, #tpu.memory_space<hbm>> -> memref<4096xf32, #tpu.memory_space<hbm>>
      tpu.enqueue_dma source(%arg7 : memref<4096xf32, #tpu.memory_space<vmem>>) target(%dma_start3A_112 : memref<4096xf32, #tpu.memory_space<hbm>>) target_semaphore(%run_scoped3A : memref<!tpu.dma_semaphore, #tpu.memory_space<semaphore_mem>>)
      %dma_wait3A = tpu.memref_slice %arg4[%add3A_102] : memref<750080xf32, #tpu.memory_space<hbm>> -> memref<4096xf32, #tpu.memory_space<hbm>>
      %dma_wait3A_113 = tpu.memref_slice %arg4[%add3A_102] : memref<750080xf32, #tpu.memory_space<hbm>> -> memref<4096xf32, #tpu.memory_space<hbm>>
      tpu.wait_dma2 semaphore(%run_scoped3A : memref<!tpu.dma_semaphore, #tpu.memory_space<semaphore_mem>>) src(%arg7 : memref<4096xf32, #tpu.memory_space<vmem>>) dst(%dma_wait3A_113 : memref<4096xf32, #tpu.memory_space<hbm>>)
      tpu.yield
    }) : () -> ()
    %add3A_103 = arith.constant 40960 : i32
    %add3A_104 = arith.addi %mul3A_0, %add3A_103 : i32
    "tpu.region"() ({
      %run_scoped3A = tpu.sem_alloc : memref<!tpu.dma_semaphore, #tpu.memory_space<semaphore_mem>>
      %dma_start3A_111 = tpu.memref_slice %arg8[%add3A_104] : memref<750080xf32, #tpu.memory_space<vmem_shared>> -> memref<4096xf32, #tpu.memory_space<vmem_shared>>
      %dma_start3A_112 = tpu.memref_slice %arg8[%add3A_104] : memref<750080xf32, #tpu.memory_space<vmem_shared>> -> memref<4096xf32, #tpu.memory_space<vmem_shared>>
      tpu.enqueue_dma source(%dma_start3A_112 : memref<4096xf32, #tpu.memory_space<vmem_shared>>) target(%arg7 : memref<4096xf32, #tpu.memory_space<vmem>>) target_semaphore(%run_scoped3A : memref<!tpu.dma_semaphore, #tpu.memory_space<semaphore_mem>>)
      %dma_wait3A = tpu.memref_slice %arg8[%add3A_104] : memref<750080xf32, #tpu.memory_space<vmem_shared>> -> memref<4096xf32, #tpu.memory_space<vmem_shared>>
      %dma_wait3A_113 = tpu.memref_slice %arg8[%add3A_104] : memref<750080xf32, #tpu.memory_space<vmem_shared>> -> memref<4096xf32, #tpu.memory_space<vmem_shared>>
      tpu.wait_dma2 semaphore(%run_scoped3A : memref<!tpu.dma_semaphore, #tpu.memory_space<semaphore_mem>>) src(%dma_wait3A_113 : memref<4096xf32, #tpu.memory_space<vmem_shared>>) dst(%arg7 : memref<4096xf32, #tpu.memory_space<vmem>>)
      tpu.yield
    }) : () -> ()
    %add3A_105 = arith.constant 40960 : i32
    %add3A_106 = arith.addi %mul3A_0, %add3A_105 : i32
    "tpu.region"() ({
      %run_scoped3A = tpu.sem_alloc : memref<!tpu.dma_semaphore, #tpu.memory_space<semaphore_mem>>
      %dma_start3A_111 = tpu.memref_slice %arg4[%add3A_106] : memref<750080xf32, #tpu.memory_space<hbm>> -> memref<4096xf32, #tpu.memory_space<hbm>>
      %dma_start3A_112 = tpu.memref_slice %arg4[%add3A_106] : memref<750080xf32, #tpu.memory_space<hbm>> -> memref<4096xf32, #tpu.memory_space<hbm>>
      tpu.enqueue_dma source(%arg7 : memref<4096xf32, #tpu.memory_space<vmem>>) target(%dma_start3A_112 : memref<4096xf32, #tpu.memory_space<hbm>>) target_semaphore(%run_scoped3A : memref<!tpu.dma_semaphore, #tpu.memory_space<semaphore_mem>>)
      %dma_wait3A = tpu.memref_slice %arg4[%add3A_106] : memref<750080xf32, #tpu.memory_space<hbm>> -> memref<4096xf32, #tpu.memory_space<hbm>>
      %dma_wait3A_113 = tpu.memref_slice %arg4[%add3A_106] : memref<750080xf32, #tpu.memory_space<hbm>> -> memref<4096xf32, #tpu.memory_space<hbm>>
      tpu.wait_dma2 semaphore(%run_scoped3A : memref<!tpu.dma_semaphore, #tpu.memory_space<semaphore_mem>>) src(%arg7 : memref<4096xf32, #tpu.memory_space<vmem>>) dst(%dma_wait3A_113 : memref<4096xf32, #tpu.memory_space<hbm>>)
      tpu.yield
    }) : () -> ()
    %add3A_107 = arith.constant 45056 : i32
    %add3A_108 = arith.addi %mul3A_0, %add3A_107 : i32
    "tpu.region"() ({
      %run_scoped3A = tpu.sem_alloc : memref<!tpu.dma_semaphore, #tpu.memory_space<semaphore_mem>>
      %dma_start3A_111 = arith.constant 0 : i32
      %dma_start3A_112 = tpu.memref_slice %arg7[%dma_start3A_111] : memref<4096xf32, #tpu.memory_space<vmem>> -> memref<1824xf32, #tpu.memory_space<vmem>>
      %dma_start3A_113 = tpu.memref_slice %arg8[%add3A_108] : memref<750080xf32, #tpu.memory_space<vmem_shared>> -> memref<1824xf32, #tpu.memory_space<vmem_shared>>
      %dma_start3A_114 = arith.constant 0 : i32
      %dma_start3A_115 = tpu.memref_slice %arg7[%dma_start3A_114] : memref<4096xf32, #tpu.memory_space<vmem>> -> memref<1824xf32, #tpu.memory_space<vmem>>
      %dma_start3A_116 = tpu.memref_slice %arg8[%add3A_108] : memref<750080xf32, #tpu.memory_space<vmem_shared>> -> memref<1824xf32, #tpu.memory_space<vmem_shared>>
      tpu.enqueue_dma source(%dma_start3A_116 : memref<1824xf32, #tpu.memory_space<vmem_shared>>) target(%dma_start3A_115 : memref<1824xf32, #tpu.memory_space<vmem>>) target_semaphore(%run_scoped3A : memref<!tpu.dma_semaphore, #tpu.memory_space<semaphore_mem>>)
      %dma_wait3A = arith.constant 0 : i32
      %dma_wait3A_117 = tpu.memref_slice %arg7[%dma_wait3A] : memref<4096xf32, #tpu.memory_space<vmem>> -> memref<1824xf32, #tpu.memory_space<vmem>>
      %dma_wait3A_118 = tpu.memref_slice %arg8[%add3A_108] : memref<750080xf32, #tpu.memory_space<vmem_shared>> -> memref<1824xf32, #tpu.memory_space<vmem_shared>>
      %dma_wait3A_119 = arith.constant 0 : i32
      %dma_wait3A_120 = tpu.memref_slice %arg7[%dma_wait3A_119] : memref<4096xf32, #tpu.memory_space<vmem>> -> memref<1824xf32, #tpu.memory_space<vmem>>
      %dma_wait3A_121 = tpu.memref_slice %arg8[%add3A_108] : memref<750080xf32, #tpu.memory_space<vmem_shared>> -> memref<1824xf32, #tpu.memory_space<vmem_shared>>
      tpu.wait_dma2 semaphore(%run_scoped3A : memref<!tpu.dma_semaphore, #tpu.memory_space<semaphore_mem>>) src(%dma_wait3A_121 : memref<1824xf32, #tpu.memory_space<vmem_shared>>) dst(%dma_wait3A_120 : memref<1824xf32, #tpu.memory_space<vmem>>)
      tpu.yield
    }) : () -> ()
    %add3A_109 = arith.constant 45056 : i32
    %add3A_110 = arith.addi %mul3A_0, %add3A_109 : i32
    "tpu.region"() ({
      %run_scoped3A = tpu.sem_alloc : memref<!tpu.dma_semaphore, #tpu.memory_space<semaphore_mem>>
      %dma_start3A_111 = arith.constant 0 : i32
      %dma_start3A_112 = tpu.memref_slice %arg7[%dma_start3A_111] : memref<4096xf32, #tpu.memory_space<vmem>> -> memref<1824xf32, #tpu.memory_space<vmem>>
      %dma_start3A_113 = tpu.memref_slice %arg4[%add3A_110] : memref<750080xf32, #tpu.memory_space<hbm>> -> memref<1824xf32, #tpu.memory_space<hbm>>
      %dma_start3A_114 = tpu.memref_slice %arg4[%add3A_110] : memref<750080xf32, #tpu.memory_space<hbm>> -> memref<1824xf32, #tpu.memory_space<hbm>>
      %dma_start3A_115 = arith.constant 0 : i32
      %dma_start3A_116 = tpu.memref_slice %arg7[%dma_start3A_115] : memref<4096xf32, #tpu.memory_space<vmem>> -> memref<1824xf32, #tpu.memory_space<vmem>>
      tpu.enqueue_dma source(%dma_start3A_116 : memref<1824xf32, #tpu.memory_space<vmem>>) target(%dma_start3A_114 : memref<1824xf32, #tpu.memory_space<hbm>>) target_semaphore(%run_scoped3A : memref<!tpu.dma_semaphore, #tpu.memory_space<semaphore_mem>>)
      %dma_wait3A = arith.constant 0 : i32
      %dma_wait3A_117 = tpu.memref_slice %arg7[%dma_wait3A] : memref<4096xf32, #tpu.memory_space<vmem>> -> memref<1824xf32, #tpu.memory_space<vmem>>
      %dma_wait3A_118 = tpu.memref_slice %arg4[%add3A_110] : memref<750080xf32, #tpu.memory_space<hbm>> -> memref<1824xf32, #tpu.memory_space<hbm>>
      %dma_wait3A_119 = tpu.memref_slice %arg4[%add3A_110] : memref<750080xf32, #tpu.memory_space<hbm>> -> memref<1824xf32, #tpu.memory_space<hbm>>
      %dma_wait3A_120 = arith.constant 0 : i32
      %dma_wait3A_121 = tpu.memref_slice %arg7[%dma_wait3A_120] : memref<4096xf32, #tpu.memory_space<vmem>> -> memref<1824xf32, #tpu.memory_space<vmem>>
      tpu.wait_dma2 semaphore(%run_scoped3A : memref<!tpu.dma_semaphore, #tpu.memory_space<semaphore_mem>>) src(%dma_wait3A_121 : memref<1824xf32, #tpu.memory_space<vmem>>) dst(%dma_wait3A_119 : memref<1824xf32, #tpu.memory_space<hbm>>)
      tpu.yield
    }) : () -> ()
    return
  }
}

module attributes {stable_mosaic.version = 14 : i64} {
  func.func @_tc_body(%arg0: memref<1024x1024xf32, #tpu.memory_space<vmem>>, %arg1: memref<1024x1024xf32, #tpu.memory_space<vmem>>, %arg2: memref<1024x1024xf32, #tpu.memory_space<vmem>>, %arg3: memref<1024x1024xf32, #tpu.memory_space<vmem>>, %arg4: memref<1024x1024xf32, #tpu.memory_space<vmem>>, %arg5: memref<1024x1024xi32, #tpu.memory_space<vmem>>, %arg6: memref<1024x1024xf32, #tpu.memory_space<vmem>>) attributes {dimension_semantics = [], scalar_prefetch = 0 : i64, scratch_operands = 0 : i64, tpu.core_type = #tpu.core_type<tc>} {
    %get3A = arith.constant 0 : index
    %get3A_0 = arith.constant 0 : index
    %get3A_1 = vector.load %arg0[%get3A, %get3A_0] : memref<1024x1024xf32, #tpu.memory_space<vmem>>, vector<1024x1024xf32>
    %get3A_2 = arith.constant 0 : index
    %get3A_3 = arith.constant 0 : index
    %get3A_4 = vector.load %arg1[%get3A_2, %get3A_3] : memref<1024x1024xf32, #tpu.memory_space<vmem>>, vector<1024x1024xf32>
    %get3A_5 = arith.constant 0 : index
    %get3A_6 = arith.constant 0 : index
    %get3A_7 = vector.load %arg2[%get3A_5, %get3A_6] : memref<1024x1024xf32, #tpu.memory_space<vmem>>, vector<1024x1024xf32>
    %get3A_8 = arith.constant 0 : index
    %get3A_9 = arith.constant 0 : index
    %get3A_10 = vector.load %arg3[%get3A_8, %get3A_9] : memref<1024x1024xf32, #tpu.memory_space<vmem>>, vector<1024x1024xf32>
    %get3A_11 = arith.constant 0 : index
    %get3A_12 = arith.constant 0 : index
    %get3A_13 = vector.load %arg4[%get3A_11, %get3A_12] : memref<1024x1024xf32, #tpu.memory_space<vmem>>, vector<1024x1024xf32>
    %mul3A = arith.constant 2.000000e-02 : f32
    %mul3A_14 = vector.broadcast %mul3A : f32 to vector<1024x1024xf32>
    %mul3A_15 = arith.mulf %get3A_4, %mul3A_14 : vector<1024x1024xf32>
    %mul3A_16 = arith.constant 2.000000e-02 : f32
    %mul3A_17 = vector.broadcast %mul3A_16 : f32 to vector<1024x1024xf32>
    %mul3A_18 = arith.mulf %get3A_7, %mul3A_17 : vector<1024x1024xf32>
    %mul3A_19 = arith.constant 4.000000e-02 : f32
    %mul3A_20 = vector.broadcast %mul3A_19 : f32 to vector<1024x1024xf32>
    %mul3A_21 = arith.mulf %get3A_1, %mul3A_20 : vector<1024x1024xf32>
    %mul3A_22 = arith.mulf %mul3A_21, %mul3A_21 : vector<1024x1024xf32>
    %mul3A_23 = arith.constant 2.500000e+01 : f32
    %mul3A_24 = vector.broadcast %mul3A_23 : f32 to vector<1024x1024xf32>
    %mul3A_25 = arith.mulf %mul3A_22, %mul3A_24 : vector<1024x1024xf32>
    %sub3A = arith.subf %get3A_10, %mul3A_25 : vector<1024x1024xf32>
    %atan23A = math.atan2 %mul3A_18, %mul3A_15 : vector<1024x1024xf32>
    %add3A = arith.constant 1.57079637 : f32
    %add3A_26 = vector.broadcast %add3A : f32 to vector<1024x1024xf32>
    %add3A_27 = arith.addf %atan23A, %add3A_26 : vector<1024x1024xf32>
    %rem3A = arith.constant 3.14159274 : f32
    %rem3A_28 = vector.broadcast %rem3A : f32 to vector<1024x1024xf32>
    %rem3A_29 = arith.remf %add3A_27, %rem3A_28 : vector<1024x1024xf32>
    %lt3A = arith.constant 0.000000e+00 : f32
    %lt3A_30 = vector.broadcast %lt3A : f32 to vector<1024x1024xf32>
    %lt3A_31 = arith.cmpf olt, %rem3A_29, %lt3A_30 : vector<1024x1024xf32>
    %ne3A = arith.constant 0.000000e+00 : f32
    %ne3A_32 = vector.broadcast %ne3A : f32 to vector<1024x1024xf32>
    %ne3A_33 = arith.cmpf one, %rem3A_29, %ne3A_32 : vector<1024x1024xf32>
    %and3A = arith.andi %lt3A_31, %ne3A_33 : vector<1024x1024xi1>
    %add3A_34 = arith.constant 3.14159274 : f32
    %add3A_35 = vector.broadcast %add3A_34 : f32 to vector<1024x1024xf32>
    %add3A_36 = arith.addf %rem3A_29, %add3A_35 : vector<1024x1024xf32>
    %select_n3A = arith.select %and3A, %add3A_36, %rem3A_29 : vector<1024x1024xi1>, vector<1024x1024xf32>
    %add3A_37 = arith.constant -1.57079637 : f32
    %add3A_38 = vector.broadcast %add3A_37 : f32 to vector<1024x1024xf32>
    %add3A_39 = arith.addf %select_n3A, %add3A_38 : vector<1024x1024xf32>
    %mul3A_40 = arith.mulf %mul3A_15, %mul3A_15 : vector<1024x1024xf32>
    %mul3A_41 = arith.mulf %mul3A_18, %mul3A_18 : vector<1024x1024xf32>
    %add3A_42 = arith.addf %mul3A_40, %mul3A_41 : vector<1024x1024xf32>
    %max3A = arith.constant 9.99999996E-13 : f32
    %max3A_43 = vector.broadcast %max3A : f32 to vector<1024x1024xf32>
    %max3A_44 = arith.maximumf %max3A_43, %add3A_42 : vector<1024x1024xf32>
    %neg3A = arith.constant 0.000000e+00 : f32
    %neg3A_45 = vector.broadcast %neg3A : f32 to vector<1024x1024xf32>
    %neg3A_46 = arith.subf %neg3A_45, %mul3A_18 : vector<1024x1024xf32>
    %div3A = arith.divf %neg3A_46, %max3A_44 : vector<1024x1024xf32>
    %div3A_47 = arith.divf %mul3A_15, %max3A_44 : vector<1024x1024xf32>
    %mul3A_48 = arith.mulf %div3A, %div3A : vector<1024x1024xf32>
    %mul3A_49 = arith.mulf %div3A_47, %div3A_47 : vector<1024x1024xf32>
    %add3A_50 = arith.addf %mul3A_48, %mul3A_49 : vector<1024x1024xf32>
    %mul3A_51 = arith.constant 5.000000e+01 : f32
    %mul3A_52 = vector.broadcast %mul3A_51 : f32 to vector<1024x1024xf32>
    %mul3A_53 = arith.mulf %mul3A_40, %mul3A_52 : vector<1024x1024xf32>
    %sub3A_54 = arith.subf %sub3A, %mul3A_53 : vector<1024x1024xf32>
    %mul3A_55 = arith.constant 5.000000e+01 : f32
    %mul3A_56 = vector.broadcast %mul3A_55 : f32 to vector<1024x1024xf32>
    %mul3A_57 = arith.mulf %mul3A_41, %mul3A_56 : vector<1024x1024xf32>
    %sub3A_58 = arith.subf %sub3A_54, %mul3A_57 : vector<1024x1024xf32>
    %mul3A_59 = arith.constant 0.0454545468 : f32
    %mul3A_60 = vector.broadcast %mul3A_59 : f32 to vector<1024x1024xf32>
    %mul3A_61 = arith.mulf %sub3A_58, %mul3A_60 : vector<1024x1024xf32>
    %max3A_62 = arith.constant 9.99999997E-7 : f32
    %max3A_63 = vector.broadcast %max3A_62 : f32 to vector<1024x1024xf32>
    %max3A_64 = arith.maximumf %max3A_63, %mul3A_61 : vector<1024x1024xf32>
    %mul3A_65 = arith.constant 2.000000e-02 : f32
    %mul3A_66 = vector.broadcast %mul3A_65 : f32 to vector<1024x1024xf32>
    %mul3A_67 = arith.mulf %max3A_64, %mul3A_66 : vector<1024x1024xf32>
    %mul3A_68 = arith.mulf %add3A_50, %mul3A_67 : vector<1024x1024xf32>
    %sin3A = math.sin %add3A_39 : vector<1024x1024xf32>
    %cos3A = math.cos %add3A_39 : vector<1024x1024xf32>
    %iota3A = tpu.iota {dimensions = array<i32: 0>} : vector<1024x1024xi32>
    %convert_element_type3A = arith.sitofp %iota3A : vector<1024x1024xi32> to vector<1024x1024xf32>
    %iota3A_69 = tpu.iota {dimensions = array<i32: 1>} : vector<1024x1024xi32>
    %convert_element_type3A_70 = arith.sitofp %iota3A_69 : vector<1024x1024xi32> to vector<1024x1024xf32>
    %neg3A_71 = arith.constant 0.000000e+00 : f32
    %neg3A_72 = vector.broadcast %neg3A_71 : f32 to vector<1024x1024xf32>
    %neg3A_73 = arith.subf %neg3A_72, %convert_element_type3A : vector<1024x1024xf32>
    %mul3A_74 = arith.mulf %neg3A_73, %sin3A : vector<1024x1024xf32>
    %mul3A_75 = arith.mulf %convert_element_type3A_70, %cos3A : vector<1024x1024xf32>
    %add3A_76 = arith.addf %mul3A_74, %mul3A_75 : vector<1024x1024xf32>
    %mul3A_77 = arith.mulf %add3A_76, %add3A_76 : vector<1024x1024xf32>
    %mul3A_78 = arith.mulf %mul3A_77, %mul3A_68 : vector<1024x1024xf32>
    %add3A_79 = arith.constant 1.000000e+00 : f32
    %add3A_80 = vector.broadcast %add3A_79 : f32 to vector<1024x1024xf32>
    %add3A_81 = arith.addf %mul3A_78, %add3A_80 : vector<1024x1024xf32>
    %mul3A_82 = arith.constant 158.836624 : f32
    %mul3A_83 = vector.broadcast %mul3A_82 : f32 to vector<1024x1024xf32>
    %mul3A_84 = arith.mulf %select_n3A, %mul3A_83 : vector<1024x1024xf32>
    %floor3A = math.floor %mul3A_84 : vector<1024x1024xf32>
    %jit3A = arith.constant 0.000000e+00 : f32
    %jit3A_85 = arith.constant 4.990000e+02 : f32
    %max3A_86 = vector.broadcast %jit3A : f32 to vector<1024x1024xf32>
    %max3A_87 = arith.maximumf %max3A_86, %floor3A : vector<1024x1024xf32>
    %min3A = vector.broadcast %jit3A_85 : f32 to vector<1024x1024xf32>
    %min3A_88 = arith.minimumf %min3A, %max3A_87 : vector<1024x1024xf32>
    %convert_element_type3A_89 = arith.fptosi %min3A_88 : vector<1024x1024xf32> to vector<1024x1024xi32>
    %convert_element_type3A_90 = arith.sitofp %convert_element_type3A_89 : vector<1024x1024xi32> to vector<1024x1024xf32>
    %mul3A_91 = arith.constant 0.00629577693 : f32
    %mul3A_92 = vector.broadcast %mul3A_91 : f32 to vector<1024x1024xf32>
    %mul3A_93 = arith.mulf %convert_element_type3A_90, %mul3A_92 : vector<1024x1024xf32>
    %add3A_94 = arith.constant -1.57079637 : f32
    %add3A_95 = vector.broadcast %add3A_94 : f32 to vector<1024x1024xf32>
    %add3A_96 = arith.addf %mul3A_93, %add3A_95 : vector<1024x1024xf32>
    %sub3A_97 = arith.subf %add3A_39, %add3A_96 : vector<1024x1024xf32>
    %mul3A_98 = arith.mulf %convert_element_type3A, %cos3A : vector<1024x1024xf32>
    %mul3A_99 = arith.mulf %convert_element_type3A_70, %sin3A : vector<1024x1024xf32>
    %add3A_100 = arith.addf %mul3A_98, %mul3A_99 : vector<1024x1024xf32>
    %add3A_101 = arith.constant 1448.15466 : f32
    %add3A_102 = vector.broadcast %add3A_101 : f32 to vector<1024x1024xf32>
    %add3A_103 = arith.addf %add3A_100, %add3A_102 : vector<1024x1024xf32>
    %mul3A_104 = arith.constant 0.517555237 : f32
    %mul3A_105 = vector.broadcast %mul3A_104 : f32 to vector<1024x1024xf32>
    %mul3A_106 = arith.mulf %add3A_103, %mul3A_105 : vector<1024x1024xf32>
    %floor3A_107 = math.floor %mul3A_106 : vector<1024x1024xf32>
    %jit3A_108 = arith.constant 0.000000e+00 : f32
    %jit3A_109 = arith.constant 1.499000e+03 : f32
    %max3A_110 = vector.broadcast %jit3A_108 : f32 to vector<1024x1024xf32>
    %max3A_111 = arith.maximumf %max3A_110, %floor3A_107 : vector<1024x1024xf32>
    %min3A_112 = vector.broadcast %jit3A_109 : f32 to vector<1024x1024xf32>
    %min3A_113 = arith.minimumf %min3A_112, %max3A_111 : vector<1024x1024xf32>
    %convert_element_type3A_114 = arith.fptosi %min3A_113 : vector<1024x1024xf32> to vector<1024x1024xi32>
    %convert_element_type3A_115 = arith.sitofp %convert_element_type3A_114 : vector<1024x1024xi32> to vector<1024x1024xf32>
    %mul3A_116 = arith.constant 1.93216097 : f32
    %mul3A_117 = vector.broadcast %mul3A_116 : f32 to vector<1024x1024xf32>
    %mul3A_118 = arith.mulf %convert_element_type3A_115, %mul3A_117 : vector<1024x1024xf32>
    %add3A_119 = arith.constant -1448.15466 : f32
    %add3A_120 = vector.broadcast %add3A_119 : f32 to vector<1024x1024xf32>
    %add3A_121 = arith.addf %mul3A_118, %add3A_120 : vector<1024x1024xf32>
    %sub3A_122 = arith.subf %add3A_100, %add3A_121 : vector<1024x1024xf32>
    %mul3A_123 = arith.mulf %add3A_76, %mul3A_68 : vector<1024x1024xf32>
    %mul3A_124 = arith.mulf %sub3A_97, %sub3A_97 : vector<1024x1024xf32>
    %mul3A_125 = arith.mulf %add3A_81, %mul3A_124 : vector<1024x1024xf32>
    %mul3A_126 = arith.constant 2.000000e+00 : f32
    %mul3A_127 = vector.broadcast %mul3A_126 : f32 to vector<1024x1024xf32>
    %mul3A_128 = arith.mulf %mul3A_123, %mul3A_127 : vector<1024x1024xf32>
    %mul3A_129 = arith.mulf %mul3A_128, %sub3A_97 : vector<1024x1024xf32>
    %mul3A_130 = arith.mulf %mul3A_129, %sub3A_122 : vector<1024x1024xf32>
    %sub3A_131 = arith.subf %mul3A_125, %mul3A_130 : vector<1024x1024xf32>
    %mul3A_132 = arith.mulf %sub3A_122, %sub3A_122 : vector<1024x1024xf32>
    %mul3A_133 = arith.mulf %mul3A_68, %mul3A_132 : vector<1024x1024xf32>
    %add3A_134 = arith.addf %sub3A_131, %mul3A_133 : vector<1024x1024xf32>
    %max3A_135 = arith.constant 0.000000e+00 : f32
    %max3A_136 = vector.broadcast %max3A_135 : f32 to vector<1024x1024xf32>
    %max3A_137 = arith.maximumf %add3A_134, %max3A_136 : vector<1024x1024xf32>
    %mul3A_138 = arith.mulf %mul3A_68, %add3A_81 : vector<1024x1024xf32>
    %mul3A_139 = arith.mulf %mul3A_123, %mul3A_123 : vector<1024x1024xf32>
    %sub3A_140 = arith.subf %mul3A_138, %mul3A_139 : vector<1024x1024xf32>
    %max3A_141 = arith.constant 9.99999996E-13 : f32
    %max3A_142 = vector.broadcast %max3A_141 : f32 to vector<1024x1024xf32>
    %max3A_143 = arith.maximumf %max3A_142, %sub3A_140 : vector<1024x1024xf32>
    %div3A_144 = arith.divf %max3A_137, %max3A_143 : vector<1024x1024xf32>
    %mul3A_145 = arith.constant -5.000000e-01 : f32
    %mul3A_146 = vector.broadcast %mul3A_145 : f32 to vector<1024x1024xf32>
    %mul3A_147 = arith.mulf %div3A_144, %mul3A_146 : vector<1024x1024xf32>
    %exp3A = math.exp %mul3A_147 : vector<1024x1024xf32>
    %sqrt3A = math.sqrt %max3A_143 : vector<1024x1024xf32>
    %mul3A_148 = arith.constant 6.28318548 : f32
    %mul3A_149 = vector.broadcast %mul3A_148 : f32 to vector<1024x1024xf32>
    %mul3A_150 = arith.mulf %sqrt3A, %mul3A_149 : vector<1024x1024xf32>
    %div3A_151 = arith.divf %exp3A, %mul3A_150 : vector<1024x1024xf32>
    %le3A = arith.constant 1.000000e+02 : f32
    %le3A_152 = vector.broadcast %le3A : f32 to vector<1024x1024xf32>
    %le3A_153 = arith.cmpf ole, %mul3A_68, %le3A_152 : vector<1024x1024xf32>
    %mul3A_154 = arith.constant 0.0121644549 : f32
    %mul3A_155 = vector.broadcast %mul3A_154 : f32 to vector<1024x1024xf32>
    %mul3A_156 = arith.mulf %div3A_151, %mul3A_155 : vector<1024x1024xf32>
    %jit3A_157 = arith.constant 0.000000e+00 : f32
    %broadcast_in_dim3A = vector.broadcast %jit3A_157 : f32 to vector<1024x1024xf32>
    %select_n3A_158 = arith.select %le3A_153, %mul3A_156, %broadcast_in_dim3A : vector<1024x1024xi1>, vector<1024x1024xf32>
    %mul3A_159 = arith.mulf %select_n3A_158, %get3A_13 : vector<1024x1024xf32>
    %mul3A_160 = arith.constant 1500 : i32
    %mul3A_161 = vector.broadcast %mul3A_160 : i32 to vector<1024x1024xi32>
    %mul3A_162 = arith.muli %convert_element_type3A_89, %mul3A_161 : vector<1024x1024xi32>
    %add3A_163 = arith.addi %mul3A_162, %convert_element_type3A_114 : vector<1024x1024xi32>
    %swap3A = arith.constant 0 : index
    %swap3A_164 = arith.constant 0 : index
    %swap3A_165 = vector.load %arg5[%swap3A, %swap3A_164] : memref<1024x1024xi32, #tpu.memory_space<vmem>>, vector<1024x1024xi32>
    tpu.vector_store %arg5[%swap3A, %swap3A_164], %add3A_163 {strides = array<i32>} : memref<1024x1024xi32, #tpu.memory_space<vmem>>, vector<1024x1024xi32>,
    %swap3A_166 = arith.constant 0 : index
    %swap3A_167 = arith.constant 0 : index
    %swap3A_168 = vector.load %arg6[%swap3A_166, %swap3A_167] : memref<1024x1024xf32, #tpu.memory_space<vmem>>, vector<1024x1024xf32>
    tpu.vector_store %arg6[%swap3A_166, %swap3A_167], %mul3A_159 {strides = array<i32>} : memref<1024x1024xf32, #tpu.memory_space<vmem>>, vector<1024x1024xf32>,
    return
  }
}

</mosaic_0001>

<sc_bundles>
// kernel: kernel.4.cloned.1.call-start
scs
__scs_entry_jumppad:
0x0: {  	(pc) =	sbr.rel $0x88, $3  }
0x1: {  	(tag) =	ssettag $0x0;
	lr =	simm.s32 $0x1  }
0x2: {  	[smem:$0x3F9F] =	sst lr;
	_ =	strace $0xD0000000  }
0x3: {  	_ = 	snop  }
0x4: {  	_ = 	snop  }
0x5: {  	_ = 	snop  }
0x6: {  	_ = 	snop  }
0x7: {  	_ = 	snop  }
__scs_overlays_trampoline_lowered:
0x8: {  	[smem:$0x3FAE] =	sst s0  }
0x9: {  	[smem:$0x3FAF] =	sst s1  }
0xa: {  	[smem:$0x3FB0] =	sst s2  }
0xb: {  	[smem:$0x3FB1] =	sst s3  }
0xc: {  	[smem:$0x3FB2] =	sst s4  }
0xd: {  	[smem:$0x3FB3] =	sst s5  }
0xe: {  	[smem:$0x3FB4] =	sst s6  }
0xf: {  	[smem:$0x3FB5] =	sst s7  }
0x10: {  	[smem:$0x3FB6] =	sst s8  }
0x11: {  	[smem:$0x3FB7] =	sst s9;
	s0 =	simm.s32 @!p0 $0x0  }
0x12: {  	s1 =	sld [smem:$0x3F9D];
	s0 =	simm.s32 @p0 $0x1  }
0x13: {  	[smem:$0x3FB8] =	sst s0;
	s0 =	simm.s32 @!p1 $0x0  }
0x14: {  	s2 =	sld [smem:$0x3F9C];
	s0 =	simm.s32 @p1 $0x1  }
0x15: {  	[smem:$0x3FB9] =	sst s0;
	s0 =	simm.s32 @!p2 $0x0  }
0x16: {  	s3 =	sld [smem:$0x3FDB];
	s0 =	simm.s32 @p2 $0x1  }
0x17: {  	s4 =	simm.s32 $0x1BF5;
	[smem:$0x3FBB] =	sst s0  }
0x18: {  	s0 =	sld [smem:$0x3F9E];
	_ =	swait.ge [sflag:s4], $0x0  }
0x19: {  	s7 =	sld [smem:$0x3F9F]  }
0x1a: {  	s8 =	sadd.s32 $0xFFFFE003, lr  }
0x1b: {  	s9 =	sadd.s32 $0xFFFFFEF7, lr;
	s5 =	simm.s32 $0xFFFFFFFF;
	p2 =	slt.u32 s8, $0xFFFFF086  }
0x1c: {  	p1 =	slt.u32 s9, $0xF7A;
	s5 =	simm.s32 @!p2 $0x0  }
0x1d: {  	s5 =	simm.s32 @p1 $0x1;
	p0 =	seq.s32 s7, s2  }
0x1e: {  	s7 =	smul.u32 @!p0 $0xF7A, s2;
	p2 =	seq.s32 @!p0 s5, $0x0  }
0x1f: {  	s9 =	smul.u32 $0xF7A, s1;
	s8 =	simm.s32 @!p0 $0x1BF5;
	p2 =	por !p2, p0  }
0x20: {  	[sflag:s8] =	ssyncset.s32 @!p0 $0xFFFFF086;
	s6 =	sadd.s32 @!p0 s3, s7;
	s7 =	simm.s32 @!p0 $0x108  }
0x21: {  	s3 =	sadd.s32 s3, s9;
	s6 =	sadd.s32 @!p0 $0x88, s6;
	s7 =	simm.s32 @p2 $0x1082  }
0x22: {  	[simem:s7], [sflag:s8] =	dma.local @!p0 [hbm:s6], $0xF7A  }
0x23: {  	s9 =	sor.u32 $0xD0000000, s2;
	s6 =	simm.s32 $0x108;
	_ =	swait.ge @!p0 [sflag:s8], $0x0  }
0x24: {  	s3 =	sadd.s32 $0x88, s3;
	s6 =	simm.s32 @!p1 $0x1082;
	[sflag:s4] =	ssyncset.s32 $0xFFFFF086  }
0x25: {  	[simem:s6], [sflag:s4] =	dma.local [hbm:s3], $0xF7A  }
0x26: {  	[smem:$0x3F9F] =	sst s1;
	(tag) =	ssettag s2;
	_ =	strace s9  }
0x27: {  	s1 =	sld [smem:$0x3FAF]  }
0x28: {  	s2 =	sld [smem:$0x3FB0]  }
0x29: {  	s4 =	sld [smem:$0x3FB2]  }
0x2a: {  	p0 =	seq.s32 s5, $0x0;
	s5 =	sld [smem:$0x3FB3]  }
0x2b: {  	s6 =	sld [smem:$0x3FB4]  }
0x2c: {  	s7 =	sld [smem:$0x3FB5]  }
0x2d: {  	s3 =	simm.s32 $0x108;
	s8 =	sld [smem:$0x3FB6]  }
0x2e: {  	s3 =	simm.s32 @!p0 $0x1082;
	s9 =	sld [smem:$0x3FB7]  }
0x2f: {  	lr =	sadd.s32 s0, s3;
	s0 =	sld [smem:$0x3FAE]  }
0x30: {  	s3 =	sld [smem:$0x3FB1]  }
0x31: {  	[smem:$0x3FBA] =	sst s10  }
0x32: {  	s10 =	sld [smem:$0x3FB8];
	_ =	sdelay $0x3  }
0x33: {  	p0 =	seq.s32 s10, $0x1;
	s10 =	sld [smem:$0x3FBA];
	_ =	sdelay $0x3  }
0x34: {  	[smem:$0x3FBA] =	sst s10  }
0x35: {  	s10 =	sld [smem:$0x3FB9];
	_ =	sdelay $0x3  }
0x36: {  	p1 =	seq.s32 s10, $0x1;
	s10 =	sld [smem:$0x3FBA];
	_ =	sdelay $0x3  }
0x37: {  	[smem:$0x3FBA] =	sst s10  }
0x38: {  	s10 =	sld [smem:$0x3FBB]  }
0x39: {  	_ = 	snop;
	(pc) =	sbr.ind lr, $3  }
0x3a: {  	_ = 	snop  }
0x3b: {  	_ = 	snop  }
0x3c: {  	p2 =	seq.s32 s10, $0x1;
	s10 =	sld [smem:$0x3FBA]  }
0x3d: {  	_ =	shalt  }
0x3e: {  	_ =	shalt  }
0x3f: {  	_ =	shalt  }
0x40: {  	_ =	shalt  }
0x41: {  	_ =	shalt  }
0x42: {  	_ =	shalt  }
0x43: {  	_ =	shalt  }
0x44: {  	_ =	shalt  }
0x45: {  	_ =	shalt  }
0x46: {  	_ =	shalt  }
0x47: {  	_ =	shalt  }
0x48: {  	_ =	shalt  }
0x49: {  	_ =	shalt  }
0x4a: {  	_ =	shalt  }
0x4b: {  	_ =	shalt  }
0x4c: {  	_ =	shalt  }
0x4d: {  	_ =	shalt  }
0x4e: {  	_ =	shalt  }
0x4f: {  	_ =	shalt  }
0x50: {  	_ =	shalt  }
0x51: {  	_ =	shalt  }
0x52: {  	_ =	shalt  }
0x53: {  	_ =	shalt  }
0x54: {  	_ =	shalt  }
0x55: {  	_ =	shalt  }
0x56: {  	_ =	shalt  }
0x57: {  	_ =	shalt  }
0x58: {  	_ =	shalt  }
0x59: {  	_ =	shalt  }
0x5a: {  	_ =	shalt  }
0x5b: {  	_ =	shalt  }
0x5c: {  	_ =	shalt  }
0x5d: {  	_ =	shalt  }
0x5e: {  	_ =	shalt  }
0x5f: {  	_ =	shalt  }
0x60: {  	_ =	shalt  }
0x61: {  	_ =	shalt  }
0x62: {  	_ =	shalt  }
0x63: {  	_ =	shalt  }
0x64: {  	_ =	shalt  }
0x65: {  	_ =	shalt  }
0x66: {  	_ =	shalt  }
0x67: {  	_ =	shalt  }
0x68: {  	_ =	shalt  }
0x69: {  	_ =	shalt  }
0x6a: {  	_ =	shalt  }
0x6b: {  	_ =	shalt  }
0x6c: {  	_ =	shalt  }
0x6d: {  	_ =	shalt  }
0x6e: {  	_ =	shalt  }
0x6f: {  	_ =	shalt  }
0x70: {  	_ =	shalt  }
0x71: {  	_ =	shalt  }
0x72: {  	_ =	shalt  }
0x73: {  	_ =	shalt  }
0x74: {  	_ =	shalt  }
0x75: {  	_ =	shalt  }
0x76: {  	_ =	shalt  }
0x77: {  	_ =	shalt  }
0x78: {  	_ =	shalt  }
0x79: {  	_ =	shalt  }
0x7a: {  	_ =	shalt  }
0x7b: {  	_ =	shalt  }
0x7c: {  	_ =	shalt  }
0x7d: {  	_ =	shalt  }
0x7e: {  	_ =	shalt  }
0x7f: {  	_ =	shalt  }
0x80: {  	_ =	shalt  }
0x81: {  	_ =	shalt  }
0x82: {  	_ =	shalt  }
0x83: {  	_ =	shalt  }
0x84: {  	_ =	shalt  }
0x85: {  	_ =	shalt  }
0x86: {  	_ =	shalt  }
0x87: {  	_ =	shalt  }
.Lfunc_end0:
.L_simem_size_0:
called_computation_lowered:
.L_overlay_start_0:
0x88: {  	s0 =	sld [smem:$0x3FD9]  }
0x89: {  	s1 =	sld [smem:$0x3FFE];
	_ =	sdelay $0x3  }
0x8a: {  	s0 =	sadd.s32 s1, s0  }
0x8b: {  	[smem:$0x3FC6] =	sst s0  }
0x8c: {  	_ = 	snop  }
0x8d: {  	s0 =	sld [smem:$0x3FD0];
	(tm) =	ssettm $0x1  }
0x8e: {  	s16 =	sld [smem:$0x3FFB];
	_ =	sdelay $0x3  }
0x8f: {  	_ =	strace s16  }
0x90: {  	s1 =	sld [smem:$0x3FFC];
	_ =	sdelay $0x3  }
0x91: {  	_ =	strace s1  }
0x92: {  	s1 =	sld [smem:$0x3FFD];
	_ =	sdelay $0x3  }
0x93: {  	_ =	strace s1  }
0x94: {  	_ =	strace $0x8FFFFFFF  }
0x95: {  	s17 =	sld [smem:$0x3FDB];
	_ =	sdelay $0x1  }
0x96: {  	s2 =	simm.s32 $_scs_section_size  }
0x97: {  	s3 =	simm.s32 $_size__tile_overlayer_lowered;
	s4 =	simm.s32 $_tile_overlayer_lowered  }
0x98: {  	s20 =	simm.s32 $0x1BFF;
	s19 =	sshll.u32 s4, $0x1;
	s1 =	sadd.s32 s2, s17  }
0x99: {  	s5 =	simm.s32 $0x0;
	s18 =	sshll.u32 s3, $0x1;
	s3 =	sadd.s32 s19, s1  }
0x9a: {  	[timem:s5], [sflag:s20] =	dma.local [hbm:s3], s18  }
0x9b: {  	_ =	swait.ge [sflag:s20], s18  }
0x9c: {  	s2 =	ssub.s32 $0x0, s18;
	[sflag:s20] =	ssyncset.done $0x0  }
0x9d: {  	[sflag:s20] =	ssyncadd.s32 s2;
	_ =	sdelay $0x1  }
0x9e: {  	s21 =	simm.s32 $0x1B8B  }
0x9f: {  	_ =	swait.ge [sflag:s21], $0x1  }
0xa0: {  	[sflag:s21] =	ssyncset.done $0x0  }
0xa1: {  	s23 =	simm.s32 $0x1B8E;
	s22 =	sld [smem:$0x3FFE];
	[sflag:s21] =	ssyncadd.s32 $0xFFFFFFFF  }
0xa2: {  	s24 =	simm.s32 $execute0_lowered;
	[smem:$0x3FD2] =	sst s23  }
0xa3: {  	s3 =	sshll.u32 s24, $0x1;
	_ =	strace $0x80000046;
	[dreg:$0x1] =	wrdreg $0xFFFFFFFF  }
0xa4: {  	s25 =	simm.s32 $_size_execute0_lowered;
	s1 =	sadd.s32 s1, s3;
	[dreg:$0x0] =	wrdreg $0x0  }
0xa5: {  	s3 =	sshll.u32 s25, $0x1;
	[dreg:$0x2] =	wrdreg s1  }
0xa6: {  	[dreg:$0x3] =	wrdreg s3  }
0xa7: {  	[dreg:$0x4] =	wrdreg $0xC0  }
0xa8: {  	_ =	task [dreg:s5], $0x5FFFF  }
0xa9: {  	[dreg:$0x1] =	wrdreg $0xFFFFFFFF  }
0xaa: {  	[dreg:$0x0] =	wrdreg $0x60  }
0xab: {  	[dreg:$0x2] =	wrdreg s22  }
0xac: {  	[dreg:$0x3] =	wrdreg s0  }
0xad: {  	[dreg:$0x4] =	wrdreg $0x50000  }
0xae: {  	[dreg:$0x5] =	wrdreg $0x9  }
0xaf: {  	_ =	task.clear_ibuf [dreg:s5], $0x6FFFF;
	_ =	strace $0x90000046  }
0xb0: {  	s26 =	simm.s32 $0x9;
	_ =	strace $0x80000048  }
0xb1: {  	_ =	swait.ge [sflag:s26], $0x1  }
0xb2: {  	[sflag:s26] =	ssyncadd.s32 $0xFFFFFFFF  }
0xb3: {  	_ =	strace $0x90000048  }
0xb4: {  	_ =	sfence  }
0xb5: {  	s28 =	sld [smem:$0x0];
	_ =	sdelay $0x1  }
0xb6: {  	s29 =	srdreg.scid  }
0xb7: {  	s30 =	sshll.u32 s29, $0xD;
	s31 =	sshrl.u32 s29, $0x2  }
0xb8: {  	s2 =	sand.u32 $0x4000, s30;
	s1 =	sand.u32 $0x1, s29;
	s0 =	sadd.s32 s31, s28  }
0xb9: {  	s1 =	sor.u32 s2, s1;
	s0 =	sshll.u32 s0, $0x11  }
0xba: {  	s0 =	sor.u32 s0, s1  }
0xbb: {  	s0 =	sadd.s32 $0x8F2B, s0  }
0xbc: {  	[sflag:s0] =	ssyncadd.remote.s32 $0x1  }
0xbd: {  	_ =	sfence.sel $0xFFFF  }
0xbe: {  	[dreg:$0x0] =	wrdreg $0xFFFFFFFF;
	(pc) =	sbr.abs _section_cstart, $3  }
0xbf: {  	[dreg:$0x1] =	wrdreg $0xFFFFFFFF  }
0xc0: {  	_ =	task.clear_ibuf [dreg:s5], $0x2FFFF;
	_ =	strace $0x9FFFFFFF  }
0xc1: {  	(tm) =	ssettm $0x7FFFFFFF  }
tec
execute0_lowered:
.L_overlay_start_1:
0x0: {  	(tag) =	ssettag $0x1  }
0x1: {  	s0 =	rddreg [dreg:$0x0]  }
0x2: {  	s1 =	rddreg [dreg:$0x1]  }
0x3: {  	s8 =	rddreg [dreg:$0x2];
	s2 =	simm.s32 $0x0;
	s5 =	stileid.u32  }
0x4: {  	s3 =	simm.s32 $0x0;
	s4 =	simm.s32 $0x200;
	[smem:$0x7FF] =	sst s2  }
0x5: {  	v0 =	vimm.f32 $0.0e+00;
	s2 =	sadd.s32 $0x1600, s0;
	s0 =	sadd.s32 $0x21600, s0;
	_ =	strace $0x80000047  }
.LBB2_1:
0x6: {  	p0 =	sne.s32 s4, $0x3E00;
	[tilespmem:s3+$0x4070] =	vst v0  }
0x7: {  	[tilespmem:s3+$0x4000] =	vst v0  }
0x8: {  	[tilespmem:s3+$0x4010] =	vst v0  }
.Ltmp0:
0x9: {  	[tilespmem:s3+$0x4020] =	vst v0;
	(pc) =	sbr.rel @p0 .LBB2_1-.Ltmp0, $4  }
0xa: {  	[tilespmem:s3+$0x4030] =	vst v0  }
0xb: {  	[tilespmem:s3+$0x4040] =	vst v0  }
0xc: {  	[tilespmem:s3+$0x4050] =	vst v0  }
0xd: {  	[tilespmem:s3+$0x4060] =	vst v0;
	s3 =	sshra.s32 s4, $0x2;
	s4 =	sadd.s32 $0x200, s4  }
0xe: {  	[tilespmem:s3+$0x4070] =	vst v0  }
0xf: {  	[tilespmem:s3+$0x4000] =	vst v0  }
0x10: {  	[tilespmem:s3+$0x4010] =	vst v0  }
0x11: {  	[tilespmem:s3+$0x4020] =	vst v0  }
0x12: {  	[tilespmem:s3+$0x4030] =	vst v0  }
0x13: {  	[tilespmem:s3+$0x4040] =	vst v0;
	s25 =	smul.u32 $0xB720, s5  }
0x14: {  	[tilespmem:s3+$0x4050] =	vst v0  }
0x15: {  	[tilespmem:s3+$0x4060] =	vst v0;
	s4 =	simm.s32 $0x4000;
	s15 =	simm.s32 $0x4;
	s28 =	sadd.s32 s25, s8  }
0x16: {  	[spmem:s28] =	stream.linear.scatter [tilespmem:s4], [sflag:$0x4], $0x1000, $0x38;
	[tilespmem:$0x10720] =	vst v63  }
0x17: {  	_ =	swait.ge [sflag:s15], $0x1000  }
0x18: {  	s6 =	sadd.s32 $0x1000, s25;
	[sflag:s15] =	ssyncset.done $0x0  }
0x19: {  	s26 =	sadd.s32 s6, s8;
	[smem:$0x795] =	sst s6;
	[sflag:s15] =	ssyncadd.s32 $0xFFFFF000  }
0x1a: {  	[spmem:s26] =	stream.linear.scatter [tilespmem:s4], [sflag:$0x4], $0x1000, $0x38;
	[tilespmem:$0x10720] =	vst v63  }
0x1b: {  	_ =	swait.ge [sflag:s15], $0x1000  }
0x1c: {  	s16 =	sadd.s32 $0x2000, s25;
	[sflag:s15] =	ssyncset.done $0x0  }
0x1d: {  	s24 =	sadd.s32 s16, s8;
	[smem:$0x796] =	sst s16;
	[sflag:s15] =	ssyncadd.s32 $0xFFFFF000  }
0x1e: {  	[spmem:s24] =	stream.linear.scatter [tilespmem:s4], [sflag:$0x4], $0x1000, $0x38;
	[tilespmem:$0x10720] =	vst v63  }
0x1f: {  	s17 =	sadd.s32 $0x3000, s25;
	_ =	swait.ge [sflag:s15], $0x1000  }
0x20: {  	s6 =	sadd.s32 s17, s8;
	[sflag:s15] =	ssyncset.done $0x0;
	[smem:$0x797] =	sst s17  }
0x21: {  	[smem:$0x798] =	sst s6;
	[sflag:s15] =	ssyncadd.s32 $0xFFFFF000  }
0x22: {  	[spmem:s6] =	stream.linear.scatter [tilespmem:s4], [sflag:$0x4], $0x1000, $0x38;
	[tilespmem:$0x10720] =	vst v63  }
0x23: {  	s18 =	sadd.s32 $0x4000, s25;
	_ =	swait.ge [sflag:s15], $0x1000  }
0x24: {  	s6 =	sadd.s32 s18, s8;
	[sflag:s15] =	ssyncset.done $0x0;
	[smem:$0x799] =	sst s18  }
0x25: {  	[smem:$0x79A] =	sst s6;
	[sflag:s15] =	ssyncadd.s32 $0xFFFFF000  }
0x26: {  	[spmem:s6] =	stream.linear.scatter [tilespmem:s4], [sflag:$0x4], $0x1000, $0x38;
	[tilespmem:$0x10720] =	vst v63  }
0x27: {  	s19 =	sadd.s32 $0x5000, s25;
	_ =	swait.ge [sflag:s15], $0x1000  }
0x28: {  	s6 =	sadd.s32 s19, s8;
	[sflag:s15] =	ssyncset.done $0x0;
	[smem:$0x79B] =	sst s19  }
0x29: {  	[smem:$0x79C] =	sst s6;
	[sflag:s15] =	ssyncadd.s32 $0xFFFFF000  }
0x2a: {  	[spmem:s6] =	stream.linear.scatter [tilespmem:s4], [sflag:$0x4], $0x1000, $0x38;
	[tilespmem:$0x10720] =	vst v63  }
0x2b: {  	s20 =	sadd.s32 $0x6000, s25;
	_ =	swait.ge [sflag:s15], $0x1000  }
0x2c: {  	s6 =	sadd.s32 s20, s8;
	[sflag:s15] =	ssyncset.done $0x0;
	[smem:$0x79D] =	sst s20  }
0x2d: {  	[smem:$0x79E] =	sst s6;
	[sflag:s15] =	ssyncadd.s32 $0xFFFFF000  }
0x2e: {  	[spmem:s6] =	stream.linear.scatter [tilespmem:s4], [sflag:$0x4], $0x1000, $0x38;
	[tilespmem:$0x10720] =	vst v63  }
0x2f: {  	s21 =	sadd.s32 $0x7000, s25;
	_ =	swait.ge [sflag:s15], $0x1000  }
0x30: {  	s6 =	sadd.s32 s21, s8;
	[sflag:s15] =	ssyncset.done $0x0;
	[smem:$0x79F] =	sst s21  }
0x31: {  	[smem:$0x7A0] =	sst s6;
	[sflag:s15] =	ssyncadd.s32 $0xFFFFF000  }
0x32: {  	[spmem:s6] =	stream.linear.scatter [tilespmem:s4], [sflag:$0x4], $0x1000, $0x38;
	[tilespmem:$0x10720] =	vst v63  }
0x33: {  	s22 =	sadd.s32 $0x8000, s25;
	_ =	swait.ge [sflag:s15], $0x1000  }
0x34: {  	s6 =	sadd.s32 s22, s8;
	[sflag:s15] =	ssyncset.done $0x0;
	[smem:$0x7A1] =	sst s22  }
0x35: {  	[smem:$0x7A2] =	sst s6;
	[sflag:s15] =	ssyncadd.s32 $0xFFFFF000  }
0x36: {  	[spmem:s6] =	stream.linear.scatter [tilespmem:s4], [sflag:$0x4], $0x1000, $0x38;
	[tilespmem:$0x10720] =	vst v63  }
0x37: {  	s23 =	sadd.s32 $0x9000, s25;
	_ =	swait.ge [sflag:s15], $0x1000  }
0x38: {  	s6 =	sadd.s32 s23, s8;
	[sflag:s15] =	ssyncset.done $0x0;
	[smem:$0x7A3] =	sst s23  }
0x39: {  	[smem:$0x7A4] =	sst s6;
	[sflag:s15] =	ssyncadd.s32 $0xFFFFF000  }
0x3a: {  	[spmem:s6] =	stream.linear.scatter [tilespmem:s4], [sflag:$0x4], $0x1000, $0x38;
	[tilespmem:$0x10720] =	vst v63  }
0x3b: {  	s7 =	sadd.s32 $0xA000, s25;
	_ =	swait.ge [sflag:s15], $0x1000  }
0x3c: {  	s6 =	sadd.s32 s7, s8;
	[sflag:s15] =	ssyncset.done $0x0;
	[smem:$0x7A5] =	sst s7  }
0x3d: {  	[smem:$0x7A6] =	sst s6;
	[sflag:s15] =	ssyncadd.s32 $0xFFFFF000  }
0x3e: {  	[spmem:s6] =	stream.linear.scatter [tilespmem:s4], [sflag:$0x4], $0x1000, $0x38;
	[tilespmem:$0x10720] =	vst v63  }
0x3f: {  	s9 =	sadd.s32 $0xB000, s25;
	_ =	swait.ge [sflag:s15], $0x1000  }
0x40: {  	s6 =	sadd.s32 s9, s8;
	[sflag:s15] =	ssyncset.done $0x0;
	[smem:$0x7A7] =	sst s9  }
0x41: {  	[smem:$0x7A8] =	sst s6;
	[sflag:s15] =	ssyncadd.s32 $0xFFFFF000  }
0x42: {  	[spmem:s6] =	stream.linear.scatter [tilespmem:s4], [sflag:$0x4], $0x720, $0x38;
	[tilespmem:$0x10720] =	vst v63  }
0x43: {  	_ =	swait.ge [sflag:s15], $0x720  }
0x44: {  	[sflag:s15] =	ssyncset.done $0x0  }
0x45: {  	s10 =	sshll.u32 s5, $0xD;
	s30 =	simm.s32 $0x0;
	[sflag:s15] =	ssyncadd.s32 $0xFFFFF8E0  }
0x46: {  	s11 =	simm.s32 $0x2080;
	s29 =	sadd.s32 s2, s10;
	[bflag:$0x0] =	sbarrier.arrive $0xFFFF  }
0x47: {  	[tilespmem:s30], [sflag:$0x1] =	stream.linear.gather [hbm4b:s29+s30], $0x1000, $0x38;
	[tilespmem:$0x10720] =	vst v63  }
0x48: {  	s12 =	simm.s32 $0x100;
	[dreg:$0x4] =	wrdreg s11  }
0x49: {  	s13 =	simm.s32 $0x2100;
	[dreg:$0x5] =	wrdreg s12  }
0x4a: {  	s14 =	simm.s32 $0x180;
	[dreg:$0x6] =	wrdreg s13  }
0x4b: {  	s15 =	simm.s32 $0x2180;
	[dreg:$0x7] =	wrdreg s14  }
0x4c: {  	s16 =	simm.s32 $0x200;
	[dreg:$0x8] =	wrdreg s15  }
0x4d: {  	s17 =	simm.s32 $0x2200;
	[dreg:$0x9] =	wrdreg s16  }
0x4e: {  	s18 =	simm.s32 $0x280;
	[dreg:$0xa] =	wrdreg s17  }
0x4f: {  	s19 =	simm.s32 $0x2280;
	[dreg:$0xb] =	wrdreg s18  }
0x50: {  	s20 =	simm.s32 $0x300;
	[dreg:$0xc] =	wrdreg s19  }
0x51: {  	s21 =	simm.s32 $0x2300;
	[dreg:$0xd] =	wrdreg s20  }
0x52: {  	s22 =	simm.s32 $0x380;
	[dreg:$0xe] =	wrdreg s21  }
0x53: {  	s23 =	simm.s32 $0x2380;
	[dreg:$0xf] =	wrdreg s22  }
0x54: {  	s3 =	simm.s32 $0x400;
	[dreg:$0x10] =	wrdreg s23  }
0x55: {  	s4 =	simm.s32 $0x2400;
	[dreg:$0x11] =	wrdreg s3  }
0x56: {  	s5 =	simm.s32 $0x480;
	[dreg:$0x12] =	wrdreg s4  }
0x57: {  	s6 =	simm.s32 $0x2480;
	[dreg:$0x13] =	wrdreg s5  }
0x58: {  	s7 =	simm.s32 $0x500;
	[dreg:$0x14] =	wrdreg s6  }
0x59: {  	s9 =	simm.s32 $0x2500;
	[dreg:$0x15] =	wrdreg s7  }
0x5a: {  	s31 =	sadd.s32 s0, s10;
	s10 =	simm.s32 $0x580;
	[dreg:$0x16] =	wrdreg s9  }
0x5b: {  	[dreg:$0x17] =	wrdreg s10;
	s11 =	simm.s32 $0x2580  }
0x5c: {  	s12 =	simm.s32 $0x600;
	[dreg:$0x18] =	wrdreg s11  }
0x5d: {  	s13 =	simm.s32 $0x2600;
	[dreg:$0x19] =	wrdreg s12  }
0x5e: {  	s14 =	simm.s32 $0x680;
	[dreg:$0x1a] =	wrdreg s13  }
0x5f: {  	s15 =	simm.s32 $0x2680;
	[dreg:$0x1b] =	wrdreg s14  }
0x60: {  	s16 =	simm.s32 $0x700;
	[dreg:$0x1c] =	wrdreg s15  }
0x61: {  	s17 =	simm.s32 $0x2700;
	[dreg:$0x1d] =	wrdreg s16  }
0x62: {  	s18 =	simm.s32 $0x780;
	[dreg:$0x1e] =	wrdreg s17  }
0x63: {  	s19 =	simm.s32 $0x2780;
	[dreg:$0x1f] =	wrdreg s18  }
0x64: {  	s20 =	simm.s32 $0x800;
	[smem:$0x7A9] =	sst s19  }
0x65: {  	s21 =	simm.s32 $0x2800;
	[smem:$0x7AA] =	sst s20  }
0x66: {  	s22 =	simm.s32 $0x880;
	[smem:$0x7AB] =	sst s21  }
0x67: {  	s23 =	simm.s32 $0x2880;
	[smem:$0x7AC] =	sst s22  }
0x68: {  	s3 =	simm.s32 $0x900;
	[smem:$0x7AD] =	sst s23  }
0x69: {  	s4 =	simm.s32 $0x2900;
	[smem:$0x7AE] =	sst s3  }
0x6a: {  	s5 =	simm.s32 $0x980;
	[smem:$0x7AF] =	sst s4  }
0x6b: {  	s6 =	simm.s32 $0x2980;
	[smem:$0x7B0] =	sst s5  }
0x6c: {  	s7 =	simm.s32 $0xA00;
	[smem:$0x7B1] =	sst s6  }
0x6d: {  	s9 =	simm.s32 $0x2A00;
	[smem:$0x7B2] =	sst s7  }
0x6e: {  	s10 =	simm.s32 $0xA80;
	[smem:$0x7B3] =	sst s9  }
0x6f: {  	s0 =	simm.s32 $0x2000;
	[smem:$0x7B4] =	sst s10;
	s11 =	simm.s32 $0x2A80  }
0x70: {  	[tilespmem:s0], [sflag:$0x1] =	stream.linear.gather [hbm4b:s31+s30], $0x1000, $0x38;
	[tilespmem:$0x10720] =	vst v63  }
0x71: {  	s12 =	simm.s32 $0xB00;
	[smem:$0x7B5] =	sst s11  }
0x72: {  	s13 =	simm.s32 $0x2B00;
	[smem:$0x7B6] =	sst s12  }
0x73: {  	s14 =	simm.s32 $0xB80;
	[smem:$0x7B7] =	sst s13  }
0x74: {  	s15 =	simm.s32 $0x2B80;
	[smem:$0x7B8] =	sst s14  }
0x75: {  	s16 =	simm.s32 $0xC00;
	[smem:$0x7B9] =	sst s15  }
0x76: {  	s17 =	simm.s32 $0x2C00;
	[smem:$0x7BA] =	sst s16  }
0x77: {  	s18 =	simm.s32 $0xC80;
	[smem:$0x7BB] =	sst s17  }
0x78: {  	s19 =	simm.s32 $0x2C80;
	[smem:$0x7BC] =	sst s18  }
0x79: {  	s20 =	simm.s32 $0xD00;
	[smem:$0x7BD] =	sst s19  }
0x7a: {  	s21 =	simm.s32 $0x2D00;
	[smem:$0x7BE] =	sst s20  }
0x7b: {  	s22 =	simm.s32 $0xD80;
	[smem:$0x7BF] =	sst s21  }
0x7c: {  	s23 =	simm.s32 $0x2D80;
	[smem:$0x7C0] =	sst s22  }
0x7d: {  	s3 =	simm.s32 $0xE00;
	[smem:$0x7C1] =	sst s23  }
0x7e: {  	s4 =	simm.s32 $0x2E00;
	[smem:$0x7C2] =	sst s3  }
0x7f: {  	s5 =	simm.s32 $0xE80;
	[smem:$0x7C3] =	sst s4  }
0x80: {  	s6 =	simm.s32 $0x2E80;
	[smem:$0x7C4] =	sst s5  }
0x81: {  	s7 =	simm.s32 $0xF00;
	[smem:$0x7C5] =	sst s6  }
0x82: {  	s9 =	simm.s32 $0x2F00;
	[smem:$0x7C6] =	sst s7  }
0x83: {  	s10 =	simm.s32 $0xF80;
	[smem:$0x7C7] =	sst s9  }
0x84: {  	[smem:$0x7C8] =	sst s10;
	s11 =	simm.s32 $0x2F80  }
0x85: {  	s12 =	simm.s32 $0x1080;
	[smem:$0x7C9] =	sst s11  }
0x86: {  	s13 =	simm.s32 $0x3080;
	[smem:$0x7CA] =	sst s12  }
0x87: {  	s14 =	simm.s32 $0x1100;
	[smem:$0x7CB] =	sst s13  }
0x88: {  	s15 =	simm.s32 $0x3100;
	[smem:$0x7CC] =	sst s14  }
0x89: {  	s16 =	simm.s32 $0x1180;
	[smem:$0x7CD] =	sst s15  }
0x8a: {  	s17 =	simm.s32 $0x3180;
	[smem:$0x7CE] =	sst s16  }
0x8b: {  	s18 =	simm.s32 $0x1200;
	[smem:$0x7CF] =	sst s17  }
0x8c: {  	s19 =	simm.s32 $0x3200;
	[smem:$0x7D0] =	sst s18  }
0x8d: {  	s20 =	simm.s32 $0x1280;
	[smem:$0x7D1] =	sst s19  }
0x8e: {  	s21 =	simm.s32 $0x3280;
	[smem:$0x7D2] =	sst s20  }
0x8f: {  	s22 =	simm.s32 $0x1300;
	[smem:$0x7D3] =	sst s21  }
0x90: {  	s23 =	simm.s32 $0x3300;
	[smem:$0x7D4] =	sst s22  }
0x91: {  	s3 =	simm.s32 $0x1380;
	[smem:$0x7D5] =	sst s23  }
0x92: {  	s4 =	simm.s32 $0x3380;
	[smem:$0x7D6] =	sst s3  }
0x93: {  	s5 =	simm.s32 $0x1400;
	[smem:$0x7D7] =	sst s4  }
0x94: {  	s6 =	simm.s32 $0x3400;
	[smem:$0x7D8] =	sst s5  }
0x95: {  	s7 =	simm.s32 $0x1480;
	[smem:$0x7D9] =	sst s6  }
0x96: {  	s9 =	simm.s32 $0x3480;
	[smem:$0x7DA] =	sst s7  }
0x97: {  	s10 =	simm.s32 $0x1500;
	[smem:$0x7DB] =	sst s9  }
0x98: {  	[smem:$0x7DC] =	sst s10;
	s11 =	simm.s32 $0x3500  }
0x99: {  	s12 =	simm.s32 $0x1580;
	[smem:$0x7DD] =	sst s11  }
0x9a: {  	s13 =	simm.s32 $0x3580;
	[smem:$0x7DE] =	sst s12  }
0x9b: {  	s14 =	simm.s32 $0x1600;
	[smem:$0x7DF] =	sst s13  }
0x9c: {  	s15 =	simm.s32 $0x3600;
	[smem:$0x7E0] =	sst s14  }
0x9d: {  	s16 =	simm.s32 $0x1680;
	[smem:$0x7E1] =	sst s15  }
0x9e: {  	s17 =	simm.s32 $0x3680;
	[smem:$0x7E2] =	sst s16  }
0x9f: {  	s18 =	simm.s32 $0x1700;
	[smem:$0x7E3] =	sst s17  }
0xa0: {  	s19 =	simm.s32 $0x3700;
	[smem:$0x7E4] =	sst s18  }
0xa1: {  	s20 =	simm.s32 $0x1780;
	[smem:$0x7E5] =	sst s19  }
0xa2: {  	s21 =	simm.s32 $0x3780;
	[smem:$0x7E6] =	sst s20  }
0xa3: {  	s22 =	simm.s32 $0x1800;
	[smem:$0x7E7] =	sst s21  }
0xa4: {  	s23 =	simm.s32 $0x3800;
	[smem:$0x7E8] =	sst s22  }
0xa5: {  	s3 =	simm.s32 $0x1880;
	[smem:$0x7E9] =	sst s23  }
0xa6: {  	s4 =	simm.s32 $0x3880;
	[smem:$0x7EA] =	sst s3  }
0xa7: {  	s5 =	simm.s32 $0x1900;
	[smem:$0x7EB] =	sst s4  }
0xa8: {  	s6 =	simm.s32 $0x3900;
	[smem:$0x7EC] =	sst s5  }
0xa9: {  	s7 =	simm.s32 $0x1980;
	[smem:$0x7ED] =	sst s6  }
0xaa: {  	s9 =	simm.s32 $0x3980;
	[smem:$0x7EE] =	sst s7  }
0xab: {  	s10 =	simm.s32 $0x1A00;
	[smem:$0x7EF] =	sst s9  }
0xac: {  	[smem:$0x7F0] =	sst s10;
	s11 =	simm.s32 $0x3A00  }
0xad: {  	s12 =	simm.s32 $0x1A80;
	[smem:$0x7F1] =	sst s11  }
0xae: {  	s13 =	simm.s32 $0x3A80;
	[smem:$0x7F2] =	sst s12  }
0xaf: {  	s14 =	simm.s32 $0x1B00;
	[smem:$0x7F3] =	sst s13  }
0xb0: {  	s15 =	simm.s32 $0x3B00;
	[smem:$0x7F4] =	sst s14  }
0xb1: {  	s16 =	simm.s32 $0x1B80;
	[smem:$0x7F5] =	sst s15  }
0xb2: {  	s17 =	simm.s32 $0x3B80;
	[smem:$0x7F6] =	sst s16  }
0xb3: {  	s2 =	simm.s32 $0x1;
	s18 =	simm.s32 $0x1C00;
	[smem:$0x7F7] =	sst s17  }
0xb4: {  	s19 =	simm.s32 $0x3C00;
	s20 =	simm.s32 $0x1C80;
	[smem:$0x7F8] =	sst s18  }
0xb5: {  	s21 =	simm.s32 $0x3C80;
	s22 =	simm.s32 $0x1D00;
	[smem:$0x7F9] =	sst s19  }
0xb6: {  	s23 =	simm.s32 $0x3D00;
	s3 =	simm.s32 $0x1000;
	[smem:$0x7FA] =	sst s20  }
0xb7: {  	s4 =	simm.s32 $0x3000;
	s5 =	simm.s32 $0x80;
	[smem:$0x7FB] =	sst s21  }
0xb8: {  	s6 =	simm.s32 $0x3;
	s7 =	simm.s32 $0x2;
	[smem:$0x7FC] =	sst s22  }
0xb9: {  	s9 =	simm.s32 $0x1D80;
	s10 =	simm.s32 $0x3D80;
	[smem:$0x7FD] =	sst s23  }
0xba: {  	s11 =	simm.s32 $0x1E00;
	s12 =	simm.s32 $0x3E00;
	s13 =	simm.s32 $0x1E80  }
0xbb: {  	s14 =	simm.s32 $0x3E80;
	s15 =	simm.s32 $0x1F00;
	s16 =	simm.s32 $0x3F00  }
0xbc: {  	s17 =	simm.s32 $0x1F80;
	s18 =	simm.s32 $0x3F80;
	s19 =	simm.s32 $0x0  }
.LBB2_3:
0xbd: {  	_ =	swait.ge [sflag:s2], $0x1000  }
0xbe: {  	[sflag:s2] =	ssyncset.done $0x0  }
0xbf: {  	[sflag:s2] =	ssyncadd.s32 $0xFFFFF000  }
0xc0: {  	_ =	swait.ge [sflag:s2], $0x1000  }
0xc1: {  	s20 =	sadd.s32 s19, s29;
	s22 =	sadd.s32 s19, s31;
	[sflag:s2] =	ssyncset.done $0x0  }
0xc2: {  	s20 =	sadd.s32 $0x200, s20;
	s23 =	rddreg [dreg:$0x4];
	[sflag:s2] =	ssyncadd.s32 $0xFFFFF000  }
0xc3: {  	[tilespmem:s3], [sflag:$0x2] =	stream.linear.gather [hbm4b:s20+s30], $0x1000, $0x38;
	[tilespmem:$0x10720] =	vst v63  }
0xc4: {  	s21 =	rddreg [dreg:$0x6];
	s20 =	sadd.s32 $0x200, s22  }
0xc5: {  	[tilespmem:s4], [sflag:$0x2] =	stream.linear.gather [hbm4b:s20+s30], $0x1000, $0x38;
	[tilespmem:$0x10720] =	vst v63  }
0xc6: {  	s22 =	rddreg [dreg:$0x7]  }
0xc7: {  	[spmem:s8] =	stream.indirect.scatter.add.f32 [tilespmem:s0], [sflag:$0x3], $0x1, s30, s5, $0xb8;
	[tilespmem:$0x10720] =	vst v63  }
0xc8: {  	s20 =	rddreg [dreg:$0x5]  }
0xc9: {  	[spmem:s8] =	stream.indirect.scatter.add.f32 [tilespmem:s23], [sflag:$0x3], $0x1, s5, s5, $0xb8;
	[tilespmem:$0x10720] =	vst v63  }
0xca: {  	s23 =	rddreg [dreg:$0x8]  }
0xcb: {  	[spmem:s8] =	stream.indirect.scatter.add.f32 [tilespmem:s21], [sflag:$0x3], $0x1, s20, s5, $0xb8;
	[tilespmem:$0x10720] =	vst v63  }
0xcc: {  	s20 =	rddreg [dreg:$0x9]  }
0xcd: {  	s21 =	rddreg [dreg:$0xa]  }
0xce: {  	[spmem:s8] =	stream.indirect.scatter.add.f32 [tilespmem:s23], [sflag:$0x3], $0x1, s22, s5, $0xb8;
	[tilespmem:$0x10720] =	vst v63  }
0xcf: {  	s22 =	rddreg [dreg:$0xb]  }
0xd0: {  	s23 =	rddreg [dreg:$0xc]  }
0xd1: {  	[spmem:s8] =	stream.indirect.scatter.add.f32 [tilespmem:s21], [sflag:$0x3], $0x1, s20, s5, $0xb8;
	[tilespmem:$0x10720] =	vst v63  }
0xd2: {  	s20 =	rddreg [dreg:$0xd]  }
0xd3: {  	s21 =	rddreg [dreg:$0xe]  }
0xd4: {  	[spmem:s8] =	stream.indirect.scatter.add.f32 [tilespmem:s23], [sflag:$0x3], $0x1, s22, s5, $0xb8;
	[tilespmem:$0x10720] =	vst v63  }
0xd5: {  	s22 =	rddreg [dreg:$0xf]  }
0xd6: {  	s23 =	rddreg [dreg:$0x10]  }
0xd7: {  	[spmem:s8] =	stream.indirect.scatter.add.f32 [tilespmem:s21], [sflag:$0x3], $0x1, s20, s5, $0xb8;
	[tilespmem:$0x10720] =	vst v63  }
0xd8: {  	s20 =	rddreg [dreg:$0x11]  }
0xd9: {  	s21 =	rddreg [dreg:$0x12]  }
0xda: {  	[spmem:s8] =	stream.indirect.scatter.add.f32 [tilespmem:s23], [sflag:$0x3], $0x1, s22, s5, $0xb8;
	[tilespmem:$0x10720] =	vst v63  }
0xdb: {  	s22 =	rddreg [dreg:$0x13]  }
0xdc: {  	s23 =	rddreg [dreg:$0x14]  }
0xdd: {  	[spmem:s8] =	stream.indirect.scatter.add.f32 [tilespmem:s21], [sflag:$0x3], $0x1, s20, s5, $0xb8;
	[tilespmem:$0x10720] =	vst v63  }
0xde: {  	s20 =	rddreg [dreg:$0x15]  }
0xdf: {  	s21 =	rddreg [dreg:$0x16]  }
0xe0: {  	[spmem:s8] =	stream.indirect.scatter.add.f32 [tilespmem:s23], [sflag:$0x3], $0x1, s22, s5, $0xb8;
	[tilespmem:$0x10720] =	vst v63  }
0xe1: {  	s22 =	rddreg [dreg:$0x17]  }
0xe2: {  	s23 =	rddreg [dreg:$0x18]  }
0xe3: {  	[spmem:s8] =	stream.indirect.scatter.add.f32 [tilespmem:s21], [sflag:$0x3], $0x1, s20, s5, $0xb8;
	[tilespmem:$0x10720] =	vst v63  }
0xe4: {  	s20 =	rddreg [dreg:$0x19]  }
0xe5: {  	s21 =	rddreg [dreg:$0x1a]  }
0xe6: {  	[spmem:s8] =	stream.indirect.scatter.add.f32 [tilespmem:s23], [sflag:$0x3], $0x1, s22, s5, $0xb8;
	[tilespmem:$0x10720] =	vst v63  }
0xe7: {  	s22 =	rddreg [dreg:$0x1b]  }
0xe8: {  	s23 =	rddreg [dreg:$0x1c]  }
0xe9: {  	[spmem:s8] =	stream.indirect.scatter.add.f32 [tilespmem:s21], [sflag:$0x3], $0x1, s20, s5, $0xb8;
	[tilespmem:$0x10720] =	vst v63  }
0xea: {  	s20 =	rddreg [dreg:$0x1d]  }
0xeb: {  	s21 =	rddreg [dreg:$0x1e]  }
0xec: {  	[spmem:s8] =	stream.indirect.scatter.add.f32 [tilespmem:s23], [sflag:$0x3], $0x1, s22, s5, $0xb8;
	[tilespmem:$0x10720] =	vst v63  }
0xed: {  	s22 =	rddreg [dreg:$0x1f]  }
0xee: {  	s23 =	sld [smem:$0x7A9]  }
0xef: {  	[spmem:s8] =	stream.indirect.scatter.add.f32 [tilespmem:s21], [sflag:$0x3], $0x1, s20, s5, $0xb8;
	[tilespmem:$0x10720] =	vst v63  }
0xf0: {  	s20 =	sld [smem:$0x7AA]  }
0xf1: {  	s21 =	sld [smem:$0x7AB]  }
0xf2: {  	[spmem:s8] =	stream.indirect.scatter.add.f32 [tilespmem:s23], [sflag:$0x3], $0x1, s22, s5, $0xb8;
	[tilespmem:$0x10720] =	vst v63  }
0xf3: {  	s22 =	sld [smem:$0x7AC]  }
0xf4: {  	s23 =	sld [smem:$0x7AD]  }
0xf5: {  	[spmem:s8] =	stream.indirect.scatter.add.f32 [tilespmem:s21], [sflag:$0x3], $0x1, s20, s5, $0xb8;
	[tilespmem:$0x10720] =	vst v63  }
0xf6: {  	s20 =	sld [smem:$0x7AE]  }
0xf7: {  	s21 =	sld [smem:$0x7AF]  }
0xf8: {  	[spmem:s8] =	stream.indirect.scatter.add.f32 [tilespmem:s23], [sflag:$0x3], $0x1, s22, s5, $0xb8;
	[tilespmem:$0x10720] =	vst v63  }
0xf9: {  	s22 =	sld [smem:$0x7B0]  }
0xfa: {  	s23 =	sld [smem:$0x7B1]  }
0xfb: {  	[spmem:s8] =	stream.indirect.scatter.add.f32 [tilespmem:s21], [sflag:$0x3], $0x1, s20, s5, $0xb8;
	[tilespmem:$0x10720] =	vst v63  }
0xfc: {  	s20 =	sld [smem:$0x7B2]  }
0xfd: {  	s21 =	sld [smem:$0x7B3]  }
0xfe: {  	[spmem:s8] =	stream.indirect.scatter.add.f32 [tilespmem:s23], [sflag:$0x3], $0x1, s22, s5, $0xb8;
	[tilespmem:$0x10720] =	vst v63  }
0xff: {  	s22 =	sld [smem:$0x7B4]  }
0x100: {  	s23 =	sld [smem:$0x7B5]  }
0x101: {  	[spmem:s8] =	stream.indirect.scatter.add.f32 [tilespmem:s21], [sflag:$0x3], $0x1, s20, s5, $0xb8;
	[tilespmem:$0x10720] =	vst v63  }
0x102: {  	s20 =	sld [smem:$0x7B6]  }
0x103: {  	s21 =	sld [smem:$0x7B7]  }
0x104: {  	[spmem:s8] =	stream.indirect.scatter.add.f32 [tilespmem:s23], [sflag:$0x3], $0x1, s22, s5, $0xb8;
	[tilespmem:$0x10720] =	vst v63  }
0x105: {  	s22 =	sld [smem:$0x7B8]  }
0x106: {  	s23 =	sld [smem:$0x7B9]  }
0x107: {  	[spmem:s8] =	stream.indirect.scatter.add.f32 [tilespmem:s21], [sflag:$0x3], $0x1, s20, s5, $0xb8;
	[tilespmem:$0x10720] =	vst v63  }
0x108: {  	s20 =	sld [smem:$0x7BA]  }
0x109: {  	s21 =	sld [smem:$0x7BB]  }
0x10a: {  	[spmem:s8] =	stream.indirect.scatter.add.f32 [tilespmem:s23], [sflag:$0x3], $0x1, s22, s5, $0xb8;
	[tilespmem:$0x10720] =	vst v63  }
0x10b: {  	s22 =	sld [smem:$0x7BC]  }
0x10c: {  	s23 =	sld [smem:$0x7BD]  }
0x10d: {  	[spmem:s8] =	stream.indirect.scatter.add.f32 [tilespmem:s21], [sflag:$0x3], $0x1, s20, s5, $0xb8;
	[tilespmem:$0x10720] =	vst v63  }
0x10e: {  	s20 =	sld [smem:$0x7BE]  }
0x10f: {  	s21 =	sld [smem:$0x7BF]  }
0x110: {  	[spmem:s8] =	stream.indirect.scatter.add.f32 [tilespmem:s23], [sflag:$0x3], $0x1, s22, s5, $0xb8;
	[tilespmem:$0x10720] =	vst v63  }
0x111: {  	s22 =	sld [smem:$0x7C0]  }
0x112: {  	s23 =	sld [smem:$0x7C1]  }
0x113: {  	[spmem:s8] =	stream.indirect.scatter.add.f32 [tilespmem:s21], [sflag:$0x3], $0x1, s20, s5, $0xb8;
	[tilespmem:$0x10720] =	vst v63  }
0x114: {  	s20 =	sld [smem:$0x7C2]  }
0x115: {  	s21 =	sld [smem:$0x7C3]  }
0x116: {  	[spmem:s8] =	stream.indirect.scatter.add.f32 [tilespmem:s23], [sflag:$0x3], $0x1, s22, s5, $0xb8;
	[tilespmem:$0x10720] =	vst v63  }
0x117: {  	s22 =	sld [smem:$0x7C4]  }
0x118: {  	s23 =	sld [smem:$0x7C5]  }
0x119: {  	[spmem:s8] =	stream.indirect.scatter.add.f32 [tilespmem:s21], [sflag:$0x3], $0x1, s20, s5, $0xb8;
	[tilespmem:$0x10720] =	vst v63  }
0x11a: {  	s20 =	sld [smem:$0x7C6]  }
0x11b: {  	s21 =	sld [smem:$0x7C7]  }
0x11c: {  	[spmem:s8] =	stream.indirect.scatter.add.f32 [tilespmem:s23], [sflag:$0x3], $0x1, s22, s5, $0xb8;
	[tilespmem:$0x10720] =	vst v63  }
0x11d: {  	s22 =	sld [smem:$0x7C8]  }
0x11e: {  	s23 =	sld [smem:$0x7C9]  }
0x11f: {  	[spmem:s8] =	stream.indirect.scatter.add.f32 [tilespmem:s21], [sflag:$0x3], $0x1, s20, s5, $0xb8;
	[tilespmem:$0x10720] =	vst v63  }
0x120: {  	_ = 	snop  }
0x121: {  	[spmem:s8] =	stream.indirect.scatter.add.f32 [tilespmem:s23], [sflag:$0x3], $0x1, s22, s5, $0xb8;
	[tilespmem:$0x10720] =	vst v63  }
0x122: {  	_ =	swait.ge [sflag:s6], $0x80  }
0x123: {  	[sflag:s6] =	ssyncset.done $0x0  }
0x124: {  	[sflag:s6] =	ssyncadd.s32 $0xFFFFFF80  }
0x125: {  	_ =	swait.ge [sflag:s6], $0x80  }
0x126: {  	[sflag:s6] =	ssyncset.done $0x0  }
0x127: {  	[sflag:s6] =	ssyncadd.s32 $0xFFFFFF80  }
0x128: {  	_ =	swait.ge [sflag:s6], $0x80  }
0x129: {  	[sflag:s6] =	ssyncset.done $0x0  }
0x12a: {  	[sflag:s6] =	ssyncadd.s32 $0xFFFFFF80  }
0x12b: {  	_ =	swait.ge [sflag:s6], $0x80  }
0x12c: {  	[sflag:s6] =	ssyncset.done $0x0  }
0x12d: {  	[sflag:s6] =	ssyncadd.s32 $0xFFFFFF80  }
0x12e: {  	_ =	swait.ge [sflag:s6], $0x80  }
0x12f: {  	[sflag:s6] =	ssyncset.done $0x0  }
0x130: {  	[sflag:s6] =	ssyncadd.s32 $0xFFFFFF80  }
0x131: {  	_ =	swait.ge [sflag:s6], $0x80  }
0x132: {  	[sflag:s6] =	ssyncset.done $0x0  }
0x133: {  	[sflag:s6] =	ssyncadd.s32 $0xFFFFFF80  }
0x134: {  	_ =	swait.ge [sflag:s6], $0x80  }
0x135: {  	[sflag:s6] =	ssyncset.done $0x0  }
0x136: {  	[sflag:s6] =	ssyncadd.s32 $0xFFFFFF80  }
0x137: {  	_ =	swait.ge [sflag:s6], $0x80  }
0x138: {  	[sflag:s6] =	ssyncset.done $0x0  }
0x139: {  	[sflag:s6] =	ssyncadd.s32 $0xFFFFFF80  }
0x13a: {  	_ =	swait.ge [sflag:s6], $0x80  }
0x13b: {  	[sflag:s6] =	ssyncset.done $0x0  }
0x13c: {  	[sflag:s6] =	ssyncadd.s32 $0xFFFFFF80  }
0x13d: {  	_ =	swait.ge [sflag:s6], $0x80  }
0x13e: {  	[sflag:s6] =	ssyncset.done $0x0  }
0x13f: {  	[sflag:s6] =	ssyncadd.s32 $0xFFFFFF80  }
0x140: {  	_ =	swait.ge [sflag:s6], $0x80  }
0x141: {  	[sflag:s6] =	ssyncset.done $0x0  }
0x142: {  	[sflag:s6] =	ssyncadd.s32 $0xFFFFFF80  }
0x143: {  	_ =	swait.ge [sflag:s6], $0x80  }
0x144: {  	[sflag:s6] =	ssyncset.done $0x0  }
0x145: {  	[sflag:s6] =	ssyncadd.s32 $0xFFFFFF80  }
0x146: {  	_ =	swait.ge [sflag:s6], $0x80  }
0x147: {  	[sflag:s6] =	ssyncset.done $0x0  }
0x148: {  	[sflag:s6] =	ssyncadd.s32 $0xFFFFFF80  }
0x149: {  	_ =	swait.ge [sflag:s6], $0x80  }
0x14a: {  	[sflag:s6] =	ssyncset.done $0x0  }
0x14b: {  	[sflag:s6] =	ssyncadd.s32 $0xFFFFFF80  }
0x14c: {  	_ =	swait.ge [sflag:s6], $0x80  }
0x14d: {  	[sflag:s6] =	ssyncset.done $0x0  }
0x14e: {  	[sflag:s6] =	ssyncadd.s32 $0xFFFFFF80  }
0x14f: {  	_ =	swait.ge [sflag:s6], $0x80  }
0x150: {  	[sflag:s6] =	ssyncset.done $0x0  }
0x151: {  	[sflag:s6] =	ssyncadd.s32 $0xFFFFFF80  }
0x152: {  	_ =	swait.ge [sflag:s6], $0x80  }
0x153: {  	[sflag:s6] =	ssyncset.done $0x0  }
0x154: {  	[sflag:s6] =	ssyncadd.s32 $0xFFFFFF80  }
0x155: {  	_ =	swait.ge [sflag:s6], $0x80  }
0x156: {  	[sflag:s6] =	ssyncset.done $0x0  }
0x157: {  	[sflag:s6] =	ssyncadd.s32 $0xFFFFFF80  }
0x158: {  	_ =	swait.ge [sflag:s6], $0x80  }
0x159: {  	[sflag:s6] =	ssyncset.done $0x0  }
0x15a: {  	[sflag:s6] =	ssyncadd.s32 $0xFFFFFF80  }
0x15b: {  	_ =	swait.ge [sflag:s6], $0x80  }
0x15c: {  	[sflag:s6] =	ssyncset.done $0x0  }
0x15d: {  	[sflag:s6] =	ssyncadd.s32 $0xFFFFFF80  }
0x15e: {  	_ =	swait.ge [sflag:s6], $0x80  }
0x15f: {  	[sflag:s6] =	ssyncset.done $0x0  }
0x160: {  	[sflag:s6] =	ssyncadd.s32 $0xFFFFFF80  }
0x161: {  	_ =	swait.ge [sflag:s6], $0x80  }
0x162: {  	[sflag:s6] =	ssyncset.done $0x0  }
0x163: {  	[sflag:s6] =	ssyncadd.s32 $0xFFFFFF80  }
0x164: {  	_ =	swait.ge [sflag:s6], $0x80  }
0x165: {  	[sflag:s6] =	ssyncset.done $0x0  }
0x166: {  	[sflag:s6] =	ssyncadd.s32 $0xFFFFFF80  }
0x167: {  	_ =	swait.ge [sflag:s6], $0x80  }
0x168: {  	[sflag:s6] =	ssyncset.done $0x0  }
0x169: {  	[sflag:s6] =	ssyncadd.s32 $0xFFFFFF80  }
0x16a: {  	_ =	swait.ge [sflag:s6], $0x80  }
0x16b: {  	[sflag:s6] =	ssyncset.done $0x0  }
0x16c: {  	[sflag:s6] =	ssyncadd.s32 $0xFFFFFF80  }
0x16d: {  	_ =	swait.ge [sflag:s6], $0x80  }
0x16e: {  	[sflag:s6] =	ssyncset.done $0x0  }
0x16f: {  	[sflag:s6] =	ssyncadd.s32 $0xFFFFFF80  }
0x170: {  	_ =	swait.ge [sflag:s6], $0x80  }
0x171: {  	[sflag:s6] =	ssyncset.done $0x0  }
0x172: {  	[sflag:s6] =	ssyncadd.s32 $0xFFFFFF80  }
0x173: {  	_ =	swait.ge [sflag:s6], $0x80  }
0x174: {  	[sflag:s6] =	ssyncset.done $0x0  }
0x175: {  	[sflag:s6] =	ssyncadd.s32 $0xFFFFFF80  }
0x176: {  	_ =	swait.ge [sflag:s6], $0x80  }
0x177: {  	[sflag:s6] =	ssyncset.done $0x0  }
0x178: {  	[sflag:s6] =	ssyncadd.s32 $0xFFFFFF80  }
0x179: {  	_ =	swait.ge [sflag:s6], $0x80  }
0x17a: {  	[sflag:s6] =	ssyncset.done $0x0  }
0x17b: {  	[sflag:s6] =	ssyncadd.s32 $0xFFFFFF80  }
0x17c: {  	_ =	swait.ge [sflag:s6], $0x80  }
0x17d: {  	[sflag:s6] =	ssyncset.done $0x0  }
0x17e: {  	[sflag:s6] =	ssyncadd.s32 $0xFFFFFF80  }
0x17f: {  	_ =	swait.ge [sflag:s6], $0x80  }
0x180: {  	[sflag:s6] =	ssyncset.done $0x0  }
0x181: {  	[sflag:s6] =	ssyncadd.s32 $0xFFFFFF80  }
0x182: {  	_ =	swait.ge [sflag:s7], $0x1000  }
0x183: {  	[sflag:s7] =	ssyncset.done $0x0  }
0x184: {  	[sflag:s7] =	ssyncadd.s32 $0xFFFFF000  }
0x185: {  	p0 =	seq.s32 s19, $0x1C00;
	_ =	swait.ge [sflag:s7], $0x1000  }
0x186: {  	s20 =	sadd.s32 @!p0 s19, s29;
	[sflag:s7] =	ssyncset.done $0x0  }
0x187: {  	s21 =	simm.s32 @!p0 $0x0;
	s20 =	sadd.s32 @!p0 $0x400, s20;
	[sflag:s7] =	ssyncadd.s32 $0xFFFFF000  }
0x188: {  	[tilespmem:s21], [sflag:$0x1] =	stream.linear.gather @!p0 [hbm4b:s20+s21], $0x1000, $0x38;
	[tilespmem:$0x10720] =	vst v63  }
0x189: {  	s20 =	sadd.s32 @!p0 s19, s31  }
0x18a: {  	s22 =	simm.s32 @!p0 $0x2000;
	s23 =	sld [smem:$0x7CD];
	s20 =	sadd.s32 @!p0 $0x400, s20  }
0x18b: {  	[tilespmem:s22], [sflag:$0x1] =	stream.linear.gather @!p0 [hbm4b:s20+s21], $0x1000, $0x38;
	[tilespmem:$0x10720] =	vst v63  }
0x18c: {  	s20 =	sld [smem:$0x7CA]  }
0x18d: {  	s21 =	sld [smem:$0x7CB]  }
0x18e: {  	[spmem:s8] =	stream.indirect.scatter.add.f32 [tilespmem:s4], [sflag:$0x3], $0x1, s3, s5, $0xb8;
	[tilespmem:$0x10720] =	vst v63  }
0x18f: {  	s22 =	sld [smem:$0x7CC]  }
0x190: {  	[spmem:s8] =	stream.indirect.scatter.add.f32 [tilespmem:s21], [sflag:$0x3], $0x1, s20, s5, $0xb8;
	[tilespmem:$0x10720] =	vst v63  }
0x191: {  	s20 =	sld [smem:$0x7CE]  }
0x192: {  	s21 =	sld [smem:$0x7CF]  }
0x193: {  	[spmem:s8] =	stream.indirect.scatter.add.f32 [tilespmem:s23], [sflag:$0x3], $0x1, s22, s5, $0xb8;
	[tilespmem:$0x10720] =	vst v63  }
0x194: {  	s22 =	sld [smem:$0x7D0]  }
0x195: {  	s23 =	sld [smem:$0x7D1]  }
0x196: {  	[spmem:s8] =	stream.indirect.scatter.add.f32 [tilespmem:s21], [sflag:$0x3], $0x1, s20, s5, $0xb8;
	[tilespmem:$0x10720] =	vst v63  }
0x197: {  	s20 =	sld [smem:$0x7D2]  }
0x198: {  	s21 =	sld [smem:$0x7D3]  }
0x199: {  	[spmem:s8] =	stream.indirect.scatter.add.f32 [tilespmem:s23], [sflag:$0x3], $0x1, s22, s5, $0xb8;
	[tilespmem:$0x10720] =	vst v63  }
0x19a: {  	s22 =	sld [smem:$0x7D4]  }
0x19b: {  	s23 =	sld [smem:$0x7D5]  }
0x19c: {  	[spmem:s8] =	stream.indirect.scatter.add.f32 [tilespmem:s21], [sflag:$0x3], $0x1, s20, s5, $0xb8;
	[tilespmem:$0x10720] =	vst v63  }
0x19d: {  	s20 =	sld [smem:$0x7D6]  }
0x19e: {  	s21 =	sld [smem:$0x7D7]  }
0x19f: {  	[spmem:s8] =	stream.indirect.scatter.add.f32 [tilespmem:s23], [sflag:$0x3], $0x1, s22, s5, $0xb8;
	[tilespmem:$0x10720] =	vst v63  }
0x1a0: {  	s22 =	sld [smem:$0x7D8]  }
0x1a1: {  	s23 =	sld [smem:$0x7D9]  }
0x1a2: {  	[spmem:s8] =	stream.indirect.scatter.add.f32 [tilespmem:s21], [sflag:$0x3], $0x1, s20, s5, $0xb8;
	[tilespmem:$0x10720] =	vst v63  }
0x1a3: {  	s20 =	sld [smem:$0x7DA]  }
0x1a4: {  	s21 =	sld [smem:$0x7DB]  }
0x1a5: {  	[spmem:s8] =	stream.indirect.scatter.add.f32 [tilespmem:s23], [sflag:$0x3], $0x1, s22, s5, $0xb8;
	[tilespmem:$0x10720] =	vst v63  }
0x1a6: {  	s22 =	sld [smem:$0x7DC]  }
0x1a7: {  	s23 =	sld [smem:$0x7DD]  }
0x1a8: {  	[spmem:s8] =	stream.indirect.scatter.add.f32 [tilespmem:s21], [sflag:$0x3], $0x1, s20, s5, $0xb8;
	[tilespmem:$0x10720] =	vst v63  }
0x1a9: {  	s20 =	sld [smem:$0x7DE]  }
0x1aa: {  	s21 =	sld [smem:$0x7DF]  }
0x1ab: {  	[spmem:s8] =	stream.indirect.scatter.add.f32 [tilespmem:s23], [sflag:$0x3], $0x1, s22, s5, $0xb8;
	[tilespmem:$0x10720] =	vst v63  }
0x1ac: {  	s22 =	sld [smem:$0x7E0]  }
0x1ad: {  	s23 =	sld [smem:$0x7E1]  }
0x1ae: {  	[spmem:s8] =	stream.indirect.scatter.add.f32 [tilespmem:s21], [sflag:$0x3], $0x1, s20, s5, $0xb8;
	[tilespmem:$0x10720] =	vst v63  }
0x1af: {  	s20 =	sld [smem:$0x7E2]  }
0x1b0: {  	s21 =	sld [smem:$0x7E3]  }
0x1b1: {  	[spmem:s8] =	stream.indirect.scatter.add.f32 [tilespmem:s23], [sflag:$0x3], $0x1, s22, s5, $0xb8;
	[tilespmem:$0x10720] =	vst v63  }
0x1b2: {  	s22 =	sld [smem:$0x7E4]  }
0x1b3: {  	s23 =	sld [smem:$0x7E5]  }
0x1b4: {  	[spmem:s8] =	stream.indirect.scatter.add.f32 [tilespmem:s21], [sflag:$0x3], $0x1, s20, s5, $0xb8;
	[tilespmem:$0x10720] =	vst v63  }
0x1b5: {  	s20 =	sld [smem:$0x7E6]  }
0x1b6: {  	s21 =	sld [smem:$0x7E7]  }
0x1b7: {  	[spmem:s8] =	stream.indirect.scatter.add.f32 [tilespmem:s23], [sflag:$0x3], $0x1, s22, s5, $0xb8;
	[tilespmem:$0x10720] =	vst v63  }
0x1b8: {  	s22 =	sld [smem:$0x7E8]  }
0x1b9: {  	s23 =	sld [smem:$0x7E9]  }
0x1ba: {  	[spmem:s8] =	stream.indirect.scatter.add.f32 [tilespmem:s21], [sflag:$0x3], $0x1, s20, s5, $0xb8;
	[tilespmem:$0x10720] =	vst v63  }
0x1bb: {  	s20 =	sld [smem:$0x7EA]  }
0x1bc: {  	s21 =	sld [smem:$0x7EB]  }
0x1bd: {  	[spmem:s8] =	stream.indirect.scatter.add.f32 [tilespmem:s23], [sflag:$0x3], $0x1, s22, s5, $0xb8;
	[tilespmem:$0x10720] =	vst v63  }
0x1be: {  	s22 =	sld [smem:$0x7EC]  }
0x1bf: {  	s23 =	sld [smem:$0x7ED]  }
0x1c0: {  	[spmem:s8] =	stream.indirect.scatter.add.f32 [tilespmem:s21], [sflag:$0x3], $0x1, s20, s5, $0xb8;
	[tilespmem:$0x10720] =	vst v63  }
0x1c1: {  	s20 =	sld [smem:$0x7EE]  }
0x1c2: {  	s21 =	sld [smem:$0x7EF]  }
0x1c3: {  	[spmem:s8] =	stream.indirect.scatter.add.f32 [tilespmem:s23], [sflag:$0x3], $0x1, s22, s5, $0xb8;
	[tilespmem:$0x10720] =	vst v63  }
0x1c4: {  	s22 =	sld [smem:$0x7F0]  }
0x1c5: {  	s23 =	sld [smem:$0x7F1]  }
0x1c6: {  	[spmem:s8] =	stream.indirect.scatter.add.f32 [tilespmem:s21], [sflag:$0x3], $0x1, s20, s5, $0xb8;
	[tilespmem:$0x10720] =	vst v63  }
0x1c7: {  	s20 =	sld [smem:$0x7F2]  }
0x1c8: {  	s21 =	sld [smem:$0x7F3]  }
0x1c9: {  	[spmem:s8] =	stream.indirect.scatter.add.f32 [tilespmem:s23], [sflag:$0x3], $0x1, s22, s5, $0xb8;
	[tilespmem:$0x10720] =	vst v63  }
0x1ca: {  	s22 =	sld [smem:$0x7F4]  }
0x1cb: {  	s23 =	sld [smem:$0x7F5]  }
0x1cc: {  	[spmem:s8] =	stream.indirect.scatter.add.f32 [tilespmem:s21], [sflag:$0x3], $0x1, s20, s5, $0xb8;
	[tilespmem:$0x10720] =	vst v63  }
0x1cd: {  	s20 =	sld [smem:$0x7F6]  }
0x1ce: {  	s21 =	sld [smem:$0x7F7]  }
0x1cf: {  	[spmem:s8] =	stream.indirect.scatter.add.f32 [tilespmem:s23], [sflag:$0x3], $0x1, s22, s5, $0xb8;
	[tilespmem:$0x10720] =	vst v63  }
0x1d0: {  	s22 =	sld [smem:$0x7F8]  }
0x1d1: {  	s23 =	sld [smem:$0x7F9]  }
0x1d2: {  	[spmem:s8] =	stream.indirect.scatter.add.f32 [tilespmem:s21], [sflag:$0x3], $0x1, s20, s5, $0xb8;
	[tilespmem:$0x10720] =	vst v63  }
0x1d3: {  	s20 =	sld [smem:$0x7FA]  }
0x1d4: {  	s21 =	sld [smem:$0x7FB]  }
0x1d5: {  	[spmem:s8] =	stream.indirect.scatter.add.f32 [tilespmem:s23], [sflag:$0x3], $0x1, s22, s5, $0xb8;
	[tilespmem:$0x10720] =	vst v63  }
0x1d6: {  	s22 =	sld [smem:$0x7FC]  }
0x1d7: {  	s23 =	sld [smem:$0x7FD]  }
0x1d8: {  	[spmem:s8] =	stream.indirect.scatter.add.f32 [tilespmem:s21], [sflag:$0x3], $0x1, s20, s5, $0xb8;
	[tilespmem:$0x10720] =	vst v63  }
0x1d9: {  	_ = 	snop  }
0x1da: {  	[spmem:s8] =	stream.indirect.scatter.add.f32 [tilespmem:s23], [sflag:$0x3], $0x1, s22, s5, $0xb8;
	[tilespmem:$0x10720] =	vst v63  }
0x1db: {  	_ = 	snop  }
0x1dc: {  	[spmem:s8] =	stream.indirect.scatter.add.f32 [tilespmem:s10], [sflag:$0x3], $0x1, s9, s5, $0xb8;
	[tilespmem:$0x10720] =	vst v63  }
0x1dd: {  	_ = 	snop  }
0x1de: {  	[spmem:s8] =	stream.indirect.scatter.add.f32 [tilespmem:s12], [sflag:$0x3], $0x1, s11, s5, $0xb8;
	[tilespmem:$0x10720] =	vst v63  }
0x1df: {  	_ = 	snop  }
0x1e0: {  	[spmem:s8] =	stream.indirect.scatter.add.f32 [tilespmem:s14], [sflag:$0x3], $0x1, s13, s5, $0xb8;
	[tilespmem:$0x10720] =	vst v63  }
0x1e1: {  	_ = 	snop  }
0x1e2: {  	[spmem:s8] =	stream.indirect.scatter.add.f32 [tilespmem:s16], [sflag:$0x3], $0x1, s15, s5, $0xb8;
	[tilespmem:$0x10720] =	vst v63  }
0x1e3: {  	_ = 	snop  }
0x1e4: {  	[spmem:s8] =	stream.indirect.scatter.add.f32 [tilespmem:s18], [sflag:$0x3], $0x1, s17, s5, $0xb8;
	[tilespmem:$0x10720] =	vst v63  }
0x1e5: {  	_ =	swait.ge [sflag:s6], $0x80  }
0x1e6: {  	[sflag:s6] =	ssyncset.done $0x0  }
0x1e7: {  	[sflag:s6] =	ssyncadd.s32 $0xFFFFFF80  }
0x1e8: {  	_ =	swait.ge [sflag:s6], $0x80  }
0x1e9: {  	[sflag:s6] =	ssyncset.done $0x0  }
0x1ea: {  	[sflag:s6] =	ssyncadd.s32 $0xFFFFFF80  }
0x1eb: {  	_ =	swait.ge [sflag:s6], $0x80  }
0x1ec: {  	[sflag:s6] =	ssyncset.done $0x0  }
0x1ed: {  	[sflag:s6] =	ssyncadd.s32 $0xFFFFFF80  }
0x1ee: {  	_ =	swait.ge [sflag:s6], $0x80  }
0x1ef: {  	[sflag:s6] =	ssyncset.done $0x0  }
0x1f0: {  	[sflag:s6] =	ssyncadd.s32 $0xFFFFFF80  }
0x1f1: {  	_ =	swait.ge [sflag:s6], $0x80  }
0x1f2: {  	[sflag:s6] =	ssyncset.done $0x0  }
0x1f3: {  	[sflag:s6] =	ssyncadd.s32 $0xFFFFFF80  }
0x1f4: {  	_ =	swait.ge [sflag:s6], $0x80  }
0x1f5: {  	[sflag:s6] =	ssyncset.done $0x0  }
0x1f6: {  	[sflag:s6] =	ssyncadd.s32 $0xFFFFFF80  }
0x1f7: {  	_ =	swait.ge [sflag:s6], $0x80  }
0x1f8: {  	[sflag:s6] =	ssyncset.done $0x0  }
0x1f9: {  	[sflag:s6] =	ssyncadd.s32 $0xFFFFFF80  }
0x1fa: {  	_ =	swait.ge [sflag:s6], $0x80  }
0x1fb: {  	[sflag:s6] =	ssyncset.done $0x0  }
0x1fc: {  	[sflag:s6] =	ssyncadd.s32 $0xFFFFFF80  }
0x1fd: {  	_ =	swait.ge [sflag:s6], $0x80  }
0x1fe: {  	[sflag:s6] =	ssyncset.done $0x0  }
0x1ff: {  	[sflag:s6] =	ssyncadd.s32 $0xFFFFFF80  }
0x200: {  	_ =	swait.ge [sflag:s6], $0x80  }
0x201: {  	[sflag:s6] =	ssyncset.done $0x0  }
0x202: {  	[sflag:s6] =	ssyncadd.s32 $0xFFFFFF80  }
0x203: {  	_ =	swait.ge [sflag:s6], $0x80  }
0x204: {  	[sflag:s6] =	ssyncset.done $0x0  }
0x205: {  	[sflag:s6] =	ssyncadd.s32 $0xFFFFFF80  }
0x206: {  	_ =	swait.ge [sflag:s6], $0x80  }
0x207: {  	[sflag:s6] =	ssyncset.done $0x0  }
0x208: {  	[sflag:s6] =	ssyncadd.s32 $0xFFFFFF80  }
0x209: {  	_ =	swait.ge [sflag:s6], $0x80  }
0x20a: {  	[sflag:s6] =	ssyncset.done $0x0  }
0x20b: {  	[sflag:s6] =	ssyncadd.s32 $0xFFFFFF80  }
0x20c: {  	_ =	swait.ge [sflag:s6], $0x80  }
0x20d: {  	[sflag:s6] =	ssyncset.done $0x0  }
0x20e: {  	[sflag:s6] =	ssyncadd.s32 $0xFFFFFF80  }
0x20f: {  	_ =	swait.ge [sflag:s6], $0x80  }
0x210: {  	[sflag:s6] =	ssyncset.done $0x0  }
0x211: {  	[sflag:s6] =	ssyncadd.s32 $0xFFFFFF80  }
0x212: {  	_ =	swait.ge [sflag:s6], $0x80  }
0x213: {  	[sflag:s6] =	ssyncset.done $0x0  }
0x214: {  	[sflag:s6] =	ssyncadd.s32 $0xFFFFFF80  }
0x215: {  	_ =	swait.ge [sflag:s6], $0x80  }
0x216: {  	[sflag:s6] =	ssyncset.done $0x0  }
0x217: {  	[sflag:s6] =	ssyncadd.s32 $0xFFFFFF80  }
0x218: {  	_ =	swait.ge [sflag:s6], $0x80  }
0x219: {  	[sflag:s6] =	ssyncset.done $0x0  }
0x21a: {  	[sflag:s6] =	ssyncadd.s32 $0xFFFFFF80  }
0x21b: {  	_ =	swait.ge [sflag:s6], $0x80  }
0x21c: {  	[sflag:s6] =	ssyncset.done $0x0  }
0x21d: {  	[sflag:s6] =	ssyncadd.s32 $0xFFFFFF80  }
0x21e: {  	_ =	swait.ge [sflag:s6], $0x80  }
0x21f: {  	[sflag:s6] =	ssyncset.done $0x0  }
0x220: {  	[sflag:s6] =	ssyncadd.s32 $0xFFFFFF80  }
0x221: {  	_ =	swait.ge [sflag:s6], $0x80  }
0x222: {  	[sflag:s6] =	ssyncset.done $0x0  }
0x223: {  	[sflag:s6] =	ssyncadd.s32 $0xFFFFFF80  }
0x224: {  	_ =	swait.ge [sflag:s6], $0x80  }
0x225: {  	[sflag:s6] =	ssyncset.done $0x0  }
0x226: {  	[sflag:s6] =	ssyncadd.s32 $0xFFFFFF80  }
0x227: {  	_ =	swait.ge [sflag:s6], $0x80  }
0x228: {  	[sflag:s6] =	ssyncset.done $0x0  }
0x229: {  	[sflag:s6] =	ssyncadd.s32 $0xFFFFFF80  }
0x22a: {  	_ =	swait.ge [sflag:s6], $0x80  }
0x22b: {  	[sflag:s6] =	ssyncset.done $0x0  }
0x22c: {  	[sflag:s6] =	ssyncadd.s32 $0xFFFFFF80  }
0x22d: {  	_ =	swait.ge [sflag:s6], $0x80  }
0x22e: {  	[sflag:s6] =	ssyncset.done $0x0  }
0x22f: {  	[sflag:s6] =	ssyncadd.s32 $0xFFFFFF80  }
0x230: {  	_ =	swait.ge [sflag:s6], $0x80  }
0x231: {  	[sflag:s6] =	ssyncset.done $0x0  }
0x232: {  	[sflag:s6] =	ssyncadd.s32 $0xFFFFFF80  }
0x233: {  	_ =	swait.ge [sflag:s6], $0x80  }
0x234: {  	[sflag:s6] =	ssyncset.done $0x0  }
0x235: {  	[sflag:s6] =	ssyncadd.s32 $0xFFFFFF80  }
0x236: {  	_ =	swait.ge [sflag:s6], $0x80  }
0x237: {  	[sflag:s6] =	ssyncset.done $0x0  }
0x238: {  	[sflag:s6] =	ssyncadd.s32 $0xFFFFFF80  }
0x239: {  	_ =	swait.ge [sflag:s6], $0x80  }
0x23a: {  	[sflag:s6] =	ssyncset.done $0x0  }
0x23b: {  	[sflag:s6] =	ssyncadd.s32 $0xFFFFFF80  }
0x23c: {  	_ =	swait.ge [sflag:s6], $0x80  }
0x23d: {  	[sflag:s6] =	ssyncset.done $0x0  }
0x23e: {  	s19 =	sadd.s32 $0x400, s19;
	[sflag:s6] =	ssyncadd.s32 $0xFFFFFF80  }
0x23f: {  	p0 =	sne.s32 s19, $0x2000;
	_ =	swait.ge [sflag:s6], $0x80  }
.Ltmp1:
0x240: {  	[sflag:s6] =	ssyncset.done $0x0;
	(pc) =	sbr.rel @p0 .LBB2_3-.Ltmp1, $4  }
0x241: {  	[sflag:s6] =	ssyncadd.s32 $0xFFFFFF80  }
0x242: {  	_ =	swait.ge [sflag:s6], $0x80  }
0x243: {  	[sflag:s6] =	ssyncset.done $0x0  }
0x244: {  	[sflag:s6] =	ssyncadd.s32 $0xFFFFFF80  }
0x245: {  	[bflag:$0x0] =	sbarrier.arrive $0xFFFF;
	s2 =	simm.s32 $0x4000;
	s0 =	simm.s32 $0x4  }
0x246: {  	[tilespmem:s2], [sflag:$0x4] =	stream.linear.gather [spmem:s28], $0x1000, $0x38;
	[tilespmem:$0x10720] =	vst v63  }
0x247: {  	_ =	swait.ge [sflag:s0], $0x1000  }
0x248: {  	s3 =	sshrl.u32 s25, $0x3;
	[sflag:s0] =	ssyncset.done $0x0  }
0x249: {  	s8 =	simm.s32 $0x0;
	s4 =	sadd.s32 s1, s3;
	[sflag:s0] =	ssyncadd.s32 $0xFFFFF000  }
0x24a: {  	[hbm4b:s4+s8] =	stream.linear.scatter [tilespmem:s2], [sflag:$0x4], $0x1000, $0x38;
	[tilespmem:$0x10720] =	vst v63  }
0x24b: {  	_ =	swait.ge [sflag:s0], $0x1000  }
0x24c: {  	[sflag:s0] =	ssyncset.done $0x0  }
0x24d: {  	[sflag:s0] =	ssyncadd.s32 $0xFFFFF000  }
0x24e: {  	[tilespmem:s2], [sflag:$0x4] =	stream.linear.gather [spmem:s26], $0x1000, $0x38;
	[tilespmem:$0x10720] =	vst v63  }
0x24f: {  	_ =	swait.ge [sflag:s0], $0x1000  }
0x250: {  	s9 =	sld [smem:$0x795];
	_ =	sdelay $0x2  }
0x251: {  	[sflag:s0] =	ssyncset.done $0x0;
	s4 =	sshrl.u32 s9, $0x3  }
0x252: {  	[sflag:s0] =	ssyncadd.s32 $0xFFFFF000;
	s4 =	sadd.s32 s1, s4  }
0x253: {  	[hbm4b:s4+s8] =	stream.linear.scatter [tilespmem:s2], [sflag:$0x4], $0x1000, $0x38;
	[tilespmem:$0x10720] =	vst v63  }
0x254: {  	_ =	swait.ge [sflag:s0], $0x1000  }
0x255: {  	[sflag:s0] =	ssyncset.done $0x0  }
0x256: {  	[sflag:s0] =	ssyncadd.s32 $0xFFFFF000  }
0x257: {  	[tilespmem:s2], [sflag:$0x4] =	stream.linear.gather [spmem:s24], $0x1000, $0x38;
	[tilespmem:$0x10720] =	vst v63  }
0x258: {  	_ =	swait.ge [sflag:s0], $0x1000  }
0x259: {  	s10 =	sld [smem:$0x796];
	_ =	sdelay $0x2  }
0x25a: {  	[sflag:s0] =	ssyncset.done $0x0;
	s4 =	sshrl.u32 s10, $0x3  }
0x25b: {  	[sflag:s0] =	ssyncadd.s32 $0xFFFFF000;
	s4 =	sadd.s32 s1, s4  }
0x25c: {  	[hbm4b:s4+s8] =	stream.linear.scatter [tilespmem:s2], [sflag:$0x4], $0x1000, $0x38;
	[tilespmem:$0x10720] =	vst v63  }
0x25d: {  	_ =	swait.ge [sflag:s0], $0x1000  }
0x25e: {  	s11 =	sld [smem:$0x798]  }
0x25f: {  	[sflag:s0] =	ssyncset.done $0x0  }
0x260: {  	[sflag:s0] =	ssyncadd.s32 $0xFFFFF000  }
0x261: {  	[tilespmem:s2], [sflag:$0x4] =	stream.linear.gather [spmem:s11], $0x1000, $0x38;
	[tilespmem:$0x10720] =	vst v63  }
0x262: {  	_ =	swait.ge [sflag:s0], $0x1000  }
0x263: {  	s12 =	sld [smem:$0x797];
	_ =	sdelay $0x2  }
0x264: {  	[sflag:s0] =	ssyncset.done $0x0;
	s4 =	sshrl.u32 s12, $0x3  }
0x265: {  	[sflag:s0] =	ssyncadd.s32 $0xFFFFF000;
	s4 =	sadd.s32 s1, s4  }
0x266: {  	[hbm4b:s4+s8] =	stream.linear.scatter [tilespmem:s2], [sflag:$0x4], $0x1000, $0x38;
	[tilespmem:$0x10720] =	vst v63  }
0x267: {  	_ =	swait.ge [sflag:s0], $0x1000  }
0x268: {  	s13 =	sld [smem:$0x79A]  }
0x269: {  	[sflag:s0] =	ssyncset.done $0x0  }
0x26a: {  	[sflag:s0] =	ssyncadd.s32 $0xFFFFF000  }
0x26b: {  	[tilespmem:s2], [sflag:$0x4] =	stream.linear.gather [spmem:s13], $0x1000, $0x38;
	[tilespmem:$0x10720] =	vst v63  }
0x26c: {  	_ =	swait.ge [sflag:s0], $0x1000  }
0x26d: {  	s14 =	sld [smem:$0x799];
	_ =	sdelay $0x2  }
0x26e: {  	[sflag:s0] =	ssyncset.done $0x0;
	s4 =	sshrl.u32 s14, $0x3  }
0x26f: {  	[sflag:s0] =	ssyncadd.s32 $0xFFFFF000;
	s4 =	sadd.s32 s1, s4  }
0x270: {  	[hbm4b:s4+s8] =	stream.linear.scatter [tilespmem:s2], [sflag:$0x4], $0x1000, $0x38;
	[tilespmem:$0x10720] =	vst v63  }
0x271: {  	_ =	swait.ge [sflag:s0], $0x1000  }
0x272: {  	s15 =	sld [smem:$0x79C]  }
0x273: {  	[sflag:s0] =	ssyncset.done $0x0  }
0x274: {  	[sflag:s0] =	ssyncadd.s32 $0xFFFFF000  }
0x275: {  	[tilespmem:s2], [sflag:$0x4] =	stream.linear.gather [spmem:s15], $0x1000, $0x38;
	[tilespmem:$0x10720] =	vst v63  }
0x276: {  	_ =	swait.ge [sflag:s0], $0x1000  }
0x277: {  	s16 =	sld [smem:$0x79B];
	_ =	sdelay $0x2  }
0x278: {  	[sflag:s0] =	ssyncset.done $0x0;
	s4 =	sshrl.u32 s16, $0x3  }
0x279: {  	[sflag:s0] =	ssyncadd.s32 $0xFFFFF000;
	s4 =	sadd.s32 s1, s4  }
0x27a: {  	[hbm4b:s4+s8] =	stream.linear.scatter [tilespmem:s2], [sflag:$0x4], $0x1000, $0x38;
	[tilespmem:$0x10720] =	vst v63  }
0x27b: {  	_ =	swait.ge [sflag:s0], $0x1000  }
0x27c: {  	s17 =	sld [smem:$0x79E]  }
0x27d: {  	[sflag:s0] =	ssyncset.done $0x0  }
0x27e: {  	[sflag:s0] =	ssyncadd.s32 $0xFFFFF000  }
0x27f: {  	[tilespmem:s2], [sflag:$0x4] =	stream.linear.gather [spmem:s17], $0x1000, $0x38;
	[tilespmem:$0x10720] =	vst v63  }
0x280: {  	_ =	swait.ge [sflag:s0], $0x1000  }
0x281: {  	s18 =	sld [smem:$0x79D];
	_ =	sdelay $0x2  }
0x282: {  	[sflag:s0] =	ssyncset.done $0x0;
	s4 =	sshrl.u32 s18, $0x3  }
0x283: {  	[sflag:s0] =	ssyncadd.s32 $0xFFFFF000;
	s4 =	sadd.s32 s1, s4  }
0x284: {  	[hbm4b:s4+s8] =	stream.linear.scatter [tilespmem:s2], [sflag:$0x4], $0x1000, $0x38;
	[tilespmem:$0x10720] =	vst v63  }
0x285: {  	_ =	swait.ge [sflag:s0], $0x1000  }
0x286: {  	s19 =	sld [smem:$0x7A0]  }
0x287: {  	[sflag:s0] =	ssyncset.done $0x0  }
0x288: {  	[sflag:s0] =	ssyncadd.s32 $0xFFFFF000  }
0x289: {  	[tilespmem:s2], [sflag:$0x4] =	stream.linear.gather [spmem:s19], $0x1000, $0x38;
	[tilespmem:$0x10720] =	vst v63  }
0x28a: {  	_ =	swait.ge [sflag:s0], $0x1000  }
0x28b: {  	s20 =	sld [smem:$0x79F];
	_ =	sdelay $0x2  }
0x28c: {  	[sflag:s0] =	ssyncset.done $0x0;
	s4 =	sshrl.u32 s20, $0x3  }
0x28d: {  	[sflag:s0] =	ssyncadd.s32 $0xFFFFF000;
	s4 =	sadd.s32 s1, s4  }
0x28e: {  	[hbm4b:s4+s8] =	stream.linear.scatter [tilespmem:s2], [sflag:$0x4], $0x1000, $0x38;
	[tilespmem:$0x10720] =	vst v63  }
0x28f: {  	_ =	swait.ge [sflag:s0], $0x1000  }
0x290: {  	s21 =	sld [smem:$0x7A2]  }
0x291: {  	[sflag:s0] =	ssyncset.done $0x0  }
0x292: {  	[sflag:s0] =	ssyncadd.s32 $0xFFFFF000  }
0x293: {  	[tilespmem:s2], [sflag:$0x4] =	stream.linear.gather [spmem:s21], $0x1000, $0x38;
	[tilespmem:$0x10720] =	vst v63  }
0x294: {  	_ =	swait.ge [sflag:s0], $0x1000  }
0x295: {  	s22 =	sld [smem:$0x7A1];
	_ =	sdelay $0x2  }
0x296: {  	[sflag:s0] =	ssyncset.done $0x0;
	s4 =	sshrl.u32 s22, $0x3  }
0x297: {  	[sflag:s0] =	ssyncadd.s32 $0xFFFFF000;
	s4 =	sadd.s32 s1, s4  }
0x298: {  	[hbm4b:s4+s8] =	stream.linear.scatter [tilespmem:s2], [sflag:$0x4], $0x1000, $0x38;
	[tilespmem:$0x10720] =	vst v63  }
0x299: {  	_ =	swait.ge [sflag:s0], $0x1000  }
0x29a: {  	s23 =	sld [smem:$0x7A4]  }
0x29b: {  	[sflag:s0] =	ssyncset.done $0x0  }
0x29c: {  	[sflag:s0] =	ssyncadd.s32 $0xFFFFF000  }
0x29d: {  	[tilespmem:s2], [sflag:$0x4] =	stream.linear.gather [spmem:s23], $0x1000, $0x38;
	[tilespmem:$0x10720] =	vst v63  }
0x29e: {  	_ =	swait.ge [sflag:s0], $0x1000  }
0x29f: {  	s24 =	sld [smem:$0x7A3];
	_ =	sdelay $0x2  }
0x2a0: {  	[sflag:s0] =	ssyncset.done $0x0;
	s4 =	sshrl.u32 s24, $0x3  }
0x2a1: {  	[sflag:s0] =	ssyncadd.s32 $0xFFFFF000;
	s4 =	sadd.s32 s1, s4  }
0x2a2: {  	[hbm4b:s4+s8] =	stream.linear.scatter [tilespmem:s2], [sflag:$0x4], $0x1000, $0x38;
	[tilespmem:$0x10720] =	vst v63  }
0x2a3: {  	_ =	swait.ge [sflag:s0], $0x1000  }
0x2a4: {  	s25 =	sld [smem:$0x7A6]  }
0x2a5: {  	[sflag:s0] =	ssyncset.done $0x0  }
0x2a6: {  	[sflag:s0] =	ssyncadd.s32 $0xFFFFF000  }
0x2a7: {  	[tilespmem:s2], [sflag:$0x4] =	stream.linear.gather [spmem:s25], $0x1000, $0x38;
	[tilespmem:$0x10720] =	vst v63  }
0x2a8: {  	_ =	swait.ge [sflag:s0], $0x1000  }
0x2a9: {  	s26 =	sld [smem:$0x7A5];
	_ =	sdelay $0x2  }
0x2aa: {  	[sflag:s0] =	ssyncset.done $0x0;
	s4 =	sshrl.u32 s26, $0x3  }
0x2ab: {  	[sflag:s0] =	ssyncadd.s32 $0xFFFFF000;
	s4 =	sadd.s32 s1, s4  }
0x2ac: {  	[hbm4b:s4+s8] =	stream.linear.scatter [tilespmem:s2], [sflag:$0x4], $0x1000, $0x38;
	[tilespmem:$0x10720] =	vst v63  }
0x2ad: {  	_ =	swait.ge [sflag:s0], $0x1000  }
0x2ae: {  	s28 =	sld [smem:$0x7A8]  }
0x2af: {  	[sflag:s0] =	ssyncset.done $0x0  }
0x2b0: {  	[sflag:s0] =	ssyncadd.s32 $0xFFFFF000  }
0x2b1: {  	[tilespmem:s2], [sflag:$0x4] =	stream.linear.gather [spmem:s28], $0x720, $0x38;
	[tilespmem:$0x10720] =	vst v63  }
0x2b2: {  	_ =	swait.ge [sflag:s0], $0x720  }
0x2b3: {  	s29 =	sld [smem:$0x7A7];
	_ =	sdelay $0x2  }
0x2b4: {  	[sflag:s0] =	ssyncset.done $0x0;
	s4 =	sshrl.u32 s29, $0x3  }
0x2b5: {  	[sflag:s0] =	ssyncadd.s32 $0xFFFFF8E0;
	s30 =	sadd.s32 s1, s4  }
0x2b6: {  	[hbm4b:s30+s8] =	stream.linear.scatter [tilespmem:s2], [sflag:$0x4], $0x720, $0x38;
	[tilespmem:$0x10720] =	vst v63  }
0x2b7: {  	_ =	swait.ge [sflag:s0], $0x720  }
0x2b8: {  	[sflag:s0] =	ssyncset.done $0x0  }
0x2b9: {  	[sflag:s0] =	ssyncadd.s32 $0xFFFFF8E0  }
0x2ba: {  	_ =	sfence.sel $0x180000  }
0x2bb: {  	[bflag:$0x0] =	sbarrier.arrive $0xFFFF  }
0x2bc: {  	_ =	strace $0x90000047  }
0x2bd: {  	s31 =	stileid.u32;
	[bflag:$0x2] =	sbarrier.arrive $0xFFFF  }
0x2be: {  	p0 =	sne.s32 s31, $0x0;
	s0 =	rddreg [dreg:$0x3]  }
0x2bf: {  	s0 =	sadd.s32 @!p0 $0x100000, s0  }
0x2c0: {  	[sflag:s0] =	ssyncadd.tile.s32 @!p0 $0x1;
	_ =	shalt  }
.Lfunc_end2:
_tile_overlayer_lowered:
.L_overlay_start_2:
0x2c1: {  	(tag) =	ssettag $0x2  }
0x2c2: {  	s0 =	rddreg [dreg:$0x0];
	s2 =	stileid.u32  }
0x2c3: {  	s1 =	rddreg [dreg:$0x1];
	p0 =	sne.s32 s2, $0x0  }
0x2c4: {  	s3 =	rddreg [dreg:$0x2];
	[bflag:$0x3] =	sbarrier.arrive $0xFFFF;
	s2 =	simm.s32 @!p0 $0x1C04  }
0x2c5: {  	[timem:s3], [sflag:s2] =	dma.local @!p0 [hbm:s0], s1  }
0x2c6: {  	s0 =	simm.s32 @!p0 $0x4  }
0x2c7: {  	_ =	swait.ge @!p0 [sflag:s0], s1  }
0x2c8: {  	s1 =	ssub.s32 @!p0 $0x0, s1;
	[sflag:s0] =	ssyncset.done @!p0 $0x0  }
0x2c9: {  	[sflag:s0] =	ssyncadd.s32 @!p0 s1  }
0x2ca: {  	[bflag:$0x3] =	sbarrier.arrive $0xFFFF  }
0x2cb: {  	_ =	shalt  }

</sc_bundles>
